<compile_context>
chip_gen: v7x
topology: tpu7x:2x2x1
jax: 0.10.2.dev20260603
libtpu: 0.0.44.dev20260713+nightly
codegen_flags: <defaults>
</compile_context>

<pallas_src>
import functools

import jax
import jax.numpy as jnp
from jax import lax
from jax.experimental import pallas as pl
from jax.experimental.pallas import tpu as pltpu
from jax.experimental.pallas import tpu_sc as plsc

N = 10000
HID = 128
E = 320000

NC = 2
NS = 16
NW = NC * NS
CH = 128
NCHUNK = 80
EPT = NCHUNK * CH
E_PAD = NW * EPT
NACC = 10240
EB = 512
NB = 1000

@functools.lru_cache(maxsize=None)
def _mesh():
    return plsc.VectorSubcoreMesh(core_axis_name="c", subcore_axis_name="s",
                                  num_cores=NC, num_subcores=NS)


def _silu(v):
    return v * jax.nn.sigmoid(v)



def _make_gather(with_x):
    out_type = [jax.ShapeDtypeStruct((E_PAD, HID), jnp.float32)]
    scratch = [
        pltpu.VMEM((CH,), jnp.int32), pltpu.VMEM((CH,), jnp.int32),
        pltpu.VMEM((CH,), jnp.int32), pltpu.VMEM((CH,), jnp.int32),
        pltpu.VMEM((CH, HID), jnp.float32), pltpu.VMEM((CH, HID), jnp.float32),
        pltpu.SemaphoreType.DMA, pltpu.SemaphoreType.DMA,
        pltpu.SemaphoreType.DMA, pltpu.SemaphoreType.DMA,
        pltpu.SemaphoreType.DMA, pltpu.SemaphoreType.DMA,
    ]
    if with_x:
        out_type.append(jax.ShapeDtypeStruct((E_PAD * 8,), jnp.float32))
        scratch.append(pltpu.VMEM((CH * 8,), jnp.float32))
        scratch.append(pltpu.VMEM((CH * 8,), jnp.float32))
        scratch.append(pltpu.VMEM((N * 4,), jnp.float32))

    def body(rowg, colg, a_t, b_t, *rest):
        if with_x:
            (x8f, z_out, d_out, ir0, ic0, ir1, ic1, bz0, bz1,
             si0, si1, sg0, sg1, so0, so1, bd0, bd1, xv) = rest
            bufd = (bd0, bd1)
        else:
            (z_out, ir0, ic0, ir1, ic1, bz0, bz1,
             si0, si1, sg0, sg1, so0, so1) = rest
        idxr, idxc = (ir0, ir1), (ic0, ic1)
        bufz = (bz0, bz1)
        semi, semg, semo = (si0, si1), (sg0, sg1), (so0, so1)
        wid = lax.axis_index("s") * NC + lax.axis_index("c")
        base = wid * EPT
        if with_x:
            pltpu.sync_copy(x8f, xv)
            lanes16 = lax.iota(jnp.int32, 16)
            zero16 = jnp.zeros((16,), jnp.float32)

            def zinit(g, carry):
                rf = (lanes16 + g * 16) * 8
                for bd in bufd:
                    for j in range(3, 8):
                        plsc.store_scatter(bd, [rf + j], zero16)
                return carry
            lax.fori_loop(0, CH // 16, zinit, 0)

        def issue_li(c, p):
            off = base + c * CH
            pltpu.async_copy(rowg.at[pl.ds(off, CH)], idxr[p], semi[p])
            pltpu.async_copy(colg.at[pl.ds(off, CH)], idxc[p], semi[p])

        def wait_st(p):
            pltpu.make_async_copy(bufz[p], z_out.at[pl.ds(0, CH)],
                                  semo[p]).wait()
            if with_x:
                pltpu.make_async_copy(bufd[p], d_out.at[pl.ds(0, CH * 8)],
                                      semo[p]).wait()

        issue_li(0, 0)
        issue_li(1, 1)

        def pair(i, carry):
            @pl.when(i > 0)
            def _():
                wait_st(0)
                wait_st(1)
            for p in (0, 1):
                pltpu.make_async_copy(rowg.at[pl.ds(0, CH)], idxr[p],
                                      semi[p]).wait()
                pltpu.make_async_copy(colg.at[pl.ds(0, CH)], idxc[p],
                                      semi[p]).wait()
                pltpu.async_copy(a_t.at[idxr[p]], bufz[p], semg[p])
            for p in (0, 1):
                pltpu.make_async_copy(a_t.at[idxr[p]], bufz[p],
                                      semg[p]).wait()
                pltpu.async_copy(b_t.at[idxc[p]], bufz[p], semg[p], add=True)
            if with_x:
                def xdiff(g, carry2):
                    for p in (0, 1):
                        ir = idxr[p][pl.ds(g * 16, 16)] * 4
                        ic = idxc[p][pl.ds(g * 16, 16)] * 4
                        rf = (lanes16 + g * 16) * 8
                        for j in range(3):
                            vr = plsc.load_gather(xv, [ir + j])
                            vc = plsc.load_gather(xv, [ic + j])
                            plsc.store_scatter(bufd[p], [rf + j], vr - vc)
                    return carry2
                lax.fori_loop(0, CH // 16, xdiff, 0)
            for p in (0, 1):
                c = 2 * i + p
                off = base + c * CH
                pltpu.make_async_copy(b_t.at[idxc[p]], bufz[p],
                                      semg[p]).wait()
                if with_x:
                    pltpu.async_copy(bufd[p],
                                     d_out.at[pl.ds(off * 8, CH * 8)],
                                     semo[p])
                pltpu.async_copy(bufz[p], z_out.at[pl.ds(off, CH)], semo[p])

                @pl.when(c + 2 < NCHUNK)
                def _():
                    issue_li(c + 2, p)
            return carry

        lax.fori_loop(0, NCHUNK // 2, pair, 0)
        wait_st(0)
        wait_st(1)

    return pl.kernel(
        body, out_type=tuple(out_type), mesh=_mesh(), scratch_types=scratch,
        compiler_params=pltpu.CompilerParams(needs_layout_passes=False))


def _make_scatter(width):
    zpc = NACC // NS // CH

    def body(rows_hbm, m_hbm, out_hbm, i0, i1, b0, b1, acc,
             si0, si1, ss0, ss1):
        c = lax.axis_index("c")
        s = lax.axis_index("s")
        wid = s * NC + c
        idx, buf = (i0, i1), (b0, b1)
        semi, sems = (si0, si1), (ss0, ss1)

        def zrow(i, carry):
            for j in range(width // 16):
                b0[i, pl.ds(j * 16, 16)] = jnp.zeros((16,), jnp.float32)
            return carry
        lax.fori_loop(0, CH, zrow, 0)

        def zacc(k, carry):
            pltpu.sync_copy(b0, acc.at[pl.ds((s * zpc + k) * CH, CH)])
            return carry
        lax.fori_loop(0, zpc, zacc, 0)
        plsc.subcore_barrier()

        base = wid * EPT

        def issue_load(c_, p):
            off = base + c_ * CH
            pltpu.async_copy(rows_hbm.at[pl.ds(off, CH)], idx[p], semi[p])
            pltpu.async_copy(m_hbm.at[pl.ds(off, CH)], buf[p], semi[p])

        issue_load(0, 0)
        issue_load(1, 1)

        def pair(i, carry):
            for p in (0, 1):
                c_ = 2 * i + p
                pltpu.make_async_copy(rows_hbm.at[pl.ds(0, CH)], idx[p],
                                      semi[p]).wait()
                pltpu.make_async_copy(m_hbm.at[pl.ds(0, CH)], buf[p],
                                      semi[p]).wait()
                pltpu.sync_copy(buf[p], acc.at[idx[p]], add=True)

                @pl.when(c_ + 2 < NCHUNK)
                def _():
                    issue_load(c_ + 2, p)
            return carry

        lax.fori_loop(0, NCHUNK // 2, pair, 0)
        plsc.subcore_barrier()

        def cout(k, carry):
            r = (s * zpc + k) * CH
            pltpu.sync_copy(acc.at[pl.ds(r, CH)], out_hbm.at[c, pl.ds(r, CH)])
            return carry
        lax.fori_loop(0, zpc, cout, 0)

    return pl.kernel(
        body,
        out_type=jax.ShapeDtypeStruct((NC, NACC, width), jnp.float32),
        mesh=_mesh(),
        scratch_types=[
            pltpu.VMEM((CH,), jnp.int32), pltpu.VMEM((CH,), jnp.int32),
            pltpu.VMEM((CH, width), jnp.float32),
            pltpu.VMEM((CH, width), jnp.float32),
            pltpu.VMEM_SHARED((NACC, width), jnp.float32),
            pltpu.SemaphoreType.DMA, pltpu.SemaphoreType.DMA,
            pltpu.SemaphoreType.DMA, pltpu.SemaphoreType.DMA,
        ])


_make_gather = functools.lru_cache(maxsize=None)(_make_gather)
_make_scatter = functools.lru_cache(maxsize=None)(_make_scatter)


def _gather_x(*a):
    return _make_gather(True)(*a)


def _gather(*a):
    return _make_gather(False)(*a)[0]


def _scatter_h(*a):
    return _make_scatter(HID)(*a)


def _scatter_x(*a):
    return _make_scatter(HID)(*a)



def _wspec(shape):
    return pl.BlockSpec(shape, lambda i: (0,) * len(shape))


def _nspec(width=HID):
    return pl.BlockSpec((NB, width), lambda i: (i, 0))


def _espec(width=HID):
    return pl.BlockSpec((EB, width), lambda i: (i, 0))


def _tc_pre0(h, we1, be1, we2, be2, w1a, w1b):
    def body(h_r, we1_r, be1_r, we2_r, be2_r, w1a_r, w1b_r,
             h0_r, ha_r, hb_r):
        h0 = _silu(jnp.dot(h_r[...], we1_r[...],
                           preferred_element_type=jnp.float32) + be1_r[...])
        h0 = jnp.dot(h0, we2_r[...], preferred_element_type=jnp.float32) + be2_r[...]
        h0_r[...] = h0
        ha_r[...] = jnp.dot(h0, w1a_r[...], preferred_element_type=jnp.float32)
        hb_r[...] = jnp.dot(h0, w1b_r[...], preferred_element_type=jnp.float32)

    return pl.pallas_call(
        body,
        grid=(N // NB,),
        in_specs=[_nspec(), _wspec((HID, HID)), _wspec((1, HID)),
                  _wspec((HID, HID)), _wspec((1, HID)),
                  _wspec((HID, HID)), _wspec((HID, HID))],
        out_specs=[_nspec(), _nspec(), _nspec()],
        out_shape=[jax.ShapeDtypeStruct((N, HID), jnp.float32)] * 3,
    )(h, we1, be1, we2, be2, w1a, w1b)


def _tc_edge(first_block, z, d8, r0, wd, wd0, b1, w2, b2):
    def body(*refs):
        if first_block:
            (z_r, d8_r, wd_r, wd0_r, b1_r, w2_r, b2_r, m_r, r8_r) = refs
        else:
            (z_r, d8_r, r0_r, wd_r, wd0_r, b1_r, w2_r, b2_r, m_r) = refs
        d8 = d8_r[...]
        r = jnp.sum(d8 * d8, axis=1, keepdims=True)
        r0v = r if first_block else r0_r[:, 0:1]
        z1 = z_r[...] + r * wd_r[...] + r0v * wd0_r[...] + b1_r[...]
        a1 = _silu(z1)
        m_r[...] = _silu(jnp.dot(a1, w2_r[...],
                                 preferred_element_type=jnp.float32) + b2_r[...])
        if first_block:
            r8_r[...] = jnp.broadcast_to(r, (EB, 8))

    in_specs = [_espec(), _espec(8)]
    ins = [z, d8]
    if not first_block:
        in_specs.append(_espec(8))
        ins.append(r0)
    in_specs += [_wspec((1, HID))] * 2 + [_wspec((1, HID)),
                                          _wspec((HID, HID)), _wspec((1, HID))]
    ins += [wd, wd0, b1, w2, b2]
    out_specs = [_espec()]
    out_shape = [jax.ShapeDtypeStruct((E_PAD, HID), jnp.float32)]
    if first_block:
        out_specs.append(_espec(8))
        out_shape.append(jax.ShapeDtypeStruct((E_PAD, 8), jnp.float32))

    res = pl.pallas_call(
        body, grid=(E_PAD // EB,), in_specs=in_specs,
        out_specs=out_specs, out_shape=out_shape)(*ins)
    return res if first_block else res[0]


def _pspec(k, width=HID):
    return pl.BlockSpec((1, NB, width), lambda i, k=k: (k, i, 0))


def _tc_node(h, p, wh, wa, b1, w2, b2, c1a, c1b):
    def body(h_r, p0_r, p1_r, wh_r, wa_r, b1_r, w2_r, b2_r, c1a_r, c1b_r,
             hn_r, ca_r, cb_r):
        h0 = h_r[...]
        agg = (p0_r[0] + p1_r[0]) * 0.01
        t = _silu(jnp.dot(h0, wh_r[...], preferred_element_type=jnp.float32)
                  + jnp.dot(agg, wa_r[...], preferred_element_type=jnp.float32)
                  + b1_r[...])
        hn = h0 + jnp.dot(t, w2_r[...],
                          preferred_element_type=jnp.float32) + b2_r[...]
        hn_r[...] = hn
        ca_r[...] = jnp.dot(hn, c1a_r[...], preferred_element_type=jnp.float32)
        cb_r[...] = jnp.dot(hn, c1b_r[...], preferred_element_type=jnp.float32)

    return pl.pallas_call(
        body, grid=(N // NB,),
        in_specs=[_nspec(), _pspec(0), _pspec(1)]
        + [_wspec((HID, HID)), _wspec((HID, HID)),
           _wspec((1, HID)), _wspec((HID, HID)),
           _wspec((1, HID)), _wspec((HID, HID)),
           _wspec((HID, HID))],
        out_specs=[_nspec()] * 3,
        out_shape=[jax.ShapeDtypeStruct((N, HID), jnp.float32)] * 3,
    )(h, p, p, wh, wa, b1, w2, b2, c1a, c1b)


def _tc_coord(first_block, zc, d8, r0, wd, wd0, b1, w2, b2, wl):
    def body(*refs):
        if first_block:
            (zc_r, d8_r, wd_r, wd0_r, b1_r, w2_r, b2_r, wl_r, t8_r) = refs
        else:
            (zc_r, d8_r, r0_r, wd_r, wd0_r, b1_r, w2_r, b2_r, wl_r, t8_r) = refs
        d8 = d8_r[...]
        r = jnp.sum(d8 * d8, axis=1, keepdims=True)
        r0v = r if first_block else r0_r[:, 0:1]
        z1 = zc_r[...] + r * wd_r[...] + r0v * wd0_r[...] + b1_r[...]
        a2 = _silu(jnp.dot(_silu(z1), w2_r[...],
                           preferred_element_type=jnp.float32) + b2_r[...])
        phi = jnp.sum(a2 * wl_r[...], axis=1, keepdims=True)
        cd8 = d8 / (jnp.sqrt(r + 1e-8) + 1.0)
        t8_r[...] = jnp.concatenate(
            [cd8 * phi, jnp.zeros((EB, HID - 8), jnp.float32)], axis=1)

    in_specs = [_espec(), _espec(8)]
    ins = [zc, d8]
    if not first_block:
        in_specs.append(_espec(8))
        ins.append(r0)
    in_specs += [_wspec((1, HID))] * 3 + [_wspec((HID, HID)),
                                          _wspec((1, HID)), _wspec((1, HID))]
    ins += [wd, wd0, b1, w2, b2, wl]

    return pl.pallas_call(
        body, grid=(E_PAD // EB,), in_specs=in_specs,
        out_specs=_espec(),
        out_shape=jax.ShapeDtypeStruct((E_PAD, HID), jnp.float32))(*ins)


def _tc_pre1(x4, xp, h1, w1a, w1b):
    def body(x4_r, xp0_r, xp1_r, h1_r, w1a_r, w1b_r,
             x4n_r, ha_r, hb_r):
        x4n_r[...] = x4_r[...] + (xp0_r[0, :, :4] + xp1_r[0, :, :4]) * 0.01
        h1 = h1_r[...]
        ha_r[...] = jnp.dot(h1, w1a_r[...], preferred_element_type=jnp.float32)
        hb_r[...] = jnp.dot(h1, w1b_r[...], preferred_element_type=jnp.float32)

    return pl.pallas_call(
        body, grid=(N // NB,),
        in_specs=[_nspec(4), _pspec(0), _pspec(1)]
        + [_nspec(), _wspec((HID, HID)), _wspec((HID, HID))],
        out_specs=[_nspec(4), _nspec(), _nspec()],
        out_shape=[jax.ShapeDtypeStruct((N, 4), jnp.float32)]
        + [jax.ShapeDtypeStruct((N, HID), jnp.float32)] * 2,
    )(x4, xp, xp, h1, w1a, w1b)


def _tc_out(h2, x4, xp, wo1, bo1, wo2, bo2, wo3, bo3):
    def body(h2_r, x4_r, xp0_r, xp1_r, wo1_r, bo1_r, wo2_r, bo2_r,
             wo3_r, bo3_r, ho_r, xo_r):
        t = _silu(jnp.dot(h2_r[...], wo1_r[...],
                          preferred_element_type=jnp.float32) + bo1_r[...])
        t = _silu(jnp.dot(t, wo2_r[...],
                          preferred_element_type=jnp.float32) + bo2_r[...])
        ho_r[...] = jnp.dot(t, wo3_r[...],
                            preferred_element_type=jnp.float32) + bo3_r[...]
        xo_r[...] = x4_r[:, :3] + (xp0_r[0, :, :3] + xp1_r[0, :, :3]) * 0.01

    return pl.pallas_call(
        body, grid=(N // NB,),
        in_specs=[_nspec(), _nspec(4), _pspec(0), _pspec(1)]
        + [_wspec((HID, HID)), _wspec((1, HID))] * 3,
        out_specs=[_nspec(), _nspec(3)],
        out_shape=[jax.ShapeDtypeStruct((N, HID), jnp.float32),
                   jax.ShapeDtypeStruct((N, 3), jnp.float32)],
    )(h2, x4, xp, xp, wo1, bo1, wo2, bo2, wo3, bo3)



def _row(b):
    return b.reshape(1, -1)


def kernel(h, x, edge_index, params):
    row = edge_index[0].astype(jnp.int32)
    col = edge_index[1].astype(jnp.int32)
    pad = E_PAD - E
    rowg = jnp.concatenate([row, jnp.zeros((pad,), jnp.int32)])
    colg = jnp.concatenate([col, jnp.zeros((pad,), jnp.int32)])
    rows_s = jnp.concatenate([row, jnp.full((pad,), N, jnp.int32)])
    x4 = jnp.pad(x, ((0, 0), (0, 1)))

    (we1, be1), (we2, be2) = params['embedding']
    (wo1, bo1), (wo2, bo2), (wo3, bo3) = params['embedding_out']

    def split_edge_w(mlp):
        (w1, b1), (w2, b2) = mlp
        return (w1[:HID], w1[HID:2 * HID], _row(w1[2 * HID]),
                _row(w1[2 * HID + 1]), _row(b1), w2, _row(b2))

    blk0, blk1 = params['blocks']
    e0 = split_edge_w(blk0['gcls'][0]['edge_mlp'])
    c0 = split_edge_w(blk0['coord_mlp'])
    (n0w1, n0b1), (n0w2, n0b2) = blk0['gcls'][0]['node_mlp']
    e1 = split_edge_w(blk1['gcls'][0]['edge_mlp'])
    c1 = split_edge_w(blk1['coord_mlp'])
    (n1w1, n1b1), (n1w2, n1b2) = blk1['gcls'][0]['node_mlp']
    wl0 = blk0['coord_last_W'].reshape(1, HID)
    wl1 = blk1['coord_last_W'].reshape(1, HID)

    h0, ha, hb = _tc_pre0(h, we1, _row(be1), we2, _row(be2), e0[0], e0[1])
    z, d8f = _gather_x(rowg, colg, ha, hb, x4.reshape(-1))
    d8 = d8f.reshape(E_PAD, 8)
    m, r8 = _tc_edge(True, z, d8, None, e0[2], e0[3], e0[4], e0[5], e0[6])
    p = _scatter_h(rows_s, m)
    h1, ca, cb = _tc_node(h0, p, n0w1[:HID], n0w1[HID:],
                          _row(n0b1), n0w2, _row(n0b2), c0[0], c0[1])
    zc = _gather(rowg, colg, ca, cb)
    t8 = _tc_coord(True, zc, d8, None, c0[2], c0[3], c0[4], c0[5], c0[6], wl0)
    xp = _scatter_x(rows_s, t8)

    x4_1, ha1, hb1 = _tc_pre1(x4, xp, h1, e1[0], e1[1])
    z1, d8f_1 = _gather_x(rowg, colg, ha1, hb1, x4_1.reshape(-1))
    d8_1 = d8f_1.reshape(E_PAD, 8)
    m1 = _tc_edge(False, z1, d8_1, r8, e1[2], e1[3], e1[4], e1[5], e1[6])
    p1 = _scatter_h(rows_s, m1)
    h2, ca1, cb1 = _tc_node(h1, p1, n1w1[:HID], n1w1[HID:],
                            _row(n1b1), n1w2, _row(n1b2), c1[0], c1[1])
    zc1 = _gather(rowg, colg, ca1, cb1)
    t81 = _tc_coord(False, zc1, d8_1, r8, c1[2], c1[3], c1[4], c1[5],
                    c1[6], wl1)
    xp1 = _scatter_x(rows_s, t81)

    hout, xo3 = _tc_out(h2, x4_1, xp1, wo1, _row(bo1),
                        wo2, _row(bo2), wo3, _row(bo3))
    return hout, xo3

# --- scband reference (transcript-rebuilt; emitter-appended) ---
"""Pipeline reference for scband-egnn-49976239456425 (READ-ONLY COPY).

The authoritative reference and input builder live on the scoring server;
editing this copy changes nothing except your own understanding.
"""

import jax, jax.numpy as jnp
import numpy as np

N = 10000
E = 320000
IN_NF = 128
HIDDEN = 128
OUT_NF = 128
EDGE_NF = 2
N_LAYERS = 2
INV_SUBLAYERS = 1
N_MLP_LAYERS = 2
NORM_FACTOR = 100.0
NORM_CONSTANT = 1.0


def _lin(key, din, dout):
    k1, k2 = jax.random.split(key)
    s = 1.0 / np.sqrt(din)
    W = jax.random.uniform(k1, (din, dout), minval=-s, maxval=s, dtype=jnp.float32)
    b = jax.random.uniform(k2, (dout,), minval=-s, maxval=s, dtype=jnp.float32)
    return [W, b]


def _mlp_params(key, dims):
    keys = jax.random.split(key, len(dims) - 1)
    return [_lin(keys[i], dims[i], dims[i + 1]) for i in range(len(dims) - 1)]


def setup_inputs(seed: int = 0):
    key = jax.random.key(seed)
    ks = jax.random.split(key, 4)
    h = jax.random.normal(ks[0], (N, IN_NF), dtype=jnp.float32)
    x = jax.random.normal(ks[1], (N, 3), dtype=jnp.float32)
    edge_index = jax.random.randint(ks[2], (2, E), 0, N)
    kk = jax.random.split(ks[3], 2 + N_LAYERS)
    params = {}
    params['embedding'] = _mlp_params(kk[0], [IN_NF] + [HIDDEN] * N_MLP_LAYERS)
    params['embedding_out'] = _mlp_params(kk[1], [HIDDEN] + [HIDDEN] * N_MLP_LAYERS + [OUT_NF])
    blocks = []
    for i in range(N_LAYERS):
        bk = jax.random.split(kk[2 + i], INV_SUBLAYERS + 2)
        gcls = []
        for j in range(INV_SUBLAYERS):
            gk = jax.random.split(bk[j], 2)
            gcls.append({'edge_mlp': _mlp_params(gk[0], [2 * HIDDEN + EDGE_NF, HIDDEN, HIDDEN]), 'node_mlp': _mlp_params(gk[1], [2 * HIDDEN, HIDDEN, HIDDEN])})
        coord_mlp = _mlp_params(bk[INV_SUBLAYERS], [2 * HIDDEN + EDGE_NF, HIDDEN, HIDDEN])
        coord_last_W = jax.random.uniform(bk[INV_SUBLAYERS + 1], (HIDDEN, 1), minval=-0.001, maxval=0.001, dtype=jnp.float32)
        blocks.append({'gcls': gcls, 'coord_mlp': coord_mlp, 'coord_last_W': coord_last_W})
    params['blocks'] = blocks
    return {'h': h, 'x': x, 'edge_index': edge_index, 'params': params}


def _mlp(x, layers, act_last=False):
    n = len(layers)
    for i, (W, b) in enumerate(layers):
        x = x @ W + b
        if i < n - 1 or act_last:
            x = jax.nn.silu(x)
    return x


def _coord2diff(x, row, col):
    coord_diff = x[row] - x[col]
    radial = jnp.sum(coord_diff ** 2, axis=1, keepdims=True)
    norm = jnp.sqrt(radial + 1e-8)
    coord_diff = coord_diff / (norm + NORM_CONSTANT)
    return radial, coord_diff


def _segment_sum(data, seg, n):
    return jax.ops.segment_sum(data, seg, num_segments=n) / NORM_FACTOR


def _gcl(h, row, col, edge_attr, p):
    m = _mlp(jnp.concatenate([h[row], h[col], edge_attr], axis=1), p['edge_mlp'], act_last=True)
    agg = _segment_sum(m, row, h.shape[0])
    h = h + _mlp(jnp.concatenate([h, agg], axis=1), p['node_mlp'], act_last=False)
    return h


def _equiv_update(h, x, row, col, coord_diff, edge_attr, blk):
    inp = jnp.concatenate([h[row], h[col], edge_attr], axis=1)
    phi = _mlp(inp, blk['coord_mlp'], act_last=True) @ blk['coord_last_W']
    trans = coord_diff * phi
    agg = _segment_sum(trans, row, x.shape[0])
    return x + agg


def _forward(h, x, edge_index, params):
    row, col = edge_index[0], edge_index[1]
    distances0, _ = _coord2diff(x, row, col)
    h = _mlp(h, params['embedding'], act_last=False)
    for blk in params['blocks']:
        d, coord_diff = _coord2diff(x, row, col)
        edge_attr = jnp.concatenate([d, distances0], axis=1)
        for gp in blk['gcls']:
            h = _gcl(h, row, col, edge_attr, gp)
        x = _equiv_update(h, x, row, col, coord_diff, edge_attr, blk)
    h = _mlp(h, params['embedding_out'], act_last=False)
    return h, x


def reference(h, x, edge_index, params):
    return _forward(h, x, edge_index, params)

if __name__ == "__main__":
    import jax
    _d = setup_inputs()
    print(jax.jit(kernel)(*tuple(_d.values())))

</pallas_src>

<mosaic_0001>
#map = affine_map<(d0, d1) -> (0)>
#map1 = affine_map<(d0, d1) -> (0, 0)>
module attributes {stable_mosaic.version = 14 : i64} {
  func.func @body(%arg0: i32, %arg1: i32, %arg2: memref<327680xi32, #tpu.memory_space<hbm>>, %arg3: memref<327680xi32, #tpu.memory_space<hbm>>, %arg4: memref<10000x128xf32, #tpu.memory_space<hbm>>, %arg5: memref<10000x128xf32, #tpu.memory_space<hbm>>, %arg6: memref<40000xf32, #tpu.memory_space<hbm>>, %arg7: memref<327680x128xf32, #tpu.memory_space<hbm>>, %arg8: memref<2621440xf32, #tpu.memory_space<hbm>>, %arg9: memref<128xi32, #tpu.memory_space<vmem>>, %arg10: memref<128xi32, #tpu.memory_space<vmem>>, %arg11: memref<128xi32, #tpu.memory_space<vmem>>, %arg12: memref<128xi32, #tpu.memory_space<vmem>>, %arg13: memref<128x128xf32, #tpu.memory_space<vmem>>, %arg14: memref<128x128xf32, #tpu.memory_space<vmem>>, %arg15: memref<!tpu.dma_semaphore, #tpu.memory_space<semaphore_mem>>, %arg16: memref<!tpu.dma_semaphore, #tpu.memory_space<semaphore_mem>>, %arg17: memref<!tpu.dma_semaphore, #tpu.memory_space<semaphore_mem>>, %arg18: memref<!tpu.dma_semaphore, #tpu.memory_space<semaphore_mem>>, %arg19: memref<!tpu.dma_semaphore, #tpu.memory_space<semaphore_mem>>, %arg20: memref<!tpu.dma_semaphore, #tpu.memory_space<semaphore_mem>>, %arg21: memref<1024xf32, #tpu.memory_space<vmem>>, %arg22: memref<1024xf32, #tpu.memory_space<vmem>>, %arg23: memref<40000xf32, #tpu.memory_space<vmem>>) attributes {dimension_semantics = [#tpu.dimension_semantics<core_parallel>, #tpu.dimension_semantics<subcore_parallel>], iteration_bounds = array<i64: 2, 16>, scalar_prefetch = 0 : i64, scratch_operands = 15 : i64, tpu.core_type = #tpu.core_type<sc_vector_subcore>, window_params = [{transform_indices = #map}, {transform_indices = #map}, {transform_indices = #map1}, {transform_indices = #map1}, {transform_indices = #map}, {transform_indices = #map1}, {transform_indices = #map}]} {
    %mul3A = arith.constant 2 : i32
    %mul3A_0 = arith.muli %arg1, %mul3A : i32
    %add3A = arith.addi %mul3A_0, %arg0 : i32
    %mul3A_1 = arith.constant 10240 : i32
    %mul3A_2 = arith.muli %add3A, %mul3A_1 : i32
    "tpu.region"() ({
      %run_scoped3A = tpu.sem_alloc : memref<!tpu.dma_semaphore, #tpu.memory_space<semaphore_mem>>
      tpu.enqueue_dma source(%arg6 : memref<40000xf32, #tpu.memory_space<hbm>>) target(%arg23 : memref<40000xf32, #tpu.memory_space<vmem>>) target_semaphore(%run_scoped3A : memref<!tpu.dma_semaphore, #tpu.memory_space<semaphore_mem>>)
      tpu.wait_dma2 semaphore(%run_scoped3A : memref<!tpu.dma_semaphore, #tpu.memory_space<semaphore_mem>>) src(%arg6 : memref<40000xf32, #tpu.memory_space<hbm>>) dst(%arg23 : memref<40000xf32, #tpu.memory_space<vmem>>)
      tpu.yield
    }) : () -> ()
    %iota3A = tpu.iota {dimensions = array<i32: 0>} : vector<16xi32>
    %broadcast_in_dim3A = arith.constant 0.000000e+00 : f32
    %broadcast_in_dim3A_3 = vector.broadcast %broadcast_in_dim3A : f32 to vector<16xf32>
    %scan3A = arith.constant 0 : i32
    %scan3A_4 = arith.constant 0 : i32
    %scan3A_5 = arith.constant 8 : i32
    %scan3A_6 = arith.addi %scan3A_4, %scan3A_5 : i32
    %scan3A_7 = arith.constant 1 : i32
    scf.for %scan3A_45 = %scan3A_4 to %scan3A_6 step %scan3A_7  : i32 {
      %mul3A_46 = arith.constant 16 : i32
      %mul3A_47 = arith.muli %scan3A_45, %mul3A_46 : i32
      %add3A_48 = vector.broadcast %mul3A_47 : i32 to vector<16xi32>
      %add3A_49 = arith.addi %iota3A, %add3A_48 : vector<16xi32>
      %mul3A_50 = arith.constant 8 : i32
      %mul3A_51 = vector.broadcast %mul3A_50 : i32 to vector<16xi32>
      %mul3A_52 = arith.muli %add3A_49, %mul3A_51 : vector<16xi32>
      %add3A_53 = arith.constant 3 : i32
      %add3A_54 = vector.broadcast %add3A_53 : i32 to vector<16xi32>
      %add3A_55 = arith.addi %mul3A_52, %add3A_54 : vector<16xi32>
      tpu.vector_store_idx %arg21[%add3A_55], %broadcast_in_dim3A_3 : memref<1024xf32, #tpu.memory_space<vmem>>[vector<16xi32>], vector<16xf32>,
      %add3A_56 = arith.constant 4 : i32
      %add3A_57 = vector.broadcast %add3A_56 : i32 to vector<16xi32>
      %add3A_58 = arith.addi %mul3A_52, %add3A_57 : vector<16xi32>
      tpu.vector_store_idx %arg21[%add3A_58], %broadcast_in_dim3A_3 : memref<1024xf32, #tpu.memory_space<vmem>>[vector<16xi32>], vector<16xf32>,
      %add3A_59 = arith.constant 5 : i32
      %add3A_60 = vector.broadcast %add3A_59 : i32 to vector<16xi32>
      %add3A_61 = arith.addi %mul3A_52, %add3A_60 : vector<16xi32>
      tpu.vector_store_idx %arg21[%add3A_61], %broadcast_in_dim3A_3 : memref<1024xf32, #tpu.memory_space<vmem>>[vector<16xi32>], vector<16xf32>,
      %add3A_62 = arith.constant 6 : i32
      %add3A_63 = vector.broadcast %add3A_62 : i32 to vector<16xi32>
      %add3A_64 = arith.addi %mul3A_52, %add3A_63 : vector<16xi32>
      tpu.vector_store_idx %arg21[%add3A_64], %broadcast_in_dim3A_3 : memref<1024xf32, #tpu.memory_space<vmem>>[vector<16xi32>], vector<16xf32>,
      %add3A_65 = arith.constant 7 : i32
      %add3A_66 = vector.broadcast %add3A_65 : i32 to vector<16xi32>
      %add3A_67 = arith.addi %mul3A_52, %add3A_66 : vector<16xi32>
      tpu.vector_store_idx %arg21[%add3A_67], %broadcast_in_dim3A_3 : memref<1024xf32, #tpu.memory_space<vmem>>[vector<16xi32>], vector<16xf32>,
      %add3A_68 = arith.constant 3 : i32
      %add3A_69 = vector.broadcast %add3A_68 : i32 to vector<16xi32>
      %add3A_70 = arith.addi %mul3A_52, %add3A_69 : vector<16xi32>
      tpu.vector_store_idx %arg22[%add3A_70], %broadcast_in_dim3A_3 : memref<1024xf32, #tpu.memory_space<vmem>>[vector<16xi32>], vector<16xf32>,
      %add3A_71 = arith.constant 4 : i32
      %add3A_72 = vector.broadcast %add3A_71 : i32 to vector<16xi32>
      %add3A_73 = arith.addi %mul3A_52, %add3A_72 : vector<16xi32>
      tpu.vector_store_idx %arg22[%add3A_73], %broadcast_in_dim3A_3 : memref<1024xf32, #tpu.memory_space<vmem>>[vector<16xi32>], vector<16xf32>,
      %add3A_74 = arith.constant 5 : i32
      %add3A_75 = vector.broadcast %add3A_74 : i32 to vector<16xi32>
      %add3A_76 = arith.addi %mul3A_52, %add3A_75 : vector<16xi32>
      tpu.vector_store_idx %arg22[%add3A_76], %broadcast_in_dim3A_3 : memref<1024xf32, #tpu.memory_space<vmem>>[vector<16xi32>], vector<16xf32>,
      %add3A_77 = arith.constant 6 : i32
      %add3A_78 = vector.broadcast %add3A_77 : i32 to vector<16xi32>
      %add3A_79 = arith.addi %mul3A_52, %add3A_78 : vector<16xi32>
      tpu.vector_store_idx %arg22[%add3A_79], %broadcast_in_dim3A_3 : memref<1024xf32, #tpu.memory_space<vmem>>[vector<16xi32>], vector<16xf32>,
      %add3A_80 = arith.constant 7 : i32
      %add3A_81 = vector.broadcast %add3A_80 : i32 to vector<16xi32>
      %add3A_82 = arith.addi %mul3A_52, %add3A_81 : vector<16xi32>
      tpu.vector_store_idx %arg22[%add3A_82], %broadcast_in_dim3A_3 : memref<1024xf32, #tpu.memory_space<vmem>>[vector<16xi32>], vector<16xf32>,
    }
    %scan3A_8 = arith.constant 8 : i32
    %add3A_9 = arith.constant 0 : i32
    %add3A_10 = arith.addi %mul3A_2, %add3A_9 : i32
    %dma_start3A = tpu.memref_slice %arg2[%add3A_10] : memref<327680xi32, #tpu.memory_space<hbm>> -> memref<128xi32, #tpu.memory_space<hbm>>
    %dma_start3A_11 = tpu.memref_slice %arg2[%add3A_10] : memref<327680xi32, #tpu.memory_space<hbm>> -> memref<128xi32, #tpu.memory_space<hbm>>
    tpu.enqueue_dma source(%dma_start3A_11 : memref<128xi32, #tpu.memory_space<hbm>>) target(%arg9 : memref<128xi32, #tpu.memory_space<vmem>>) target_semaphore(%arg15 : memref<!tpu.dma_semaphore, #tpu.memory_space<semaphore_mem>>)
    %dma_start3A_12 = tpu.memref_slice %arg3[%add3A_10] : memref<327680xi32, #tpu.memory_space<hbm>> -> memref<128xi32, #tpu.memory_space<hbm>>
    %dma_start3A_13 = tpu.memref_slice %arg3[%add3A_10] : memref<327680xi32, #tpu.memory_space<hbm>> -> memref<128xi32, #tpu.memory_space<hbm>>
    tpu.enqueue_dma source(%dma_start3A_13 : memref<128xi32, #tpu.memory_space<hbm>>) target(%arg10 : memref<128xi32, #tpu.memory_space<vmem>>) target_semaphore(%arg15 : memref<!tpu.dma_semaphore, #tpu.memory_space<semaphore_mem>>)
    %add3A_14 = arith.constant 128 : i32
    %add3A_15 = arith.addi %mul3A_2, %add3A_14 : i32
    %dma_start3A_16 = tpu.memref_slice %arg2[%add3A_15] : memref<327680xi32, #tpu.memory_space<hbm>> -> memref<128xi32, #tpu.memory_space<hbm>>
    %dma_start3A_17 = tpu.memref_slice %arg2[%add3A_15] : memref<327680xi32, #tpu.memory_space<hbm>> -> memref<128xi32, #tpu.memory_space<hbm>>
    tpu.enqueue_dma source(%dma_start3A_17 : memref<128xi32, #tpu.memory_space<hbm>>) target(%arg11 : memref<128xi32, #tpu.memory_space<vmem>>) target_semaphore(%arg16 : memref<!tpu.dma_semaphore, #tpu.memory_space<semaphore_mem>>)
    %dma_start3A_18 = tpu.memref_slice %arg3[%add3A_15] : memref<327680xi32, #tpu.memory_space<hbm>> -> memref<128xi32, #tpu.memory_space<hbm>>
    %dma_start3A_19 = tpu.memref_slice %arg3[%add3A_15] : memref<327680xi32, #tpu.memory_space<hbm>> -> memref<128xi32, #tpu.memory_space<hbm>>
    tpu.enqueue_dma source(%dma_start3A_19 : memref<128xi32, #tpu.memory_space<hbm>>) target(%arg12 : memref<128xi32, #tpu.memory_space<vmem>>) target_semaphore(%arg16 : memref<!tpu.dma_semaphore, #tpu.memory_space<semaphore_mem>>)
    %scan3A_20 = arith.constant 0 : i32
    %scan3A_21 = arith.constant 0 : i32
    %scan3A_22 = arith.constant 40 : i32
    %scan3A_23 = arith.addi %scan3A_21, %scan3A_22 : i32
    %scan3A_24 = arith.constant 1 : i32
    scf.for %scan3A_45 = %scan3A_21 to %scan3A_23 step %scan3A_24  : i32 {
      %gt3A = arith.constant 0 : i32
      %gt3A_46 = arith.cmpi sgt, %scan3A_45, %gt3A : i32
      %convert_element_type3A = arith.extui %gt3A_46 : i1 to i32
      %cond3A = arith.constant 0 : i32
      %cond3A_47 = arith.cmpi ne, %convert_element_type3A, %cond3A : i32
      scf.if %cond3A_47 {
        %dma_wait3A_137 = arith.constant 0 : i32
        %dma_wait3A_138 = arith.constant 0 : i32
        %dma_wait3A_139 = tpu.memref_slice %arg7[%dma_wait3A_137, %dma_wait3A_138] : memref<327680x128xf32, #tpu.memory_space<hbm>> -> memref<128x128xf32, #tpu.memory_space<hbm>>
        %dma_wait3A_140 = arith.constant 0 : i32
        %dma_wait3A_141 = arith.constant 0 : i32
        %dma_wait3A_142 = tpu.memref_slice %arg7[%dma_wait3A_140, %dma_wait3A_141] : memref<327680x128xf32, #tpu.memory_space<hbm>> -> memref<128x128xf32, #tpu.memory_space<hbm>>
        tpu.wait_dma2 semaphore(%arg19 : memref<!tpu.dma_semaphore, #tpu.memory_space<semaphore_mem>>) src(%arg13 : memref<128x128xf32, #tpu.memory_space<vmem>>) dst(%dma_wait3A_142 : memref<128x128xf32, #tpu.memory_space<hbm>>)
        %dma_wait3A_143 = arith.constant 0 : i32
        %dma_wait3A_144 = tpu.memref_slice %arg8[%dma_wait3A_143] : memref<2621440xf32, #tpu.memory_space<hbm>> -> memref<1024xf32, #tpu.memory_space<hbm>>
        %dma_wait3A_145 = arith.constant 0 : i32
        %dma_wait3A_146 = tpu.memref_slice %arg8[%dma_wait3A_145] : memref<2621440xf32, #tpu.memory_space<hbm>> -> memref<1024xf32, #tpu.memory_space<hbm>>
        tpu.wait_dma2 semaphore(%arg19 : memref<!tpu.dma_semaphore, #tpu.memory_space<semaphore_mem>>) src(%arg21 : memref<1024xf32, #tpu.memory_space<vmem>>) dst(%dma_wait3A_146 : memref<1024xf32, #tpu.memory_space<hbm>>)
        %dma_wait3A_147 = arith.constant 0 : i32
        %dma_wait3A_148 = arith.constant 0 : i32
        %dma_wait3A_149 = tpu.memref_slice %arg7[%dma_wait3A_147, %dma_wait3A_148] : memref<327680x128xf32, #tpu.memory_space<hbm>> -> memref<128x128xf32, #tpu.memory_space<hbm>>
        %dma_wait3A_150 = arith.constant 0 : i32
        %dma_wait3A_151 = arith.constant 0 : i32
        %dma_wait3A_152 = tpu.memref_slice %arg7[%dma_wait3A_150, %dma_wait3A_151] : memref<327680x128xf32, #tpu.memory_space<hbm>> -> memref<128x128xf32, #tpu.memory_space<hbm>>
        tpu.wait_dma2 semaphore(%arg20 : memref<!tpu.dma_semaphore, #tpu.memory_space<semaphore_mem>>) src(%arg14 : memref<128x128xf32, #tpu.memory_space<vmem>>) dst(%dma_wait3A_152 : memref<128x128xf32, #tpu.memory_space<hbm>>)
        %dma_wait3A_153 = arith.constant 0 : i32
        %dma_wait3A_154 = tpu.memref_slice %arg8[%dma_wait3A_153] : memref<2621440xf32, #tpu.memory_space<hbm>> -> memref<1024xf32, #tpu.memory_space<hbm>>
        %dma_wait3A_155 = arith.constant 0 : i32
        %dma_wait3A_156 = tpu.memref_slice %arg8[%dma_wait3A_155] : memref<2621440xf32, #tpu.memory_space<hbm>> -> memref<1024xf32, #tpu.memory_space<hbm>>
        tpu.wait_dma2 semaphore(%arg20 : memref<!tpu.dma_semaphore, #tpu.memory_space<semaphore_mem>>) src(%arg22 : memref<1024xf32, #tpu.memory_space<vmem>>) dst(%dma_wait3A_156 : memref<1024xf32, #tpu.memory_space<hbm>>)
      } else {
      }
      %dma_wait3A_48 = arith.constant 0 : i32
      %dma_wait3A_49 = tpu.memref_slice %arg2[%dma_wait3A_48] : memref<327680xi32, #tpu.memory_space<hbm>> -> memref<128xi32, #tpu.memory_space<hbm>>
      %dma_wait3A_50 = arith.constant 0 : i32
      %dma_wait3A_51 = tpu.memref_slice %arg2[%dma_wait3A_50] : memref<327680xi32, #tpu.memory_space<hbm>> -> memref<128xi32, #tpu.memory_space<hbm>>
      tpu.wait_dma2 semaphore(%arg15 : memref<!tpu.dma_semaphore, #tpu.memory_space<semaphore_mem>>) src(%dma_wait3A_51 : memref<128xi32, #tpu.memory_space<hbm>>) dst(%arg9 : memref<128xi32, #tpu.memory_space<vmem>>)
      %dma_wait3A_52 = arith.constant 0 : i32
      %dma_wait3A_53 = tpu.memref_slice %arg3[%dma_wait3A_52] : memref<327680xi32, #tpu.memory_space<hbm>> -> memref<128xi32, #tpu.memory_space<hbm>>
      %dma_wait3A_54 = arith.constant 0 : i32
      %dma_wait3A_55 = tpu.memref_slice %arg3[%dma_wait3A_54] : memref<327680xi32, #tpu.memory_space<hbm>> -> memref<128xi32, #tpu.memory_space<hbm>>
      tpu.wait_dma2 semaphore(%arg15 : memref<!tpu.dma_semaphore, #tpu.memory_space<semaphore_mem>>) src(%dma_wait3A_55 : memref<128xi32, #tpu.memory_space<hbm>>) dst(%arg10 : memref<128xi32, #tpu.memory_space<vmem>>)
      %dma_start3A_56 = arith.constant 0 : i32
      %dma_start3A_57 = arith.constant 0 : i32
      %dma_start3A_58 = tpu.memref_slice %arg4[%dma_start3A_56, %dma_start3A_57] : memref<10000x128xf32, #tpu.memory_space<hbm>> -> memref<10000x128xf32, #tpu.memory_space<hbm>>
      tpu.enqueue_indirect_dma source(%dma_start3A_58 : memref<10000x128xf32, #tpu.memory_space<hbm>>) target(%arg13 : memref<128x128xf32, #tpu.memory_space<vmem>>) offsets(%arg9 : memref<128xi32, #tpu.memory_space<vmem>>) semaphore(%arg17 : memref<!tpu.dma_semaphore, #tpu.memory_space<semaphore_mem>>)
      %dma_wait3A_59 = arith.constant 0 : i32
      %dma_wait3A_60 = tpu.memref_slice %arg2[%dma_wait3A_59] : memref<327680xi32, #tpu.memory_space<hbm>> -> memref<128xi32, #tpu.memory_space<hbm>>
      %dma_wait3A_61 = arith.constant 0 : i32
      %dma_wait3A_62 = tpu.memref_slice %arg2[%dma_wait3A_61] : memref<327680xi32, #tpu.memory_space<hbm>> -> memref<128xi32, #tpu.memory_space<hbm>>
      tpu.wait_dma2 semaphore(%arg16 : memref<!tpu.dma_semaphore, #tpu.memory_space<semaphore_mem>>) src(%dma_wait3A_62 : memref<128xi32, #tpu.memory_space<hbm>>) dst(%arg11 : memref<128xi32, #tpu.memory_space<vmem>>)
      %dma_wait3A_63 = arith.constant 0 : i32
      %dma_wait3A_64 = tpu.memref_slice %arg3[%dma_wait3A_63] : memref<327680xi32, #tpu.memory_space<hbm>> -> memref<128xi32, #tpu.memory_space<hbm>>
      %dma_wait3A_65 = arith.constant 0 : i32
      %dma_wait3A_66 = tpu.memref_slice %arg3[%dma_wait3A_65] : memref<327680xi32, #tpu.memory_space<hbm>> -> memref<128xi32, #tpu.memory_space<hbm>>
      tpu.wait_dma2 semaphore(%arg16 : memref<!tpu.dma_semaphore, #tpu.memory_space<semaphore_mem>>) src(%dma_wait3A_66 : memref<128xi32, #tpu.memory_space<hbm>>) dst(%arg12 : memref<128xi32, #tpu.memory_space<vmem>>)
      %dma_start3A_67 = arith.constant 0 : i32
      %dma_start3A_68 = arith.constant 0 : i32
      %dma_start3A_69 = tpu.memref_slice %arg4[%dma_start3A_67, %dma_start3A_68] : memref<10000x128xf32, #tpu.memory_space<hbm>> -> memref<10000x128xf32, #tpu.memory_space<hbm>>
      tpu.enqueue_indirect_dma source(%dma_start3A_69 : memref<10000x128xf32, #tpu.memory_space<hbm>>) target(%arg14 : memref<128x128xf32, #tpu.memory_space<vmem>>) offsets(%arg11 : memref<128xi32, #tpu.memory_space<vmem>>) semaphore(%arg18 : memref<!tpu.dma_semaphore, #tpu.memory_space<semaphore_mem>>)
      %dma_wait3A_70 = arith.constant 0 : i32
      %dma_wait3A_71 = arith.constant 0 : i32
      %dma_wait3A_72 = tpu.memref_slice %arg4[%dma_wait3A_70, %dma_wait3A_71] : memref<10000x128xf32, #tpu.memory_space<hbm>> -> memref<10000x128xf32, #tpu.memory_space<hbm>>
      tpu.wait_indirect_dma semaphore(%arg17 : memref<!tpu.dma_semaphore, #tpu.memory_space<semaphore_mem>>) src(%dma_wait3A_72 : memref<10000x128xf32, #tpu.memory_space<hbm>>) dst(%arg13 : memref<128x128xf32, #tpu.memory_space<vmem>>)
      %dma_start3A_73 = arith.constant 0 : i32
      %dma_start3A_74 = arith.constant 0 : i32
      %dma_start3A_75 = tpu.memref_slice %arg5[%dma_start3A_73, %dma_start3A_74] : memref<10000x128xf32, #tpu.memory_space<hbm>> -> memref<10000x128xf32, #tpu.memory_space<hbm>>
      tpu.enqueue_indirect_dma source(%dma_start3A_75 : memref<10000x128xf32, #tpu.memory_space<hbm>>) target(%arg13 : memref<128x128xf32, #tpu.memory_space<vmem>>) offsets(%arg10 : memref<128xi32, #tpu.memory_space<vmem>>) semaphore(%arg17 : memref<!tpu.dma_semaphore, #tpu.memory_space<semaphore_mem>>) {add = true}
      %dma_wait3A_76 = arith.constant 0 : i32
      %dma_wait3A_77 = arith.constant 0 : i32
      %dma_wait3A_78 = tpu.memref_slice %arg4[%dma_wait3A_76, %dma_wait3A_77] : memref<10000x128xf32, #tpu.memory_space<hbm>> -> memref<10000x128xf32, #tpu.memory_space<hbm>>
      tpu.wait_indirect_dma semaphore(%arg18 : memref<!tpu.dma_semaphore, #tpu.memory_space<semaphore_mem>>) src(%dma_wait3A_78 : memref<10000x128xf32, #tpu.memory_space<hbm>>) dst(%arg14 : memref<128x128xf32, #tpu.memory_space<vmem>>)
      %dma_start3A_79 = arith.constant 0 : i32
      %dma_start3A_80 = arith.constant 0 : i32
      %dma_start3A_81 = tpu.memref_slice %arg5[%dma_start3A_79, %dma_start3A_80] : memref<10000x128xf32, #tpu.memory_space<hbm>> -> memref<10000x128xf32, #tpu.memory_space<hbm>>
      tpu.enqueue_indirect_dma source(%dma_start3A_81 : memref<10000x128xf32, #tpu.memory_space<hbm>>) target(%arg14 : memref<128x128xf32, #tpu.memory_space<vmem>>) offsets(%arg12 : memref<128xi32, #tpu.memory_space<vmem>>) semaphore(%arg18 : memref<!tpu.dma_semaphore, #tpu.memory_space<semaphore_mem>>) {add = true}
      %scan3A_82 = arith.constant 0 : i32
      %scan3A_83 = arith.constant 0 : i32
      %scan3A_84 = arith.constant 8 : i32
      %scan3A_85 = arith.addi %scan3A_83, %scan3A_84 : i32
      %scan3A_86 = arith.constant 1 : i32
      scf.for %scan3A_137 = %scan3A_83 to %scan3A_85 step %scan3A_86  : i32 {
        %mul3A_138 = arith.constant 16 : i32
        %mul3A_139 = arith.muli %scan3A_137, %mul3A_138 : i32
        %get3A = arith.index_cast %mul3A_139 : i32 to index
        %get3A_140 = tpu.vector_load %arg9[%get3A] {strides = array<i32>} : memref<128xi32, #tpu.memory_space<vmem>>, vector<16xi32>,
        %mul3A_141 = arith.constant 4 : i32
        %mul3A_142 = vector.broadcast %mul3A_141 : i32 to vector<16xi32>
        %mul3A_143 = arith.muli %get3A_140, %mul3A_142 : vector<16xi32>
        %mul3A_144 = arith.constant 16 : i32
        %mul3A_145 = arith.muli %scan3A_137, %mul3A_144 : i32
        %get3A_146 = arith.index_cast %mul3A_145 : i32 to index
        %get3A_147 = tpu.vector_load %arg10[%get3A_146] {strides = array<i32>} : memref<128xi32, #tpu.memory_space<vmem>>, vector<16xi32>,
        %mul3A_148 = arith.constant 4 : i32
        %mul3A_149 = vector.broadcast %mul3A_148 : i32 to vector<16xi32>
        %mul3A_150 = arith.muli %get3A_147, %mul3A_149 : vector<16xi32>
        %mul3A_151 = arith.constant 16 : i32
        %mul3A_152 = arith.muli %scan3A_137, %mul3A_151 : i32
        %add3A_153 = vector.broadcast %mul3A_152 : i32 to vector<16xi32>
        %add3A_154 = arith.addi %iota3A, %add3A_153 : vector<16xi32>
        %mul3A_155 = arith.constant 8 : i32
        %mul3A_156 = vector.broadcast %mul3A_155 : i32 to vector<16xi32>
        %mul3A_157 = arith.muli %add3A_154, %mul3A_156 : vector<16xi32>
        %add3A_158 = arith.constant 0 : i32
        %add3A_159 = vector.broadcast %add3A_158 : i32 to vector<16xi32>
        %add3A_160 = arith.addi %mul3A_143, %add3A_159 : vector<16xi32>
        %gather3A = tpu.vector_load_idx %arg23[%add3A_160] : memref<40000xf32, #tpu.memory_space<vmem>>[vector<16xi32>], vector<16xf32>,
        %add3A_161 = arith.constant 0 : i32
        %add3A_162 = vector.broadcast %add3A_161 : i32 to vector<16xi32>
        %add3A_163 = arith.addi %mul3A_150, %add3A_162 : vector<16xi32>
        %gather3A_164 = tpu.vector_load_idx %arg23[%add3A_163] : memref<40000xf32, #tpu.memory_space<vmem>>[vector<16xi32>], vector<16xf32>,
        %add3A_165 = arith.constant 0 : i32
        %add3A_166 = vector.broadcast %add3A_165 : i32 to vector<16xi32>
        %add3A_167 = arith.addi %mul3A_157, %add3A_166 : vector<16xi32>
        %sub3A = arith.subf %gather3A, %gather3A_164 : vector<16xf32>
        tpu.vector_store_idx %arg21[%add3A_167], %sub3A : memref<1024xf32, #tpu.memory_space<vmem>>[vector<16xi32>], vector<16xf32>,
        %add3A_168 = arith.constant 1 : i32
        %add3A_169 = vector.broadcast %add3A_168 : i32 to vector<16xi32>
        %add3A_170 = arith.addi %mul3A_143, %add3A_169 : vector<16xi32>
        %gather3A_171 = tpu.vector_load_idx %arg23[%add3A_170] : memref<40000xf32, #tpu.memory_space<vmem>>[vector<16xi32>], vector<16xf32>,
        %add3A_172 = arith.constant 1 : i32
        %add3A_173 = vector.broadcast %add3A_172 : i32 to vector<16xi32>
        %add3A_174 = arith.addi %mul3A_150, %add3A_173 : vector<16xi32>
        %gather3A_175 = tpu.vector_load_idx %arg23[%add3A_174] : memref<40000xf32, #tpu.memory_space<vmem>>[vector<16xi32>], vector<16xf32>,
        %add3A_176 = arith.constant 1 : i32
        %add3A_177 = vector.broadcast %add3A_176 : i32 to vector<16xi32>
        %add3A_178 = arith.addi %mul3A_157, %add3A_177 : vector<16xi32>
        %sub3A_179 = arith.subf %gather3A_171, %gather3A_175 : vector<16xf32>
        tpu.vector_store_idx %arg21[%add3A_178], %sub3A_179 : memref<1024xf32, #tpu.memory_space<vmem>>[vector<16xi32>], vector<16xf32>,
        %add3A_180 = arith.constant 2 : i32
        %add3A_181 = vector.broadcast %add3A_180 : i32 to vector<16xi32>
        %add3A_182 = arith.addi %mul3A_143, %add3A_181 : vector<16xi32>
        %gather3A_183 = tpu.vector_load_idx %arg23[%add3A_182] : memref<40000xf32, #tpu.memory_space<vmem>>[vector<16xi32>], vector<16xf32>,
        %add3A_184 = arith.constant 2 : i32
        %add3A_185 = vector.broadcast %add3A_184 : i32 to vector<16xi32>
        %add3A_186 = arith.addi %mul3A_150, %add3A_185 : vector<16xi32>
        %gather3A_187 = tpu.vector_load_idx %arg23[%add3A_186] : memref<40000xf32, #tpu.memory_space<vmem>>[vector<16xi32>], vector<16xf32>,
        %add3A_188 = arith.constant 2 : i32
        %add3A_189 = vector.broadcast %add3A_188 : i32 to vector<16xi32>
        %add3A_190 = arith.addi %mul3A_157, %add3A_189 : vector<16xi32>
        %sub3A_191 = arith.subf %gather3A_183, %gather3A_187 : vector<16xf32>
        tpu.vector_store_idx %arg21[%add3A_190], %sub3A_191 : memref<1024xf32, #tpu.memory_space<vmem>>[vector<16xi32>], vector<16xf32>,
        %mul3A_192 = arith.constant 16 : i32
        %mul3A_193 = arith.muli %scan3A_137, %mul3A_192 : i32
        %get3A_194 = arith.index_cast %mul3A_193 : i32 to index
        %get3A_195 = tpu.vector_load %arg11[%get3A_194] {strides = array<i32>} : memref<128xi32, #tpu.memory_space<vmem>>, vector<16xi32>,
        %mul3A_196 = arith.constant 4 : i32
        %mul3A_197 = vector.broadcast %mul3A_196 : i32 to vector<16xi32>
        %mul3A_198 = arith.muli %get3A_195, %mul3A_197 : vector<16xi32>
        %mul3A_199 = arith.constant 16 : i32
        %mul3A_200 = arith.muli %scan3A_137, %mul3A_199 : i32
        %get3A_201 = arith.index_cast %mul3A_200 : i32 to index
        %get3A_202 = tpu.vector_load %arg12[%get3A_201] {strides = array<i32>} : memref<128xi32, #tpu.memory_space<vmem>>, vector<16xi32>,
        %mul3A_203 = arith.constant 4 : i32
        %mul3A_204 = vector.broadcast %mul3A_203 : i32 to vector<16xi32>
        %mul3A_205 = arith.muli %get3A_202, %mul3A_204 : vector<16xi32>
        %mul3A_206 = arith.constant 16 : i32
        %mul3A_207 = arith.muli %scan3A_137, %mul3A_206 : i32
        %add3A_208 = vector.broadcast %mul3A_207 : i32 to vector<16xi32>
        %add3A_209 = arith.addi %iota3A, %add3A_208 : vector<16xi32>
        %mul3A_210 = arith.constant 8 : i32
        %mul3A_211 = vector.broadcast %mul3A_210 : i32 to vector<16xi32>
        %mul3A_212 = arith.muli %add3A_209, %mul3A_211 : vector<16xi32>
        %add3A_213 = arith.constant 0 : i32
        %add3A_214 = vector.broadcast %add3A_213 : i32 to vector<16xi32>
        %add3A_215 = arith.addi %mul3A_198, %add3A_214 : vector<16xi32>
        %gather3A_216 = tpu.vector_load_idx %arg23[%add3A_215] : memref<40000xf32, #tpu.memory_space<vmem>>[vector<16xi32>], vector<16xf32>,
        %add3A_217 = arith.constant 0 : i32
        %add3A_218 = vector.broadcast %add3A_217 : i32 to vector<16xi32>
        %add3A_219 = arith.addi %mul3A_205, %add3A_218 : vector<16xi32>
        %gather3A_220 = tpu.vector_load_idx %arg23[%add3A_219] : memref<40000xf32, #tpu.memory_space<vmem>>[vector<16xi32>], vector<16xf32>,
        %add3A_221 = arith.constant 0 : i32
        %add3A_222 = vector.broadcast %add3A_221 : i32 to vector<16xi32>
        %add3A_223 = arith.addi %mul3A_212, %add3A_222 : vector<16xi32>
        %sub3A_224 = arith.subf %gather3A_216, %gather3A_220 : vector<16xf32>
        tpu.vector_store_idx %arg22[%add3A_223], %sub3A_224 : memref<1024xf32, #tpu.memory_space<vmem>>[vector<16xi32>], vector<16xf32>,
        %add3A_225 = arith.constant 1 : i32
        %add3A_226 = vector.broadcast %add3A_225 : i32 to vector<16xi32>
        %add3A_227 = arith.addi %mul3A_198, %add3A_226 : vector<16xi32>
        %gather3A_228 = tpu.vector_load_idx %arg23[%add3A_227] : memref<40000xf32, #tpu.memory_space<vmem>>[vector<16xi32>], vector<16xf32>,
        %add3A_229 = arith.constant 1 : i32
        %add3A_230 = vector.broadcast %add3A_229 : i32 to vector<16xi32>
        %add3A_231 = arith.addi %mul3A_205, %add3A_230 : vector<16xi32>
        %gather3A_232 = tpu.vector_load_idx %arg23[%add3A_231] : memref<40000xf32, #tpu.memory_space<vmem>>[vector<16xi32>], vector<16xf32>,
        %add3A_233 = arith.constant 1 : i32
        %add3A_234 = vector.broadcast %add3A_233 : i32 to vector<16xi32>
        %add3A_235 = arith.addi %mul3A_212, %add3A_234 : vector<16xi32>
        %sub3A_236 = arith.subf %gather3A_228, %gather3A_232 : vector<16xf32>
        tpu.vector_store_idx %arg22[%add3A_235], %sub3A_236 : memref<1024xf32, #tpu.memory_space<vmem>>[vector<16xi32>], vector<16xf32>,
        %add3A_237 = arith.constant 2 : i32
        %add3A_238 = vector.broadcast %add3A_237 : i32 to vector<16xi32>
        %add3A_239 = arith.addi %mul3A_198, %add3A_238 : vector<16xi32>
        %gather3A_240 = tpu.vector_load_idx %arg23[%add3A_239] : memref<40000xf32, #tpu.memory_space<vmem>>[vector<16xi32>], vector<16xf32>,
        %add3A_241 = arith.constant 2 : i32
        %add3A_242 = vector.broadcast %add3A_241 : i32 to vector<16xi32>
        %add3A_243 = arith.addi %mul3A_205, %add3A_242 : vector<16xi32>
        %gather3A_244 = tpu.vector_load_idx %arg23[%add3A_243] : memref<40000xf32, #tpu.memory_space<vmem>>[vector<16xi32>], vector<16xf32>,
        %add3A_245 = arith.constant 2 : i32
        %add3A_246 = vector.broadcast %add3A_245 : i32 to vector<16xi32>
        %add3A_247 = arith.addi %mul3A_212, %add3A_246 : vector<16xi32>
        %sub3A_248 = arith.subf %gather3A_240, %gather3A_244 : vector<16xf32>
        tpu.vector_store_idx %arg22[%add3A_247], %sub3A_248 : memref<1024xf32, #tpu.memory_space<vmem>>[vector<16xi32>], vector<16xf32>,
      }
      %scan3A_87 = arith.constant 8 : i32
      %mul3A_88 = arith.constant 2 : i32
      %mul3A_89 = arith.muli %mul3A_88, %scan3A_45 : i32
      %add3A_90 = arith.constant 0 : i32
      %add3A_91 = arith.addi %mul3A_89, %add3A_90 : i32
      %mul3A_92 = arith.constant 128 : i32
      %mul3A_93 = arith.muli %add3A_91, %mul3A_92 : i32
      %add3A_94 = arith.addi %mul3A_2, %mul3A_93 : i32
      %dma_wait3A_95 = arith.constant 0 : i32
      %dma_wait3A_96 = arith.constant 0 : i32
      %dma_wait3A_97 = tpu.memref_slice %arg5[%dma_wait3A_95, %dma_wait3A_96] : memref<10000x128xf32, #tpu.memory_space<hbm>> -> memref<10000x128xf32, #tpu.memory_space<hbm>>
      tpu.wait_indirect_dma semaphore(%arg17 : memref<!tpu.dma_semaphore, #tpu.memory_space<semaphore_mem>>) src(%dma_wait3A_97 : memref<10000x128xf32, #tpu.memory_space<hbm>>) dst(%arg13 : memref<128x128xf32, #tpu.memory_space<vmem>>)
      %mul3A_98 = arith.constant 8 : i32
      %mul3A_99 = arith.muli %add3A_94, %mul3A_98 : i32
      %dma_start3A_100 = tpu.memref_slice %arg8[%mul3A_99] : memref<2621440xf32, #tpu.memory_space<hbm>> -> memref<1024xf32, #tpu.memory_space<hbm>>
      %dma_start3A_101 = tpu.memref_slice %arg8[%mul3A_99] : memref<2621440xf32, #tpu.memory_space<hbm>> -> memref<1024xf32, #tpu.memory_space<hbm>>
      tpu.enqueue_dma source(%arg21 : memref<1024xf32, #tpu.memory_space<vmem>>) target(%dma_start3A_101 : memref<1024xf32, #tpu.memory_space<hbm>>) target_semaphore(%arg19 : memref<!tpu.dma_semaphore, #tpu.memory_space<semaphore_mem>>)
      %dma_start3A_102 = arith.constant 0 : i32
      %dma_start3A_103 = tpu.memref_slice %arg7[%add3A_94, %dma_start3A_102] : memref<327680x128xf32, #tpu.memory_space<hbm>> -> memref<128x128xf32, #tpu.memory_space<hbm>>
      %dma_start3A_104 = arith.constant 0 : i32
      %dma_start3A_105 = tpu.memref_slice %arg7[%add3A_94, %dma_start3A_104] : memref<327680x128xf32, #tpu.memory_space<hbm>> -> memref<128x128xf32, #tpu.memory_space<hbm>>
      tpu.enqueue_dma source(%arg13 : memref<128x128xf32, #tpu.memory_space<vmem>>) target(%dma_start3A_105 : memref<128x128xf32, #tpu.memory_space<hbm>>) target_semaphore(%arg19 : memref<!tpu.dma_semaphore, #tpu.memory_space<semaphore_mem>>)
      %add3A_106 = arith.constant 2 : i32
      %add3A_107 = arith.addi %add3A_91, %add3A_106 : i32
      %lt3A = arith.constant 80 : i32
      %lt3A_108 = arith.cmpi slt, %add3A_107, %lt3A : i32
      %convert_element_type3A_109 = arith.extui %lt3A_108 : i1 to i32
      %cond3A_110 = arith.constant 0 : i32
      %cond3A_111 = arith.cmpi ne, %convert_element_type3A_109, %cond3A_110 : i32
      scf.if %cond3A_111 {
        %add3A_137 = arith.constant 2 : i32
        %add3A_138 = arith.addi %add3A_91, %add3A_137 : i32
        %mul3A_139 = arith.constant 128 : i32
        %mul3A_140 = arith.muli %add3A_138, %mul3A_139 : i32
        %add3A_141 = arith.addi %mul3A_2, %mul3A_140 : i32
        %dma_start3A_142 = tpu.memref_slice %arg2[%add3A_141] : memref<327680xi32, #tpu.memory_space<hbm>> -> memref<128xi32, #tpu.memory_space<hbm>>
        %dma_start3A_143 = tpu.memref_slice %arg2[%add3A_141] : memref<327680xi32, #tpu.memory_space<hbm>> -> memref<128xi32, #tpu.memory_space<hbm>>
        tpu.enqueue_dma source(%dma_start3A_143 : memref<128xi32, #tpu.memory_space<hbm>>) target(%arg9 : memref<128xi32, #tpu.memory_space<vmem>>) target_semaphore(%arg15 : memref<!tpu.dma_semaphore, #tpu.memory_space<semaphore_mem>>)
        %dma_start3A_144 = tpu.memref_slice %arg3[%add3A_141] : memref<327680xi32, #tpu.memory_space<hbm>> -> memref<128xi32, #tpu.memory_space<hbm>>
        %dma_start3A_145 = tpu.memref_slice %arg3[%add3A_141] : memref<327680xi32, #tpu.memory_space<hbm>> -> memref<128xi32, #tpu.memory_space<hbm>>
        tpu.enqueue_dma source(%dma_start3A_145 : memref<128xi32, #tpu.memory_space<hbm>>) target(%arg10 : memref<128xi32, #tpu.memory_space<vmem>>) target_semaphore(%arg15 : memref<!tpu.dma_semaphore, #tpu.memory_space<semaphore_mem>>)
      } else {
      }
      %mul3A_112 = arith.constant 2 : i32
      %mul3A_113 = arith.muli %mul3A_112, %scan3A_45 : i32
      %add3A_114 = arith.constant 1 : i32
      %add3A_115 = arith.addi %mul3A_113, %add3A_114 : i32
      %mul3A_116 = arith.constant 128 : i32
      %mul3A_117 = arith.muli %add3A_115, %mul3A_116 : i32
      %add3A_118 = arith.addi %mul3A_2, %mul3A_117 : i32
      %dma_wait3A_119 = arith.constant 0 : i32
      %dma_wait3A_120 = arith.constant 0 : i32
      %dma_wait3A_121 = tpu.memref_slice %arg5[%dma_wait3A_119, %dma_wait3A_120] : memref<10000x128xf32, #tpu.memory_space<hbm>> -> memref<10000x128xf32, #tpu.memory_space<hbm>>
      tpu.wait_indirect_dma semaphore(%arg18 : memref<!tpu.dma_semaphore, #tpu.memory_space<semaphore_mem>>) src(%dma_wait3A_121 : memref<10000x128xf32, #tpu.memory_space<hbm>>) dst(%arg14 : memref<128x128xf32, #tpu.memory_space<vmem>>)
      %mul3A_122 = arith.constant 8 : i32
      %mul3A_123 = arith.muli %add3A_118, %mul3A_122 : i32
      %dma_start3A_124 = tpu.memref_slice %arg8[%mul3A_123] : memref<2621440xf32, #tpu.memory_space<hbm>> -> memref<1024xf32, #tpu.memory_space<hbm>>
      %dma_start3A_125 = tpu.memref_slice %arg8[%mul3A_123] : memref<2621440xf32, #tpu.memory_space<hbm>> -> memref<1024xf32, #tpu.memory_space<hbm>>
      tpu.enqueue_dma source(%arg22 : memref<1024xf32, #tpu.memory_space<vmem>>) target(%dma_start3A_125 : memref<1024xf32, #tpu.memory_space<hbm>>) target_semaphore(%arg20 : memref<!tpu.dma_semaphore, #tpu.memory_space<semaphore_mem>>)
      %dma_start3A_126 = arith.constant 0 : i32
      %dma_start3A_127 = tpu.memref_slice %arg7[%add3A_118, %dma_start3A_126] : memref<327680x128xf32, #tpu.memory_space<hbm>> -> memref<128x128xf32, #tpu.memory_space<hbm>>
      %dma_start3A_128 = arith.constant 0 : i32
      %dma_start3A_129 = tpu.memref_slice %arg7[%add3A_118, %dma_start3A_128] : memref<327680x128xf32, #tpu.memory_space<hbm>> -> memref<128x128xf32, #tpu.memory_space<hbm>>
      tpu.enqueue_dma source(%arg14 : memref<128x128xf32, #tpu.memory_space<vmem>>) target(%dma_start3A_129 : memref<128x128xf32, #tpu.memory_space<hbm>>) target_semaphore(%arg20 : memref<!tpu.dma_semaphore, #tpu.memory_space<semaphore_mem>>)
      %add3A_130 = arith.constant 2 : i32
      %add3A_131 = arith.addi %add3A_115, %add3A_130 : i32
      %lt3A_132 = arith.constant 80 : i32
      %lt3A_133 = arith.cmpi slt, %add3A_131, %lt3A_132 : i32
      %convert_element_type3A_134 = arith.extui %lt3A_133 : i1 to i32
      %cond3A_135 = arith.constant 0 : i32
      %cond3A_136 = arith.cmpi ne, %convert_element_type3A_134, %cond3A_135 : i32
      scf.if %cond3A_136 {
        %add3A_137 = arith.constant 2 : i32
        %add3A_138 = arith.addi %add3A_115, %add3A_137 : i32
        %mul3A_139 = arith.constant 128 : i32
        %mul3A_140 = arith.muli %add3A_138, %mul3A_139 : i32
        %add3A_141 = arith.addi %mul3A_2, %mul3A_140 : i32
        %dma_start3A_142 = tpu.memref_slice %arg2[%add3A_141] : memref<327680xi32, #tpu.memory_space<hbm>> -> memref<128xi32, #tpu.memory_space<hbm>>
        %dma_start3A_143 = tpu.memref_slice %arg2[%add3A_141] : memref<327680xi32, #tpu.memory_space<hbm>> -> memref<128xi32, #tpu.memory_space<hbm>>
        tpu.enqueue_dma source(%dma_start3A_143 : memref<128xi32, #tpu.memory_space<hbm>>) target(%arg11 : memref<128xi32, #tpu.memory_space<vmem>>) target_semaphore(%arg16 : memref<!tpu.dma_semaphore, #tpu.memory_space<semaphore_mem>>)
        %dma_start3A_144 = tpu.memref_slice %arg3[%add3A_141] : memref<327680xi32, #tpu.memory_space<hbm>> -> memref<128xi32, #tpu.memory_space<hbm>>
        %dma_start3A_145 = tpu.memref_slice %arg3[%add3A_141] : memref<327680xi32, #tpu.memory_space<hbm>> -> memref<128xi32, #tpu.memory_space<hbm>>
        tpu.enqueue_dma source(%dma_start3A_145 : memref<128xi32, #tpu.memory_space<hbm>>) target(%arg12 : memref<128xi32, #tpu.memory_space<vmem>>) target_semaphore(%arg16 : memref<!tpu.dma_semaphore, #tpu.memory_space<semaphore_mem>>)
      } else {
      }
    }
    %scan3A_25 = arith.constant 40 : i32
    %dma_wait3A = arith.constant 0 : i32
    %dma_wait3A_26 = arith.constant 0 : i32
    %dma_wait3A_27 = tpu.memref_slice %arg7[%dma_wait3A, %dma_wait3A_26] : memref<327680x128xf32, #tpu.memory_space<hbm>> -> memref<128x128xf32, #tpu.memory_space<hbm>>
    %dma_wait3A_28 = arith.constant 0 : i32
    %dma_wait3A_29 = arith.constant 0 : i32
    %dma_wait3A_30 = tpu.memref_slice %arg7[%dma_wait3A_28, %dma_wait3A_29] : memref<327680x128xf32, #tpu.memory_space<hbm>> -> memref<128x128xf32, #tpu.memory_space<hbm>>
    tpu.wait_dma2 semaphore(%arg19 : memref<!tpu.dma_semaphore, #tpu.memory_space<semaphore_mem>>) src(%arg13 : memref<128x128xf32, #tpu.memory_space<vmem>>) dst(%dma_wait3A_30 : memref<128x128xf32, #tpu.memory_space<hbm>>)
    %dma_wait3A_31 = arith.constant 0 : i32
    %dma_wait3A_32 = tpu.memref_slice %arg8[%dma_wait3A_31] : memref<2621440xf32, #tpu.memory_space<hbm>> -> memref<1024xf32, #tpu.memory_space<hbm>>
    %dma_wait3A_33 = arith.constant 0 : i32
    %dma_wait3A_34 = tpu.memref_slice %arg8[%dma_wait3A_33] : memref<2621440xf32, #tpu.memory_space<hbm>> -> memref<1024xf32, #tpu.memory_space<hbm>>
    tpu.wait_dma2 semaphore(%arg19 : memref<!tpu.dma_semaphore, #tpu.memory_space<semaphore_mem>>) src(%arg21 : memref<1024xf32, #tpu.memory_space<vmem>>) dst(%dma_wait3A_34 : memref<1024xf32, #tpu.memory_space<hbm>>)
    %dma_wait3A_35 = arith.constant 0 : i32
    %dma_wait3A_36 = arith.constant 0 : i32
    %dma_wait3A_37 = tpu.memref_slice %arg7[%dma_wait3A_35, %dma_wait3A_36] : memref<327680x128xf32, #tpu.memory_space<hbm>> -> memref<128x128xf32, #tpu.memory_space<hbm>>
    %dma_wait3A_38 = arith.constant 0 : i32
    %dma_wait3A_39 = arith.constant 0 : i32
    %dma_wait3A_40 = tpu.memref_slice %arg7[%dma_wait3A_38, %dma_wait3A_39] : memref<327680x128xf32, #tpu.memory_space<hbm>> -> memref<128x128xf32, #tpu.memory_space<hbm>>
    tpu.wait_dma2 semaphore(%arg20 : memref<!tpu.dma_semaphore, #tpu.memory_space<semaphore_mem>>) src(%arg14 : memref<128x128xf32, #tpu.memory_space<vmem>>) dst(%dma_wait3A_40 : memref<128x128xf32, #tpu.memory_space<hbm>>)
    %dma_wait3A_41 = arith.constant 0 : i32
    %dma_wait3A_42 = tpu.memref_slice %arg8[%dma_wait3A_41] : memref<2621440xf32, #tpu.memory_space<hbm>> -> memref<1024xf32, #tpu.memory_space<hbm>>
    %dma_wait3A_43 = arith.constant 0 : i32
    %dma_wait3A_44 = tpu.memref_slice %arg8[%dma_wait3A_43] : memref<2621440xf32, #tpu.memory_space<hbm>> -> memref<1024xf32, #tpu.memory_space<hbm>>
    tpu.wait_dma2 semaphore(%arg20 : memref<!tpu.dma_semaphore, #tpu.memory_space<semaphore_mem>>) src(%arg22 : memref<1024xf32, #tpu.memory_space<vmem>>) dst(%dma_wait3A_44 : memref<1024xf32, #tpu.memory_space<hbm>>)
    return
  }
}

#map = affine_map<(d0, d1) -> (0)>
#map1 = affine_map<(d0, d1) -> (0, 0)>
#map2 = affine_map<(d0, d1) -> (0, 0, 0)>
module attributes {stable_mosaic.version = 14 : i64} {
  func.func @body(%arg0: i32, %arg1: i32, %arg2: memref<327680xi32, #tpu.memory_space<hbm>>, %arg3: memref<327680x128xf32, #tpu.memory_space<hbm>>, %arg4: memref<2x10240x128xf32, #tpu.memory_space<hbm>>, %arg5: memref<128xi32, #tpu.memory_space<vmem>>, %arg6: memref<128xi32, #tpu.memory_space<vmem>>, %arg7: memref<128x128xf32, #tpu.memory_space<vmem>>, %arg8: memref<128x128xf32, #tpu.memory_space<vmem>>, %arg9: memref<10240x128xf32, #tpu.memory_space<vmem_shared>>, %arg10: memref<!tpu.dma_semaphore, #tpu.memory_space<semaphore_mem>>, %arg11: memref<!tpu.dma_semaphore, #tpu.memory_space<semaphore_mem>>, %arg12: memref<!tpu.dma_semaphore, #tpu.memory_space<semaphore_mem>>, %arg13: memref<!tpu.dma_semaphore, #tpu.memory_space<semaphore_mem>>) attributes {dimension_semantics = [#tpu.dimension_semantics<core_parallel>, #tpu.dimension_semantics<subcore_parallel>], iteration_bounds = array<i64: 2, 16>, scalar_prefetch = 0 : i64, scratch_operands = 9 : i64, tpu.core_type = #tpu.core_type<sc_vector_subcore>, window_params = [{transform_indices = #map}, {transform_indices = #map1}, {transform_indices = #map2}]} {
    %mul3A = arith.constant 2 : i32
    %mul3A_0 = arith.muli %arg1, %mul3A : i32
    %add3A = arith.addi %mul3A_0, %arg0 : i32
    %scan3A = arith.constant 0 : i32
    %scan3A_1 = arith.constant 0 : i32
    %scan3A_2 = arith.constant 128 : i32
    %scan3A_3 = arith.addi %scan3A_1, %scan3A_2 : i32
    %scan3A_4 = arith.constant 1 : i32
    scf.for %scan3A_42 = %scan3A_1 to %scan3A_3 step %scan3A_4  : i32 {
      %broadcast_in_dim3A = arith.constant 0.000000e+00 : f32
      %broadcast_in_dim3A_43 = vector.broadcast %broadcast_in_dim3A : f32 to vector<16xf32>
      %swap3A = arith.index_cast %scan3A_42 : i32 to index
      %swap3A_44 = arith.constant 0 : index
      %swap3A_45 = tpu.vector_load %arg7[%swap3A, %swap3A_44] {strides = array<i32>} : memref<128x128xf32, #tpu.memory_space<vmem>>, vector<1x16xf32>,
      %swap3A_46 = vector.shape_cast %swap3A_45 : vector<1x16xf32> to vector<16xf32>
      %swap3A_47 = vector.shape_cast %broadcast_in_dim3A_43 : vector<16xf32> to vector<1x16xf32>
      tpu.vector_store %arg7[%swap3A, %swap3A_44], %swap3A_47 {strides = array<i32>} : memref<128x128xf32, #tpu.memory_space<vmem>>, vector<1x16xf32>,
      %broadcast_in_dim3A_48 = arith.constant 0.000000e+00 : f32
      %broadcast_in_dim3A_49 = vector.broadcast %broadcast_in_dim3A_48 : f32 to vector<16xf32>
      %swap3A_50 = arith.index_cast %scan3A_42 : i32 to index
      %swap3A_51 = arith.constant 16 : index
      %swap3A_52 = tpu.vector_load %arg7[%swap3A_50, %swap3A_51] {strides = array<i32>} : memref<128x128xf32, #tpu.memory_space<vmem>>, vector<1x16xf32>,
      %swap3A_53 = vector.shape_cast %swap3A_52 : vector<1x16xf32> to vector<16xf32>
      %swap3A_54 = vector.shape_cast %broadcast_in_dim3A_49 : vector<16xf32> to vector<1x16xf32>
      tpu.vector_store %arg7[%swap3A_50, %swap3A_51], %swap3A_54 {strides = array<i32>} : memref<128x128xf32, #tpu.memory_space<vmem>>, vector<1x16xf32>,
      %broadcast_in_dim3A_55 = arith.constant 0.000000e+00 : f32
      %broadcast_in_dim3A_56 = vector.broadcast %broadcast_in_dim3A_55 : f32 to vector<16xf32>
      %swap3A_57 = arith.index_cast %scan3A_42 : i32 to index
      %swap3A_58 = arith.constant 32 : index
      %swap3A_59 = tpu.vector_load %arg7[%swap3A_57, %swap3A_58] {strides = array<i32>} : memref<128x128xf32, #tpu.memory_space<vmem>>, vector<1x16xf32>,
      %swap3A_60 = vector.shape_cast %swap3A_59 : vector<1x16xf32> to vector<16xf32>
      %swap3A_61 = vector.shape_cast %broadcast_in_dim3A_56 : vector<16xf32> to vector<1x16xf32>
      tpu.vector_store %arg7[%swap3A_57, %swap3A_58], %swap3A_61 {strides = array<i32>} : memref<128x128xf32, #tpu.memory_space<vmem>>, vector<1x16xf32>,
      %broadcast_in_dim3A_62 = arith.constant 0.000000e+00 : f32
      %broadcast_in_dim3A_63 = vector.broadcast %broadcast_in_dim3A_62 : f32 to vector<16xf32>
      %swap3A_64 = arith.index_cast %scan3A_42 : i32 to index
      %swap3A_65 = arith.constant 48 : index
      %swap3A_66 = tpu.vector_load %arg7[%swap3A_64, %swap3A_65] {strides = array<i32>} : memref<128x128xf32, #tpu.memory_space<vmem>>, vector<1x16xf32>,
      %swap3A_67 = vector.shape_cast %swap3A_66 : vector<1x16xf32> to vector<16xf32>
      %swap3A_68 = vector.shape_cast %broadcast_in_dim3A_63 : vector<16xf32> to vector<1x16xf32>
      tpu.vector_store %arg7[%swap3A_64, %swap3A_65], %swap3A_68 {strides = array<i32>} : memref<128x128xf32, #tpu.memory_space<vmem>>, vector<1x16xf32>,
      %broadcast_in_dim3A_69 = arith.constant 0.000000e+00 : f32
      %broadcast_in_dim3A_70 = vector.broadcast %broadcast_in_dim3A_69 : f32 to vector<16xf32>
      %swap3A_71 = arith.index_cast %scan3A_42 : i32 to index
      %swap3A_72 = arith.constant 64 : index
      %swap3A_73 = tpu.vector_load %arg7[%swap3A_71, %swap3A_72] {strides = array<i32>} : memref<128x128xf32, #tpu.memory_space<vmem>>, vector<1x16xf32>,
      %swap3A_74 = vector.shape_cast %swap3A_73 : vector<1x16xf32> to vector<16xf32>
      %swap3A_75 = vector.shape_cast %broadcast_in_dim3A_70 : vector<16xf32> to vector<1x16xf32>
      tpu.vector_store %arg7[%swap3A_71, %swap3A_72], %swap3A_75 {strides = array<i32>} : memref<128x128xf32, #tpu.memory_space<vmem>>, vector<1x16xf32>,
      %broadcast_in_dim3A_76 = arith.constant 0.000000e+00 : f32
      %broadcast_in_dim3A_77 = vector.broadcast %broadcast_in_dim3A_76 : f32 to vector<16xf32>
      %swap3A_78 = arith.index_cast %scan3A_42 : i32 to index
      %swap3A_79 = arith.constant 80 : index
      %swap3A_80 = tpu.vector_load %arg7[%swap3A_78, %swap3A_79] {strides = array<i32>} : memref<128x128xf32, #tpu.memory_space<vmem>>, vector<1x16xf32>,
      %swap3A_81 = vector.shape_cast %swap3A_80 : vector<1x16xf32> to vector<16xf32>
      %swap3A_82 = vector.shape_cast %broadcast_in_dim3A_77 : vector<16xf32> to vector<1x16xf32>
      tpu.vector_store %arg7[%swap3A_78, %swap3A_79], %swap3A_82 {strides = array<i32>} : memref<128x128xf32, #tpu.memory_space<vmem>>, vector<1x16xf32>,
      %broadcast_in_dim3A_83 = arith.constant 0.000000e+00 : f32
      %broadcast_in_dim3A_84 = vector.broadcast %broadcast_in_dim3A_83 : f32 to vector<16xf32>
      %swap3A_85 = arith.index_cast %scan3A_42 : i32 to index
      %swap3A_86 = arith.constant 96 : index
      %swap3A_87 = tpu.vector_load %arg7[%swap3A_85, %swap3A_86] {strides = array<i32>} : memref<128x128xf32, #tpu.memory_space<vmem>>, vector<1x16xf32>,
      %swap3A_88 = vector.shape_cast %swap3A_87 : vector<1x16xf32> to vector<16xf32>
      %swap3A_89 = vector.shape_cast %broadcast_in_dim3A_84 : vector<16xf32> to vector<1x16xf32>
      tpu.vector_store %arg7[%swap3A_85, %swap3A_86], %swap3A_89 {strides = array<i32>} : memref<128x128xf32, #tpu.memory_space<vmem>>, vector<1x16xf32>,
      %broadcast_in_dim3A_90 = arith.constant 0.000000e+00 : f32
      %broadcast_in_dim3A_91 = vector.broadcast %broadcast_in_dim3A_90 : f32 to vector<16xf32>
      %swap3A_92 = arith.index_cast %scan3A_42 : i32 to index
      %swap3A_93 = arith.constant 112 : index
      %swap3A_94 = tpu.vector_load %arg7[%swap3A_92, %swap3A_93] {strides = array<i32>} : memref<128x128xf32, #tpu.memory_space<vmem>>, vector<1x16xf32>,
      %swap3A_95 = vector.shape_cast %swap3A_94 : vector<1x16xf32> to vector<16xf32>
      %swap3A_96 = vector.shape_cast %broadcast_in_dim3A_91 : vector<16xf32> to vector<1x16xf32>
      tpu.vector_store %arg7[%swap3A_92, %swap3A_93], %swap3A_96 {strides = array<i32>} : memref<128x128xf32, #tpu.memory_space<vmem>>, vector<1x16xf32>,
    }
    %scan3A_5 = arith.constant 128 : i32
    %scan3A_6 = arith.constant 0 : i32
    %scan3A_7 = arith.constant 0 : i32
    %scan3A_8 = arith.constant 5 : i32
    %scan3A_9 = arith.addi %scan3A_7, %scan3A_8 : i32
    %scan3A_10 = arith.constant 1 : i32
    scf.for %scan3A_42 = %scan3A_7 to %scan3A_9 step %scan3A_10  : i32 {
      %mul3A_43 = arith.constant 5 : i32
      %mul3A_44 = arith.muli %arg1, %mul3A_43 : i32
      %add3A_45 = arith.addi %mul3A_44, %scan3A_42 : i32
      %mul3A_46 = arith.constant 128 : i32
      %mul3A_47 = arith.muli %add3A_45, %mul3A_46 : i32
      "tpu.region"() ({
        %run_scoped3A = tpu.sem_alloc : memref<!tpu.dma_semaphore, #tpu.memory_space<semaphore_mem>>
        %dma_start3A_48 = arith.constant 0 : i32
        %dma_start3A_49 = tpu.memref_slice %arg9[%mul3A_47, %dma_start3A_48] : memref<10240x128xf32, #tpu.memory_space<vmem_shared>> -> memref<128x128xf32, #tpu.memory_space<vmem_shared>>
        %dma_start3A_50 = arith.constant 0 : i32
        %dma_start3A_51 = tpu.memref_slice %arg9[%mul3A_47, %dma_start3A_50] : memref<10240x128xf32, #tpu.memory_space<vmem_shared>> -> memref<128x128xf32, #tpu.memory_space<vmem_shared>>
        tpu.enqueue_dma source(%arg7 : memref<128x128xf32, #tpu.memory_space<vmem>>) target(%dma_start3A_51 : memref<128x128xf32, #tpu.memory_space<vmem_shared>>) target_semaphore(%run_scoped3A : memref<!tpu.dma_semaphore, #tpu.memory_space<semaphore_mem>>)
        %dma_wait3A = arith.constant 0 : i32
        %dma_wait3A_52 = tpu.memref_slice %arg9[%mul3A_47, %dma_wait3A] : memref<10240x128xf32, #tpu.memory_space<vmem_shared>> -> memref<128x128xf32, #tpu.memory_space<vmem_shared>>
        %dma_wait3A_53 = arith.constant 0 : i32
        %dma_wait3A_54 = tpu.memref_slice %arg9[%mul3A_47, %dma_wait3A_53] : memref<10240x128xf32, #tpu.memory_space<vmem_shared>> -> memref<128x128xf32, #tpu.memory_space<vmem_shared>>
        tpu.wait_dma2 semaphore(%run_scoped3A : memref<!tpu.dma_semaphore, #tpu.memory_space<semaphore_mem>>) src(%arg7 : memref<128x128xf32, #tpu.memory_space<vmem>>) dst(%dma_wait3A_54 : memref<128x128xf32, #tpu.memory_space<vmem_shared>>)
        tpu.yield
      }) : () -> ()
    }
    %scan3A_11 = arith.constant 5 : i32
    %barrier3A = arith.constant 0 : index
    tpu.barrier barrier_id(%barrier3A)
    %mul3A_12 = arith.constant 10240 : i32
    %mul3A_13 = arith.muli %add3A, %mul3A_12 : i32
    %add3A_14 = arith.constant 0 : i32
    %add3A_15 = arith.addi %mul3A_13, %add3A_14 : i32
    %dma_start3A = tpu.memref_slice %arg2[%add3A_15] : memref<327680xi32, #tpu.memory_space<hbm>> -> memref<128xi32, #tpu.memory_space<hbm>>
    %dma_start3A_16 = tpu.memref_slice %arg2[%add3A_15] : memref<327680xi32, #tpu.memory_space<hbm>> -> memref<128xi32, #tpu.memory_space<hbm>>
    tpu.enqueue_dma source(%dma_start3A_16 : memref<128xi32, #tpu.memory_space<hbm>>) target(%arg5 : memref<128xi32, #tpu.memory_space<vmem>>) target_semaphore(%arg10 : memref<!tpu.dma_semaphore, #tpu.memory_space<semaphore_mem>>)
    %dma_start3A_17 = arith.constant 0 : i32
    %dma_start3A_18 = tpu.memref_slice %arg3[%add3A_15, %dma_start3A_17] : memref<327680x128xf32, #tpu.memory_space<hbm>> -> memref<128x128xf32, #tpu.memory_space<hbm>>
    %dma_start3A_19 = arith.constant 0 : i32
    %dma_start3A_20 = tpu.memref_slice %arg3[%add3A_15, %dma_start3A_19] : memref<327680x128xf32, #tpu.memory_space<hbm>> -> memref<128x128xf32, #tpu.memory_space<hbm>>
    tpu.enqueue_dma source(%dma_start3A_20 : memref<128x128xf32, #tpu.memory_space<hbm>>) target(%arg7 : memref<128x128xf32, #tpu.memory_space<vmem>>) target_semaphore(%arg10 : memref<!tpu.dma_semaphore, #tpu.memory_space<semaphore_mem>>)
    %add3A_21 = arith.constant 128 : i32
    %add3A_22 = arith.addi %mul3A_13, %add3A_21 : i32
    %dma_start3A_23 = tpu.memref_slice %arg2[%add3A_22] : memref<327680xi32, #tpu.memory_space<hbm>> -> memref<128xi32, #tpu.memory_space<hbm>>
    %dma_start3A_24 = tpu.memref_slice %arg2[%add3A_22] : memref<327680xi32, #tpu.memory_space<hbm>> -> memref<128xi32, #tpu.memory_space<hbm>>
    tpu.enqueue_dma source(%dma_start3A_24 : memref<128xi32, #tpu.memory_space<hbm>>) target(%arg6 : memref<128xi32, #tpu.memory_space<vmem>>) target_semaphore(%arg11 : memref<!tpu.dma_semaphore, #tpu.memory_space<semaphore_mem>>)
    %dma_start3A_25 = arith.constant 0 : i32
    %dma_start3A_26 = tpu.memref_slice %arg3[%add3A_22, %dma_start3A_25] : memref<327680x128xf32, #tpu.memory_space<hbm>> -> memref<128x128xf32, #tpu.memory_space<hbm>>
    %dma_start3A_27 = arith.constant 0 : i32
    %dma_start3A_28 = tpu.memref_slice %arg3[%add3A_22, %dma_start3A_27] : memref<327680x128xf32, #tpu.memory_space<hbm>> -> memref<128x128xf32, #tpu.memory_space<hbm>>
    tpu.enqueue_dma source(%dma_start3A_28 : memref<128x128xf32, #tpu.memory_space<hbm>>) target(%arg8 : memref<128x128xf32, #tpu.memory_space<vmem>>) target_semaphore(%arg11 : memref<!tpu.dma_semaphore, #tpu.memory_space<semaphore_mem>>)
    %scan3A_29 = arith.constant 0 : i32
    %scan3A_30 = arith.constant 0 : i32
    %scan3A_31 = arith.constant 40 : i32
    %scan3A_32 = arith.addi %scan3A_30, %scan3A_31 : i32
    %scan3A_33 = arith.constant 1 : i32
    scf.for %scan3A_42 = %scan3A_30 to %scan3A_32 step %scan3A_33  : i32 {
      %mul3A_43 = arith.constant 2 : i32
      %mul3A_44 = arith.muli %mul3A_43, %scan3A_42 : i32
      %add3A_45 = arith.constant 0 : i32
      %add3A_46 = arith.addi %mul3A_44, %add3A_45 : i32
      %dma_wait3A = arith.constant 0 : i32
      %dma_wait3A_47 = tpu.memref_slice %arg2[%dma_wait3A] : memref<327680xi32, #tpu.memory_space<hbm>> -> memref<128xi32, #tpu.memory_space<hbm>>
      %dma_wait3A_48 = arith.constant 0 : i32
      %dma_wait3A_49 = tpu.memref_slice %arg2[%dma_wait3A_48] : memref<327680xi32, #tpu.memory_space<hbm>> -> memref<128xi32, #tpu.memory_space<hbm>>
      tpu.wait_dma2 semaphore(%arg10 : memref<!tpu.dma_semaphore, #tpu.memory_space<semaphore_mem>>) src(%dma_wait3A_49 : memref<128xi32, #tpu.memory_space<hbm>>) dst(%arg5 : memref<128xi32, #tpu.memory_space<vmem>>)
      %dma_wait3A_50 = arith.constant 0 : i32
      %dma_wait3A_51 = arith.constant 0 : i32
      %dma_wait3A_52 = tpu.memref_slice %arg3[%dma_wait3A_50, %dma_wait3A_51] : memref<327680x128xf32, #tpu.memory_space<hbm>> -> memref<128x128xf32, #tpu.memory_space<hbm>>
      %dma_wait3A_53 = arith.constant 0 : i32
      %dma_wait3A_54 = arith.constant 0 : i32
      %dma_wait3A_55 = tpu.memref_slice %arg3[%dma_wait3A_53, %dma_wait3A_54] : memref<327680x128xf32, #tpu.memory_space<hbm>> -> memref<128x128xf32, #tpu.memory_space<hbm>>
      tpu.wait_dma2 semaphore(%arg10 : memref<!tpu.dma_semaphore, #tpu.memory_space<semaphore_mem>>) src(%dma_wait3A_55 : memref<128x128xf32, #tpu.memory_space<hbm>>) dst(%arg7 : memref<128x128xf32, #tpu.memory_space<vmem>>)
      "tpu.region"() ({
        %run_scoped3A = tpu.sem_alloc : memref<!tpu.dma_semaphore, #tpu.memory_space<semaphore_mem>>
        %dma_start3A_81 = arith.constant 0 : i32
        %dma_start3A_82 = arith.constant 0 : i32
        %dma_start3A_83 = tpu.memref_slice %arg9[%dma_start3A_81, %dma_start3A_82] : memref<10240x128xf32, #tpu.memory_space<vmem_shared>> -> memref<10240x128xf32, #tpu.memory_space<vmem_shared>>
        tpu.enqueue_indirect_dma source(%arg7 : memref<128x128xf32, #tpu.memory_space<vmem>>) target(%dma_start3A_83 : memref<10240x128xf32, #tpu.memory_space<vmem_shared>>) offsets(%arg5 : memref<128xi32, #tpu.memory_space<vmem>>) semaphore(%run_scoped3A : memref<!tpu.dma_semaphore, #tpu.memory_space<semaphore_mem>>) {add = true}
        %dma_wait3A_84 = arith.constant 0 : i32
        %dma_wait3A_85 = arith.constant 0 : i32
        %dma_wait3A_86 = tpu.memref_slice %arg9[%dma_wait3A_84, %dma_wait3A_85] : memref<10240x128xf32, #tpu.memory_space<vmem_shared>> -> memref<10240x128xf32, #tpu.memory_space<vmem_shared>>
        tpu.wait_indirect_dma semaphore(%run_scoped3A : memref<!tpu.dma_semaphore, #tpu.memory_space<semaphore_mem>>) src(%arg7 : memref<128x128xf32, #tpu.memory_space<vmem>>) dst(%dma_wait3A_86 : memref<10240x128xf32, #tpu.memory_space<vmem_shared>>)
        tpu.yield
      }) : () -> ()
      %add3A_56 = arith.constant 2 : i32
      %add3A_57 = arith.addi %add3A_46, %add3A_56 : i32
      %lt3A = arith.constant 80 : i32
      %lt3A_58 = arith.cmpi slt, %add3A_57, %lt3A : i32
      %convert_element_type3A = arith.extui %lt3A_58 : i1 to i32
      %cond3A = arith.constant 0 : i32
      %cond3A_59 = arith.cmpi ne, %convert_element_type3A, %cond3A : i32
      scf.if %cond3A_59 {
        %add3A_81 = arith.constant 2 : i32
        %add3A_82 = arith.addi %add3A_46, %add3A_81 : i32
        %mul3A_83 = arith.constant 128 : i32
        %mul3A_84 = arith.muli %add3A_82, %mul3A_83 : i32
        %add3A_85 = arith.addi %mul3A_13, %mul3A_84 : i32
        %dma_start3A_86 = tpu.memref_slice %arg2[%add3A_85] : memref<327680xi32, #tpu.memory_space<hbm>> -> memref<128xi32, #tpu.memory_space<hbm>>
        %dma_start3A_87 = tpu.memref_slice %arg2[%add3A_85] : memref<327680xi32, #tpu.memory_space<hbm>> -> memref<128xi32, #tpu.memory_space<hbm>>
        tpu.enqueue_dma source(%dma_start3A_87 : memref<128xi32, #tpu.memory_space<hbm>>) target(%arg5 : memref<128xi32, #tpu.memory_space<vmem>>) target_semaphore(%arg10 : memref<!tpu.dma_semaphore, #tpu.memory_space<semaphore_mem>>)
        %dma_start3A_88 = arith.constant 0 : i32
        %dma_start3A_89 = tpu.memref_slice %arg3[%add3A_85, %dma_start3A_88] : memref<327680x128xf32, #tpu.memory_space<hbm>> -> memref<128x128xf32, #tpu.memory_space<hbm>>
        %dma_start3A_90 = arith.constant 0 : i32
        %dma_start3A_91 = tpu.memref_slice %arg3[%add3A_85, %dma_start3A_90] : memref<327680x128xf32, #tpu.memory_space<hbm>> -> memref<128x128xf32, #tpu.memory_space<hbm>>
        tpu.enqueue_dma source(%dma_start3A_91 : memref<128x128xf32, #tpu.memory_space<hbm>>) target(%arg7 : memref<128x128xf32, #tpu.memory_space<vmem>>) target_semaphore(%arg10 : memref<!tpu.dma_semaphore, #tpu.memory_space<semaphore_mem>>)
      } else {
      }
      %mul3A_60 = arith.constant 2 : i32
      %mul3A_61 = arith.muli %mul3A_60, %scan3A_42 : i32
      %add3A_62 = arith.constant 1 : i32
      %add3A_63 = arith.addi %mul3A_61, %add3A_62 : i32
      %dma_wait3A_64 = arith.constant 0 : i32
      %dma_wait3A_65 = tpu.memref_slice %arg2[%dma_wait3A_64] : memref<327680xi32, #tpu.memory_space<hbm>> -> memref<128xi32, #tpu.memory_space<hbm>>
      %dma_wait3A_66 = arith.constant 0 : i32
      %dma_wait3A_67 = tpu.memref_slice %arg2[%dma_wait3A_66] : memref<327680xi32, #tpu.memory_space<hbm>> -> memref<128xi32, #tpu.memory_space<hbm>>
      tpu.wait_dma2 semaphore(%arg11 : memref<!tpu.dma_semaphore, #tpu.memory_space<semaphore_mem>>) src(%dma_wait3A_67 : memref<128xi32, #tpu.memory_space<hbm>>) dst(%arg6 : memref<128xi32, #tpu.memory_space<vmem>>)
      %dma_wait3A_68 = arith.constant 0 : i32
      %dma_wait3A_69 = arith.constant 0 : i32
      %dma_wait3A_70 = tpu.memref_slice %arg3[%dma_wait3A_68, %dma_wait3A_69] : memref<327680x128xf32, #tpu.memory_space<hbm>> -> memref<128x128xf32, #tpu.memory_space<hbm>>
      %dma_wait3A_71 = arith.constant 0 : i32
      %dma_wait3A_72 = arith.constant 0 : i32
      %dma_wait3A_73 = tpu.memref_slice %arg3[%dma_wait3A_71, %dma_wait3A_72] : memref<327680x128xf32, #tpu.memory_space<hbm>> -> memref<128x128xf32, #tpu.memory_space<hbm>>
      tpu.wait_dma2 semaphore(%arg11 : memref<!tpu.dma_semaphore, #tpu.memory_space<semaphore_mem>>) src(%dma_wait3A_73 : memref<128x128xf32, #tpu.memory_space<hbm>>) dst(%arg8 : memref<128x128xf32, #tpu.memory_space<vmem>>)
      "tpu.region"() ({
        %run_scoped3A = tpu.sem_alloc : memref<!tpu.dma_semaphore, #tpu.memory_space<semaphore_mem>>
        %dma_start3A_81 = arith.constant 0 : i32
        %dma_start3A_82 = arith.constant 0 : i32
        %dma_start3A_83 = tpu.memref_slice %arg9[%dma_start3A_81, %dma_start3A_82] : memref<10240x128xf32, #tpu.memory_space<vmem_shared>> -> memref<10240x128xf32, #tpu.memory_space<vmem_shared>>
        tpu.enqueue_indirect_dma source(%arg8 : memref<128x128xf32, #tpu.memory_space<vmem>>) target(%dma_start3A_83 : memref<10240x128xf32, #tpu.memory_space<vmem_shared>>) offsets(%arg6 : memref<128xi32, #tpu.memory_space<vmem>>) semaphore(%run_scoped3A : memref<!tpu.dma_semaphore, #tpu.memory_space<semaphore_mem>>) {add = true}
        %dma_wait3A_84 = arith.constant 0 : i32
        %dma_wait3A_85 = arith.constant 0 : i32
        %dma_wait3A_86 = tpu.memref_slice %arg9[%dma_wait3A_84, %dma_wait3A_85] : memref<10240x128xf32, #tpu.memory_space<vmem_shared>> -> memref<10240x128xf32, #tpu.memory_space<vmem_shared>>
        tpu.wait_indirect_dma semaphore(%run_scoped3A : memref<!tpu.dma_semaphore, #tpu.memory_space<semaphore_mem>>) src(%arg8 : memref<128x128xf32, #tpu.memory_space<vmem>>) dst(%dma_wait3A_86 : memref<10240x128xf32, #tpu.memory_space<vmem_shared>>)
        tpu.yield
      }) : () -> ()
      %add3A_74 = arith.constant 2 : i32
      %add3A_75 = arith.addi %add3A_63, %add3A_74 : i32
      %lt3A_76 = arith.constant 80 : i32
      %lt3A_77 = arith.cmpi slt, %add3A_75, %lt3A_76 : i32
      %convert_element_type3A_78 = arith.extui %lt3A_77 : i1 to i32
      %cond3A_79 = arith.constant 0 : i32
      %cond3A_80 = arith.cmpi ne, %convert_element_type3A_78, %cond3A_79 : i32
      scf.if %cond3A_80 {
        %add3A_81 = arith.constant 2 : i32
        %add3A_82 = arith.addi %add3A_63, %add3A_81 : i32
        %mul3A_83 = arith.constant 128 : i32
        %mul3A_84 = arith.muli %add3A_82, %mul3A_83 : i32
        %add3A_85 = arith.addi %mul3A_13, %mul3A_84 : i32
        %dma_start3A_86 = tpu.memref_slice %arg2[%add3A_85] : memref<327680xi32, #tpu.memory_space<hbm>> -> memref<128xi32, #tpu.memory_space<hbm>>
        %dma_start3A_87 = tpu.memref_slice %arg2[%add3A_85] : memref<327680xi32, #tpu.memory_space<hbm>> -> memref<128xi32, #tpu.memory_space<hbm>>
        tpu.enqueue_dma source(%dma_start3A_87 : memref<128xi32, #tpu.memory_space<hbm>>) target(%arg6 : memref<128xi32, #tpu.memory_space<vmem>>) target_semaphore(%arg11 : memref<!tpu.dma_semaphore, #tpu.memory_space<semaphore_mem>>)
        %dma_start3A_88 = arith.constant 0 : i32
        %dma_start3A_89 = tpu.memref_slice %arg3[%add3A_85, %dma_start3A_88] : memref<327680x128xf32, #tpu.memory_space<hbm>> -> memref<128x128xf32, #tpu.memory_space<hbm>>
        %dma_start3A_90 = arith.constant 0 : i32
        %dma_start3A_91 = tpu.memref_slice %arg3[%add3A_85, %dma_start3A_90] : memref<327680x128xf32, #tpu.memory_space<hbm>> -> memref<128x128xf32, #tpu.memory_space<hbm>>
        tpu.enqueue_dma source(%dma_start3A_91 : memref<128x128xf32, #tpu.memory_space<hbm>>) target(%arg8 : memref<128x128xf32, #tpu.memory_space<vmem>>) target_semaphore(%arg11 : memref<!tpu.dma_semaphore, #tpu.memory_space<semaphore_mem>>)
      } else {
      }
    }
    %scan3A_34 = arith.constant 40 : i32
    %barrier3A_35 = arith.constant 0 : index
    tpu.barrier barrier_id(%barrier3A_35)
    %scan3A_36 = arith.constant 0 : i32
    %scan3A_37 = arith.constant 0 : i32
    %scan3A_38 = arith.constant 5 : i32
    %scan3A_39 = arith.addi %scan3A_37, %scan3A_38 : i32
    %scan3A_40 = arith.constant 1 : i32
    scf.for %scan3A_42 = %scan3A_37 to %scan3A_39 step %scan3A_40  : i32 {
      %mul3A_43 = arith.constant 5 : i32
      %mul3A_44 = arith.muli %arg1, %mul3A_43 : i32
      %add3A_45 = arith.addi %mul3A_44, %scan3A_42 : i32
      %mul3A_46 = arith.constant 128 : i32
      %mul3A_47 = arith.muli %add3A_45, %mul3A_46 : i32
      "tpu.region"() ({
        %run_scoped3A = tpu.sem_alloc : memref<!tpu.dma_semaphore, #tpu.memory_space<semaphore_mem>>
        %dma_start3A_48 = arith.constant 0 : i32
        %dma_start3A_49 = tpu.memref_slice %arg4[%arg0, %mul3A_47, %dma_start3A_48] : memref<2x10240x128xf32, #tpu.memory_space<hbm>> -> memref<1x128x128xf32, #tpu.memory_space<hbm>>
        %dma_start3A_50 = tpu.memref_squeeze %dma_start3A_49 : memref<1x128x128xf32, #tpu.memory_space<hbm>> -> memref<128x128xf32, #tpu.memory_space<hbm>>
        %dma_start3A_51 = arith.constant 0 : i32
        %dma_start3A_52 = tpu.memref_slice %arg9[%mul3A_47, %dma_start3A_51] : memref<10240x128xf32, #tpu.memory_space<vmem_shared>> -> memref<128x128xf32, #tpu.memory_space<vmem_shared>>
        tpu.enqueue_dma source(%dma_start3A_52 : memref<128x128xf32, #tpu.memory_space<vmem_shared>>) target(%dma_start3A_50 : memref<128x128xf32, #tpu.memory_space<hbm>>) target_semaphore(%run_scoped3A : memref<!tpu.dma_semaphore, #tpu.memory_space<semaphore_mem>>)
        %dma_wait3A = arith.constant 0 : i32
        %dma_wait3A_53 = tpu.memref_slice %arg4[%arg0, %mul3A_47, %dma_wait3A] : memref<2x10240x128xf32, #tpu.memory_space<hbm>> -> memref<1x128x128xf32, #tpu.memory_space<hbm>>
        %dma_wait3A_54 = tpu.memref_squeeze %dma_wait3A_53 : memref<1x128x128xf32, #tpu.memory_space<hbm>> -> memref<128x128xf32, #tpu.memory_space<hbm>>
        %dma_wait3A_55 = arith.constant 0 : i32
        %dma_wait3A_56 = tpu.memref_slice %arg9[%mul3A_47, %dma_wait3A_55] : memref<10240x128xf32, #tpu.memory_space<vmem_shared>> -> memref<128x128xf32, #tpu.memory_space<vmem_shared>>
        tpu.wait_dma2 semaphore(%run_scoped3A : memref<!tpu.dma_semaphore, #tpu.memory_space<semaphore_mem>>) src(%dma_wait3A_56 : memref<128x128xf32, #tpu.memory_space<vmem_shared>>) dst(%dma_wait3A_54 : memref<128x128xf32, #tpu.memory_space<hbm>>)
        tpu.yield
      }) : () -> ()
    }
    %scan3A_41 = arith.constant 5 : i32
    return
  }
}

#map = affine_map<(d0, d1) -> (0)>
#map1 = affine_map<(d0, d1) -> (0, 0)>
#map2 = affine_map<(d0, d1) -> (0, 0, 0)>
module attributes {stable_mosaic.version = 14 : i64} {
  func.func @body(%arg0: i32, %arg1: i32, %arg2: memref<327680xi32, #tpu.memory_space<hbm>>, %arg3: memref<327680x128xf32, #tpu.memory_space<hbm>>, %arg4: memref<2x10240x128xf32, #tpu.memory_space<hbm>>, %arg5: memref<128xi32, #tpu.memory_space<vmem>>, %arg6: memref<128xi32, #tpu.memory_space<vmem>>, %arg7: memref<128x128xf32, #tpu.memory_space<vmem>>, %arg8: memref<128x128xf32, #tpu.memory_space<vmem>>, %arg9: memref<10240x128xf32, #tpu.memory_space<vmem_shared>>, %arg10: memref<!tpu.dma_semaphore, #tpu.memory_space<semaphore_mem>>, %arg11: memref<!tpu.dma_semaphore, #tpu.memory_space<semaphore_mem>>, %arg12: memref<!tpu.dma_semaphore, #tpu.memory_space<semaphore_mem>>, %arg13: memref<!tpu.dma_semaphore, #tpu.memory_space<semaphore_mem>>) attributes {dimension_semantics = [#tpu.dimension_semantics<core_parallel>, #tpu.dimension_semantics<subcore_parallel>], iteration_bounds = array<i64: 2, 16>, scalar_prefetch = 0 : i64, scratch_operands = 9 : i64, tpu.core_type = #tpu.core_type<sc_vector_subcore>, window_params = [{transform_indices = #map}, {transform_indices = #map1}, {transform_indices = #map2}]} {
    %mul3A = arith.constant 2 : i32
    %mul3A_0 = arith.muli %arg1, %mul3A : i32
    %add3A = arith.addi %mul3A_0, %arg0 : i32
    %scan3A = arith.constant 0 : i32
    %scan3A_1 = arith.constant 0 : i32
    %scan3A_2 = arith.constant 128 : i32
    %scan3A_3 = arith.addi %scan3A_1, %scan3A_2 : i32
    %scan3A_4 = arith.constant 1 : i32
    scf.for %scan3A_42 = %scan3A_1 to %scan3A_3 step %scan3A_4  : i32 {
      %broadcast_in_dim3A = arith.constant 0.000000e+00 : f32
      %broadcast_in_dim3A_43 = vector.broadcast %broadcast_in_dim3A : f32 to vector<16xf32>
      %swap3A = arith.index_cast %scan3A_42 : i32 to index
      %swap3A_44 = arith.constant 0 : index
      %swap3A_45 = tpu.vector_load %arg7[%swap3A, %swap3A_44] {strides = array<i32>} : memref<128x128xf32, #tpu.memory_space<vmem>>, vector<1x16xf32>,
      %swap3A_46 = vector.shape_cast %swap3A_45 : vector<1x16xf32> to vector<16xf32>
      %swap3A_47 = vector.shape_cast %broadcast_in_dim3A_43 : vector<16xf32> to vector<1x16xf32>
      tpu.vector_store %arg7[%swap3A, %swap3A_44], %swap3A_47 {strides = array<i32>} : memref<128x128xf32, #tpu.memory_space<vmem>>, vector<1x16xf32>,
      %broadcast_in_dim3A_48 = arith.constant 0.000000e+00 : f32
      %broadcast_in_dim3A_49 = vector.broadcast %broadcast_in_dim3A_48 : f32 to vector<16xf32>
      %swap3A_50 = arith.index_cast %scan3A_42 : i32 to index
      %swap3A_51 = arith.constant 16 : index
      %swap3A_52 = tpu.vector_load %arg7[%swap3A_50, %swap3A_51] {strides = array<i32>} : memref<128x128xf32, #tpu.memory_space<vmem>>, vector<1x16xf32>,
      %swap3A_53 = vector.shape_cast %swap3A_52 : vector<1x16xf32> to vector<16xf32>
      %swap3A_54 = vector.shape_cast %broadcast_in_dim3A_49 : vector<16xf32> to vector<1x16xf32>
      tpu.vector_store %arg7[%swap3A_50, %swap3A_51], %swap3A_54 {strides = array<i32>} : memref<128x128xf32, #tpu.memory_space<vmem>>, vector<1x16xf32>,
      %broadcast_in_dim3A_55 = arith.constant 0.000000e+00 : f32
      %broadcast_in_dim3A_56 = vector.broadcast %broadcast_in_dim3A_55 : f32 to vector<16xf32>
      %swap3A_57 = arith.index_cast %scan3A_42 : i32 to index
      %swap3A_58 = arith.constant 32 : index
      %swap3A_59 = tpu.vector_load %arg7[%swap3A_57, %swap3A_58] {strides = array<i32>} : memref<128x128xf32, #tpu.memory_space<vmem>>, vector<1x16xf32>,
      %swap3A_60 = vector.shape_cast %swap3A_59 : vector<1x16xf32> to vector<16xf32>
      %swap3A_61 = vector.shape_cast %broadcast_in_dim3A_56 : vector<16xf32> to vector<1x16xf32>
      tpu.vector_store %arg7[%swap3A_57, %swap3A_58], %swap3A_61 {strides = array<i32>} : memref<128x128xf32, #tpu.memory_space<vmem>>, vector<1x16xf32>,
      %broadcast_in_dim3A_62 = arith.constant 0.000000e+00 : f32
      %broadcast_in_dim3A_63 = vector.broadcast %broadcast_in_dim3A_62 : f32 to vector<16xf32>
      %swap3A_64 = arith.index_cast %scan3A_42 : i32 to index
      %swap3A_65 = arith.constant 48 : index
      %swap3A_66 = tpu.vector_load %arg7[%swap3A_64, %swap3A_65] {strides = array<i32>} : memref<128x128xf32, #tpu.memory_space<vmem>>, vector<1x16xf32>,
      %swap3A_67 = vector.shape_cast %swap3A_66 : vector<1x16xf32> to vector<16xf32>
      %swap3A_68 = vector.shape_cast %broadcast_in_dim3A_63 : vector<16xf32> to vector<1x16xf32>
      tpu.vector_store %arg7[%swap3A_64, %swap3A_65], %swap3A_68 {strides = array<i32>} : memref<128x128xf32, #tpu.memory_space<vmem>>, vector<1x16xf32>,
      %broadcast_in_dim3A_69 = arith.constant 0.000000e+00 : f32
      %broadcast_in_dim3A_70 = vector.broadcast %broadcast_in_dim3A_69 : f32 to vector<16xf32>
      %swap3A_71 = arith.index_cast %scan3A_42 : i32 to index
      %swap3A_72 = arith.constant 64 : index
      %swap3A_73 = tpu.vector_load %arg7[%swap3A_71, %swap3A_72] {strides = array<i32>} : memref<128x128xf32, #tpu.memory_space<vmem>>, vector<1x16xf32>,
      %swap3A_74 = vector.shape_cast %swap3A_73 : vector<1x16xf32> to vector<16xf32>
      %swap3A_75 = vector.shape_cast %broadcast_in_dim3A_70 : vector<16xf32> to vector<1x16xf32>
      tpu.vector_store %arg7[%swap3A_71, %swap3A_72], %swap3A_75 {strides = array<i32>} : memref<128x128xf32, #tpu.memory_space<vmem>>, vector<1x16xf32>,
      %broadcast_in_dim3A_76 = arith.constant 0.000000e+00 : f32
      %broadcast_in_dim3A_77 = vector.broadcast %broadcast_in_dim3A_76 : f32 to vector<16xf32>
      %swap3A_78 = arith.index_cast %scan3A_42 : i32 to index
      %swap3A_79 = arith.constant 80 : index
      %swap3A_80 = tpu.vector_load %arg7[%swap3A_78, %swap3A_79] {strides = array<i32>} : memref<128x128xf32, #tpu.memory_space<vmem>>, vector<1x16xf32>,
      %swap3A_81 = vector.shape_cast %swap3A_80 : vector<1x16xf32> to vector<16xf32>
      %swap3A_82 = vector.shape_cast %broadcast_in_dim3A_77 : vector<16xf32> to vector<1x16xf32>
      tpu.vector_store %arg7[%swap3A_78, %swap3A_79], %swap3A_82 {strides = array<i32>} : memref<128x128xf32, #tpu.memory_space<vmem>>, vector<1x16xf32>,
      %broadcast_in_dim3A_83 = arith.constant 0.000000e+00 : f32
      %broadcast_in_dim3A_84 = vector.broadcast %broadcast_in_dim3A_83 : f32 to vector<16xf32>
      %swap3A_85 = arith.index_cast %scan3A_42 : i32 to index
      %swap3A_86 = arith.constant 96 : index
      %swap3A_87 = tpu.vector_load %arg7[%swap3A_85, %swap3A_86] {strides = array<i32>} : memref<128x128xf32, #tpu.memory_space<vmem>>, vector<1x16xf32>,
      %swap3A_88 = vector.shape_cast %swap3A_87 : vector<1x16xf32> to vector<16xf32>
      %swap3A_89 = vector.shape_cast %broadcast_in_dim3A_84 : vector<16xf32> to vector<1x16xf32>
      tpu.vector_store %arg7[%swap3A_85, %swap3A_86], %swap3A_89 {strides = array<i32>} : memref<128x128xf32, #tpu.memory_space<vmem>>, vector<1x16xf32>,
      %broadcast_in_dim3A_90 = arith.constant 0.000000e+00 : f32
      %broadcast_in_dim3A_91 = vector.broadcast %broadcast_in_dim3A_90 : f32 to vector<16xf32>
      %swap3A_92 = arith.index_cast %scan3A_42 : i32 to index
      %swap3A_93 = arith.constant 112 : index
      %swap3A_94 = tpu.vector_load %arg7[%swap3A_92, %swap3A_93] {strides = array<i32>} : memref<128x128xf32, #tpu.memory_space<vmem>>, vector<1x16xf32>,
      %swap3A_95 = vector.shape_cast %swap3A_94 : vector<1x16xf32> to vector<16xf32>
      %swap3A_96 = vector.shape_cast %broadcast_in_dim3A_91 : vector<16xf32> to vector<1x16xf32>
      tpu.vector_store %arg7[%swap3A_92, %swap3A_93], %swap3A_96 {strides = array<i32>} : memref<128x128xf32, #tpu.memory_space<vmem>>, vector<1x16xf32>,
    }
    %scan3A_5 = arith.constant 128 : i32
    %scan3A_6 = arith.constant 0 : i32
    %scan3A_7 = arith.constant 0 : i32
    %scan3A_8 = arith.constant 5 : i32
    %scan3A_9 = arith.addi %scan3A_7, %scan3A_8 : i32
    %scan3A_10 = arith.constant 1 : i32
    scf.for %scan3A_42 = %scan3A_7 to %scan3A_9 step %scan3A_10  : i32 {
      %mul3A_43 = arith.constant 5 : i32
      %mul3A_44 = arith.muli %arg1, %mul3A_43 : i32
      %add3A_45 = arith.addi %mul3A_44, %scan3A_42 : i32
      %mul3A_46 = arith.constant 128 : i32
      %mul3A_47 = arith.muli %add3A_45, %mul3A_46 : i32
      "tpu.region"() ({
        %run_scoped3A = tpu.sem_alloc : memref<!tpu.dma_semaphore, #tpu.memory_space<semaphore_mem>>
        %dma_start3A_48 = arith.constant 0 : i32
        %dma_start3A_49 = tpu.memref_slice %arg9[%mul3A_47, %dma_start3A_48] : memref<10240x128xf32, #tpu.memory_space<vmem_shared>> -> memref<128x128xf32, #tpu.memory_space<vmem_shared>>
        %dma_start3A_50 = arith.constant 0 : i32
        %dma_start3A_51 = tpu.memref_slice %arg9[%mul3A_47, %dma_start3A_50] : memref<10240x128xf32, #tpu.memory_space<vmem_shared>> -> memref<128x128xf32, #tpu.memory_space<vmem_shared>>
        tpu.enqueue_dma source(%arg7 : memref<128x128xf32, #tpu.memory_space<vmem>>) target(%dma_start3A_51 : memref<128x128xf32, #tpu.memory_space<vmem_shared>>) target_semaphore(%run_scoped3A : memref<!tpu.dma_semaphore, #tpu.memory_space<semaphore_mem>>)
        %dma_wait3A = arith.constant 0 : i32
        %dma_wait3A_52 = tpu.memref_slice %arg9[%mul3A_47, %dma_wait3A] : memref<10240x128xf32, #tpu.memory_space<vmem_shared>> -> memref<128x128xf32, #tpu.memory_space<vmem_shared>>
        %dma_wait3A_53 = arith.constant 0 : i32
        %dma_wait3A_54 = tpu.memref_slice %arg9[%mul3A_47, %dma_wait3A_53] : memref<10240x128xf32, #tpu.memory_space<vmem_shared>> -> memref<128x128xf32, #tpu.memory_space<vmem_shared>>
        tpu.wait_dma2 semaphore(%run_scoped3A : memref<!tpu.dma_semaphore, #tpu.memory_space<semaphore_mem>>) src(%arg7 : memref<128x128xf32, #tpu.memory_space<vmem>>) dst(%dma_wait3A_54 : memref<128x128xf32, #tpu.memory_space<vmem_shared>>)
        tpu.yield
      }) : () -> ()
    }
    %scan3A_11 = arith.constant 5 : i32
    %barrier3A = arith.constant 0 : index
    tpu.barrier barrier_id(%barrier3A)
    %mul3A_12 = arith.constant 10240 : i32
    %mul3A_13 = arith.muli %add3A, %mul3A_12 : i32
    %add3A_14 = arith.constant 0 : i32
    %add3A_15 = arith.addi %mul3A_13, %add3A_14 : i32
    %dma_start3A = tpu.memref_slice %arg2[%add3A_15] : memref<327680xi32, #tpu.memory_space<hbm>> -> memref<128xi32, #tpu.memory_space<hbm>>
    %dma_start3A_16 = tpu.memref_slice %arg2[%add3A_15] : memref<327680xi32, #tpu.memory_space<hbm>> -> memref<128xi32, #tpu.memory_space<hbm>>
    tpu.enqueue_dma source(%dma_start3A_16 : memref<128xi32, #tpu.memory_space<hbm>>) target(%arg5 : memref<128xi32, #tpu.memory_space<vmem>>) target_semaphore(%arg10 : memref<!tpu.dma_semaphore, #tpu.memory_space<semaphore_mem>>)
    %dma_start3A_17 = arith.constant 0 : i32
    %dma_start3A_18 = tpu.memref_slice %arg3[%add3A_15, %dma_start3A_17] : memref<327680x128xf32, #tpu.memory_space<hbm>> -> memref<128x128xf32, #tpu.memory_space<hbm>>
    %dma_start3A_19 = arith.constant 0 : i32
    %dma_start3A_20 = tpu.memref_slice %arg3[%add3A_15, %dma_start3A_19] : memref<327680x128xf32, #tpu.memory_space<hbm>> -> memref<128x128xf32, #tpu.memory_space<hbm>>
    tpu.enqueue_dma source(%dma_start3A_20 : memref<128x128xf32, #tpu.memory_space<hbm>>) target(%arg7 : memref<128x128xf32, #tpu.memory_space<vmem>>) target_semaphore(%arg10 : memref<!tpu.dma_semaphore, #tpu.memory_space<semaphore_mem>>)
    %add3A_21 = arith.constant 128 : i32
    %add3A_22 = arith.addi %mul3A_13, %add3A_21 : i32
    %dma_start3A_23 = tpu.memref_slice %arg2[%add3A_22] : memref<327680xi32, #tpu.memory_space<hbm>> -> memref<128xi32, #tpu.memory_space<hbm>>
    %dma_start3A_24 = tpu.memref_slice %arg2[%add3A_22] : memref<327680xi32, #tpu.memory_space<hbm>> -> memref<128xi32, #tpu.memory_space<hbm>>
    tpu.enqueue_dma source(%dma_start3A_24 : memref<128xi32, #tpu.memory_space<hbm>>) target(%arg6 : memref<128xi32, #tpu.memory_space<vmem>>) target_semaphore(%arg11 : memref<!tpu.dma_semaphore, #tpu.memory_space<semaphore_mem>>)
    %dma_start3A_25 = arith.constant 0 : i32
    %dma_start3A_26 = tpu.memref_slice %arg3[%add3A_22, %dma_start3A_25] : memref<327680x128xf32, #tpu.memory_space<hbm>> -> memref<128x128xf32, #tpu.memory_space<hbm>>
    %dma_start3A_27 = arith.constant 0 : i32
    %dma_start3A_28 = tpu.memref_slice %arg3[%add3A_22, %dma_start3A_27] : memref<327680x128xf32, #tpu.memory_space<hbm>> -> memref<128x128xf32, #tpu.memory_space<hbm>>
    tpu.enqueue_dma source(%dma_start3A_28 : memref<128x128xf32, #tpu.memory_space<hbm>>) target(%arg8 : memref<128x128xf32, #tpu.memory_space<vmem>>) target_semaphore(%arg11 : memref<!tpu.dma_semaphore, #tpu.memory_space<semaphore_mem>>)
    %scan3A_29 = arith.constant 0 : i32
    %scan3A_30 = arith.constant 0 : i32
    %scan3A_31 = arith.constant 40 : i32
    %scan3A_32 = arith.addi %scan3A_30, %scan3A_31 : i32
    %scan3A_33 = arith.constant 1 : i32
    scf.for %scan3A_42 = %scan3A_30 to %scan3A_32 step %scan3A_33  : i32 {
      %mul3A_43 = arith.constant 2 : i32
      %mul3A_44 = arith.muli %mul3A_43, %scan3A_42 : i32
      %add3A_45 = arith.constant 0 : i32
      %add3A_46 = arith.addi %mul3A_44, %add3A_45 : i32
      %dma_wait3A = arith.constant 0 : i32
      %dma_wait3A_47 = tpu.memref_slice %arg2[%dma_wait3A] : memref<327680xi32, #tpu.memory_space<hbm>> -> memref<128xi32, #tpu.memory_space<hbm>>
      %dma_wait3A_48 = arith.constant 0 : i32
      %dma_wait3A_49 = tpu.memref_slice %arg2[%dma_wait3A_48] : memref<327680xi32, #tpu.memory_space<hbm>> -> memref<128xi32, #tpu.memory_space<hbm>>
      tpu.wait_dma2 semaphore(%arg10 : memref<!tpu.dma_semaphore, #tpu.memory_space<semaphore_mem>>) src(%dma_wait3A_49 : memref<128xi32, #tpu.memory_space<hbm>>) dst(%arg5 : memref<128xi32, #tpu.memory_space<vmem>>)
      %dma_wait3A_50 = arith.constant 0 : i32
      %dma_wait3A_51 = arith.constant 0 : i32
      %dma_wait3A_52 = tpu.memref_slice %arg3[%dma_wait3A_50, %dma_wait3A_51] : memref<327680x128xf32, #tpu.memory_space<hbm>> -> memref<128x128xf32, #tpu.memory_space<hbm>>
      %dma_wait3A_53 = arith.constant 0 : i32
      %dma_wait3A_54 = arith.constant 0 : i32
      %dma_wait3A_55 = tpu.memref_slice %arg3[%dma_wait3A_53, %dma_wait3A_54] : memref<327680x128xf32, #tpu.memory_space<hbm>> -> memref<128x128xf32, #tpu.memory_space<hbm>>
      tpu.wait_dma2 semaphore(%arg10 : memref<!tpu.dma_semaphore, #tpu.memory_space<semaphore_mem>>) src(%dma_wait3A_55 : memref<128x128xf32, #tpu.memory_space<hbm>>) dst(%arg7 : memref<128x128xf32, #tpu.memory_space<vmem>>)
      "tpu.region"() ({
        %run_scoped3A = tpu.sem_alloc : memref<!tpu.dma_semaphore, #tpu.memory_space<semaphore_mem>>
        %dma_start3A_81 = arith.constant 0 : i32
        %dma_start3A_82 = arith.constant 0 : i32
        %dma_start3A_83 = tpu.memref_slice %arg9[%dma_start3A_81, %dma_start3A_82] : memref<10240x128xf32, #tpu.memory_space<vmem_shared>> -> memref<10240x128xf32, #tpu.memory_space<vmem_shared>>
        tpu.enqueue_indirect_dma source(%arg7 : memref<128x128xf32, #tpu.memory_space<vmem>>) target(%dma_start3A_83 : memref<10240x128xf32, #tpu.memory_space<vmem_shared>>) offsets(%arg5 : memref<128xi32, #tpu.memory_space<vmem>>) semaphore(%run_scoped3A : memref<!tpu.dma_semaphore, #tpu.memory_space<semaphore_mem>>) {add = true}
        %dma_wait3A_84 = arith.constant 0 : i32
        %dma_wait3A_85 = arith.constant 0 : i32
        %dma_wait3A_86 = tpu.memref_slice %arg9[%dma_wait3A_84, %dma_wait3A_85] : memref<10240x128xf32, #tpu.memory_space<vmem_shared>> -> memref<10240x128xf32, #tpu.memory_space<vmem_shared>>
        tpu.wait_indirect_dma semaphore(%run_scoped3A : memref<!tpu.dma_semaphore, #tpu.memory_space<semaphore_mem>>) src(%arg7 : memref<128x128xf32, #tpu.memory_space<vmem>>) dst(%dma_wait3A_86 : memref<10240x128xf32, #tpu.memory_space<vmem_shared>>)
        tpu.yield
      }) : () -> ()
      %add3A_56 = arith.constant 2 : i32
      %add3A_57 = arith.addi %add3A_46, %add3A_56 : i32
      %lt3A = arith.constant 80 : i32
      %lt3A_58 = arith.cmpi slt, %add3A_57, %lt3A : i32
      %convert_element_type3A = arith.extui %lt3A_58 : i1 to i32
      %cond3A = arith.constant 0 : i32
      %cond3A_59 = arith.cmpi ne, %convert_element_type3A, %cond3A : i32
      scf.if %cond3A_59 {
        %add3A_81 = arith.constant 2 : i32
        %add3A_82 = arith.addi %add3A_46, %add3A_81 : i32
        %mul3A_83 = arith.constant 128 : i32
        %mul3A_84 = arith.muli %add3A_82, %mul3A_83 : i32
        %add3A_85 = arith.addi %mul3A_13, %mul3A_84 : i32
        %dma_start3A_86 = tpu.memref_slice %arg2[%add3A_85] : memref<327680xi32, #tpu.memory_space<hbm>> -> memref<128xi32, #tpu.memory_space<hbm>>
        %dma_start3A_87 = tpu.memref_slice %arg2[%add3A_85] : memref<327680xi32, #tpu.memory_space<hbm>> -> memref<128xi32, #tpu.memory_space<hbm>>
        tpu.enqueue_dma source(%dma_start3A_87 : memref<128xi32, #tpu.memory_space<hbm>>) target(%arg5 : memref<128xi32, #tpu.memory_space<vmem>>) target_semaphore(%arg10 : memref<!tpu.dma_semaphore, #tpu.memory_space<semaphore_mem>>)
        %dma_start3A_88 = arith.constant 0 : i32
        %dma_start3A_89 = tpu.memref_slice %arg3[%add3A_85, %dma_start3A_88] : memref<327680x128xf32, #tpu.memory_space<hbm>> -> memref<128x128xf32, #tpu.memory_space<hbm>>
        %dma_start3A_90 = arith.constant 0 : i32
        %dma_start3A_91 = tpu.memref_slice %arg3[%add3A_85, %dma_start3A_90] : memref<327680x128xf32, #tpu.memory_space<hbm>> -> memref<128x128xf32, #tpu.memory_space<hbm>>
        tpu.enqueue_dma source(%dma_start3A_91 : memref<128x128xf32, #tpu.memory_space<hbm>>) target(%arg7 : memref<128x128xf32, #tpu.memory_space<vmem>>) target_semaphore(%arg10 : memref<!tpu.dma_semaphore, #tpu.memory_space<semaphore_mem>>)
      } else {
      }
      %mul3A_60 = arith.constant 2 : i32
      %mul3A_61 = arith.muli %mul3A_60, %scan3A_42 : i32
      %add3A_62 = arith.constant 1 : i32
      %add3A_63 = arith.addi %mul3A_61, %add3A_62 : i32
      %dma_wait3A_64 = arith.constant 0 : i32
      %dma_wait3A_65 = tpu.memref_slice %arg2[%dma_wait3A_64] : memref<327680xi32, #tpu.memory_space<hbm>> -> memref<128xi32, #tpu.memory_space<hbm>>
      %dma_wait3A_66 = arith.constant 0 : i32
      %dma_wait3A_67 = tpu.memref_slice %arg2[%dma_wait3A_66] : memref<327680xi32, #tpu.memory_space<hbm>> -> memref<128xi32, #tpu.memory_space<hbm>>
      tpu.wait_dma2 semaphore(%arg11 : memref<!tpu.dma_semaphore, #tpu.memory_space<semaphore_mem>>) src(%dma_wait3A_67 : memref<128xi32, #tpu.memory_space<hbm>>) dst(%arg6 : memref<128xi32, #tpu.memory_space<vmem>>)
      %dma_wait3A_68 = arith.constant 0 : i32
      %dma_wait3A_69 = arith.constant 0 : i32
      %dma_wait3A_70 = tpu.memref_slice %arg3[%dma_wait3A_68, %dma_wait3A_69] : memref<327680x128xf32, #tpu.memory_space<hbm>> -> memref<128x128xf32, #tpu.memory_space<hbm>>
      %dma_wait3A_71 = arith.constant 0 : i32
      %dma_wait3A_72 = arith.constant 0 : i32
      %dma_wait3A_73 = tpu.memref_slice %arg3[%dma_wait3A_71, %dma_wait3A_72] : memref<327680x128xf32, #tpu.memory_space<hbm>> -> memref<128x128xf32, #tpu.memory_space<hbm>>
      tpu.wait_dma2 semaphore(%arg11 : memref<!tpu.dma_semaphore, #tpu.memory_space<semaphore_mem>>) src(%dma_wait3A_73 : memref<128x128xf32, #tpu.memory_space<hbm>>) dst(%arg8 : memref<128x128xf32, #tpu.memory_space<vmem>>)
      "tpu.region"() ({
        %run_scoped3A = tpu.sem_alloc : memref<!tpu.dma_semaphore, #tpu.memory_space<semaphore_mem>>
        %dma_start3A_81 = arith.constant 0 : i32
        %dma_start3A_82 = arith.constant 0 : i32
        %dma_start3A_83 = tpu.memref_slice %arg9[%dma_start3A_81, %dma_start3A_82] : memref<10240x128xf32, #tpu.memory_space<vmem_shared>> -> memref<10240x128xf32, #tpu.memory_space<vmem_shared>>
        tpu.enqueue_indirect_dma source(%arg8 : memref<128x128xf32, #tpu.memory_space<vmem>>) target(%dma_start3A_83 : memref<10240x128xf32, #tpu.memory_space<vmem_shared>>) offsets(%arg6 : memref<128xi32, #tpu.memory_space<vmem>>) semaphore(%run_scoped3A : memref<!tpu.dma_semaphore, #tpu.memory_space<semaphore_mem>>) {add = true}
        %dma_wait3A_84 = arith.constant 0 : i32
        %dma_wait3A_85 = arith.constant 0 : i32
        %dma_wait3A_86 = tpu.memref_slice %arg9[%dma_wait3A_84, %dma_wait3A_85] : memref<10240x128xf32, #tpu.memory_space<vmem_shared>> -> memref<10240x128xf32, #tpu.memory_space<vmem_shared>>
        tpu.wait_indirect_dma semaphore(%run_scoped3A : memref<!tpu.dma_semaphore, #tpu.memory_space<semaphore_mem>>) src(%arg8 : memref<128x128xf32, #tpu.memory_space<vmem>>) dst(%dma_wait3A_86 : memref<10240x128xf32, #tpu.memory_space<vmem_shared>>)
        tpu.yield
      }) : () -> ()
      %add3A_74 = arith.constant 2 : i32
      %add3A_75 = arith.addi %add3A_63, %add3A_74 : i32
      %lt3A_76 = arith.constant 80 : i32
      %lt3A_77 = arith.cmpi slt, %add3A_75, %lt3A_76 : i32
      %convert_element_type3A_78 = arith.extui %lt3A_77 : i1 to i32
      %cond3A_79 = arith.constant 0 : i32
      %cond3A_80 = arith.cmpi ne, %convert_element_type3A_78, %cond3A_79 : i32
      scf.if %cond3A_80 {
        %add3A_81 = arith.constant 2 : i32
        %add3A_82 = arith.addi %add3A_63, %add3A_81 : i32
        %mul3A_83 = arith.constant 128 : i32
        %mul3A_84 = arith.muli %add3A_82, %mul3A_83 : i32
        %add3A_85 = arith.addi %mul3A_13, %mul3A_84 : i32
        %dma_start3A_86 = tpu.memref_slice %arg2[%add3A_85] : memref<327680xi32, #tpu.memory_space<hbm>> -> memref<128xi32, #tpu.memory_space<hbm>>
        %dma_start3A_87 = tpu.memref_slice %arg2[%add3A_85] : memref<327680xi32, #tpu.memory_space<hbm>> -> memref<128xi32, #tpu.memory_space<hbm>>
        tpu.enqueue_dma source(%dma_start3A_87 : memref<128xi32, #tpu.memory_space<hbm>>) target(%arg6 : memref<128xi32, #tpu.memory_space<vmem>>) target_semaphore(%arg11 : memref<!tpu.dma_semaphore, #tpu.memory_space<semaphore_mem>>)
        %dma_start3A_88 = arith.constant 0 : i32
        %dma_start3A_89 = tpu.memref_slice %arg3[%add3A_85, %dma_start3A_88] : memref<327680x128xf32, #tpu.memory_space<hbm>> -> memref<128x128xf32, #tpu.memory_space<hbm>>
        %dma_start3A_90 = arith.constant 0 : i32
        %dma_start3A_91 = tpu.memref_slice %arg3[%add3A_85, %dma_start3A_90] : memref<327680x128xf32, #tpu.memory_space<hbm>> -> memref<128x128xf32, #tpu.memory_space<hbm>>
        tpu.enqueue_dma source(%dma_start3A_91 : memref<128x128xf32, #tpu.memory_space<hbm>>) target(%arg8 : memref<128x128xf32, #tpu.memory_space<vmem>>) target_semaphore(%arg11 : memref<!tpu.dma_semaphore, #tpu.memory_space<semaphore_mem>>)
      } else {
      }
    }
    %scan3A_34 = arith.constant 40 : i32
    %barrier3A_35 = arith.constant 0 : index
    tpu.barrier barrier_id(%barrier3A_35)
    %scan3A_36 = arith.constant 0 : i32
    %scan3A_37 = arith.constant 0 : i32
    %scan3A_38 = arith.constant 5 : i32
    %scan3A_39 = arith.addi %scan3A_37, %scan3A_38 : i32
    %scan3A_40 = arith.constant 1 : i32
    scf.for %scan3A_42 = %scan3A_37 to %scan3A_39 step %scan3A_40  : i32 {
      %mul3A_43 = arith.constant 5 : i32
      %mul3A_44 = arith.muli %arg1, %mul3A_43 : i32
      %add3A_45 = arith.addi %mul3A_44, %scan3A_42 : i32
      %mul3A_46 = arith.constant 128 : i32
      %mul3A_47 = arith.muli %add3A_45, %mul3A_46 : i32
      "tpu.region"() ({
        %run_scoped3A = tpu.sem_alloc : memref<!tpu.dma_semaphore, #tpu.memory_space<semaphore_mem>>
        %dma_start3A_48 = arith.constant 0 : i32
        %dma_start3A_49 = tpu.memref_slice %arg4[%arg0, %mul3A_47, %dma_start3A_48] : memref<2x10240x128xf32, #tpu.memory_space<hbm>> -> memref<1x128x128xf32, #tpu.memory_space<hbm>>
        %dma_start3A_50 = tpu.memref_squeeze %dma_start3A_49 : memref<1x128x128xf32, #tpu.memory_space<hbm>> -> memref<128x128xf32, #tpu.memory_space<hbm>>
        %dma_start3A_51 = arith.constant 0 : i32
        %dma_start3A_52 = tpu.memref_slice %arg9[%mul3A_47, %dma_start3A_51] : memref<10240x128xf32, #tpu.memory_space<vmem_shared>> -> memref<128x128xf32, #tpu.memory_space<vmem_shared>>
        tpu.enqueue_dma source(%dma_start3A_52 : memref<128x128xf32, #tpu.memory_space<vmem_shared>>) target(%dma_start3A_50 : memref<128x128xf32, #tpu.memory_space<hbm>>) target_semaphore(%run_scoped3A : memref<!tpu.dma_semaphore, #tpu.memory_space<semaphore_mem>>)
        %dma_wait3A = arith.constant 0 : i32
        %dma_wait3A_53 = tpu.memref_slice %arg4[%arg0, %mul3A_47, %dma_wait3A] : memref<2x10240x128xf32, #tpu.memory_space<hbm>> -> memref<1x128x128xf32, #tpu.memory_space<hbm>>
        %dma_wait3A_54 = tpu.memref_squeeze %dma_wait3A_53 : memref<1x128x128xf32, #tpu.memory_space<hbm>> -> memref<128x128xf32, #tpu.memory_space<hbm>>
        %dma_wait3A_55 = arith.constant 0 : i32
        %dma_wait3A_56 = tpu.memref_slice %arg9[%mul3A_47, %dma_wait3A_55] : memref<10240x128xf32, #tpu.memory_space<vmem_shared>> -> memref<128x128xf32, #tpu.memory_space<vmem_shared>>
        tpu.wait_dma2 semaphore(%run_scoped3A : memref<!tpu.dma_semaphore, #tpu.memory_space<semaphore_mem>>) src(%dma_wait3A_56 : memref<128x128xf32, #tpu.memory_space<vmem_shared>>) dst(%dma_wait3A_54 : memref<128x128xf32, #tpu.memory_space<hbm>>)
        tpu.yield
      }) : () -> ()
    }
    %scan3A_41 = arith.constant 5 : i32
    return
  }
}

#map = affine_map<(d0, d1) -> (0)>
#map1 = affine_map<(d0, d1) -> (0, 0)>
module attributes {stable_mosaic.version = 14 : i64} {
  func.func @body(%arg0: i32, %arg1: i32, %arg2: memref<327680xi32, #tpu.memory_space<hbm>>, %arg3: memref<327680xi32, #tpu.memory_space<hbm>>, %arg4: memref<10000x128xf32, #tpu.memory_space<hbm>>, %arg5: memref<10000x128xf32, #tpu.memory_space<hbm>>, %arg6: memref<327680x128xf32, #tpu.memory_space<hbm>>, %arg7: memref<128xi32, #tpu.memory_space<vmem>>, %arg8: memref<128xi32, #tpu.memory_space<vmem>>, %arg9: memref<128xi32, #tpu.memory_space<vmem>>, %arg10: memref<128xi32, #tpu.memory_space<vmem>>, %arg11: memref<128x128xf32, #tpu.memory_space<vmem>>, %arg12: memref<128x128xf32, #tpu.memory_space<vmem>>, %arg13: memref<!tpu.dma_semaphore, #tpu.memory_space<semaphore_mem>>, %arg14: memref<!tpu.dma_semaphore, #tpu.memory_space<semaphore_mem>>, %arg15: memref<!tpu.dma_semaphore, #tpu.memory_space<semaphore_mem>>, %arg16: memref<!tpu.dma_semaphore, #tpu.memory_space<semaphore_mem>>, %arg17: memref<!tpu.dma_semaphore, #tpu.memory_space<semaphore_mem>>, %arg18: memref<!tpu.dma_semaphore, #tpu.memory_space<semaphore_mem>>) attributes {dimension_semantics = [#tpu.dimension_semantics<core_parallel>, #tpu.dimension_semantics<subcore_parallel>], iteration_bounds = array<i64: 2, 16>, scalar_prefetch = 0 : i64, scratch_operands = 12 : i64, tpu.core_type = #tpu.core_type<sc_vector_subcore>, window_params = [{transform_indices = #map}, {transform_indices = #map}, {transform_indices = #map1}, {transform_indices = #map1}, {transform_indices = #map1}]} {
    %mul3A = arith.constant 2 : i32
    %mul3A_0 = arith.muli %arg1, %mul3A : i32
    %add3A = arith.addi %mul3A_0, %arg0 : i32
    %mul3A_1 = arith.constant 10240 : i32
    %mul3A_2 = arith.muli %add3A, %mul3A_1 : i32
    %add3A_3 = arith.constant 0 : i32
    %add3A_4 = arith.addi %mul3A_2, %add3A_3 : i32
    %dma_start3A = tpu.memref_slice %arg2[%add3A_4] : memref<327680xi32, #tpu.memory_space<hbm>> -> memref<128xi32, #tpu.memory_space<hbm>>
    %dma_start3A_5 = tpu.memref_slice %arg2[%add3A_4] : memref<327680xi32, #tpu.memory_space<hbm>> -> memref<128xi32, #tpu.memory_space<hbm>>
    tpu.enqueue_dma source(%dma_start3A_5 : memref<128xi32, #tpu.memory_space<hbm>>) target(%arg7 : memref<128xi32, #tpu.memory_space<vmem>>) target_semaphore(%arg13 : memref<!tpu.dma_semaphore, #tpu.memory_space<semaphore_mem>>)
    %dma_start3A_6 = tpu.memref_slice %arg3[%add3A_4] : memref<327680xi32, #tpu.memory_space<hbm>> -> memref<128xi32, #tpu.memory_space<hbm>>
    %dma_start3A_7 = tpu.memref_slice %arg3[%add3A_4] : memref<327680xi32, #tpu.memory_space<hbm>> -> memref<128xi32, #tpu.memory_space<hbm>>
    tpu.enqueue_dma source(%dma_start3A_7 : memref<128xi32, #tpu.memory_space<hbm>>) target(%arg8 : memref<128xi32, #tpu.memory_space<vmem>>) target_semaphore(%arg13 : memref<!tpu.dma_semaphore, #tpu.memory_space<semaphore_mem>>)
    %add3A_8 = arith.constant 128 : i32
    %add3A_9 = arith.addi %mul3A_2, %add3A_8 : i32
    %dma_start3A_10 = tpu.memref_slice %arg2[%add3A_9] : memref<327680xi32, #tpu.memory_space<hbm>> -> memref<128xi32, #tpu.memory_space<hbm>>
    %dma_start3A_11 = tpu.memref_slice %arg2[%add3A_9] : memref<327680xi32, #tpu.memory_space<hbm>> -> memref<128xi32, #tpu.memory_space<hbm>>
    tpu.enqueue_dma source(%dma_start3A_11 : memref<128xi32, #tpu.memory_space<hbm>>) target(%arg9 : memref<128xi32, #tpu.memory_space<vmem>>) target_semaphore(%arg14 : memref<!tpu.dma_semaphore, #tpu.memory_space<semaphore_mem>>)
    %dma_start3A_12 = tpu.memref_slice %arg3[%add3A_9] : memref<327680xi32, #tpu.memory_space<hbm>> -> memref<128xi32, #tpu.memory_space<hbm>>
    %dma_start3A_13 = tpu.memref_slice %arg3[%add3A_9] : memref<327680xi32, #tpu.memory_space<hbm>> -> memref<128xi32, #tpu.memory_space<hbm>>
    tpu.enqueue_dma source(%dma_start3A_13 : memref<128xi32, #tpu.memory_space<hbm>>) target(%arg10 : memref<128xi32, #tpu.memory_space<vmem>>) target_semaphore(%arg14 : memref<!tpu.dma_semaphore, #tpu.memory_space<semaphore_mem>>)
    %scan3A = arith.constant 0 : i32
    %scan3A_14 = arith.constant 0 : i32
    %scan3A_15 = arith.constant 40 : i32
    %scan3A_16 = arith.addi %scan3A_14, %scan3A_15 : i32
    %scan3A_17 = arith.constant 1 : i32
    scf.for %scan3A_30 = %scan3A_14 to %scan3A_16 step %scan3A_17  : i32 {
      %gt3A = arith.constant 0 : i32
      %gt3A_31 = arith.cmpi sgt, %scan3A_30, %gt3A : i32
      %convert_element_type3A = arith.extui %gt3A_31 : i1 to i32
      %cond3A = arith.constant 0 : i32
      %cond3A_32 = arith.cmpi ne, %convert_element_type3A, %cond3A : i32
      scf.if %cond3A_32 {
        %dma_wait3A_108 = arith.constant 0 : i32
        %dma_wait3A_109 = arith.constant 0 : i32
        %dma_wait3A_110 = tpu.memref_slice %arg6[%dma_wait3A_108, %dma_wait3A_109] : memref<327680x128xf32, #tpu.memory_space<hbm>> -> memref<128x128xf32, #tpu.memory_space<hbm>>
        %dma_wait3A_111 = arith.constant 0 : i32
        %dma_wait3A_112 = arith.constant 0 : i32
        %dma_wait3A_113 = tpu.memref_slice %arg6[%dma_wait3A_111, %dma_wait3A_112] : memref<327680x128xf32, #tpu.memory_space<hbm>> -> memref<128x128xf32, #tpu.memory_space<hbm>>
        tpu.wait_dma2 semaphore(%arg17 : memref<!tpu.dma_semaphore, #tpu.memory_space<semaphore_mem>>) src(%arg11 : memref<128x128xf32, #tpu.memory_space<vmem>>) dst(%dma_wait3A_113 : memref<128x128xf32, #tpu.memory_space<hbm>>)
        %dma_wait3A_114 = arith.constant 0 : i32
        %dma_wait3A_115 = arith.constant 0 : i32
        %dma_wait3A_116 = tpu.memref_slice %arg6[%dma_wait3A_114, %dma_wait3A_115] : memref<327680x128xf32, #tpu.memory_space<hbm>> -> memref<128x128xf32, #tpu.memory_space<hbm>>
        %dma_wait3A_117 = arith.constant 0 : i32
        %dma_wait3A_118 = arith.constant 0 : i32
        %dma_wait3A_119 = tpu.memref_slice %arg6[%dma_wait3A_117, %dma_wait3A_118] : memref<327680x128xf32, #tpu.memory_space<hbm>> -> memref<128x128xf32, #tpu.memory_space<hbm>>
        tpu.wait_dma2 semaphore(%arg18 : memref<!tpu.dma_semaphore, #tpu.memory_space<semaphore_mem>>) src(%arg12 : memref<128x128xf32, #tpu.memory_space<vmem>>) dst(%dma_wait3A_119 : memref<128x128xf32, #tpu.memory_space<hbm>>)
      } else {
      }
      %dma_wait3A_33 = arith.constant 0 : i32
      %dma_wait3A_34 = tpu.memref_slice %arg2[%dma_wait3A_33] : memref<327680xi32, #tpu.memory_space<hbm>> -> memref<128xi32, #tpu.memory_space<hbm>>
      %dma_wait3A_35 = arith.constant 0 : i32
      %dma_wait3A_36 = tpu.memref_slice %arg2[%dma_wait3A_35] : memref<327680xi32, #tpu.memory_space<hbm>> -> memref<128xi32, #tpu.memory_space<hbm>>
      tpu.wait_dma2 semaphore(%arg13 : memref<!tpu.dma_semaphore, #tpu.memory_space<semaphore_mem>>) src(%dma_wait3A_36 : memref<128xi32, #tpu.memory_space<hbm>>) dst(%arg7 : memref<128xi32, #tpu.memory_space<vmem>>)
      %dma_wait3A_37 = arith.constant 0 : i32
      %dma_wait3A_38 = tpu.memref_slice %arg3[%dma_wait3A_37] : memref<327680xi32, #tpu.memory_space<hbm>> -> memref<128xi32, #tpu.memory_space<hbm>>
      %dma_wait3A_39 = arith.constant 0 : i32
      %dma_wait3A_40 = tpu.memref_slice %arg3[%dma_wait3A_39] : memref<327680xi32, #tpu.memory_space<hbm>> -> memref<128xi32, #tpu.memory_space<hbm>>
      tpu.wait_dma2 semaphore(%arg13 : memref<!tpu.dma_semaphore, #tpu.memory_space<semaphore_mem>>) src(%dma_wait3A_40 : memref<128xi32, #tpu.memory_space<hbm>>) dst(%arg8 : memref<128xi32, #tpu.memory_space<vmem>>)
      %dma_start3A_41 = arith.constant 0 : i32
      %dma_start3A_42 = arith.constant 0 : i32
      %dma_start3A_43 = tpu.memref_slice %arg4[%dma_start3A_41, %dma_start3A_42] : memref<10000x128xf32, #tpu.memory_space<hbm>> -> memref<10000x128xf32, #tpu.memory_space<hbm>>
      tpu.enqueue_indirect_dma source(%dma_start3A_43 : memref<10000x128xf32, #tpu.memory_space<hbm>>) target(%arg11 : memref<128x128xf32, #tpu.memory_space<vmem>>) offsets(%arg7 : memref<128xi32, #tpu.memory_space<vmem>>) semaphore(%arg15 : memref<!tpu.dma_semaphore, #tpu.memory_space<semaphore_mem>>)
      %dma_wait3A_44 = arith.constant 0 : i32
      %dma_wait3A_45 = tpu.memref_slice %arg2[%dma_wait3A_44] : memref<327680xi32, #tpu.memory_space<hbm>> -> memref<128xi32, #tpu.memory_space<hbm>>
      %dma_wait3A_46 = arith.constant 0 : i32
      %dma_wait3A_47 = tpu.memref_slice %arg2[%dma_wait3A_46] : memref<327680xi32, #tpu.memory_space<hbm>> -> memref<128xi32, #tpu.memory_space<hbm>>
      tpu.wait_dma2 semaphore(%arg14 : memref<!tpu.dma_semaphore, #tpu.memory_space<semaphore_mem>>) src(%dma_wait3A_47 : memref<128xi32, #tpu.memory_space<hbm>>) dst(%arg9 : memref<128xi32, #tpu.memory_space<vmem>>)
      %dma_wait3A_48 = arith.constant 0 : i32
      %dma_wait3A_49 = tpu.memref_slice %arg3[%dma_wait3A_48] : memref<327680xi32, #tpu.memory_space<hbm>> -> memref<128xi32, #tpu.memory_space<hbm>>
      %dma_wait3A_50 = arith.constant 0 : i32
      %dma_wait3A_51 = tpu.memref_slice %arg3[%dma_wait3A_50] : memref<327680xi32, #tpu.memory_space<hbm>> -> memref<128xi32, #tpu.memory_space<hbm>>
      tpu.wait_dma2 semaphore(%arg14 : memref<!tpu.dma_semaphore, #tpu.memory_space<semaphore_mem>>) src(%dma_wait3A_51 : memref<128xi32, #tpu.memory_space<hbm>>) dst(%arg10 : memref<128xi32, #tpu.memory_space<vmem>>)
      %dma_start3A_52 = arith.constant 0 : i32
      %dma_start3A_53 = arith.constant 0 : i32
      %dma_start3A_54 = tpu.memref_slice %arg4[%dma_start3A_52, %dma_start3A_53] : memref<10000x128xf32, #tpu.memory_space<hbm>> -> memref<10000x128xf32, #tpu.memory_space<hbm>>
      tpu.enqueue_indirect_dma source(%dma_start3A_54 : memref<10000x128xf32, #tpu.memory_space<hbm>>) target(%arg12 : memref<128x128xf32, #tpu.memory_space<vmem>>) offsets(%arg9 : memref<128xi32, #tpu.memory_space<vmem>>) semaphore(%arg16 : memref<!tpu.dma_semaphore, #tpu.memory_space<semaphore_mem>>)
      %dma_wait3A_55 = arith.constant 0 : i32
      %dma_wait3A_56 = arith.constant 0 : i32
      %dma_wait3A_57 = tpu.memref_slice %arg4[%dma_wait3A_55, %dma_wait3A_56] : memref<10000x128xf32, #tpu.memory_space<hbm>> -> memref<10000x128xf32, #tpu.memory_space<hbm>>
      tpu.wait_indirect_dma semaphore(%arg15 : memref<!tpu.dma_semaphore, #tpu.memory_space<semaphore_mem>>) src(%dma_wait3A_57 : memref<10000x128xf32, #tpu.memory_space<hbm>>) dst(%arg11 : memref<128x128xf32, #tpu.memory_space<vmem>>)
      %dma_start3A_58 = arith.constant 0 : i32
      %dma_start3A_59 = arith.constant 0 : i32
      %dma_start3A_60 = tpu.memref_slice %arg5[%dma_start3A_58, %dma_start3A_59] : memref<10000x128xf32, #tpu.memory_space<hbm>> -> memref<10000x128xf32, #tpu.memory_space<hbm>>
      tpu.enqueue_indirect_dma source(%dma_start3A_60 : memref<10000x128xf32, #tpu.memory_space<hbm>>) target(%arg11 : memref<128x128xf32, #tpu.memory_space<vmem>>) offsets(%arg8 : memref<128xi32, #tpu.memory_space<vmem>>) semaphore(%arg15 : memref<!tpu.dma_semaphore, #tpu.memory_space<semaphore_mem>>) {add = true}
      %dma_wait3A_61 = arith.constant 0 : i32
      %dma_wait3A_62 = arith.constant 0 : i32
      %dma_wait3A_63 = tpu.memref_slice %arg4[%dma_wait3A_61, %dma_wait3A_62] : memref<10000x128xf32, #tpu.memory_space<hbm>> -> memref<10000x128xf32, #tpu.memory_space<hbm>>
      tpu.wait_indirect_dma semaphore(%arg16 : memref<!tpu.dma_semaphore, #tpu.memory_space<semaphore_mem>>) src(%dma_wait3A_63 : memref<10000x128xf32, #tpu.memory_space<hbm>>) dst(%arg12 : memref<128x128xf32, #tpu.memory_space<vmem>>)
      %dma_start3A_64 = arith.constant 0 : i32
      %dma_start3A_65 = arith.constant 0 : i32
      %dma_start3A_66 = tpu.memref_slice %arg5[%dma_start3A_64, %dma_start3A_65] : memref<10000x128xf32, #tpu.memory_space<hbm>> -> memref<10000x128xf32, #tpu.memory_space<hbm>>
      tpu.enqueue_indirect_dma source(%dma_start3A_66 : memref<10000x128xf32, #tpu.memory_space<hbm>>) target(%arg12 : memref<128x128xf32, #tpu.memory_space<vmem>>) offsets(%arg10 : memref<128xi32, #tpu.memory_space<vmem>>) semaphore(%arg16 : memref<!tpu.dma_semaphore, #tpu.memory_space<semaphore_mem>>) {add = true}
      %mul3A_67 = arith.constant 2 : i32
      %mul3A_68 = arith.muli %mul3A_67, %scan3A_30 : i32
      %add3A_69 = arith.constant 0 : i32
      %add3A_70 = arith.addi %mul3A_68, %add3A_69 : i32
      %mul3A_71 = arith.constant 128 : i32
      %mul3A_72 = arith.muli %add3A_70, %mul3A_71 : i32
      %add3A_73 = arith.addi %mul3A_2, %mul3A_72 : i32
      %dma_wait3A_74 = arith.constant 0 : i32
      %dma_wait3A_75 = arith.constant 0 : i32
      %dma_wait3A_76 = tpu.memref_slice %arg5[%dma_wait3A_74, %dma_wait3A_75] : memref<10000x128xf32, #tpu.memory_space<hbm>> -> memref<10000x128xf32, #tpu.memory_space<hbm>>
      tpu.wait_indirect_dma semaphore(%arg15 : memref<!tpu.dma_semaphore, #tpu.memory_space<semaphore_mem>>) src(%dma_wait3A_76 : memref<10000x128xf32, #tpu.memory_space<hbm>>) dst(%arg11 : memref<128x128xf32, #tpu.memory_space<vmem>>)
      %dma_start3A_77 = arith.constant 0 : i32
      %dma_start3A_78 = tpu.memref_slice %arg6[%add3A_73, %dma_start3A_77] : memref<327680x128xf32, #tpu.memory_space<hbm>> -> memref<128x128xf32, #tpu.memory_space<hbm>>
      %dma_start3A_79 = arith.constant 0 : i32
      %dma_start3A_80 = tpu.memref_slice %arg6[%add3A_73, %dma_start3A_79] : memref<327680x128xf32, #tpu.memory_space<hbm>> -> memref<128x128xf32, #tpu.memory_space<hbm>>
      tpu.enqueue_dma source(%arg11 : memref<128x128xf32, #tpu.memory_space<vmem>>) target(%dma_start3A_80 : memref<128x128xf32, #tpu.memory_space<hbm>>) target_semaphore(%arg17 : memref<!tpu.dma_semaphore, #tpu.memory_space<semaphore_mem>>)
      %add3A_81 = arith.constant 2 : i32
      %add3A_82 = arith.addi %add3A_70, %add3A_81 : i32
      %lt3A = arith.constant 80 : i32
      %lt3A_83 = arith.cmpi slt, %add3A_82, %lt3A : i32
      %convert_element_type3A_84 = arith.extui %lt3A_83 : i1 to i32
      %cond3A_85 = arith.constant 0 : i32
      %cond3A_86 = arith.cmpi ne, %convert_element_type3A_84, %cond3A_85 : i32
      scf.if %cond3A_86 {
        %add3A_108 = arith.constant 2 : i32
        %add3A_109 = arith.addi %add3A_70, %add3A_108 : i32
        %mul3A_110 = arith.constant 128 : i32
        %mul3A_111 = arith.muli %add3A_109, %mul3A_110 : i32
        %add3A_112 = arith.addi %mul3A_2, %mul3A_111 : i32
        %dma_start3A_113 = tpu.memref_slice %arg2[%add3A_112] : memref<327680xi32, #tpu.memory_space<hbm>> -> memref<128xi32, #tpu.memory_space<hbm>>
        %dma_start3A_114 = tpu.memref_slice %arg2[%add3A_112] : memref<327680xi32, #tpu.memory_space<hbm>> -> memref<128xi32, #tpu.memory_space<hbm>>
        tpu.enqueue_dma source(%dma_start3A_114 : memref<128xi32, #tpu.memory_space<hbm>>) target(%arg7 : memref<128xi32, #tpu.memory_space<vmem>>) target_semaphore(%arg13 : memref<!tpu.dma_semaphore, #tpu.memory_space<semaphore_mem>>)
        %dma_start3A_115 = tpu.memref_slice %arg3[%add3A_112] : memref<327680xi32, #tpu.memory_space<hbm>> -> memref<128xi32, #tpu.memory_space<hbm>>
        %dma_start3A_116 = tpu.memref_slice %arg3[%add3A_112] : memref<327680xi32, #tpu.memory_space<hbm>> -> memref<128xi32, #tpu.memory_space<hbm>>
        tpu.enqueue_dma source(%dma_start3A_116 : memref<128xi32, #tpu.memory_space<hbm>>) target(%arg8 : memref<128xi32, #tpu.memory_space<vmem>>) target_semaphore(%arg13 : memref<!tpu.dma_semaphore, #tpu.memory_space<semaphore_mem>>)
      } else {
      }
      %mul3A_87 = arith.constant 2 : i32
      %mul3A_88 = arith.muli %mul3A_87, %scan3A_30 : i32
      %add3A_89 = arith.constant 1 : i32
      %add3A_90 = arith.addi %mul3A_88, %add3A_89 : i32
      %mul3A_91 = arith.constant 128 : i32
      %mul3A_92 = arith.muli %add3A_90, %mul3A_91 : i32
      %add3A_93 = arith.addi %mul3A_2, %mul3A_92 : i32
      %dma_wait3A_94 = arith.constant 0 : i32
      %dma_wait3A_95 = arith.constant 0 : i32
      %dma_wait3A_96 = tpu.memref_slice %arg5[%dma_wait3A_94, %dma_wait3A_95] : memref<10000x128xf32, #tpu.memory_space<hbm>> -> memref<10000x128xf32, #tpu.memory_space<hbm>>
      tpu.wait_indirect_dma semaphore(%arg16 : memref<!tpu.dma_semaphore, #tpu.memory_space<semaphore_mem>>) src(%dma_wait3A_96 : memref<10000x128xf32, #tpu.memory_space<hbm>>) dst(%arg12 : memref<128x128xf32, #tpu.memory_space<vmem>>)
      %dma_start3A_97 = arith.constant 0 : i32
      %dma_start3A_98 = tpu.memref_slice %arg6[%add3A_93, %dma_start3A_97] : memref<327680x128xf32, #tpu.memory_space<hbm>> -> memref<128x128xf32, #tpu.memory_space<hbm>>
      %dma_start3A_99 = arith.constant 0 : i32
      %dma_start3A_100 = tpu.memref_slice %arg6[%add3A_93, %dma_start3A_99] : memref<327680x128xf32, #tpu.memory_space<hbm>> -> memref<128x128xf32, #tpu.memory_space<hbm>>
      tpu.enqueue_dma source(%arg12 : memref<128x128xf32, #tpu.memory_space<vmem>>) target(%dma_start3A_100 : memref<128x128xf32, #tpu.memory_space<hbm>>) target_semaphore(%arg18 : memref<!tpu.dma_semaphore, #tpu.memory_space<semaphore_mem>>)
      %add3A_101 = arith.constant 2 : i32
      %add3A_102 = arith.addi %add3A_90, %add3A_101 : i32
      %lt3A_103 = arith.constant 80 : i32
      %lt3A_104 = arith.cmpi slt, %add3A_102, %lt3A_103 : i32
      %convert_element_type3A_105 = arith.extui %lt3A_104 : i1 to i32
      %cond3A_106 = arith.constant 0 : i32
      %cond3A_107 = arith.cmpi ne, %convert_element_type3A_105, %cond3A_106 : i32
      scf.if %cond3A_107 {
        %add3A_108 = arith.constant 2 : i32
        %add3A_109 = arith.addi %add3A_90, %add3A_108 : i32
        %mul3A_110 = arith.constant 128 : i32
        %mul3A_111 = arith.muli %add3A_109, %mul3A_110 : i32
        %add3A_112 = arith.addi %mul3A_2, %mul3A_111 : i32
        %dma_start3A_113 = tpu.memref_slice %arg2[%add3A_112] : memref<327680xi32, #tpu.memory_space<hbm>> -> memref<128xi32, #tpu.memory_space<hbm>>
        %dma_start3A_114 = tpu.memref_slice %arg2[%add3A_112] : memref<327680xi32, #tpu.memory_space<hbm>> -> memref<128xi32, #tpu.memory_space<hbm>>
        tpu.enqueue_dma source(%dma_start3A_114 : memref<128xi32, #tpu.memory_space<hbm>>) target(%arg9 : memref<128xi32, #tpu.memory_space<vmem>>) target_semaphore(%arg14 : memref<!tpu.dma_semaphore, #tpu.memory_space<semaphore_mem>>)
        %dma_start3A_115 = tpu.memref_slice %arg3[%add3A_112] : memref<327680xi32, #tpu.memory_space<hbm>> -> memref<128xi32, #tpu.memory_space<hbm>>
        %dma_start3A_116 = tpu.memref_slice %arg3[%add3A_112] : memref<327680xi32, #tpu.memory_space<hbm>> -> memref<128xi32, #tpu.memory_space<hbm>>
        tpu.enqueue_dma source(%dma_start3A_116 : memref<128xi32, #tpu.memory_space<hbm>>) target(%arg10 : memref<128xi32, #tpu.memory_space<vmem>>) target_semaphore(%arg14 : memref<!tpu.dma_semaphore, #tpu.memory_space<semaphore_mem>>)
      } else {
      }
    }
    %scan3A_18 = arith.constant 40 : i32
    %dma_wait3A = arith.constant 0 : i32
    %dma_wait3A_19 = arith.constant 0 : i32
    %dma_wait3A_20 = tpu.memref_slice %arg6[%dma_wait3A, %dma_wait3A_19] : memref<327680x128xf32, #tpu.memory_space<hbm>> -> memref<128x128xf32, #tpu.memory_space<hbm>>
    %dma_wait3A_21 = arith.constant 0 : i32
    %dma_wait3A_22 = arith.constant 0 : i32
    %dma_wait3A_23 = tpu.memref_slice %arg6[%dma_wait3A_21, %dma_wait3A_22] : memref<327680x128xf32, #tpu.memory_space<hbm>> -> memref<128x128xf32, #tpu.memory_space<hbm>>
    tpu.wait_dma2 semaphore(%arg17 : memref<!tpu.dma_semaphore, #tpu.memory_space<semaphore_mem>>) src(%arg11 : memref<128x128xf32, #tpu.memory_space<vmem>>) dst(%dma_wait3A_23 : memref<128x128xf32, #tpu.memory_space<hbm>>)
    %dma_wait3A_24 = arith.constant 0 : i32
    %dma_wait3A_25 = arith.constant 0 : i32
    %dma_wait3A_26 = tpu.memref_slice %arg6[%dma_wait3A_24, %dma_wait3A_25] : memref<327680x128xf32, #tpu.memory_space<hbm>> -> memref<128x128xf32, #tpu.memory_space<hbm>>
    %dma_wait3A_27 = arith.constant 0 : i32
    %dma_wait3A_28 = arith.constant 0 : i32
    %dma_wait3A_29 = tpu.memref_slice %arg6[%dma_wait3A_27, %dma_wait3A_28] : memref<327680x128xf32, #tpu.memory_space<hbm>> -> memref<128x128xf32, #tpu.memory_space<hbm>>
    tpu.wait_dma2 semaphore(%arg18 : memref<!tpu.dma_semaphore, #tpu.memory_space<semaphore_mem>>) src(%arg12 : memref<128x128xf32, #tpu.memory_space<vmem>>) dst(%dma_wait3A_29 : memref<128x128xf32, #tpu.memory_space<hbm>>)
    return
  }
}

#map = affine_map<(d0, d1) -> (0)>
#map1 = affine_map<(d0, d1) -> (0, 0)>
module attributes {stable_mosaic.version = 14 : i64} {
  func.func @body(%arg0: i32, %arg1: i32, %arg2: memref<327680xi32, #tpu.memory_space<hbm>>, %arg3: memref<327680xi32, #tpu.memory_space<hbm>>, %arg4: memref<10000x128xf32, #tpu.memory_space<hbm>>, %arg5: memref<10000x128xf32, #tpu.memory_space<hbm>>, %arg6: memref<40000xf32, #tpu.memory_space<hbm>>, %arg7: memref<327680x128xf32, #tpu.memory_space<hbm>>, %arg8: memref<2621440xf32, #tpu.memory_space<hbm>>, %arg9: memref<128xi32, #tpu.memory_space<vmem>>, %arg10: memref<128xi32, #tpu.memory_space<vmem>>, %arg11: memref<128xi32, #tpu.memory_space<vmem>>, %arg12: memref<128xi32, #tpu.memory_space<vmem>>, %arg13: memref<128x128xf32, #tpu.memory_space<vmem>>, %arg14: memref<128x128xf32, #tpu.memory_space<vmem>>, %arg15: memref<!tpu.dma_semaphore, #tpu.memory_space<semaphore_mem>>, %arg16: memref<!tpu.dma_semaphore, #tpu.memory_space<semaphore_mem>>, %arg17: memref<!tpu.dma_semaphore, #tpu.memory_space<semaphore_mem>>, %arg18: memref<!tpu.dma_semaphore, #tpu.memory_space<semaphore_mem>>, %arg19: memref<!tpu.dma_semaphore, #tpu.memory_space<semaphore_mem>>, %arg20: memref<!tpu.dma_semaphore, #tpu.memory_space<semaphore_mem>>, %arg21: memref<1024xf32, #tpu.memory_space<vmem>>, %arg22: memref<1024xf32, #tpu.memory_space<vmem>>, %arg23: memref<40000xf32, #tpu.memory_space<vmem>>) attributes {dimension_semantics = [#tpu.dimension_semantics<core_parallel>, #tpu.dimension_semantics<subcore_parallel>], iteration_bounds = array<i64: 2, 16>, scalar_prefetch = 0 : i64, scratch_operands = 15 : i64, tpu.core_type = #tpu.core_type<sc_vector_subcore>, window_params = [{transform_indices = #map}, {transform_indices = #map}, {transform_indices = #map1}, {transform_indices = #map1}, {transform_indices = #map}, {transform_indices = #map1}, {transform_indices = #map}]} {
    %mul3A = arith.constant 2 : i32
    %mul3A_0 = arith.muli %arg1, %mul3A : i32
    %add3A = arith.addi %mul3A_0, %arg0 : i32
    %mul3A_1 = arith.constant 10240 : i32
    %mul3A_2 = arith.muli %add3A, %mul3A_1 : i32
    "tpu.region"() ({
      %run_scoped3A = tpu.sem_alloc : memref<!tpu.dma_semaphore, #tpu.memory_space<semaphore_mem>>
      tpu.enqueue_dma source(%arg6 : memref<40000xf32, #tpu.memory_space<hbm>>) target(%arg23 : memref<40000xf32, #tpu.memory_space<vmem>>) target_semaphore(%run_scoped3A : memref<!tpu.dma_semaphore, #tpu.memory_space<semaphore_mem>>)
      tpu.wait_dma2 semaphore(%run_scoped3A : memref<!tpu.dma_semaphore, #tpu.memory_space<semaphore_mem>>) src(%arg6 : memref<40000xf32, #tpu.memory_space<hbm>>) dst(%arg23 : memref<40000xf32, #tpu.memory_space<vmem>>)
      tpu.yield
    }) : () -> ()
    %iota3A = tpu.iota {dimensions = array<i32: 0>} : vector<16xi32>
    %broadcast_in_dim3A = arith.constant 0.000000e+00 : f32
    %broadcast_in_dim3A_3 = vector.broadcast %broadcast_in_dim3A : f32 to vector<16xf32>
    %scan3A = arith.constant 0 : i32
    %scan3A_4 = arith.constant 0 : i32
    %scan3A_5 = arith.constant 8 : i32
    %scan3A_6 = arith.addi %scan3A_4, %scan3A_5 : i32
    %scan3A_7 = arith.constant 1 : i32
    scf.for %scan3A_45 = %scan3A_4 to %scan3A_6 step %scan3A_7  : i32 {
      %mul3A_46 = arith.constant 16 : i32
      %mul3A_47 = arith.muli %scan3A_45, %mul3A_46 : i32
      %add3A_48 = vector.broadcast %mul3A_47 : i32 to vector<16xi32>
      %add3A_49 = arith.addi %iota3A, %add3A_48 : vector<16xi32>
      %mul3A_50 = arith.constant 8 : i32
      %mul3A_51 = vector.broadcast %mul3A_50 : i32 to vector<16xi32>
      %mul3A_52 = arith.muli %add3A_49, %mul3A_51 : vector<16xi32>
      %add3A_53 = arith.constant 3 : i32
      %add3A_54 = vector.broadcast %add3A_53 : i32 to vector<16xi32>
      %add3A_55 = arith.addi %mul3A_52, %add3A_54 : vector<16xi32>
      tpu.vector_store_idx %arg21[%add3A_55], %broadcast_in_dim3A_3 : memref<1024xf32, #tpu.memory_space<vmem>>[vector<16xi32>], vector<16xf32>,
      %add3A_56 = arith.constant 4 : i32
      %add3A_57 = vector.broadcast %add3A_56 : i32 to vector<16xi32>
      %add3A_58 = arith.addi %mul3A_52, %add3A_57 : vector<16xi32>
      tpu.vector_store_idx %arg21[%add3A_58], %broadcast_in_dim3A_3 : memref<1024xf32, #tpu.memory_space<vmem>>[vector<16xi32>], vector<16xf32>,
      %add3A_59 = arith.constant 5 : i32
      %add3A_60 = vector.broadcast %add3A_59 : i32 to vector<16xi32>
      %add3A_61 = arith.addi %mul3A_52, %add3A_60 : vector<16xi32>
      tpu.vector_store_idx %arg21[%add3A_61], %broadcast_in_dim3A_3 : memref<1024xf32, #tpu.memory_space<vmem>>[vector<16xi32>], vector<16xf32>,
      %add3A_62 = arith.constant 6 : i32
      %add3A_63 = vector.broadcast %add3A_62 : i32 to vector<16xi32>
      %add3A_64 = arith.addi %mul3A_52, %add3A_63 : vector<16xi32>
      tpu.vector_store_idx %arg21[%add3A_64], %broadcast_in_dim3A_3 : memref<1024xf32, #tpu.memory_space<vmem>>[vector<16xi32>], vector<16xf32>,
      %add3A_65 = arith.constant 7 : i32
      %add3A_66 = vector.broadcast %add3A_65 : i32 to vector<16xi32>
      %add3A_67 = arith.addi %mul3A_52, %add3A_66 : vector<16xi32>
      tpu.vector_store_idx %arg21[%add3A_67], %broadcast_in_dim3A_3 : memref<1024xf32, #tpu.memory_space<vmem>>[vector<16xi32>], vector<16xf32>,
      %add3A_68 = arith.constant 3 : i32
      %add3A_69 = vector.broadcast %add3A_68 : i32 to vector<16xi32>
      %add3A_70 = arith.addi %mul3A_52, %add3A_69 : vector<16xi32>
      tpu.vector_store_idx %arg22[%add3A_70], %broadcast_in_dim3A_3 : memref<1024xf32, #tpu.memory_space<vmem>>[vector<16xi32>], vector<16xf32>,
      %add3A_71 = arith.constant 4 : i32
      %add3A_72 = vector.broadcast %add3A_71 : i32 to vector<16xi32>
      %add3A_73 = arith.addi %mul3A_52, %add3A_72 : vector<16xi32>
      tpu.vector_store_idx %arg22[%add3A_73], %broadcast_in_dim3A_3 : memref<1024xf32, #tpu.memory_space<vmem>>[vector<16xi32>], vector<16xf32>,
      %add3A_74 = arith.constant 5 : i32
      %add3A_75 = vector.broadcast %add3A_74 : i32 to vector<16xi32>
      %add3A_76 = arith.addi %mul3A_52, %add3A_75 : vector<16xi32>
      tpu.vector_store_idx %arg22[%add3A_76], %broadcast_in_dim3A_3 : memref<1024xf32, #tpu.memory_space<vmem>>[vector<16xi32>], vector<16xf32>,
      %add3A_77 = arith.constant 6 : i32
      %add3A_78 = vector.broadcast %add3A_77 : i32 to vector<16xi32>
      %add3A_79 = arith.addi %mul3A_52, %add3A_78 : vector<16xi32>
      tpu.vector_store_idx %arg22[%add3A_79], %broadcast_in_dim3A_3 : memref<1024xf32, #tpu.memory_space<vmem>>[vector<16xi32>], vector<16xf32>,
      %add3A_80 = arith.constant 7 : i32
      %add3A_81 = vector.broadcast %add3A_80 : i32 to vector<16xi32>
      %add3A_82 = arith.addi %mul3A_52, %add3A_81 : vector<16xi32>
      tpu.vector_store_idx %arg22[%add3A_82], %broadcast_in_dim3A_3 : memref<1024xf32, #tpu.memory_space<vmem>>[vector<16xi32>], vector<16xf32>,
    }
    %scan3A_8 = arith.constant 8 : i32
    %add3A_9 = arith.constant 0 : i32
    %add3A_10 = arith.addi %mul3A_2, %add3A_9 : i32
    %dma_start3A = tpu.memref_slice %arg2[%add3A_10] : memref<327680xi32, #tpu.memory_space<hbm>> -> memref<128xi32, #tpu.memory_space<hbm>>
    %dma_start3A_11 = tpu.memref_slice %arg2[%add3A_10] : memref<327680xi32, #tpu.memory_space<hbm>> -> memref<128xi32, #tpu.memory_space<hbm>>
    tpu.enqueue_dma source(%dma_start3A_11 : memref<128xi32, #tpu.memory_space<hbm>>) target(%arg9 : memref<128xi32, #tpu.memory_space<vmem>>) target_semaphore(%arg15 : memref<!tpu.dma_semaphore, #tpu.memory_space<semaphore_mem>>)
    %dma_start3A_12 = tpu.memref_slice %arg3[%add3A_10] : memref<327680xi32, #tpu.memory_space<hbm>> -> memref<128xi32, #tpu.memory_space<hbm>>
    %dma_start3A_13 = tpu.memref_slice %arg3[%add3A_10] : memref<327680xi32, #tpu.memory_space<hbm>> -> memref<128xi32, #tpu.memory_space<hbm>>
    tpu.enqueue_dma source(%dma_start3A_13 : memref<128xi32, #tpu.memory_space<hbm>>) target(%arg10 : memref<128xi32, #tpu.memory_space<vmem>>) target_semaphore(%arg15 : memref<!tpu.dma_semaphore, #tpu.memory_space<semaphore_mem>>)
    %add3A_14 = arith.constant 128 : i32
    %add3A_15 = arith.addi %mul3A_2, %add3A_14 : i32
    %dma_start3A_16 = tpu.memref_slice %arg2[%add3A_15] : memref<327680xi32, #tpu.memory_space<hbm>> -> memref<128xi32, #tpu.memory_space<hbm>>
    %dma_start3A_17 = tpu.memref_slice %arg2[%add3A_15] : memref<327680xi32, #tpu.memory_space<hbm>> -> memref<128xi32, #tpu.memory_space<hbm>>
    tpu.enqueue_dma source(%dma_start3A_17 : memref<128xi32, #tpu.memory_space<hbm>>) target(%arg11 : memref<128xi32, #tpu.memory_space<vmem>>) target_semaphore(%arg16 : memref<!tpu.dma_semaphore, #tpu.memory_space<semaphore_mem>>)
    %dma_start3A_18 = tpu.memref_slice %arg3[%add3A_15] : memref<327680xi32, #tpu.memory_space<hbm>> -> memref<128xi32, #tpu.memory_space<hbm>>
    %dma_start3A_19 = tpu.memref_slice %arg3[%add3A_15] : memref<327680xi32, #tpu.memory_space<hbm>> -> memref<128xi32, #tpu.memory_space<hbm>>
    tpu.enqueue_dma source(%dma_start3A_19 : memref<128xi32, #tpu.memory_space<hbm>>) target(%arg12 : memref<128xi32, #tpu.memory_space<vmem>>) target_semaphore(%arg16 : memref<!tpu.dma_semaphore, #tpu.memory_space<semaphore_mem>>)
    %scan3A_20 = arith.constant 0 : i32
    %scan3A_21 = arith.constant 0 : i32
    %scan3A_22 = arith.constant 40 : i32
    %scan3A_23 = arith.addi %scan3A_21, %scan3A_22 : i32
    %scan3A_24 = arith.constant 1 : i32
    scf.for %scan3A_45 = %scan3A_21 to %scan3A_23 step %scan3A_24  : i32 {
      %gt3A = arith.constant 0 : i32
      %gt3A_46 = arith.cmpi sgt, %scan3A_45, %gt3A : i32
      %convert_element_type3A = arith.extui %gt3A_46 : i1 to i32
      %cond3A = arith.constant 0 : i32
      %cond3A_47 = arith.cmpi ne, %convert_element_type3A, %cond3A : i32
      scf.if %cond3A_47 {
        %dma_wait3A_137 = arith.constant 0 : i32
        %dma_wait3A_138 = arith.constant 0 : i32
        %dma_wait3A_139 = tpu.memref_slice %arg7[%dma_wait3A_137, %dma_wait3A_138] : memref<327680x128xf32, #tpu.memory_space<hbm>> -> memref<128x128xf32, #tpu.memory_space<hbm>>
        %dma_wait3A_140 = arith.constant 0 : i32
        %dma_wait3A_141 = arith.constant 0 : i32
        %dma_wait3A_142 = tpu.memref_slice %arg7[%dma_wait3A_140, %dma_wait3A_141] : memref<327680x128xf32, #tpu.memory_space<hbm>> -> memref<128x128xf32, #tpu.memory_space<hbm>>
        tpu.wait_dma2 semaphore(%arg19 : memref<!tpu.dma_semaphore, #tpu.memory_space<semaphore_mem>>) src(%arg13 : memref<128x128xf32, #tpu.memory_space<vmem>>) dst(%dma_wait3A_142 : memref<128x128xf32, #tpu.memory_space<hbm>>)
        %dma_wait3A_143 = arith.constant 0 : i32
        %dma_wait3A_144 = tpu.memref_slice %arg8[%dma_wait3A_143] : memref<2621440xf32, #tpu.memory_space<hbm>> -> memref<1024xf32, #tpu.memory_space<hbm>>
        %dma_wait3A_145 = arith.constant 0 : i32
        %dma_wait3A_146 = tpu.memref_slice %arg8[%dma_wait3A_145] : memref<2621440xf32, #tpu.memory_space<hbm>> -> memref<1024xf32, #tpu.memory_space<hbm>>
        tpu.wait_dma2 semaphore(%arg19 : memref<!tpu.dma_semaphore, #tpu.memory_space<semaphore_mem>>) src(%arg21 : memref<1024xf32, #tpu.memory_space<vmem>>) dst(%dma_wait3A_146 : memref<1024xf32, #tpu.memory_space<hbm>>)
        %dma_wait3A_147 = arith.constant 0 : i32
        %dma_wait3A_148 = arith.constant 0 : i32
        %dma_wait3A_149 = tpu.memref_slice %arg7[%dma_wait3A_147, %dma_wait3A_148] : memref<327680x128xf32, #tpu.memory_space<hbm>> -> memref<128x128xf32, #tpu.memory_space<hbm>>
        %dma_wait3A_150 = arith.constant 0 : i32
        %dma_wait3A_151 = arith.constant 0 : i32
        %dma_wait3A_152 = tpu.memref_slice %arg7[%dma_wait3A_150, %dma_wait3A_151] : memref<327680x128xf32, #tpu.memory_space<hbm>> -> memref<128x128xf32, #tpu.memory_space<hbm>>
        tpu.wait_dma2 semaphore(%arg20 : memref<!tpu.dma_semaphore, #tpu.memory_space<semaphore_mem>>) src(%arg14 : memref<128x128xf32, #tpu.memory_space<vmem>>) dst(%dma_wait3A_152 : memref<128x128xf32, #tpu.memory_space<hbm>>)
        %dma_wait3A_153 = arith.constant 0 : i32
        %dma_wait3A_154 = tpu.memref_slice %arg8[%dma_wait3A_153] : memref<2621440xf32, #tpu.memory_space<hbm>> -> memref<1024xf32, #tpu.memory_space<hbm>>
        %dma_wait3A_155 = arith.constant 0 : i32
        %dma_wait3A_156 = tpu.memref_slice %arg8[%dma_wait3A_155] : memref<2621440xf32, #tpu.memory_space<hbm>> -> memref<1024xf32, #tpu.memory_space<hbm>>
        tpu.wait_dma2 semaphore(%arg20 : memref<!tpu.dma_semaphore, #tpu.memory_space<semaphore_mem>>) src(%arg22 : memref<1024xf32, #tpu.memory_space<vmem>>) dst(%dma_wait3A_156 : memref<1024xf32, #tpu.memory_space<hbm>>)
      } else {
      }
      %dma_wait3A_48 = arith.constant 0 : i32
      %dma_wait3A_49 = tpu.memref_slice %arg2[%dma_wait3A_48] : memref<327680xi32, #tpu.memory_space<hbm>> -> memref<128xi32, #tpu.memory_space<hbm>>
      %dma_wait3A_50 = arith.constant 0 : i32
      %dma_wait3A_51 = tpu.memref_slice %arg2[%dma_wait3A_50] : memref<327680xi32, #tpu.memory_space<hbm>> -> memref<128xi32, #tpu.memory_space<hbm>>
      tpu.wait_dma2 semaphore(%arg15 : memref<!tpu.dma_semaphore, #tpu.memory_space<semaphore_mem>>) src(%dma_wait3A_51 : memref<128xi32, #tpu.memory_space<hbm>>) dst(%arg9 : memref<128xi32, #tpu.memory_space<vmem>>)
      %dma_wait3A_52 = arith.constant 0 : i32
      %dma_wait3A_53 = tpu.memref_slice %arg3[%dma_wait3A_52] : memref<327680xi32, #tpu.memory_space<hbm>> -> memref<128xi32, #tpu.memory_space<hbm>>
      %dma_wait3A_54 = arith.constant 0 : i32
      %dma_wait3A_55 = tpu.memref_slice %arg3[%dma_wait3A_54] : memref<327680xi32, #tpu.memory_space<hbm>> -> memref<128xi32, #tpu.memory_space<hbm>>
      tpu.wait_dma2 semaphore(%arg15 : memref<!tpu.dma_semaphore, #tpu.memory_space<semaphore_mem>>) src(%dma_wait3A_55 : memref<128xi32, #tpu.memory_space<hbm>>) dst(%arg10 : memref<128xi32, #tpu.memory_space<vmem>>)
      %dma_start3A_56 = arith.constant 0 : i32
      %dma_start3A_57 = arith.constant 0 : i32
      %dma_start3A_58 = tpu.memref_slice %arg4[%dma_start3A_56, %dma_start3A_57] : memref<10000x128xf32, #tpu.memory_space<hbm>> -> memref<10000x128xf32, #tpu.memory_space<hbm>>
      tpu.enqueue_indirect_dma source(%dma_start3A_58 : memref<10000x128xf32, #tpu.memory_space<hbm>>) target(%arg13 : memref<128x128xf32, #tpu.memory_space<vmem>>) offsets(%arg9 : memref<128xi32, #tpu.memory_space<vmem>>) semaphore(%arg17 : memref<!tpu.dma_semaphore, #tpu.memory_space<semaphore_mem>>)
      %dma_wait3A_59 = arith.constant 0 : i32
      %dma_wait3A_60 = tpu.memref_slice %arg2[%dma_wait3A_59] : memref<327680xi32, #tpu.memory_space<hbm>> -> memref<128xi32, #tpu.memory_space<hbm>>
      %dma_wait3A_61 = arith.constant 0 : i32
      %dma_wait3A_62 = tpu.memref_slice %arg2[%dma_wait3A_61] : memref<327680xi32, #tpu.memory_space<hbm>> -> memref<128xi32, #tpu.memory_space<hbm>>
      tpu.wait_dma2 semaphore(%arg16 : memref<!tpu.dma_semaphore, #tpu.memory_space<semaphore_mem>>) src(%dma_wait3A_62 : memref<128xi32, #tpu.memory_space<hbm>>) dst(%arg11 : memref<128xi32, #tpu.memory_space<vmem>>)
      %dma_wait3A_63 = arith.constant 0 : i32
      %dma_wait3A_64 = tpu.memref_slice %arg3[%dma_wait3A_63] : memref<327680xi32, #tpu.memory_space<hbm>> -> memref<128xi32, #tpu.memory_space<hbm>>
      %dma_wait3A_65 = arith.constant 0 : i32
      %dma_wait3A_66 = tpu.memref_slice %arg3[%dma_wait3A_65] : memref<327680xi32, #tpu.memory_space<hbm>> -> memref<128xi32, #tpu.memory_space<hbm>>
      tpu.wait_dma2 semaphore(%arg16 : memref<!tpu.dma_semaphore, #tpu.memory_space<semaphore_mem>>) src(%dma_wait3A_66 : memref<128xi32, #tpu.memory_space<hbm>>) dst(%arg12 : memref<128xi32, #tpu.memory_space<vmem>>)
      %dma_start3A_67 = arith.constant 0 : i32
      %dma_start3A_68 = arith.constant 0 : i32
      %dma_start3A_69 = tpu.memref_slice %arg4[%dma_start3A_67, %dma_start3A_68] : memref<10000x128xf32, #tpu.memory_space<hbm>> -> memref<10000x128xf32, #tpu.memory_space<hbm>>
      tpu.enqueue_indirect_dma source(%dma_start3A_69 : memref<10000x128xf32, #tpu.memory_space<hbm>>) target(%arg14 : memref<128x128xf32, #tpu.memory_space<vmem>>) offsets(%arg11 : memref<128xi32, #tpu.memory_space<vmem>>) semaphore(%arg18 : memref<!tpu.dma_semaphore, #tpu.memory_space<semaphore_mem>>)
      %dma_wait3A_70 = arith.constant 0 : i32
      %dma_wait3A_71 = arith.constant 0 : i32
      %dma_wait3A_72 = tpu.memref_slice %arg4[%dma_wait3A_70, %dma_wait3A_71] : memref<10000x128xf32, #tpu.memory_space<hbm>> -> memref<10000x128xf32, #tpu.memory_space<hbm>>
      tpu.wait_indirect_dma semaphore(%arg17 : memref<!tpu.dma_semaphore, #tpu.memory_space<semaphore_mem>>) src(%dma_wait3A_72 : memref<10000x128xf32, #tpu.memory_space<hbm>>) dst(%arg13 : memref<128x128xf32, #tpu.memory_space<vmem>>)
      %dma_start3A_73 = arith.constant 0 : i32
      %dma_start3A_74 = arith.constant 0 : i32
      %dma_start3A_75 = tpu.memref_slice %arg5[%dma_start3A_73, %dma_start3A_74] : memref<10000x128xf32, #tpu.memory_space<hbm>> -> memref<10000x128xf32, #tpu.memory_space<hbm>>
      tpu.enqueue_indirect_dma source(%dma_start3A_75 : memref<10000x128xf32, #tpu.memory_space<hbm>>) target(%arg13 : memref<128x128xf32, #tpu.memory_space<vmem>>) offsets(%arg10 : memref<128xi32, #tpu.memory_space<vmem>>) semaphore(%arg17 : memref<!tpu.dma_semaphore, #tpu.memory_space<semaphore_mem>>) {add = true}
      %dma_wait3A_76 = arith.constant 0 : i32
      %dma_wait3A_77 = arith.constant 0 : i32
      %dma_wait3A_78 = tpu.memref_slice %arg4[%dma_wait3A_76, %dma_wait3A_77] : memref<10000x128xf32, #tpu.memory_space<hbm>> -> memref<10000x128xf32, #tpu.memory_space<hbm>>
      tpu.wait_indirect_dma semaphore(%arg18 : memref<!tpu.dma_semaphore, #tpu.memory_space<semaphore_mem>>) src(%dma_wait3A_78 : memref<10000x128xf32, #tpu.memory_space<hbm>>) dst(%arg14 : memref<128x128xf32, #tpu.memory_space<vmem>>)
      %dma_start3A_79 = arith.constant 0 : i32
      %dma_start3A_80 = arith.constant 0 : i32
      %dma_start3A_81 = tpu.memref_slice %arg5[%dma_start3A_79, %dma_start3A_80] : memref<10000x128xf32, #tpu.memory_space<hbm>> -> memref<10000x128xf32, #tpu.memory_space<hbm>>
      tpu.enqueue_indirect_dma source(%dma_start3A_81 : memref<10000x128xf32, #tpu.memory_space<hbm>>) target(%arg14 : memref<128x128xf32, #tpu.memory_space<vmem>>) offsets(%arg12 : memref<128xi32, #tpu.memory_space<vmem>>) semaphore(%arg18 : memref<!tpu.dma_semaphore, #tpu.memory_space<semaphore_mem>>) {add = true}
      %scan3A_82 = arith.constant 0 : i32
      %scan3A_83 = arith.constant 0 : i32
      %scan3A_84 = arith.constant 8 : i32
      %scan3A_85 = arith.addi %scan3A_83, %scan3A_84 : i32
      %scan3A_86 = arith.constant 1 : i32
      scf.for %scan3A_137 = %scan3A_83 to %scan3A_85 step %scan3A_86  : i32 {
        %mul3A_138 = arith.constant 16 : i32
        %mul3A_139 = arith.muli %scan3A_137, %mul3A_138 : i32
        %get3A = arith.index_cast %mul3A_139 : i32 to index
        %get3A_140 = tpu.vector_load %arg9[%get3A] {strides = array<i32>} : memref<128xi32, #tpu.memory_space<vmem>>, vector<16xi32>,
        %mul3A_141 = arith.constant 4 : i32
        %mul3A_142 = vector.broadcast %mul3A_141 : i32 to vector<16xi32>
        %mul3A_143 = arith.muli %get3A_140, %mul3A_142 : vector<16xi32>
        %mul3A_144 = arith.constant 16 : i32
        %mul3A_145 = arith.muli %scan3A_137, %mul3A_144 : i32
        %get3A_146 = arith.index_cast %mul3A_145 : i32 to index
        %get3A_147 = tpu.vector_load %arg10[%get3A_146] {strides = array<i32>} : memref<128xi32, #tpu.memory_space<vmem>>, vector<16xi32>,
        %mul3A_148 = arith.constant 4 : i32
        %mul3A_149 = vector.broadcast %mul3A_148 : i32 to vector<16xi32>
        %mul3A_150 = arith.muli %get3A_147, %mul3A_149 : vector<16xi32>
        %mul3A_151 = arith.constant 16 : i32
        %mul3A_152 = arith.muli %scan3A_137, %mul3A_151 : i32
        %add3A_153 = vector.broadcast %mul3A_152 : i32 to vector<16xi32>
        %add3A_154 = arith.addi %iota3A, %add3A_153 : vector<16xi32>
        %mul3A_155 = arith.constant 8 : i32
        %mul3A_156 = vector.broadcast %mul3A_155 : i32 to vector<16xi32>
        %mul3A_157 = arith.muli %add3A_154, %mul3A_156 : vector<16xi32>
        %add3A_158 = arith.constant 0 : i32
        %add3A_159 = vector.broadcast %add3A_158 : i32 to vector<16xi32>
        %add3A_160 = arith.addi %mul3A_143, %add3A_159 : vector<16xi32>
        %gather3A = tpu.vector_load_idx %arg23[%add3A_160] : memref<40000xf32, #tpu.memory_space<vmem>>[vector<16xi32>], vector<16xf32>,
        %add3A_161 = arith.constant 0 : i32
        %add3A_162 = vector.broadcast %add3A_161 : i32 to vector<16xi32>
        %add3A_163 = arith.addi %mul3A_150, %add3A_162 : vector<16xi32>
        %gather3A_164 = tpu.vector_load_idx %arg23[%add3A_163] : memref<40000xf32, #tpu.memory_space<vmem>>[vector<16xi32>], vector<16xf32>,
        %add3A_165 = arith.constant 0 : i32
        %add3A_166 = vector.broadcast %add3A_165 : i32 to vector<16xi32>
        %add3A_167 = arith.addi %mul3A_157, %add3A_166 : vector<16xi32>
        %sub3A = arith.subf %gather3A, %gather3A_164 : vector<16xf32>
        tpu.vector_store_idx %arg21[%add3A_167], %sub3A : memref<1024xf32, #tpu.memory_space<vmem>>[vector<16xi32>], vector<16xf32>,
        %add3A_168 = arith.constant 1 : i32
        %add3A_169 = vector.broadcast %add3A_168 : i32 to vector<16xi32>
        %add3A_170 = arith.addi %mul3A_143, %add3A_169 : vector<16xi32>
        %gather3A_171 = tpu.vector_load_idx %arg23[%add3A_170] : memref<40000xf32, #tpu.memory_space<vmem>>[vector<16xi32>], vector<16xf32>,
        %add3A_172 = arith.constant 1 : i32
        %add3A_173 = vector.broadcast %add3A_172 : i32 to vector<16xi32>
        %add3A_174 = arith.addi %mul3A_150, %add3A_173 : vector<16xi32>
        %gather3A_175 = tpu.vector_load_idx %arg23[%add3A_174] : memref<40000xf32, #tpu.memory_space<vmem>>[vector<16xi32>], vector<16xf32>,
        %add3A_176 = arith.constant 1 : i32
        %add3A_177 = vector.broadcast %add3A_176 : i32 to vector<16xi32>
        %add3A_178 = arith.addi %mul3A_157, %add3A_177 : vector<16xi32>
        %sub3A_179 = arith.subf %gather3A_171, %gather3A_175 : vector<16xf32>
        tpu.vector_store_idx %arg21[%add3A_178], %sub3A_179 : memref<1024xf32, #tpu.memory_space<vmem>>[vector<16xi32>], vector<16xf32>,
        %add3A_180 = arith.constant 2 : i32
        %add3A_181 = vector.broadcast %add3A_180 : i32 to vector<16xi32>
        %add3A_182 = arith.addi %mul3A_143, %add3A_181 : vector<16xi32>
        %gather3A_183 = tpu.vector_load_idx %arg23[%add3A_182] : memref<40000xf32, #tpu.memory_space<vmem>>[vector<16xi32>], vector<16xf32>,
        %add3A_184 = arith.constant 2 : i32
        %add3A_185 = vector.broadcast %add3A_184 : i32 to vector<16xi32>
        %add3A_186 = arith.addi %mul3A_150, %add3A_185 : vector<16xi32>
        %gather3A_187 = tpu.vector_load_idx %arg23[%add3A_186] : memref<40000xf32, #tpu.memory_space<vmem>>[vector<16xi32>], vector<16xf32>,
        %add3A_188 = arith.constant 2 : i32
        %add3A_189 = vector.broadcast %add3A_188 : i32 to vector<16xi32>
        %add3A_190 = arith.addi %mul3A_157, %add3A_189 : vector<16xi32>
        %sub3A_191 = arith.subf %gather3A_183, %gather3A_187 : vector<16xf32>
        tpu.vector_store_idx %arg21[%add3A_190], %sub3A_191 : memref<1024xf32, #tpu.memory_space<vmem>>[vector<16xi32>], vector<16xf32>,
        %mul3A_192 = arith.constant 16 : i32
        %mul3A_193 = arith.muli %scan3A_137, %mul3A_192 : i32
        %get3A_194 = arith.index_cast %mul3A_193 : i32 to index
        %get3A_195 = tpu.vector_load %arg11[%get3A_194] {strides = array<i32>} : memref<128xi32, #tpu.memory_space<vmem>>, vector<16xi32>,
        %mul3A_196 = arith.constant 4 : i32
        %mul3A_197 = vector.broadcast %mul3A_196 : i32 to vector<16xi32>
        %mul3A_198 = arith.muli %get3A_195, %mul3A_197 : vector<16xi32>
        %mul3A_199 = arith.constant 16 : i32
        %mul3A_200 = arith.muli %scan3A_137, %mul3A_199 : i32
        %get3A_201 = arith.index_cast %mul3A_200 : i32 to index
        %get3A_202 = tpu.vector_load %arg12[%get3A_201] {strides = array<i32>} : memref<128xi32, #tpu.memory_space<vmem>>, vector<16xi32>,
        %mul3A_203 = arith.constant 4 : i32
        %mul3A_204 = vector.broadcast %mul3A_203 : i32 to vector<16xi32>
        %mul3A_205 = arith.muli %get3A_202, %mul3A_204 : vector<16xi32>
        %mul3A_206 = arith.constant 16 : i32
        %mul3A_207 = arith.muli %scan3A_137, %mul3A_206 : i32
        %add3A_208 = vector.broadcast %mul3A_207 : i32 to vector<16xi32>
        %add3A_209 = arith.addi %iota3A, %add3A_208 : vector<16xi32>
        %mul3A_210 = arith.constant 8 : i32
        %mul3A_211 = vector.broadcast %mul3A_210 : i32 to vector<16xi32>
        %mul3A_212 = arith.muli %add3A_209, %mul3A_211 : vector<16xi32>
        %add3A_213 = arith.constant 0 : i32
        %add3A_214 = vector.broadcast %add3A_213 : i32 to vector<16xi32>
        %add3A_215 = arith.addi %mul3A_198, %add3A_214 : vector<16xi32>
        %gather3A_216 = tpu.vector_load_idx %arg23[%add3A_215] : memref<40000xf32, #tpu.memory_space<vmem>>[vector<16xi32>], vector<16xf32>,
        %add3A_217 = arith.constant 0 : i32
        %add3A_218 = vector.broadcast %add3A_217 : i32 to vector<16xi32>
        %add3A_219 = arith.addi %mul3A_205, %add3A_218 : vector<16xi32>
        %gather3A_220 = tpu.vector_load_idx %arg23[%add3A_219] : memref<40000xf32, #tpu.memory_space<vmem>>[vector<16xi32>], vector<16xf32>,
        %add3A_221 = arith.constant 0 : i32
        %add3A_222 = vector.broadcast %add3A_221 : i32 to vector<16xi32>
        %add3A_223 = arith.addi %mul3A_212, %add3A_222 : vector<16xi32>
        %sub3A_224 = arith.subf %gather3A_216, %gather3A_220 : vector<16xf32>
        tpu.vector_store_idx %arg22[%add3A_223], %sub3A_224 : memref<1024xf32, #tpu.memory_space<vmem>>[vector<16xi32>], vector<16xf32>,
        %add3A_225 = arith.constant 1 : i32
        %add3A_226 = vector.broadcast %add3A_225 : i32 to vector<16xi32>
        %add3A_227 = arith.addi %mul3A_198, %add3A_226 : vector<16xi32>
        %gather3A_228 = tpu.vector_load_idx %arg23[%add3A_227] : memref<40000xf32, #tpu.memory_space<vmem>>[vector<16xi32>], vector<16xf32>,
        %add3A_229 = arith.constant 1 : i32
        %add3A_230 = vector.broadcast %add3A_229 : i32 to vector<16xi32>
        %add3A_231 = arith.addi %mul3A_205, %add3A_230 : vector<16xi32>
        %gather3A_232 = tpu.vector_load_idx %arg23[%add3A_231] : memref<40000xf32, #tpu.memory_space<vmem>>[vector<16xi32>], vector<16xf32>,
        %add3A_233 = arith.constant 1 : i32
        %add3A_234 = vector.broadcast %add3A_233 : i32 to vector<16xi32>
        %add3A_235 = arith.addi %mul3A_212, %add3A_234 : vector<16xi32>
        %sub3A_236 = arith.subf %gather3A_228, %gather3A_232 : vector<16xf32>
        tpu.vector_store_idx %arg22[%add3A_235], %sub3A_236 : memref<1024xf32, #tpu.memory_space<vmem>>[vector<16xi32>], vector<16xf32>,
        %add3A_237 = arith.constant 2 : i32
        %add3A_238 = vector.broadcast %add3A_237 : i32 to vector<16xi32>
        %add3A_239 = arith.addi %mul3A_198, %add3A_238 : vector<16xi32>
        %gather3A_240 = tpu.vector_load_idx %arg23[%add3A_239] : memref<40000xf32, #tpu.memory_space<vmem>>[vector<16xi32>], vector<16xf32>,
        %add3A_241 = arith.constant 2 : i32
        %add3A_242 = vector.broadcast %add3A_241 : i32 to vector<16xi32>
        %add3A_243 = arith.addi %mul3A_205, %add3A_242 : vector<16xi32>
        %gather3A_244 = tpu.vector_load_idx %arg23[%add3A_243] : memref<40000xf32, #tpu.memory_space<vmem>>[vector<16xi32>], vector<16xf32>,
        %add3A_245 = arith.constant 2 : i32
        %add3A_246 = vector.broadcast %add3A_245 : i32 to vector<16xi32>
        %add3A_247 = arith.addi %mul3A_212, %add3A_246 : vector<16xi32>
        %sub3A_248 = arith.subf %gather3A_240, %gather3A_244 : vector<16xf32>
        tpu.vector_store_idx %arg22[%add3A_247], %sub3A_248 : memref<1024xf32, #tpu.memory_space<vmem>>[vector<16xi32>], vector<16xf32>,
      }
      %scan3A_87 = arith.constant 8 : i32
      %mul3A_88 = arith.constant 2 : i32
      %mul3A_89 = arith.muli %mul3A_88, %scan3A_45 : i32
      %add3A_90 = arith.constant 0 : i32
      %add3A_91 = arith.addi %mul3A_89, %add3A_90 : i32
      %mul3A_92 = arith.constant 128 : i32
      %mul3A_93 = arith.muli %add3A_91, %mul3A_92 : i32
      %add3A_94 = arith.addi %mul3A_2, %mul3A_93 : i32
      %dma_wait3A_95 = arith.constant 0 : i32
      %dma_wait3A_96 = arith.constant 0 : i32
      %dma_wait3A_97 = tpu.memref_slice %arg5[%dma_wait3A_95, %dma_wait3A_96] : memref<10000x128xf32, #tpu.memory_space<hbm>> -> memref<10000x128xf32, #tpu.memory_space<hbm>>
      tpu.wait_indirect_dma semaphore(%arg17 : memref<!tpu.dma_semaphore, #tpu.memory_space<semaphore_mem>>) src(%dma_wait3A_97 : memref<10000x128xf32, #tpu.memory_space<hbm>>) dst(%arg13 : memref<128x128xf32, #tpu.memory_space<vmem>>)
      %mul3A_98 = arith.constant 8 : i32
      %mul3A_99 = arith.muli %add3A_94, %mul3A_98 : i32
      %dma_start3A_100 = tpu.memref_slice %arg8[%mul3A_99] : memref<2621440xf32, #tpu.memory_space<hbm>> -> memref<1024xf32, #tpu.memory_space<hbm>>
      %dma_start3A_101 = tpu.memref_slice %arg8[%mul3A_99] : memref<2621440xf32, #tpu.memory_space<hbm>> -> memref<1024xf32, #tpu.memory_space<hbm>>
      tpu.enqueue_dma source(%arg21 : memref<1024xf32, #tpu.memory_space<vmem>>) target(%dma_start3A_101 : memref<1024xf32, #tpu.memory_space<hbm>>) target_semaphore(%arg19 : memref<!tpu.dma_semaphore, #tpu.memory_space<semaphore_mem>>)
      %dma_start3A_102 = arith.constant 0 : i32
      %dma_start3A_103 = tpu.memref_slice %arg7[%add3A_94, %dma_start3A_102] : memref<327680x128xf32, #tpu.memory_space<hbm>> -> memref<128x128xf32, #tpu.memory_space<hbm>>
      %dma_start3A_104 = arith.constant 0 : i32
      %dma_start3A_105 = tpu.memref_slice %arg7[%add3A_94, %dma_start3A_104] : memref<327680x128xf32, #tpu.memory_space<hbm>> -> memref<128x128xf32, #tpu.memory_space<hbm>>
      tpu.enqueue_dma source(%arg13 : memref<128x128xf32, #tpu.memory_space<vmem>>) target(%dma_start3A_105 : memref<128x128xf32, #tpu.memory_space<hbm>>) target_semaphore(%arg19 : memref<!tpu.dma_semaphore, #tpu.memory_space<semaphore_mem>>)
      %add3A_106 = arith.constant 2 : i32
      %add3A_107 = arith.addi %add3A_91, %add3A_106 : i32
      %lt3A = arith.constant 80 : i32
      %lt3A_108 = arith.cmpi slt, %add3A_107, %lt3A : i32
      %convert_element_type3A_109 = arith.extui %lt3A_108 : i1 to i32
      %cond3A_110 = arith.constant 0 : i32
      %cond3A_111 = arith.cmpi ne, %convert_element_type3A_109, %cond3A_110 : i32
      scf.if %cond3A_111 {
        %add3A_137 = arith.constant 2 : i32
        %add3A_138 = arith.addi %add3A_91, %add3A_137 : i32
        %mul3A_139 = arith.constant 128 : i32
        %mul3A_140 = arith.muli %add3A_138, %mul3A_139 : i32
        %add3A_141 = arith.addi %mul3A_2, %mul3A_140 : i32
        %dma_start3A_142 = tpu.memref_slice %arg2[%add3A_141] : memref<327680xi32, #tpu.memory_space<hbm>> -> memref<128xi32, #tpu.memory_space<hbm>>
        %dma_start3A_143 = tpu.memref_slice %arg2[%add3A_141] : memref<327680xi32, #tpu.memory_space<hbm>> -> memref<128xi32, #tpu.memory_space<hbm>>
        tpu.enqueue_dma source(%dma_start3A_143 : memref<128xi32, #tpu.memory_space<hbm>>) target(%arg9 : memref<128xi32, #tpu.memory_space<vmem>>) target_semaphore(%arg15 : memref<!tpu.dma_semaphore, #tpu.memory_space<semaphore_mem>>)
        %dma_start3A_144 = tpu.memref_slice %arg3[%add3A_141] : memref<327680xi32, #tpu.memory_space<hbm>> -> memref<128xi32, #tpu.memory_space<hbm>>
        %dma_start3A_145 = tpu.memref_slice %arg3[%add3A_141] : memref<327680xi32, #tpu.memory_space<hbm>> -> memref<128xi32, #tpu.memory_space<hbm>>
        tpu.enqueue_dma source(%dma_start3A_145 : memref<128xi32, #tpu.memory_space<hbm>>) target(%arg10 : memref<128xi32, #tpu.memory_space<vmem>>) target_semaphore(%arg15 : memref<!tpu.dma_semaphore, #tpu.memory_space<semaphore_mem>>)
      } else {
      }
      %mul3A_112 = arith.constant 2 : i32
      %mul3A_113 = arith.muli %mul3A_112, %scan3A_45 : i32
      %add3A_114 = arith.constant 1 : i32
      %add3A_115 = arith.addi %mul3A_113, %add3A_114 : i32
      %mul3A_116 = arith.constant 128 : i32
      %mul3A_117 = arith.muli %add3A_115, %mul3A_116 : i32
      %add3A_118 = arith.addi %mul3A_2, %mul3A_117 : i32
      %dma_wait3A_119 = arith.constant 0 : i32
      %dma_wait3A_120 = arith.constant 0 : i32
      %dma_wait3A_121 = tpu.memref_slice %arg5[%dma_wait3A_119, %dma_wait3A_120] : memref<10000x128xf32, #tpu.memory_space<hbm>> -> memref<10000x128xf32, #tpu.memory_space<hbm>>
      tpu.wait_indirect_dma semaphore(%arg18 : memref<!tpu.dma_semaphore, #tpu.memory_space<semaphore_mem>>) src(%dma_wait3A_121 : memref<10000x128xf32, #tpu.memory_space<hbm>>) dst(%arg14 : memref<128x128xf32, #tpu.memory_space<vmem>>)
      %mul3A_122 = arith.constant 8 : i32
      %mul3A_123 = arith.muli %add3A_118, %mul3A_122 : i32
      %dma_start3A_124 = tpu.memref_slice %arg8[%mul3A_123] : memref<2621440xf32, #tpu.memory_space<hbm>> -> memref<1024xf32, #tpu.memory_space<hbm>>
      %dma_start3A_125 = tpu.memref_slice %arg8[%mul3A_123] : memref<2621440xf32, #tpu.memory_space<hbm>> -> memref<1024xf32, #tpu.memory_space<hbm>>
      tpu.enqueue_dma source(%arg22 : memref<1024xf32, #tpu.memory_space<vmem>>) target(%dma_start3A_125 : memref<1024xf32, #tpu.memory_space<hbm>>) target_semaphore(%arg20 : memref<!tpu.dma_semaphore, #tpu.memory_space<semaphore_mem>>)
      %dma_start3A_126 = arith.constant 0 : i32
      %dma_start3A_127 = tpu.memref_slice %arg7[%add3A_118, %dma_start3A_126] : memref<327680x128xf32, #tpu.memory_space<hbm>> -> memref<128x128xf32, #tpu.memory_space<hbm>>
      %dma_start3A_128 = arith.constant 0 : i32
      %dma_start3A_129 = tpu.memref_slice %arg7[%add3A_118, %dma_start3A_128] : memref<327680x128xf32, #tpu.memory_space<hbm>> -> memref<128x128xf32, #tpu.memory_space<hbm>>
      tpu.enqueue_dma source(%arg14 : memref<128x128xf32, #tpu.memory_space<vmem>>) target(%dma_start3A_129 : memref<128x128xf32, #tpu.memory_space<hbm>>) target_semaphore(%arg20 : memref<!tpu.dma_semaphore, #tpu.memory_space<semaphore_mem>>)
      %add3A_130 = arith.constant 2 : i32
      %add3A_131 = arith.addi %add3A_115, %add3A_130 : i32
      %lt3A_132 = arith.constant 80 : i32
      %lt3A_133 = arith.cmpi slt, %add3A_131, %lt3A_132 : i32
      %convert_element_type3A_134 = arith.extui %lt3A_133 : i1 to i32
      %cond3A_135 = arith.constant 0 : i32
      %cond3A_136 = arith.cmpi ne, %convert_element_type3A_134, %cond3A_135 : i32
      scf.if %cond3A_136 {
        %add3A_137 = arith.constant 2 : i32
        %add3A_138 = arith.addi %add3A_115, %add3A_137 : i32
        %mul3A_139 = arith.constant 128 : i32
        %mul3A_140 = arith.muli %add3A_138, %mul3A_139 : i32
        %add3A_141 = arith.addi %mul3A_2, %mul3A_140 : i32
        %dma_start3A_142 = tpu.memref_slice %arg2[%add3A_141] : memref<327680xi32, #tpu.memory_space<hbm>> -> memref<128xi32, #tpu.memory_space<hbm>>
        %dma_start3A_143 = tpu.memref_slice %arg2[%add3A_141] : memref<327680xi32, #tpu.memory_space<hbm>> -> memref<128xi32, #tpu.memory_space<hbm>>
        tpu.enqueue_dma source(%dma_start3A_143 : memref<128xi32, #tpu.memory_space<hbm>>) target(%arg11 : memref<128xi32, #tpu.memory_space<vmem>>) target_semaphore(%arg16 : memref<!tpu.dma_semaphore, #tpu.memory_space<semaphore_mem>>)
        %dma_start3A_144 = tpu.memref_slice %arg3[%add3A_141] : memref<327680xi32, #tpu.memory_space<hbm>> -> memref<128xi32, #tpu.memory_space<hbm>>
        %dma_start3A_145 = tpu.memref_slice %arg3[%add3A_141] : memref<327680xi32, #tpu.memory_space<hbm>> -> memref<128xi32, #tpu.memory_space<hbm>>
        tpu.enqueue_dma source(%dma_start3A_145 : memref<128xi32, #tpu.memory_space<hbm>>) target(%arg12 : memref<128xi32, #tpu.memory_space<vmem>>) target_semaphore(%arg16 : memref<!tpu.dma_semaphore, #tpu.memory_space<semaphore_mem>>)
      } else {
      }
    }
    %scan3A_25 = arith.constant 40 : i32
    %dma_wait3A = arith.constant 0 : i32
    %dma_wait3A_26 = arith.constant 0 : i32
    %dma_wait3A_27 = tpu.memref_slice %arg7[%dma_wait3A, %dma_wait3A_26] : memref<327680x128xf32, #tpu.memory_space<hbm>> -> memref<128x128xf32, #tpu.memory_space<hbm>>
    %dma_wait3A_28 = arith.constant 0 : i32
    %dma_wait3A_29 = arith.constant 0 : i32
    %dma_wait3A_30 = tpu.memref_slice %arg7[%dma_wait3A_28, %dma_wait3A_29] : memref<327680x128xf32, #tpu.memory_space<hbm>> -> memref<128x128xf32, #tpu.memory_space<hbm>>
    tpu.wait_dma2 semaphore(%arg19 : memref<!tpu.dma_semaphore, #tpu.memory_space<semaphore_mem>>) src(%arg13 : memref<128x128xf32, #tpu.memory_space<vmem>>) dst(%dma_wait3A_30 : memref<128x128xf32, #tpu.memory_space<hbm>>)
    %dma_wait3A_31 = arith.constant 0 : i32
    %dma_wait3A_32 = tpu.memref_slice %arg8[%dma_wait3A_31] : memref<2621440xf32, #tpu.memory_space<hbm>> -> memref<1024xf32, #tpu.memory_space<hbm>>
    %dma_wait3A_33 = arith.constant 0 : i32
    %dma_wait3A_34 = tpu.memref_slice %arg8[%dma_wait3A_33] : memref<2621440xf32, #tpu.memory_space<hbm>> -> memref<1024xf32, #tpu.memory_space<hbm>>
    tpu.wait_dma2 semaphore(%arg19 : memref<!tpu.dma_semaphore, #tpu.memory_space<semaphore_mem>>) src(%arg21 : memref<1024xf32, #tpu.memory_space<vmem>>) dst(%dma_wait3A_34 : memref<1024xf32, #tpu.memory_space<hbm>>)
    %dma_wait3A_35 = arith.constant 0 : i32
    %dma_wait3A_36 = arith.constant 0 : i32
    %dma_wait3A_37 = tpu.memref_slice %arg7[%dma_wait3A_35, %dma_wait3A_36] : memref<327680x128xf32, #tpu.memory_space<hbm>> -> memref<128x128xf32, #tpu.memory_space<hbm>>
    %dma_wait3A_38 = arith.constant 0 : i32
    %dma_wait3A_39 = arith.constant 0 : i32
    %dma_wait3A_40 = tpu.memref_slice %arg7[%dma_wait3A_38, %dma_wait3A_39] : memref<327680x128xf32, #tpu.memory_space<hbm>> -> memref<128x128xf32, #tpu.memory_space<hbm>>
    tpu.wait_dma2 semaphore(%arg20 : memref<!tpu.dma_semaphore, #tpu.memory_space<semaphore_mem>>) src(%arg14 : memref<128x128xf32, #tpu.memory_space<vmem>>) dst(%dma_wait3A_40 : memref<128x128xf32, #tpu.memory_space<hbm>>)
    %dma_wait3A_41 = arith.constant 0 : i32
    %dma_wait3A_42 = tpu.memref_slice %arg8[%dma_wait3A_41] : memref<2621440xf32, #tpu.memory_space<hbm>> -> memref<1024xf32, #tpu.memory_space<hbm>>
    %dma_wait3A_43 = arith.constant 0 : i32
    %dma_wait3A_44 = tpu.memref_slice %arg8[%dma_wait3A_43] : memref<2621440xf32, #tpu.memory_space<hbm>> -> memref<1024xf32, #tpu.memory_space<hbm>>
    tpu.wait_dma2 semaphore(%arg20 : memref<!tpu.dma_semaphore, #tpu.memory_space<semaphore_mem>>) src(%arg22 : memref<1024xf32, #tpu.memory_space<vmem>>) dst(%dma_wait3A_44 : memref<1024xf32, #tpu.memory_space<hbm>>)
    return
  }
}

#map = affine_map<(d0, d1) -> (0)>
#map1 = affine_map<(d0, d1) -> (0, 0)>
#map2 = affine_map<(d0, d1) -> (0, 0, 0)>
module attributes {stable_mosaic.version = 14 : i64} {
  func.func @body(%arg0: i32, %arg1: i32, %arg2: memref<327680xi32, #tpu.memory_space<hbm>>, %arg3: memref<327680x128xf32, #tpu.memory_space<hbm>>, %arg4: memref<2x10240x128xf32, #tpu.memory_space<hbm>>, %arg5: memref<128xi32, #tpu.memory_space<vmem>>, %arg6: memref<128xi32, #tpu.memory_space<vmem>>, %arg7: memref<128x128xf32, #tpu.memory_space<vmem>>, %arg8: memref<128x128xf32, #tpu.memory_space<vmem>>, %arg9: memref<10240x128xf32, #tpu.memory_space<vmem_shared>>, %arg10: memref<!tpu.dma_semaphore, #tpu.memory_space<semaphore_mem>>, %arg11: memref<!tpu.dma_semaphore, #tpu.memory_space<semaphore_mem>>, %arg12: memref<!tpu.dma_semaphore, #tpu.memory_space<semaphore_mem>>, %arg13: memref<!tpu.dma_semaphore, #tpu.memory_space<semaphore_mem>>) attributes {dimension_semantics = [#tpu.dimension_semantics<core_parallel>, #tpu.dimension_semantics<subcore_parallel>], iteration_bounds = array<i64: 2, 16>, scalar_prefetch = 0 : i64, scratch_operands = 9 : i64, tpu.core_type = #tpu.core_type<sc_vector_subcore>, window_params = [{transform_indices = #map}, {transform_indices = #map1}, {transform_indices = #map2}]} {
    %mul3A = arith.constant 2 : i32
    %mul3A_0 = arith.muli %arg1, %mul3A : i32
    %add3A = arith.addi %mul3A_0, %arg0 : i32
    %scan3A = arith.constant 0 : i32
    %scan3A_1 = arith.constant 0 : i32
    %scan3A_2 = arith.constant 128 : i32
    %scan3A_3 = arith.addi %scan3A_1, %scan3A_2 : i32
    %scan3A_4 = arith.constant 1 : i32
    scf.for %scan3A_42 = %scan3A_1 to %scan3A_3 step %scan3A_4  : i32 {
      %broadcast_in_dim3A = arith.constant 0.000000e+00 : f32
      %broadcast_in_dim3A_43 = vector.broadcast %broadcast_in_dim3A : f32 to vector<16xf32>
      %swap3A = arith.index_cast %scan3A_42 : i32 to index
      %swap3A_44 = arith.constant 0 : index
      %swap3A_45 = tpu.vector_load %arg7[%swap3A, %swap3A_44] {strides = array<i32>} : memref<128x128xf32, #tpu.memory_space<vmem>>, vector<1x16xf32>,
      %swap3A_46 = vector.shape_cast %swap3A_45 : vector<1x16xf32> to vector<16xf32>
      %swap3A_47 = vector.shape_cast %broadcast_in_dim3A_43 : vector<16xf32> to vector<1x16xf32>
      tpu.vector_store %arg7[%swap3A, %swap3A_44], %swap3A_47 {strides = array<i32>} : memref<128x128xf32, #tpu.memory_space<vmem>>, vector<1x16xf32>,
      %broadcast_in_dim3A_48 = arith.constant 0.000000e+00 : f32
      %broadcast_in_dim3A_49 = vector.broadcast %broadcast_in_dim3A_48 : f32 to vector<16xf32>
      %swap3A_50 = arith.index_cast %scan3A_42 : i32 to index
      %swap3A_51 = arith.constant 16 : index
      %swap3A_52 = tpu.vector_load %arg7[%swap3A_50, %swap3A_51] {strides = array<i32>} : memref<128x128xf32, #tpu.memory_space<vmem>>, vector<1x16xf32>,
      %swap3A_53 = vector.shape_cast %swap3A_52 : vector<1x16xf32> to vector<16xf32>
      %swap3A_54 = vector.shape_cast %broadcast_in_dim3A_49 : vector<16xf32> to vector<1x16xf32>
      tpu.vector_store %arg7[%swap3A_50, %swap3A_51], %swap3A_54 {strides = array<i32>} : memref<128x128xf32, #tpu.memory_space<vmem>>, vector<1x16xf32>,
      %broadcast_in_dim3A_55 = arith.constant 0.000000e+00 : f32
      %broadcast_in_dim3A_56 = vector.broadcast %broadcast_in_dim3A_55 : f32 to vector<16xf32>
      %swap3A_57 = arith.index_cast %scan3A_42 : i32 to index
      %swap3A_58 = arith.constant 32 : index
      %swap3A_59 = tpu.vector_load %arg7[%swap3A_57, %swap3A_58] {strides = array<i32>} : memref<128x128xf32, #tpu.memory_space<vmem>>, vector<1x16xf32>,
      %swap3A_60 = vector.shape_cast %swap3A_59 : vector<1x16xf32> to vector<16xf32>
      %swap3A_61 = vector.shape_cast %broadcast_in_dim3A_56 : vector<16xf32> to vector<1x16xf32>
      tpu.vector_store %arg7[%swap3A_57, %swap3A_58], %swap3A_61 {strides = array<i32>} : memref<128x128xf32, #tpu.memory_space<vmem>>, vector<1x16xf32>,
      %broadcast_in_dim3A_62 = arith.constant 0.000000e+00 : f32
      %broadcast_in_dim3A_63 = vector.broadcast %broadcast_in_dim3A_62 : f32 to vector<16xf32>
      %swap3A_64 = arith.index_cast %scan3A_42 : i32 to index
      %swap3A_65 = arith.constant 48 : index
      %swap3A_66 = tpu.vector_load %arg7[%swap3A_64, %swap3A_65] {strides = array<i32>} : memref<128x128xf32, #tpu.memory_space<vmem>>, vector<1x16xf32>,
      %swap3A_67 = vector.shape_cast %swap3A_66 : vector<1x16xf32> to vector<16xf32>
      %swap3A_68 = vector.shape_cast %broadcast_in_dim3A_63 : vector<16xf32> to vector<1x16xf32>
      tpu.vector_store %arg7[%swap3A_64, %swap3A_65], %swap3A_68 {strides = array<i32>} : memref<128x128xf32, #tpu.memory_space<vmem>>, vector<1x16xf32>,
      %broadcast_in_dim3A_69 = arith.constant 0.000000e+00 : f32
      %broadcast_in_dim3A_70 = vector.broadcast %broadcast_in_dim3A_69 : f32 to vector<16xf32>
      %swap3A_71 = arith.index_cast %scan3A_42 : i32 to index
      %swap3A_72 = arith.constant 64 : index
      %swap3A_73 = tpu.vector_load %arg7[%swap3A_71, %swap3A_72] {strides = array<i32>} : memref<128x128xf32, #tpu.memory_space<vmem>>, vector<1x16xf32>,
      %swap3A_74 = vector.shape_cast %swap3A_73 : vector<1x16xf32> to vector<16xf32>
      %swap3A_75 = vector.shape_cast %broadcast_in_dim3A_70 : vector<16xf32> to vector<1x16xf32>
      tpu.vector_store %arg7[%swap3A_71, %swap3A_72], %swap3A_75 {strides = array<i32>} : memref<128x128xf32, #tpu.memory_space<vmem>>, vector<1x16xf32>,
      %broadcast_in_dim3A_76 = arith.constant 0.000000e+00 : f32
      %broadcast_in_dim3A_77 = vector.broadcast %broadcast_in_dim3A_76 : f32 to vector<16xf32>
      %swap3A_78 = arith.index_cast %scan3A_42 : i32 to index
      %swap3A_79 = arith.constant 80 : index
      %swap3A_80 = tpu.vector_load %arg7[%swap3A_78, %swap3A_79] {strides = array<i32>} : memref<128x128xf32, #tpu.memory_space<vmem>>, vector<1x16xf32>,
      %swap3A_81 = vector.shape_cast %swap3A_80 : vector<1x16xf32> to vector<16xf32>
      %swap3A_82 = vector.shape_cast %broadcast_in_dim3A_77 : vector<16xf32> to vector<1x16xf32>
      tpu.vector_store %arg7[%swap3A_78, %swap3A_79], %swap3A_82 {strides = array<i32>} : memref<128x128xf32, #tpu.memory_space<vmem>>, vector<1x16xf32>,
      %broadcast_in_dim3A_83 = arith.constant 0.000000e+00 : f32
      %broadcast_in_dim3A_84 = vector.broadcast %broadcast_in_dim3A_83 : f32 to vector<16xf32>
      %swap3A_85 = arith.index_cast %scan3A_42 : i32 to index
      %swap3A_86 = arith.constant 96 : index
      %swap3A_87 = tpu.vector_load %arg7[%swap3A_85, %swap3A_86] {strides = array<i32>} : memref<128x128xf32, #tpu.memory_space<vmem>>, vector<1x16xf32>,
      %swap3A_88 = vector.shape_cast %swap3A_87 : vector<1x16xf32> to vector<16xf32>
      %swap3A_89 = vector.shape_cast %broadcast_in_dim3A_84 : vector<16xf32> to vector<1x16xf32>
      tpu.vector_store %arg7[%swap3A_85, %swap3A_86], %swap3A_89 {strides = array<i32>} : memref<128x128xf32, #tpu.memory_space<vmem>>, vector<1x16xf32>,
      %broadcast_in_dim3A_90 = arith.constant 0.000000e+00 : f32
      %broadcast_in_dim3A_91 = vector.broadcast %broadcast_in_dim3A_90 : f32 to vector<16xf32>
      %swap3A_92 = arith.index_cast %scan3A_42 : i32 to index
      %swap3A_93 = arith.constant 112 : index
      %swap3A_94 = tpu.vector_load %arg7[%swap3A_92, %swap3A_93] {strides = array<i32>} : memref<128x128xf32, #tpu.memory_space<vmem>>, vector<1x16xf32>,
      %swap3A_95 = vector.shape_cast %swap3A_94 : vector<1x16xf32> to vector<16xf32>
      %swap3A_96 = vector.shape_cast %broadcast_in_dim3A_91 : vector<16xf32> to vector<1x16xf32>
      tpu.vector_store %arg7[%swap3A_92, %swap3A_93], %swap3A_96 {strides = array<i32>} : memref<128x128xf32, #tpu.memory_space<vmem>>, vector<1x16xf32>,
    }
    %scan3A_5 = arith.constant 128 : i32
    %scan3A_6 = arith.constant 0 : i32
    %scan3A_7 = arith.constant 0 : i32
    %scan3A_8 = arith.constant 5 : i32
    %scan3A_9 = arith.addi %scan3A_7, %scan3A_8 : i32
    %scan3A_10 = arith.constant 1 : i32
    scf.for %scan3A_42 = %scan3A_7 to %scan3A_9 step %scan3A_10  : i32 {
      %mul3A_43 = arith.constant 5 : i32
      %mul3A_44 = arith.muli %arg1, %mul3A_43 : i32
      %add3A_45 = arith.addi %mul3A_44, %scan3A_42 : i32
      %mul3A_46 = arith.constant 128 : i32
      %mul3A_47 = arith.muli %add3A_45, %mul3A_46 : i32
      "tpu.region"() ({
        %run_scoped3A = tpu.sem_alloc : memref<!tpu.dma_semaphore, #tpu.memory_space<semaphore_mem>>
        %dma_start3A_48 = arith.constant 0 : i32
        %dma_start3A_49 = tpu.memref_slice %arg9[%mul3A_47, %dma_start3A_48] : memref<10240x128xf32, #tpu.memory_space<vmem_shared>> -> memref<128x128xf32, #tpu.memory_space<vmem_shared>>
        %dma_start3A_50 = arith.constant 0 : i32
        %dma_start3A_51 = tpu.memref_slice %arg9[%mul3A_47, %dma_start3A_50] : memref<10240x128xf32, #tpu.memory_space<vmem_shared>> -> memref<128x128xf32, #tpu.memory_space<vmem_shared>>
        tpu.enqueue_dma source(%arg7 : memref<128x128xf32, #tpu.memory_space<vmem>>) target(%dma_start3A_51 : memref<128x128xf32, #tpu.memory_space<vmem_shared>>) target_semaphore(%run_scoped3A : memref<!tpu.dma_semaphore, #tpu.memory_space<semaphore_mem>>)
        %dma_wait3A = arith.constant 0 : i32
        %dma_wait3A_52 = tpu.memref_slice %arg9[%mul3A_47, %dma_wait3A] : memref<10240x128xf32, #tpu.memory_space<vmem_shared>> -> memref<128x128xf32, #tpu.memory_space<vmem_shared>>
        %dma_wait3A_53 = arith.constant 0 : i32
        %dma_wait3A_54 = tpu.memref_slice %arg9[%mul3A_47, %dma_wait3A_53] : memref<10240x128xf32, #tpu.memory_space<vmem_shared>> -> memref<128x128xf32, #tpu.memory_space<vmem_shared>>
        tpu.wait_dma2 semaphore(%run_scoped3A : memref<!tpu.dma_semaphore, #tpu.memory_space<semaphore_mem>>) src(%arg7 : memref<128x128xf32, #tpu.memory_space<vmem>>) dst(%dma_wait3A_54 : memref<128x128xf32, #tpu.memory_space<vmem_shared>>)
        tpu.yield
      }) : () -> ()
    }
    %scan3A_11 = arith.constant 5 : i32
    %barrier3A = arith.constant 0 : index
    tpu.barrier barrier_id(%barrier3A)
    %mul3A_12 = arith.constant 10240 : i32
    %mul3A_13 = arith.muli %add3A, %mul3A_12 : i32
    %add3A_14 = arith.constant 0 : i32
    %add3A_15 = arith.addi %mul3A_13, %add3A_14 : i32
    %dma_start3A = tpu.memref_slice %arg2[%add3A_15] : memref<327680xi32, #tpu.memory_space<hbm>> -> memref<128xi32, #tpu.memory_space<hbm>>
    %dma_start3A_16 = tpu.memref_slice %arg2[%add3A_15] : memref<327680xi32, #tpu.memory_space<hbm>> -> memref<128xi32, #tpu.memory_space<hbm>>
    tpu.enqueue_dma source(%dma_start3A_16 : memref<128xi32, #tpu.memory_space<hbm>>) target(%arg5 : memref<128xi32, #tpu.memory_space<vmem>>) target_semaphore(%arg10 : memref<!tpu.dma_semaphore, #tpu.memory_space<semaphore_mem>>)
    %dma_start3A_17 = arith.constant 0 : i32
    %dma_start3A_18 = tpu.memref_slice %arg3[%add3A_15, %dma_start3A_17] : memref<327680x128xf32, #tpu.memory_space<hbm>> -> memref<128x128xf32, #tpu.memory_space<hbm>>
    %dma_start3A_19 = arith.constant 0 : i32
    %dma_start3A_20 = tpu.memref_slice %arg3[%add3A_15, %dma_start3A_19] : memref<327680x128xf32, #tpu.memory_space<hbm>> -> memref<128x128xf32, #tpu.memory_space<hbm>>
    tpu.enqueue_dma source(%dma_start3A_20 : memref<128x128xf32, #tpu.memory_space<hbm>>) target(%arg7 : memref<128x128xf32, #tpu.memory_space<vmem>>) target_semaphore(%arg10 : memref<!tpu.dma_semaphore, #tpu.memory_space<semaphore_mem>>)
    %add3A_21 = arith.constant 128 : i32
    %add3A_22 = arith.addi %mul3A_13, %add3A_21 : i32
    %dma_start3A_23 = tpu.memref_slice %arg2[%add3A_22] : memref<327680xi32, #tpu.memory_space<hbm>> -> memref<128xi32, #tpu.memory_space<hbm>>
    %dma_start3A_24 = tpu.memref_slice %arg2[%add3A_22] : memref<327680xi32, #tpu.memory_space<hbm>> -> memref<128xi32, #tpu.memory_space<hbm>>
    tpu.enqueue_dma source(%dma_start3A_24 : memref<128xi32, #tpu.memory_space<hbm>>) target(%arg6 : memref<128xi32, #tpu.memory_space<vmem>>) target_semaphore(%arg11 : memref<!tpu.dma_semaphore, #tpu.memory_space<semaphore_mem>>)
    %dma_start3A_25 = arith.constant 0 : i32
    %dma_start3A_26 = tpu.memref_slice %arg3[%add3A_22, %dma_start3A_25] : memref<327680x128xf32, #tpu.memory_space<hbm>> -> memref<128x128xf32, #tpu.memory_space<hbm>>
    %dma_start3A_27 = arith.constant 0 : i32
    %dma_start3A_28 = tpu.memref_slice %arg3[%add3A_22, %dma_start3A_27] : memref<327680x128xf32, #tpu.memory_space<hbm>> -> memref<128x128xf32, #tpu.memory_space<hbm>>
    tpu.enqueue_dma source(%dma_start3A_28 : memref<128x128xf32, #tpu.memory_space<hbm>>) target(%arg8 : memref<128x128xf32, #tpu.memory_space<vmem>>) target_semaphore(%arg11 : memref<!tpu.dma_semaphore, #tpu.memory_space<semaphore_mem>>)
    %scan3A_29 = arith.constant 0 : i32
    %scan3A_30 = arith.constant 0 : i32
    %scan3A_31 = arith.constant 40 : i32
    %scan3A_32 = arith.addi %scan3A_30, %scan3A_31 : i32
    %scan3A_33 = arith.constant 1 : i32
    scf.for %scan3A_42 = %scan3A_30 to %scan3A_32 step %scan3A_33  : i32 {
      %mul3A_43 = arith.constant 2 : i32
      %mul3A_44 = arith.muli %mul3A_43, %scan3A_42 : i32
      %add3A_45 = arith.constant 0 : i32
      %add3A_46 = arith.addi %mul3A_44, %add3A_45 : i32
      %dma_wait3A = arith.constant 0 : i32
      %dma_wait3A_47 = tpu.memref_slice %arg2[%dma_wait3A] : memref<327680xi32, #tpu.memory_space<hbm>> -> memref<128xi32, #tpu.memory_space<hbm>>
      %dma_wait3A_48 = arith.constant 0 : i32
      %dma_wait3A_49 = tpu.memref_slice %arg2[%dma_wait3A_48] : memref<327680xi32, #tpu.memory_space<hbm>> -> memref<128xi32, #tpu.memory_space<hbm>>
      tpu.wait_dma2 semaphore(%arg10 : memref<!tpu.dma_semaphore, #tpu.memory_space<semaphore_mem>>) src(%dma_wait3A_49 : memref<128xi32, #tpu.memory_space<hbm>>) dst(%arg5 : memref<128xi32, #tpu.memory_space<vmem>>)
      %dma_wait3A_50 = arith.constant 0 : i32
      %dma_wait3A_51 = arith.constant 0 : i32
      %dma_wait3A_52 = tpu.memref_slice %arg3[%dma_wait3A_50, %dma_wait3A_51] : memref<327680x128xf32, #tpu.memory_space<hbm>> -> memref<128x128xf32, #tpu.memory_space<hbm>>
      %dma_wait3A_53 = arith.constant 0 : i32
      %dma_wait3A_54 = arith.constant 0 : i32
      %dma_wait3A_55 = tpu.memref_slice %arg3[%dma_wait3A_53, %dma_wait3A_54] : memref<327680x128xf32, #tpu.memory_space<hbm>> -> memref<128x128xf32, #tpu.memory_space<hbm>>
      tpu.wait_dma2 semaphore(%arg10 : memref<!tpu.dma_semaphore, #tpu.memory_space<semaphore_mem>>) src(%dma_wait3A_55 : memref<128x128xf32, #tpu.memory_space<hbm>>) dst(%arg7 : memref<128x128xf32, #tpu.memory_space<vmem>>)
      "tpu.region"() ({
        %run_scoped3A = tpu.sem_alloc : memref<!tpu.dma_semaphore, #tpu.memory_space<semaphore_mem>>
        %dma_start3A_81 = arith.constant 0 : i32
        %dma_start3A_82 = arith.constant 0 : i32
        %dma_start3A_83 = tpu.memref_slice %arg9[%dma_start3A_81, %dma_start3A_82] : memref<10240x128xf32, #tpu.memory_space<vmem_shared>> -> memref<10240x128xf32, #tpu.memory_space<vmem_shared>>
        tpu.enqueue_indirect_dma source(%arg7 : memref<128x128xf32, #tpu.memory_space<vmem>>) target(%dma_start3A_83 : memref<10240x128xf32, #tpu.memory_space<vmem_shared>>) offsets(%arg5 : memref<128xi32, #tpu.memory_space<vmem>>) semaphore(%run_scoped3A : memref<!tpu.dma_semaphore, #tpu.memory_space<semaphore_mem>>) {add = true}
        %dma_wait3A_84 = arith.constant 0 : i32
        %dma_wait3A_85 = arith.constant 0 : i32
        %dma_wait3A_86 = tpu.memref_slice %arg9[%dma_wait3A_84, %dma_wait3A_85] : memref<10240x128xf32, #tpu.memory_space<vmem_shared>> -> memref<10240x128xf32, #tpu.memory_space<vmem_shared>>
        tpu.wait_indirect_dma semaphore(%run_scoped3A : memref<!tpu.dma_semaphore, #tpu.memory_space<semaphore_mem>>) src(%arg7 : memref<128x128xf32, #tpu.memory_space<vmem>>) dst(%dma_wait3A_86 : memref<10240x128xf32, #tpu.memory_space<vmem_shared>>)
        tpu.yield
      }) : () -> ()
      %add3A_56 = arith.constant 2 : i32
      %add3A_57 = arith.addi %add3A_46, %add3A_56 : i32
      %lt3A = arith.constant 80 : i32
      %lt3A_58 = arith.cmpi slt, %add3A_57, %lt3A : i32
      %convert_element_type3A = arith.extui %lt3A_58 : i1 to i32
      %cond3A = arith.constant 0 : i32
      %cond3A_59 = arith.cmpi ne, %convert_element_type3A, %cond3A : i32
      scf.if %cond3A_59 {
        %add3A_81 = arith.constant 2 : i32
        %add3A_82 = arith.addi %add3A_46, %add3A_81 : i32
        %mul3A_83 = arith.constant 128 : i32
        %mul3A_84 = arith.muli %add3A_82, %mul3A_83 : i32
        %add3A_85 = arith.addi %mul3A_13, %mul3A_84 : i32
        %dma_start3A_86 = tpu.memref_slice %arg2[%add3A_85] : memref<327680xi32, #tpu.memory_space<hbm>> -> memref<128xi32, #tpu.memory_space<hbm>>
        %dma_start3A_87 = tpu.memref_slice %arg2[%add3A_85] : memref<327680xi32, #tpu.memory_space<hbm>> -> memref<128xi32, #tpu.memory_space<hbm>>
        tpu.enqueue_dma source(%dma_start3A_87 : memref<128xi32, #tpu.memory_space<hbm>>) target(%arg5 : memref<128xi32, #tpu.memory_space<vmem>>) target_semaphore(%arg10 : memref<!tpu.dma_semaphore, #tpu.memory_space<semaphore_mem>>)
        %dma_start3A_88 = arith.constant 0 : i32
        %dma_start3A_89 = tpu.memref_slice %arg3[%add3A_85, %dma_start3A_88] : memref<327680x128xf32, #tpu.memory_space<hbm>> -> memref<128x128xf32, #tpu.memory_space<hbm>>
        %dma_start3A_90 = arith.constant 0 : i32
        %dma_start3A_91 = tpu.memref_slice %arg3[%add3A_85, %dma_start3A_90] : memref<327680x128xf32, #tpu.memory_space<hbm>> -> memref<128x128xf32, #tpu.memory_space<hbm>>
        tpu.enqueue_dma source(%dma_start3A_91 : memref<128x128xf32, #tpu.memory_space<hbm>>) target(%arg7 : memref<128x128xf32, #tpu.memory_space<vmem>>) target_semaphore(%arg10 : memref<!tpu.dma_semaphore, #tpu.memory_space<semaphore_mem>>)
      } else {
      }
      %mul3A_60 = arith.constant 2 : i32
      %mul3A_61 = arith.muli %mul3A_60, %scan3A_42 : i32
      %add3A_62 = arith.constant 1 : i32
      %add3A_63 = arith.addi %mul3A_61, %add3A_62 : i32
      %dma_wait3A_64 = arith.constant 0 : i32
      %dma_wait3A_65 = tpu.memref_slice %arg2[%dma_wait3A_64] : memref<327680xi32, #tpu.memory_space<hbm>> -> memref<128xi32, #tpu.memory_space<hbm>>
      %dma_wait3A_66 = arith.constant 0 : i32
      %dma_wait3A_67 = tpu.memref_slice %arg2[%dma_wait3A_66] : memref<327680xi32, #tpu.memory_space<hbm>> -> memref<128xi32, #tpu.memory_space<hbm>>
      tpu.wait_dma2 semaphore(%arg11 : memref<!tpu.dma_semaphore, #tpu.memory_space<semaphore_mem>>) src(%dma_wait3A_67 : memref<128xi32, #tpu.memory_space<hbm>>) dst(%arg6 : memref<128xi32, #tpu.memory_space<vmem>>)
      %dma_wait3A_68 = arith.constant 0 : i32
      %dma_wait3A_69 = arith.constant 0 : i32
      %dma_wait3A_70 = tpu.memref_slice %arg3[%dma_wait3A_68, %dma_wait3A_69] : memref<327680x128xf32, #tpu.memory_space<hbm>> -> memref<128x128xf32, #tpu.memory_space<hbm>>
      %dma_wait3A_71 = arith.constant 0 : i32
      %dma_wait3A_72 = arith.constant 0 : i32
      %dma_wait3A_73 = tpu.memref_slice %arg3[%dma_wait3A_71, %dma_wait3A_72] : memref<327680x128xf32, #tpu.memory_space<hbm>> -> memref<128x128xf32, #tpu.memory_space<hbm>>
      tpu.wait_dma2 semaphore(%arg11 : memref<!tpu.dma_semaphore, #tpu.memory_space<semaphore_mem>>) src(%dma_wait3A_73 : memref<128x128xf32, #tpu.memory_space<hbm>>) dst(%arg8 : memref<128x128xf32, #tpu.memory_space<vmem>>)
      "tpu.region"() ({
        %run_scoped3A = tpu.sem_alloc : memref<!tpu.dma_semaphore, #tpu.memory_space<semaphore_mem>>
        %dma_start3A_81 = arith.constant 0 : i32
        %dma_start3A_82 = arith.constant 0 : i32
        %dma_start3A_83 = tpu.memref_slice %arg9[%dma_start3A_81, %dma_start3A_82] : memref<10240x128xf32, #tpu.memory_space<vmem_shared>> -> memref<10240x128xf32, #tpu.memory_space<vmem_shared>>
        tpu.enqueue_indirect_dma source(%arg8 : memref<128x128xf32, #tpu.memory_space<vmem>>) target(%dma_start3A_83 : memref<10240x128xf32, #tpu.memory_space<vmem_shared>>) offsets(%arg6 : memref<128xi32, #tpu.memory_space<vmem>>) semaphore(%run_scoped3A : memref<!tpu.dma_semaphore, #tpu.memory_space<semaphore_mem>>) {add = true}
        %dma_wait3A_84 = arith.constant 0 : i32
        %dma_wait3A_85 = arith.constant 0 : i32
        %dma_wait3A_86 = tpu.memref_slice %arg9[%dma_wait3A_84, %dma_wait3A_85] : memref<10240x128xf32, #tpu.memory_space<vmem_shared>> -> memref<10240x128xf32, #tpu.memory_space<vmem_shared>>
        tpu.wait_indirect_dma semaphore(%run_scoped3A : memref<!tpu.dma_semaphore, #tpu.memory_space<semaphore_mem>>) src(%arg8 : memref<128x128xf32, #tpu.memory_space<vmem>>) dst(%dma_wait3A_86 : memref<10240x128xf32, #tpu.memory_space<vmem_shared>>)
        tpu.yield
      }) : () -> ()
      %add3A_74 = arith.constant 2 : i32
      %add3A_75 = arith.addi %add3A_63, %add3A_74 : i32
      %lt3A_76 = arith.constant 80 : i32
      %lt3A_77 = arith.cmpi slt, %add3A_75, %lt3A_76 : i32
      %convert_element_type3A_78 = arith.extui %lt3A_77 : i1 to i32
      %cond3A_79 = arith.constant 0 : i32
      %cond3A_80 = arith.cmpi ne, %convert_element_type3A_78, %cond3A_79 : i32
      scf.if %cond3A_80 {
        %add3A_81 = arith.constant 2 : i32
        %add3A_82 = arith.addi %add3A_63, %add3A_81 : i32
        %mul3A_83 = arith.constant 128 : i32
        %mul3A_84 = arith.muli %add3A_82, %mul3A_83 : i32
        %add3A_85 = arith.addi %mul3A_13, %mul3A_84 : i32
        %dma_start3A_86 = tpu.memref_slice %arg2[%add3A_85] : memref<327680xi32, #tpu.memory_space<hbm>> -> memref<128xi32, #tpu.memory_space<hbm>>
        %dma_start3A_87 = tpu.memref_slice %arg2[%add3A_85] : memref<327680xi32, #tpu.memory_space<hbm>> -> memref<128xi32, #tpu.memory_space<hbm>>
        tpu.enqueue_dma source(%dma_start3A_87 : memref<128xi32, #tpu.memory_space<hbm>>) target(%arg6 : memref<128xi32, #tpu.memory_space<vmem>>) target_semaphore(%arg11 : memref<!tpu.dma_semaphore, #tpu.memory_space<semaphore_mem>>)
        %dma_start3A_88 = arith.constant 0 : i32
        %dma_start3A_89 = tpu.memref_slice %arg3[%add3A_85, %dma_start3A_88] : memref<327680x128xf32, #tpu.memory_space<hbm>> -> memref<128x128xf32, #tpu.memory_space<hbm>>
        %dma_start3A_90 = arith.constant 0 : i32
        %dma_start3A_91 = tpu.memref_slice %arg3[%add3A_85, %dma_start3A_90] : memref<327680x128xf32, #tpu.memory_space<hbm>> -> memref<128x128xf32, #tpu.memory_space<hbm>>
        tpu.enqueue_dma source(%dma_start3A_91 : memref<128x128xf32, #tpu.memory_space<hbm>>) target(%arg8 : memref<128x128xf32, #tpu.memory_space<vmem>>) target_semaphore(%arg11 : memref<!tpu.dma_semaphore, #tpu.memory_space<semaphore_mem>>)
      } else {
      }
    }
    %scan3A_34 = arith.constant 40 : i32
    %barrier3A_35 = arith.constant 0 : index
    tpu.barrier barrier_id(%barrier3A_35)
    %scan3A_36 = arith.constant 0 : i32
    %scan3A_37 = arith.constant 0 : i32
    %scan3A_38 = arith.constant 5 : i32
    %scan3A_39 = arith.addi %scan3A_37, %scan3A_38 : i32
    %scan3A_40 = arith.constant 1 : i32
    scf.for %scan3A_42 = %scan3A_37 to %scan3A_39 step %scan3A_40  : i32 {
      %mul3A_43 = arith.constant 5 : i32
      %mul3A_44 = arith.muli %arg1, %mul3A_43 : i32
      %add3A_45 = arith.addi %mul3A_44, %scan3A_42 : i32
      %mul3A_46 = arith.constant 128 : i32
      %mul3A_47 = arith.muli %add3A_45, %mul3A_46 : i32
      "tpu.region"() ({
        %run_scoped3A = tpu.sem_alloc : memref<!tpu.dma_semaphore, #tpu.memory_space<semaphore_mem>>
        %dma_start3A_48 = arith.constant 0 : i32
        %dma_start3A_49 = tpu.memref_slice %arg4[%arg0, %mul3A_47, %dma_start3A_48] : memref<2x10240x128xf32, #tpu.memory_space<hbm>> -> memref<1x128x128xf32, #tpu.memory_space<hbm>>
        %dma_start3A_50 = tpu.memref_squeeze %dma_start3A_49 : memref<1x128x128xf32, #tpu.memory_space<hbm>> -> memref<128x128xf32, #tpu.memory_space<hbm>>
        %dma_start3A_51 = arith.constant 0 : i32
        %dma_start3A_52 = tpu.memref_slice %arg9[%mul3A_47, %dma_start3A_51] : memref<10240x128xf32, #tpu.memory_space<vmem_shared>> -> memref<128x128xf32, #tpu.memory_space<vmem_shared>>
        tpu.enqueue_dma source(%dma_start3A_52 : memref<128x128xf32, #tpu.memory_space<vmem_shared>>) target(%dma_start3A_50 : memref<128x128xf32, #tpu.memory_space<hbm>>) target_semaphore(%run_scoped3A : memref<!tpu.dma_semaphore, #tpu.memory_space<semaphore_mem>>)
        %dma_wait3A = arith.constant 0 : i32
        %dma_wait3A_53 = tpu.memref_slice %arg4[%arg0, %mul3A_47, %dma_wait3A] : memref<2x10240x128xf32, #tpu.memory_space<hbm>> -> memref<1x128x128xf32, #tpu.memory_space<hbm>>
        %dma_wait3A_54 = tpu.memref_squeeze %dma_wait3A_53 : memref<1x128x128xf32, #tpu.memory_space<hbm>> -> memref<128x128xf32, #tpu.memory_space<hbm>>
        %dma_wait3A_55 = arith.constant 0 : i32
        %dma_wait3A_56 = tpu.memref_slice %arg9[%mul3A_47, %dma_wait3A_55] : memref<10240x128xf32, #tpu.memory_space<vmem_shared>> -> memref<128x128xf32, #tpu.memory_space<vmem_shared>>
        tpu.wait_dma2 semaphore(%run_scoped3A : memref<!tpu.dma_semaphore, #tpu.memory_space<semaphore_mem>>) src(%dma_wait3A_56 : memref<128x128xf32, #tpu.memory_space<vmem_shared>>) dst(%dma_wait3A_54 : memref<128x128xf32, #tpu.memory_space<hbm>>)
        tpu.yield
      }) : () -> ()
    }
    %scan3A_41 = arith.constant 5 : i32
    return
  }
}

#map = affine_map<(d0, d1) -> (0)>
#map1 = affine_map<(d0, d1) -> (0, 0)>
#map2 = affine_map<(d0, d1) -> (0, 0, 0)>
module attributes {stable_mosaic.version = 14 : i64} {
  func.func @body(%arg0: i32, %arg1: i32, %arg2: memref<327680xi32, #tpu.memory_space<hbm>>, %arg3: memref<327680x128xf32, #tpu.memory_space<hbm>>, %arg4: memref<2x10240x128xf32, #tpu.memory_space<hbm>>, %arg5: memref<128xi32, #tpu.memory_space<vmem>>, %arg6: memref<128xi32, #tpu.memory_space<vmem>>, %arg7: memref<128x128xf32, #tpu.memory_space<vmem>>, %arg8: memref<128x128xf32, #tpu.memory_space<vmem>>, %arg9: memref<10240x128xf32, #tpu.memory_space<vmem_shared>>, %arg10: memref<!tpu.dma_semaphore, #tpu.memory_space<semaphore_mem>>, %arg11: memref<!tpu.dma_semaphore, #tpu.memory_space<semaphore_mem>>, %arg12: memref<!tpu.dma_semaphore, #tpu.memory_space<semaphore_mem>>, %arg13: memref<!tpu.dma_semaphore, #tpu.memory_space<semaphore_mem>>) attributes {dimension_semantics = [#tpu.dimension_semantics<core_parallel>, #tpu.dimension_semantics<subcore_parallel>], iteration_bounds = array<i64: 2, 16>, scalar_prefetch = 0 : i64, scratch_operands = 9 : i64, tpu.core_type = #tpu.core_type<sc_vector_subcore>, window_params = [{transform_indices = #map}, {transform_indices = #map1}, {transform_indices = #map2}]} {
    %mul3A = arith.constant 2 : i32
    %mul3A_0 = arith.muli %arg1, %mul3A : i32
    %add3A = arith.addi %mul3A_0, %arg0 : i32
    %scan3A = arith.constant 0 : i32
    %scan3A_1 = arith.constant 0 : i32
    %scan3A_2 = arith.constant 128 : i32
    %scan3A_3 = arith.addi %scan3A_1, %scan3A_2 : i32
    %scan3A_4 = arith.constant 1 : i32
    scf.for %scan3A_42 = %scan3A_1 to %scan3A_3 step %scan3A_4  : i32 {
      %broadcast_in_dim3A = arith.constant 0.000000e+00 : f32
      %broadcast_in_dim3A_43 = vector.broadcast %broadcast_in_dim3A : f32 to vector<16xf32>
      %swap3A = arith.index_cast %scan3A_42 : i32 to index
      %swap3A_44 = arith.constant 0 : index
      %swap3A_45 = tpu.vector_load %arg7[%swap3A, %swap3A_44] {strides = array<i32>} : memref<128x128xf32, #tpu.memory_space<vmem>>, vector<1x16xf32>,
      %swap3A_46 = vector.shape_cast %swap3A_45 : vector<1x16xf32> to vector<16xf32>
      %swap3A_47 = vector.shape_cast %broadcast_in_dim3A_43 : vector<16xf32> to vector<1x16xf32>
      tpu.vector_store %arg7[%swap3A, %swap3A_44], %swap3A_47 {strides = array<i32>} : memref<128x128xf32, #tpu.memory_space<vmem>>, vector<1x16xf32>,
      %broadcast_in_dim3A_48 = arith.constant 0.000000e+00 : f32
      %broadcast_in_dim3A_49 = vector.broadcast %broadcast_in_dim3A_48 : f32 to vector<16xf32>
      %swap3A_50 = arith.index_cast %scan3A_42 : i32 to index
      %swap3A_51 = arith.constant 16 : index
      %swap3A_52 = tpu.vector_load %arg7[%swap3A_50, %swap3A_51] {strides = array<i32>} : memref<128x128xf32, #tpu.memory_space<vmem>>, vector<1x16xf32>,
      %swap3A_53 = vector.shape_cast %swap3A_52 : vector<1x16xf32> to vector<16xf32>
      %swap3A_54 = vector.shape_cast %broadcast_in_dim3A_49 : vector<16xf32> to vector<1x16xf32>
      tpu.vector_store %arg7[%swap3A_50, %swap3A_51], %swap3A_54 {strides = array<i32>} : memref<128x128xf32, #tpu.memory_space<vmem>>, vector<1x16xf32>,
      %broadcast_in_dim3A_55 = arith.constant 0.000000e+00 : f32
      %broadcast_in_dim3A_56 = vector.broadcast %broadcast_in_dim3A_55 : f32 to vector<16xf32>
      %swap3A_57 = arith.index_cast %scan3A_42 : i32 to index
      %swap3A_58 = arith.constant 32 : index
      %swap3A_59 = tpu.vector_load %arg7[%swap3A_57, %swap3A_58] {strides = array<i32>} : memref<128x128xf32, #tpu.memory_space<vmem>>, vector<1x16xf32>,
      %swap3A_60 = vector.shape_cast %swap3A_59 : vector<1x16xf32> to vector<16xf32>
      %swap3A_61 = vector.shape_cast %broadcast_in_dim3A_56 : vector<16xf32> to vector<1x16xf32>
      tpu.vector_store %arg7[%swap3A_57, %swap3A_58], %swap3A_61 {strides = array<i32>} : memref<128x128xf32, #tpu.memory_space<vmem>>, vector<1x16xf32>,
      %broadcast_in_dim3A_62 = arith.constant 0.000000e+00 : f32
      %broadcast_in_dim3A_63 = vector.broadcast %broadcast_in_dim3A_62 : f32 to vector<16xf32>
      %swap3A_64 = arith.index_cast %scan3A_42 : i32 to index
      %swap3A_65 = arith.constant 48 : index
      %swap3A_66 = tpu.vector_load %arg7[%swap3A_64, %swap3A_65] {strides = array<i32>} : memref<128x128xf32, #tpu.memory_space<vmem>>, vector<1x16xf32>,
      %swap3A_67 = vector.shape_cast %swap3A_66 : vector<1x16xf32> to vector<16xf32>
      %swap3A_68 = vector.shape_cast %broadcast_in_dim3A_63 : vector<16xf32> to vector<1x16xf32>
      tpu.vector_store %arg7[%swap3A_64, %swap3A_65], %swap3A_68 {strides = array<i32>} : memref<128x128xf32, #tpu.memory_space<vmem>>, vector<1x16xf32>,
      %broadcast_in_dim3A_69 = arith.constant 0.000000e+00 : f32
      %broadcast_in_dim3A_70 = vector.broadcast %broadcast_in_dim3A_69 : f32 to vector<16xf32>
      %swap3A_71 = arith.index_cast %scan3A_42 : i32 to index
      %swap3A_72 = arith.constant 64 : index
      %swap3A_73 = tpu.vector_load %arg7[%swap3A_71, %swap3A_72] {strides = array<i32>} : memref<128x128xf32, #tpu.memory_space<vmem>>, vector<1x16xf32>,
      %swap3A_74 = vector.shape_cast %swap3A_73 : vector<1x16xf32> to vector<16xf32>
      %swap3A_75 = vector.shape_cast %broadcast_in_dim3A_70 : vector<16xf32> to vector<1x16xf32>
      tpu.vector_store %arg7[%swap3A_71, %swap3A_72], %swap3A_75 {strides = array<i32>} : memref<128x128xf32, #tpu.memory_space<vmem>>, vector<1x16xf32>,
      %broadcast_in_dim3A_76 = arith.constant 0.000000e+00 : f32
      %broadcast_in_dim3A_77 = vector.broadcast %broadcast_in_dim3A_76 : f32 to vector<16xf32>
      %swap3A_78 = arith.index_cast %scan3A_42 : i32 to index
      %swap3A_79 = arith.constant 80 : index
      %swap3A_80 = tpu.vector_load %arg7[%swap3A_78, %swap3A_79] {strides = array<i32>} : memref<128x128xf32, #tpu.memory_space<vmem>>, vector<1x16xf32>,
      %swap3A_81 = vector.shape_cast %swap3A_80 : vector<1x16xf32> to vector<16xf32>
      %swap3A_82 = vector.shape_cast %broadcast_in_dim3A_77 : vector<16xf32> to vector<1x16xf32>
      tpu.vector_store %arg7[%swap3A_78, %swap3A_79], %swap3A_82 {strides = array<i32>} : memref<128x128xf32, #tpu.memory_space<vmem>>, vector<1x16xf32>,
      %broadcast_in_dim3A_83 = arith.constant 0.000000e+00 : f32
      %broadcast_in_dim3A_84 = vector.broadcast %broadcast_in_dim3A_83 : f32 to vector<16xf32>
      %swap3A_85 = arith.index_cast %scan3A_42 : i32 to index
      %swap3A_86 = arith.constant 96 : index
      %swap3A_87 = tpu.vector_load %arg7[%swap3A_85, %swap3A_86] {strides = array<i32>} : memref<128x128xf32, #tpu.memory_space<vmem>>, vector<1x16xf32>,
      %swap3A_88 = vector.shape_cast %swap3A_87 : vector<1x16xf32> to vector<16xf32>
      %swap3A_89 = vector.shape_cast %broadcast_in_dim3A_84 : vector<16xf32> to vector<1x16xf32>
      tpu.vector_store %arg7[%swap3A_85, %swap3A_86], %swap3A_89 {strides = array<i32>} : memref<128x128xf32, #tpu.memory_space<vmem>>, vector<1x16xf32>,
      %broadcast_in_dim3A_90 = arith.constant 0.000000e+00 : f32
      %broadcast_in_dim3A_91 = vector.broadcast %broadcast_in_dim3A_90 : f32 to vector<16xf32>
      %swap3A_92 = arith.index_cast %scan3A_42 : i32 to index
      %swap3A_93 = arith.constant 112 : index
      %swap3A_94 = tpu.vector_load %arg7[%swap3A_92, %swap3A_93] {strides = array<i32>} : memref<128x128xf32, #tpu.memory_space<vmem>>, vector<1x16xf32>,
      %swap3A_95 = vector.shape_cast %swap3A_94 : vector<1x16xf32> to vector<16xf32>
      %swap3A_96 = vector.shape_cast %broadcast_in_dim3A_91 : vector<16xf32> to vector<1x16xf32>
      tpu.vector_store %arg7[%swap3A_92, %swap3A_93], %swap3A_96 {strides = array<i32>} : memref<128x128xf32, #tpu.memory_space<vmem>>, vector<1x16xf32>,
    }
    %scan3A_5 = arith.constant 128 : i32
    %scan3A_6 = arith.constant 0 : i32
    %scan3A_7 = arith.constant 0 : i32
    %scan3A_8 = arith.constant 5 : i32
    %scan3A_9 = arith.addi %scan3A_7, %scan3A_8 : i32
    %scan3A_10 = arith.constant 1 : i32
    scf.for %scan3A_42 = %scan3A_7 to %scan3A_9 step %scan3A_10  : i32 {
      %mul3A_43 = arith.constant 5 : i32
      %mul3A_44 = arith.muli %arg1, %mul3A_43 : i32
      %add3A_45 = arith.addi %mul3A_44, %scan3A_42 : i32
      %mul3A_46 = arith.constant 128 : i32
      %mul3A_47 = arith.muli %add3A_45, %mul3A_46 : i32
      "tpu.region"() ({
        %run_scoped3A = tpu.sem_alloc : memref<!tpu.dma_semaphore, #tpu.memory_space<semaphore_mem>>
        %dma_start3A_48 = arith.constant 0 : i32
        %dma_start3A_49 = tpu.memref_slice %arg9[%mul3A_47, %dma_start3A_48] : memref<10240x128xf32, #tpu.memory_space<vmem_shared>> -> memref<128x128xf32, #tpu.memory_space<vmem_shared>>
        %dma_start3A_50 = arith.constant 0 : i32
        %dma_start3A_51 = tpu.memref_slice %arg9[%mul3A_47, %dma_start3A_50] : memref<10240x128xf32, #tpu.memory_space<vmem_shared>> -> memref<128x128xf32, #tpu.memory_space<vmem_shared>>
        tpu.enqueue_dma source(%arg7 : memref<128x128xf32, #tpu.memory_space<vmem>>) target(%dma_start3A_51 : memref<128x128xf32, #tpu.memory_space<vmem_shared>>) target_semaphore(%run_scoped3A : memref<!tpu.dma_semaphore, #tpu.memory_space<semaphore_mem>>)
        %dma_wait3A = arith.constant 0 : i32
        %dma_wait3A_52 = tpu.memref_slice %arg9[%mul3A_47, %dma_wait3A] : memref<10240x128xf32, #tpu.memory_space<vmem_shared>> -> memref<128x128xf32, #tpu.memory_space<vmem_shared>>
        %dma_wait3A_53 = arith.constant 0 : i32
        %dma_wait3A_54 = tpu.memref_slice %arg9[%mul3A_47, %dma_wait3A_53] : memref<10240x128xf32, #tpu.memory_space<vmem_shared>> -> memref<128x128xf32, #tpu.memory_space<vmem_shared>>
        tpu.wait_dma2 semaphore(%run_scoped3A : memref<!tpu.dma_semaphore, #tpu.memory_space<semaphore_mem>>) src(%arg7 : memref<128x128xf32, #tpu.memory_space<vmem>>) dst(%dma_wait3A_54 : memref<128x128xf32, #tpu.memory_space<vmem_shared>>)
        tpu.yield
      }) : () -> ()
    }
    %scan3A_11 = arith.constant 5 : i32
    %barrier3A = arith.constant 0 : index
    tpu.barrier barrier_id(%barrier3A)
    %mul3A_12 = arith.constant 10240 : i32
    %mul3A_13 = arith.muli %add3A, %mul3A_12 : i32
    %add3A_14 = arith.constant 0 : i32
    %add3A_15 = arith.addi %mul3A_13, %add3A_14 : i32
    %dma_start3A = tpu.memref_slice %arg2[%add3A_15] : memref<327680xi32, #tpu.memory_space<hbm>> -> memref<128xi32, #tpu.memory_space<hbm>>
    %dma_start3A_16 = tpu.memref_slice %arg2[%add3A_15] : memref<327680xi32, #tpu.memory_space<hbm>> -> memref<128xi32, #tpu.memory_space<hbm>>
    tpu.enqueue_dma source(%dma_start3A_16 : memref<128xi32, #tpu.memory_space<hbm>>) target(%arg5 : memref<128xi32, #tpu.memory_space<vmem>>) target_semaphore(%arg10 : memref<!tpu.dma_semaphore, #tpu.memory_space<semaphore_mem>>)
    %dma_start3A_17 = arith.constant 0 : i32
    %dma_start3A_18 = tpu.memref_slice %arg3[%add3A_15, %dma_start3A_17] : memref<327680x128xf32, #tpu.memory_space<hbm>> -> memref<128x128xf32, #tpu.memory_space<hbm>>
    %dma_start3A_19 = arith.constant 0 : i32
    %dma_start3A_20 = tpu.memref_slice %arg3[%add3A_15, %dma_start3A_19] : memref<327680x128xf32, #tpu.memory_space<hbm>> -> memref<128x128xf32, #tpu.memory_space<hbm>>
    tpu.enqueue_dma source(%dma_start3A_20 : memref<128x128xf32, #tpu.memory_space<hbm>>) target(%arg7 : memref<128x128xf32, #tpu.memory_space<vmem>>) target_semaphore(%arg10 : memref<!tpu.dma_semaphore, #tpu.memory_space<semaphore_mem>>)
    %add3A_21 = arith.constant 128 : i32
    %add3A_22 = arith.addi %mul3A_13, %add3A_21 : i32
    %dma_start3A_23 = tpu.memref_slice %arg2[%add3A_22] : memref<327680xi32, #tpu.memory_space<hbm>> -> memref<128xi32, #tpu.memory_space<hbm>>
    %dma_start3A_24 = tpu.memref_slice %arg2[%add3A_22] : memref<327680xi32, #tpu.memory_space<hbm>> -> memref<128xi32, #tpu.memory_space<hbm>>
    tpu.enqueue_dma source(%dma_start3A_24 : memref<128xi32, #tpu.memory_space<hbm>>) target(%arg6 : memref<128xi32, #tpu.memory_space<vmem>>) target_semaphore(%arg11 : memref<!tpu.dma_semaphore, #tpu.memory_space<semaphore_mem>>)
    %dma_start3A_25 = arith.constant 0 : i32
    %dma_start3A_26 = tpu.memref_slice %arg3[%add3A_22, %dma_start3A_25] : memref<327680x128xf32, #tpu.memory_space<hbm>> -> memref<128x128xf32, #tpu.memory_space<hbm>>
    %dma_start3A_27 = arith.constant 0 : i32
    %dma_start3A_28 = tpu.memref_slice %arg3[%add3A_22, %dma_start3A_27] : memref<327680x128xf32, #tpu.memory_space<hbm>> -> memref<128x128xf32, #tpu.memory_space<hbm>>
    tpu.enqueue_dma source(%dma_start3A_28 : memref<128x128xf32, #tpu.memory_space<hbm>>) target(%arg8 : memref<128x128xf32, #tpu.memory_space<vmem>>) target_semaphore(%arg11 : memref<!tpu.dma_semaphore, #tpu.memory_space<semaphore_mem>>)
    %scan3A_29 = arith.constant 0 : i32
    %scan3A_30 = arith.constant 0 : i32
    %scan3A_31 = arith.constant 40 : i32
    %scan3A_32 = arith.addi %scan3A_30, %scan3A_31 : i32
    %scan3A_33 = arith.constant 1 : i32
    scf.for %scan3A_42 = %scan3A_30 to %scan3A_32 step %scan3A_33  : i32 {
      %mul3A_43 = arith.constant 2 : i32
      %mul3A_44 = arith.muli %mul3A_43, %scan3A_42 : i32
      %add3A_45 = arith.constant 0 : i32
      %add3A_46 = arith.addi %mul3A_44, %add3A_45 : i32
      %dma_wait3A = arith.constant 0 : i32
      %dma_wait3A_47 = tpu.memref_slice %arg2[%dma_wait3A] : memref<327680xi32, #tpu.memory_space<hbm>> -> memref<128xi32, #tpu.memory_space<hbm>>
      %dma_wait3A_48 = arith.constant 0 : i32
      %dma_wait3A_49 = tpu.memref_slice %arg2[%dma_wait3A_48] : memref<327680xi32, #tpu.memory_space<hbm>> -> memref<128xi32, #tpu.memory_space<hbm>>
      tpu.wait_dma2 semaphore(%arg10 : memref<!tpu.dma_semaphore, #tpu.memory_space<semaphore_mem>>) src(%dma_wait3A_49 : memref<128xi32, #tpu.memory_space<hbm>>) dst(%arg5 : memref<128xi32, #tpu.memory_space<vmem>>)
      %dma_wait3A_50 = arith.constant 0 : i32
      %dma_wait3A_51 = arith.constant 0 : i32
      %dma_wait3A_52 = tpu.memref_slice %arg3[%dma_wait3A_50, %dma_wait3A_51] : memref<327680x128xf32, #tpu.memory_space<hbm>> -> memref<128x128xf32, #tpu.memory_space<hbm>>
      %dma_wait3A_53 = arith.constant 0 : i32
      %dma_wait3A_54 = arith.constant 0 : i32
      %dma_wait3A_55 = tpu.memref_slice %arg3[%dma_wait3A_53, %dma_wait3A_54] : memref<327680x128xf32, #tpu.memory_space<hbm>> -> memref<128x128xf32, #tpu.memory_space<hbm>>
      tpu.wait_dma2 semaphore(%arg10 : memref<!tpu.dma_semaphore, #tpu.memory_space<semaphore_mem>>) src(%dma_wait3A_55 : memref<128x128xf32, #tpu.memory_space<hbm>>) dst(%arg7 : memref<128x128xf32, #tpu.memory_space<vmem>>)
      "tpu.region"() ({
        %run_scoped3A = tpu.sem_alloc : memref<!tpu.dma_semaphore, #tpu.memory_space<semaphore_mem>>
        %dma_start3A_81 = arith.constant 0 : i32
        %dma_start3A_82 = arith.constant 0 : i32
        %dma_start3A_83 = tpu.memref_slice %arg9[%dma_start3A_81, %dma_start3A_82] : memref<10240x128xf32, #tpu.memory_space<vmem_shared>> -> memref<10240x128xf32, #tpu.memory_space<vmem_shared>>
        tpu.enqueue_indirect_dma source(%arg7 : memref<128x128xf32, #tpu.memory_space<vmem>>) target(%dma_start3A_83 : memref<10240x128xf32, #tpu.memory_space<vmem_shared>>) offsets(%arg5 : memref<128xi32, #tpu.memory_space<vmem>>) semaphore(%run_scoped3A : memref<!tpu.dma_semaphore, #tpu.memory_space<semaphore_mem>>) {add = true}
        %dma_wait3A_84 = arith.constant 0 : i32
        %dma_wait3A_85 = arith.constant 0 : i32
        %dma_wait3A_86 = tpu.memref_slice %arg9[%dma_wait3A_84, %dma_wait3A_85] : memref<10240x128xf32, #tpu.memory_space<vmem_shared>> -> memref<10240x128xf32, #tpu.memory_space<vmem_shared>>
        tpu.wait_indirect_dma semaphore(%run_scoped3A : memref<!tpu.dma_semaphore, #tpu.memory_space<semaphore_mem>>) src(%arg7 : memref<128x128xf32, #tpu.memory_space<vmem>>) dst(%dma_wait3A_86 : memref<10240x128xf32, #tpu.memory_space<vmem_shared>>)
        tpu.yield
      }) : () -> ()
      %add3A_56 = arith.constant 2 : i32
      %add3A_57 = arith.addi %add3A_46, %add3A_56 : i32
      %lt3A = arith.constant 80 : i32
      %lt3A_58 = arith.cmpi slt, %add3A_57, %lt3A : i32
      %convert_element_type3A = arith.extui %lt3A_58 : i1 to i32
      %cond3A = arith.constant 0 : i32
      %cond3A_59 = arith.cmpi ne, %convert_element_type3A, %cond3A : i32
      scf.if %cond3A_59 {
        %add3A_81 = arith.constant 2 : i32
        %add3A_82 = arith.addi %add3A_46, %add3A_81 : i32
        %mul3A_83 = arith.constant 128 : i32
        %mul3A_84 = arith.muli %add3A_82, %mul3A_83 : i32
        %add3A_85 = arith.addi %mul3A_13, %mul3A_84 : i32
        %dma_start3A_86 = tpu.memref_slice %arg2[%add3A_85] : memref<327680xi32, #tpu.memory_space<hbm>> -> memref<128xi32, #tpu.memory_space<hbm>>
        %dma_start3A_87 = tpu.memref_slice %arg2[%add3A_85] : memref<327680xi32, #tpu.memory_space<hbm>> -> memref<128xi32, #tpu.memory_space<hbm>>
        tpu.enqueue_dma source(%dma_start3A_87 : memref<128xi32, #tpu.memory_space<hbm>>) target(%arg5 : memref<128xi32, #tpu.memory_space<vmem>>) target_semaphore(%arg10 : memref<!tpu.dma_semaphore, #tpu.memory_space<semaphore_mem>>)
        %dma_start3A_88 = arith.constant 0 : i32
        %dma_start3A_89 = tpu.memref_slice %arg3[%add3A_85, %dma_start3A_88] : memref<327680x128xf32, #tpu.memory_space<hbm>> -> memref<128x128xf32, #tpu.memory_space<hbm>>
        %dma_start3A_90 = arith.constant 0 : i32
        %dma_start3A_91 = tpu.memref_slice %arg3[%add3A_85, %dma_start3A_90] : memref<327680x128xf32, #tpu.memory_space<hbm>> -> memref<128x128xf32, #tpu.memory_space<hbm>>
        tpu.enqueue_dma source(%dma_start3A_91 : memref<128x128xf32, #tpu.memory_space<hbm>>) target(%arg7 : memref<128x128xf32, #tpu.memory_space<vmem>>) target_semaphore(%arg10 : memref<!tpu.dma_semaphore, #tpu.memory_space<semaphore_mem>>)
      } else {
      }
      %mul3A_60 = arith.constant 2 : i32
      %mul3A_61 = arith.muli %mul3A_60, %scan3A_42 : i32
      %add3A_62 = arith.constant 1 : i32
      %add3A_63 = arith.addi %mul3A_61, %add3A_62 : i32
      %dma_wait3A_64 = arith.constant 0 : i32
      %dma_wait3A_65 = tpu.memref_slice %arg2[%dma_wait3A_64] : memref<327680xi32, #tpu.memory_space<hbm>> -> memref<128xi32, #tpu.memory_space<hbm>>
      %dma_wait3A_66 = arith.constant 0 : i32
      %dma_wait3A_67 = tpu.memref_slice %arg2[%dma_wait3A_66] : memref<327680xi32, #tpu.memory_space<hbm>> -> memref<128xi32, #tpu.memory_space<hbm>>
      tpu.wait_dma2 semaphore(%arg11 : memref<!tpu.dma_semaphore, #tpu.memory_space<semaphore_mem>>) src(%dma_wait3A_67 : memref<128xi32, #tpu.memory_space<hbm>>) dst(%arg6 : memref<128xi32, #tpu.memory_space<vmem>>)
      %dma_wait3A_68 = arith.constant 0 : i32
      %dma_wait3A_69 = arith.constant 0 : i32
      %dma_wait3A_70 = tpu.memref_slice %arg3[%dma_wait3A_68, %dma_wait3A_69] : memref<327680x128xf32, #tpu.memory_space<hbm>> -> memref<128x128xf32, #tpu.memory_space<hbm>>
      %dma_wait3A_71 = arith.constant 0 : i32
      %dma_wait3A_72 = arith.constant 0 : i32
      %dma_wait3A_73 = tpu.memref_slice %arg3[%dma_wait3A_71, %dma_wait3A_72] : memref<327680x128xf32, #tpu.memory_space<hbm>> -> memref<128x128xf32, #tpu.memory_space<hbm>>
      tpu.wait_dma2 semaphore(%arg11 : memref<!tpu.dma_semaphore, #tpu.memory_space<semaphore_mem>>) src(%dma_wait3A_73 : memref<128x128xf32, #tpu.memory_space<hbm>>) dst(%arg8 : memref<128x128xf32, #tpu.memory_space<vmem>>)
      "tpu.region"() ({
        %run_scoped3A = tpu.sem_alloc : memref<!tpu.dma_semaphore, #tpu.memory_space<semaphore_mem>>
        %dma_start3A_81 = arith.constant 0 : i32
        %dma_start3A_82 = arith.constant 0 : i32
        %dma_start3A_83 = tpu.memref_slice %arg9[%dma_start3A_81, %dma_start3A_82] : memref<10240x128xf32, #tpu.memory_space<vmem_shared>> -> memref<10240x128xf32, #tpu.memory_space<vmem_shared>>
        tpu.enqueue_indirect_dma source(%arg8 : memref<128x128xf32, #tpu.memory_space<vmem>>) target(%dma_start3A_83 : memref<10240x128xf32, #tpu.memory_space<vmem_shared>>) offsets(%arg6 : memref<128xi32, #tpu.memory_space<vmem>>) semaphore(%run_scoped3A : memref<!tpu.dma_semaphore, #tpu.memory_space<semaphore_mem>>) {add = true}
        %dma_wait3A_84 = arith.constant 0 : i32
        %dma_wait3A_85 = arith.constant 0 : i32
        %dma_wait3A_86 = tpu.memref_slice %arg9[%dma_wait3A_84, %dma_wait3A_85] : memref<10240x128xf32, #tpu.memory_space<vmem_shared>> -> memref<10240x128xf32, #tpu.memory_space<vmem_shared>>
        tpu.wait_indirect_dma semaphore(%run_scoped3A : memref<!tpu.dma_semaphore, #tpu.memory_space<semaphore_mem>>) src(%arg8 : memref<128x128xf32, #tpu.memory_space<vmem>>) dst(%dma_wait3A_86 : memref<10240x128xf32, #tpu.memory_space<vmem_shared>>)
        tpu.yield
      }) : () -> ()
      %add3A_74 = arith.constant 2 : i32
      %add3A_75 = arith.addi %add3A_63, %add3A_74 : i32
      %lt3A_76 = arith.constant 80 : i32
      %lt3A_77 = arith.cmpi slt, %add3A_75, %lt3A_76 : i32
      %convert_element_type3A_78 = arith.extui %lt3A_77 : i1 to i32
      %cond3A_79 = arith.constant 0 : i32
      %cond3A_80 = arith.cmpi ne, %convert_element_type3A_78, %cond3A_79 : i32
      scf.if %cond3A_80 {
        %add3A_81 = arith.constant 2 : i32
        %add3A_82 = arith.addi %add3A_63, %add3A_81 : i32
        %mul3A_83 = arith.constant 128 : i32
        %mul3A_84 = arith.muli %add3A_82, %mul3A_83 : i32
        %add3A_85 = arith.addi %mul3A_13, %mul3A_84 : i32
        %dma_start3A_86 = tpu.memref_slice %arg2[%add3A_85] : memref<327680xi32, #tpu.memory_space<hbm>> -> memref<128xi32, #tpu.memory_space<hbm>>
        %dma_start3A_87 = tpu.memref_slice %arg2[%add3A_85] : memref<327680xi32, #tpu.memory_space<hbm>> -> memref<128xi32, #tpu.memory_space<hbm>>
        tpu.enqueue_dma source(%dma_start3A_87 : memref<128xi32, #tpu.memory_space<hbm>>) target(%arg6 : memref<128xi32, #tpu.memory_space<vmem>>) target_semaphore(%arg11 : memref<!tpu.dma_semaphore, #tpu.memory_space<semaphore_mem>>)
        %dma_start3A_88 = arith.constant 0 : i32
        %dma_start3A_89 = tpu.memref_slice %arg3[%add3A_85, %dma_start3A_88] : memref<327680x128xf32, #tpu.memory_space<hbm>> -> memref<128x128xf32, #tpu.memory_space<hbm>>
        %dma_start3A_90 = arith.constant 0 : i32
        %dma_start3A_91 = tpu.memref_slice %arg3[%add3A_85, %dma_start3A_90] : memref<327680x128xf32, #tpu.memory_space<hbm>> -> memref<128x128xf32, #tpu.memory_space<hbm>>
        tpu.enqueue_dma source(%dma_start3A_91 : memref<128x128xf32, #tpu.memory_space<hbm>>) target(%arg8 : memref<128x128xf32, #tpu.memory_space<vmem>>) target_semaphore(%arg11 : memref<!tpu.dma_semaphore, #tpu.memory_space<semaphore_mem>>)
      } else {
      }
    }
    %scan3A_34 = arith.constant 40 : i32
    %barrier3A_35 = arith.constant 0 : index
    tpu.barrier barrier_id(%barrier3A_35)
    %scan3A_36 = arith.constant 0 : i32
    %scan3A_37 = arith.constant 0 : i32
    %scan3A_38 = arith.constant 5 : i32
    %scan3A_39 = arith.addi %scan3A_37, %scan3A_38 : i32
    %scan3A_40 = arith.constant 1 : i32
    scf.for %scan3A_42 = %scan3A_37 to %scan3A_39 step %scan3A_40  : i32 {
      %mul3A_43 = arith.constant 5 : i32
      %mul3A_44 = arith.muli %arg1, %mul3A_43 : i32
      %add3A_45 = arith.addi %mul3A_44, %scan3A_42 : i32
      %mul3A_46 = arith.constant 128 : i32
      %mul3A_47 = arith.muli %add3A_45, %mul3A_46 : i32
      "tpu.region"() ({
        %run_scoped3A = tpu.sem_alloc : memref<!tpu.dma_semaphore, #tpu.memory_space<semaphore_mem>>
        %dma_start3A_48 = arith.constant 0 : i32
        %dma_start3A_49 = tpu.memref_slice %arg4[%arg0, %mul3A_47, %dma_start3A_48] : memref<2x10240x128xf32, #tpu.memory_space<hbm>> -> memref<1x128x128xf32, #tpu.memory_space<hbm>>
        %dma_start3A_50 = tpu.memref_squeeze %dma_start3A_49 : memref<1x128x128xf32, #tpu.memory_space<hbm>> -> memref<128x128xf32, #tpu.memory_space<hbm>>
        %dma_start3A_51 = arith.constant 0 : i32
        %dma_start3A_52 = tpu.memref_slice %arg9[%mul3A_47, %dma_start3A_51] : memref<10240x128xf32, #tpu.memory_space<vmem_shared>> -> memref<128x128xf32, #tpu.memory_space<vmem_shared>>
        tpu.enqueue_dma source(%dma_start3A_52 : memref<128x128xf32, #tpu.memory_space<vmem_shared>>) target(%dma_start3A_50 : memref<128x128xf32, #tpu.memory_space<hbm>>) target_semaphore(%run_scoped3A : memref<!tpu.dma_semaphore, #tpu.memory_space<semaphore_mem>>)
        %dma_wait3A = arith.constant 0 : i32
        %dma_wait3A_53 = tpu.memref_slice %arg4[%arg0, %mul3A_47, %dma_wait3A] : memref<2x10240x128xf32, #tpu.memory_space<hbm>> -> memref<1x128x128xf32, #tpu.memory_space<hbm>>
        %dma_wait3A_54 = tpu.memref_squeeze %dma_wait3A_53 : memref<1x128x128xf32, #tpu.memory_space<hbm>> -> memref<128x128xf32, #tpu.memory_space<hbm>>
        %dma_wait3A_55 = arith.constant 0 : i32
        %dma_wait3A_56 = tpu.memref_slice %arg9[%mul3A_47, %dma_wait3A_55] : memref<10240x128xf32, #tpu.memory_space<vmem_shared>> -> memref<128x128xf32, #tpu.memory_space<vmem_shared>>
        tpu.wait_dma2 semaphore(%run_scoped3A : memref<!tpu.dma_semaphore, #tpu.memory_space<semaphore_mem>>) src(%dma_wait3A_56 : memref<128x128xf32, #tpu.memory_space<vmem_shared>>) dst(%dma_wait3A_54 : memref<128x128xf32, #tpu.memory_space<hbm>>)
        tpu.yield
      }) : () -> ()
    }
    %scan3A_41 = arith.constant 5 : i32
    return
  }
}

#map = affine_map<(d0, d1) -> (0)>
#map1 = affine_map<(d0, d1) -> (0, 0)>
module attributes {stable_mosaic.version = 14 : i64} {
  func.func @body(%arg0: i32, %arg1: i32, %arg2: memref<327680xi32, #tpu.memory_space<hbm>>, %arg3: memref<327680xi32, #tpu.memory_space<hbm>>, %arg4: memref<10000x128xf32, #tpu.memory_space<hbm>>, %arg5: memref<10000x128xf32, #tpu.memory_space<hbm>>, %arg6: memref<327680x128xf32, #tpu.memory_space<hbm>>, %arg7: memref<128xi32, #tpu.memory_space<vmem>>, %arg8: memref<128xi32, #tpu.memory_space<vmem>>, %arg9: memref<128xi32, #tpu.memory_space<vmem>>, %arg10: memref<128xi32, #tpu.memory_space<vmem>>, %arg11: memref<128x128xf32, #tpu.memory_space<vmem>>, %arg12: memref<128x128xf32, #tpu.memory_space<vmem>>, %arg13: memref<!tpu.dma_semaphore, #tpu.memory_space<semaphore_mem>>, %arg14: memref<!tpu.dma_semaphore, #tpu.memory_space<semaphore_mem>>, %arg15: memref<!tpu.dma_semaphore, #tpu.memory_space<semaphore_mem>>, %arg16: memref<!tpu.dma_semaphore, #tpu.memory_space<semaphore_mem>>, %arg17: memref<!tpu.dma_semaphore, #tpu.memory_space<semaphore_mem>>, %arg18: memref<!tpu.dma_semaphore, #tpu.memory_space<semaphore_mem>>) attributes {dimension_semantics = [#tpu.dimension_semantics<core_parallel>, #tpu.dimension_semantics<subcore_parallel>], iteration_bounds = array<i64: 2, 16>, scalar_prefetch = 0 : i64, scratch_operands = 12 : i64, tpu.core_type = #tpu.core_type<sc_vector_subcore>, window_params = [{transform_indices = #map}, {transform_indices = #map}, {transform_indices = #map1}, {transform_indices = #map1}, {transform_indices = #map1}]} {
    %mul3A = arith.constant 2 : i32
    %mul3A_0 = arith.muli %arg1, %mul3A : i32
    %add3A = arith.addi %mul3A_0, %arg0 : i32
    %mul3A_1 = arith.constant 10240 : i32
    %mul3A_2 = arith.muli %add3A, %mul3A_1 : i32
    %add3A_3 = arith.constant 0 : i32
    %add3A_4 = arith.addi %mul3A_2, %add3A_3 : i32
    %dma_start3A = tpu.memref_slice %arg2[%add3A_4] : memref<327680xi32, #tpu.memory_space<hbm>> -> memref<128xi32, #tpu.memory_space<hbm>>
    %dma_start3A_5 = tpu.memref_slice %arg2[%add3A_4] : memref<327680xi32, #tpu.memory_space<hbm>> -> memref<128xi32, #tpu.memory_space<hbm>>
    tpu.enqueue_dma source(%dma_start3A_5 : memref<128xi32, #tpu.memory_space<hbm>>) target(%arg7 : memref<128xi32, #tpu.memory_space<vmem>>) target_semaphore(%arg13 : memref<!tpu.dma_semaphore, #tpu.memory_space<semaphore_mem>>)
    %dma_start3A_6 = tpu.memref_slice %arg3[%add3A_4] : memref<327680xi32, #tpu.memory_space<hbm>> -> memref<128xi32, #tpu.memory_space<hbm>>
    %dma_start3A_7 = tpu.memref_slice %arg3[%add3A_4] : memref<327680xi32, #tpu.memory_space<hbm>> -> memref<128xi32, #tpu.memory_space<hbm>>
    tpu.enqueue_dma source(%dma_start3A_7 : memref<128xi32, #tpu.memory_space<hbm>>) target(%arg8 : memref<128xi32, #tpu.memory_space<vmem>>) target_semaphore(%arg13 : memref<!tpu.dma_semaphore, #tpu.memory_space<semaphore_mem>>)
    %add3A_8 = arith.constant 128 : i32
    %add3A_9 = arith.addi %mul3A_2, %add3A_8 : i32
    %dma_start3A_10 = tpu.memref_slice %arg2[%add3A_9] : memref<327680xi32, #tpu.memory_space<hbm>> -> memref<128xi32, #tpu.memory_space<hbm>>
    %dma_start3A_11 = tpu.memref_slice %arg2[%add3A_9] : memref<327680xi32, #tpu.memory_space<hbm>> -> memref<128xi32, #tpu.memory_space<hbm>>
    tpu.enqueue_dma source(%dma_start3A_11 : memref<128xi32, #tpu.memory_space<hbm>>) target(%arg9 : memref<128xi32, #tpu.memory_space<vmem>>) target_semaphore(%arg14 : memref<!tpu.dma_semaphore, #tpu.memory_space<semaphore_mem>>)
    %dma_start3A_12 = tpu.memref_slice %arg3[%add3A_9] : memref<327680xi32, #tpu.memory_space<hbm>> -> memref<128xi32, #tpu.memory_space<hbm>>
    %dma_start3A_13 = tpu.memref_slice %arg3[%add3A_9] : memref<327680xi32, #tpu.memory_space<hbm>> -> memref<128xi32, #tpu.memory_space<hbm>>
    tpu.enqueue_dma source(%dma_start3A_13 : memref<128xi32, #tpu.memory_space<hbm>>) target(%arg10 : memref<128xi32, #tpu.memory_space<vmem>>) target_semaphore(%arg14 : memref<!tpu.dma_semaphore, #tpu.memory_space<semaphore_mem>>)
    %scan3A = arith.constant 0 : i32
    %scan3A_14 = arith.constant 0 : i32
    %scan3A_15 = arith.constant 40 : i32
    %scan3A_16 = arith.addi %scan3A_14, %scan3A_15 : i32
    %scan3A_17 = arith.constant 1 : i32
    scf.for %scan3A_30 = %scan3A_14 to %scan3A_16 step %scan3A_17  : i32 {
      %gt3A = arith.constant 0 : i32
      %gt3A_31 = arith.cmpi sgt, %scan3A_30, %gt3A : i32
      %convert_element_type3A = arith.extui %gt3A_31 : i1 to i32
      %cond3A = arith.constant 0 : i32
      %cond3A_32 = arith.cmpi ne, %convert_element_type3A, %cond3A : i32
      scf.if %cond3A_32 {
        %dma_wait3A_108 = arith.constant 0 : i32
        %dma_wait3A_109 = arith.constant 0 : i32
        %dma_wait3A_110 = tpu.memref_slice %arg6[%dma_wait3A_108, %dma_wait3A_109] : memref<327680x128xf32, #tpu.memory_space<hbm>> -> memref<128x128xf32, #tpu.memory_space<hbm>>
        %dma_wait3A_111 = arith.constant 0 : i32
        %dma_wait3A_112 = arith.constant 0 : i32
        %dma_wait3A_113 = tpu.memref_slice %arg6[%dma_wait3A_111, %dma_wait3A_112] : memref<327680x128xf32, #tpu.memory_space<hbm>> -> memref<128x128xf32, #tpu.memory_space<hbm>>
        tpu.wait_dma2 semaphore(%arg17 : memref<!tpu.dma_semaphore, #tpu.memory_space<semaphore_mem>>) src(%arg11 : memref<128x128xf32, #tpu.memory_space<vmem>>) dst(%dma_wait3A_113 : memref<128x128xf32, #tpu.memory_space<hbm>>)
        %dma_wait3A_114 = arith.constant 0 : i32
        %dma_wait3A_115 = arith.constant 0 : i32
        %dma_wait3A_116 = tpu.memref_slice %arg6[%dma_wait3A_114, %dma_wait3A_115] : memref<327680x128xf32, #tpu.memory_space<hbm>> -> memref<128x128xf32, #tpu.memory_space<hbm>>
        %dma_wait3A_117 = arith.constant 0 : i32
        %dma_wait3A_118 = arith.constant 0 : i32
        %dma_wait3A_119 = tpu.memref_slice %arg6[%dma_wait3A_117, %dma_wait3A_118] : memref<327680x128xf32, #tpu.memory_space<hbm>> -> memref<128x128xf32, #tpu.memory_space<hbm>>
        tpu.wait_dma2 semaphore(%arg18 : memref<!tpu.dma_semaphore, #tpu.memory_space<semaphore_mem>>) src(%arg12 : memref<128x128xf32, #tpu.memory_space<vmem>>) dst(%dma_wait3A_119 : memref<128x128xf32, #tpu.memory_space<hbm>>)
      } else {
      }
      %dma_wait3A_33 = arith.constant 0 : i32
      %dma_wait3A_34 = tpu.memref_slice %arg2[%dma_wait3A_33] : memref<327680xi32, #tpu.memory_space<hbm>> -> memref<128xi32, #tpu.memory_space<hbm>>
      %dma_wait3A_35 = arith.constant 0 : i32
      %dma_wait3A_36 = tpu.memref_slice %arg2[%dma_wait3A_35] : memref<327680xi32, #tpu.memory_space<hbm>> -> memref<128xi32, #tpu.memory_space<hbm>>
      tpu.wait_dma2 semaphore(%arg13 : memref<!tpu.dma_semaphore, #tpu.memory_space<semaphore_mem>>) src(%dma_wait3A_36 : memref<128xi32, #tpu.memory_space<hbm>>) dst(%arg7 : memref<128xi32, #tpu.memory_space<vmem>>)
      %dma_wait3A_37 = arith.constant 0 : i32
      %dma_wait3A_38 = tpu.memref_slice %arg3[%dma_wait3A_37] : memref<327680xi32, #tpu.memory_space<hbm>> -> memref<128xi32, #tpu.memory_space<hbm>>
      %dma_wait3A_39 = arith.constant 0 : i32
      %dma_wait3A_40 = tpu.memref_slice %arg3[%dma_wait3A_39] : memref<327680xi32, #tpu.memory_space<hbm>> -> memref<128xi32, #tpu.memory_space<hbm>>
      tpu.wait_dma2 semaphore(%arg13 : memref<!tpu.dma_semaphore, #tpu.memory_space<semaphore_mem>>) src(%dma_wait3A_40 : memref<128xi32, #tpu.memory_space<hbm>>) dst(%arg8 : memref<128xi32, #tpu.memory_space<vmem>>)
      %dma_start3A_41 = arith.constant 0 : i32
      %dma_start3A_42 = arith.constant 0 : i32
      %dma_start3A_43 = tpu.memref_slice %arg4[%dma_start3A_41, %dma_start3A_42] : memref<10000x128xf32, #tpu.memory_space<hbm>> -> memref<10000x128xf32, #tpu.memory_space<hbm>>
      tpu.enqueue_indirect_dma source(%dma_start3A_43 : memref<10000x128xf32, #tpu.memory_space<hbm>>) target(%arg11 : memref<128x128xf32, #tpu.memory_space<vmem>>) offsets(%arg7 : memref<128xi32, #tpu.memory_space<vmem>>) semaphore(%arg15 : memref<!tpu.dma_semaphore, #tpu.memory_space<semaphore_mem>>)
      %dma_wait3A_44 = arith.constant 0 : i32
      %dma_wait3A_45 = tpu.memref_slice %arg2[%dma_wait3A_44] : memref<327680xi32, #tpu.memory_space<hbm>> -> memref<128xi32, #tpu.memory_space<hbm>>
      %dma_wait3A_46 = arith.constant 0 : i32
      %dma_wait3A_47 = tpu.memref_slice %arg2[%dma_wait3A_46] : memref<327680xi32, #tpu.memory_space<hbm>> -> memref<128xi32, #tpu.memory_space<hbm>>
      tpu.wait_dma2 semaphore(%arg14 : memref<!tpu.dma_semaphore, #tpu.memory_space<semaphore_mem>>) src(%dma_wait3A_47 : memref<128xi32, #tpu.memory_space<hbm>>) dst(%arg9 : memref<128xi32, #tpu.memory_space<vmem>>)
      %dma_wait3A_48 = arith.constant 0 : i32
      %dma_wait3A_49 = tpu.memref_slice %arg3[%dma_wait3A_48] : memref<327680xi32, #tpu.memory_space<hbm>> -> memref<128xi32, #tpu.memory_space<hbm>>
      %dma_wait3A_50 = arith.constant 0 : i32
      %dma_wait3A_51 = tpu.memref_slice %arg3[%dma_wait3A_50] : memref<327680xi32, #tpu.memory_space<hbm>> -> memref<128xi32, #tpu.memory_space<hbm>>
      tpu.wait_dma2 semaphore(%arg14 : memref<!tpu.dma_semaphore, #tpu.memory_space<semaphore_mem>>) src(%dma_wait3A_51 : memref<128xi32, #tpu.memory_space<hbm>>) dst(%arg10 : memref<128xi32, #tpu.memory_space<vmem>>)
      %dma_start3A_52 = arith.constant 0 : i32
      %dma_start3A_53 = arith.constant 0 : i32
      %dma_start3A_54 = tpu.memref_slice %arg4[%dma_start3A_52, %dma_start3A_53] : memref<10000x128xf32, #tpu.memory_space<hbm>> -> memref<10000x128xf32, #tpu.memory_space<hbm>>
      tpu.enqueue_indirect_dma source(%dma_start3A_54 : memref<10000x128xf32, #tpu.memory_space<hbm>>) target(%arg12 : memref<128x128xf32, #tpu.memory_space<vmem>>) offsets(%arg9 : memref<128xi32, #tpu.memory_space<vmem>>) semaphore(%arg16 : memref<!tpu.dma_semaphore, #tpu.memory_space<semaphore_mem>>)
      %dma_wait3A_55 = arith.constant 0 : i32
      %dma_wait3A_56 = arith.constant 0 : i32
      %dma_wait3A_57 = tpu.memref_slice %arg4[%dma_wait3A_55, %dma_wait3A_56] : memref<10000x128xf32, #tpu.memory_space<hbm>> -> memref<10000x128xf32, #tpu.memory_space<hbm>>
      tpu.wait_indirect_dma semaphore(%arg15 : memref<!tpu.dma_semaphore, #tpu.memory_space<semaphore_mem>>) src(%dma_wait3A_57 : memref<10000x128xf32, #tpu.memory_space<hbm>>) dst(%arg11 : memref<128x128xf32, #tpu.memory_space<vmem>>)
      %dma_start3A_58 = arith.constant 0 : i32
      %dma_start3A_59 = arith.constant 0 : i32
      %dma_start3A_60 = tpu.memref_slice %arg5[%dma_start3A_58, %dma_start3A_59] : memref<10000x128xf32, #tpu.memory_space<hbm>> -> memref<10000x128xf32, #tpu.memory_space<hbm>>
      tpu.enqueue_indirect_dma source(%dma_start3A_60 : memref<10000x128xf32, #tpu.memory_space<hbm>>) target(%arg11 : memref<128x128xf32, #tpu.memory_space<vmem>>) offsets(%arg8 : memref<128xi32, #tpu.memory_space<vmem>>) semaphore(%arg15 : memref<!tpu.dma_semaphore, #tpu.memory_space<semaphore_mem>>) {add = true}
      %dma_wait3A_61 = arith.constant 0 : i32
      %dma_wait3A_62 = arith.constant 0 : i32
      %dma_wait3A_63 = tpu.memref_slice %arg4[%dma_wait3A_61, %dma_wait3A_62] : memref<10000x128xf32, #tpu.memory_space<hbm>> -> memref<10000x128xf32, #tpu.memory_space<hbm>>
      tpu.wait_indirect_dma semaphore(%arg16 : memref<!tpu.dma_semaphore, #tpu.memory_space<semaphore_mem>>) src(%dma_wait3A_63 : memref<10000x128xf32, #tpu.memory_space<hbm>>) dst(%arg12 : memref<128x128xf32, #tpu.memory_space<vmem>>)
      %dma_start3A_64 = arith.constant 0 : i32
      %dma_start3A_65 = arith.constant 0 : i32
      %dma_start3A_66 = tpu.memref_slice %arg5[%dma_start3A_64, %dma_start3A_65] : memref<10000x128xf32, #tpu.memory_space<hbm>> -> memref<10000x128xf32, #tpu.memory_space<hbm>>
      tpu.enqueue_indirect_dma source(%dma_start3A_66 : memref<10000x128xf32, #tpu.memory_space<hbm>>) target(%arg12 : memref<128x128xf32, #tpu.memory_space<vmem>>) offsets(%arg10 : memref<128xi32, #tpu.memory_space<vmem>>) semaphore(%arg16 : memref<!tpu.dma_semaphore, #tpu.memory_space<semaphore_mem>>) {add = true}
      %mul3A_67 = arith.constant 2 : i32
      %mul3A_68 = arith.muli %mul3A_67, %scan3A_30 : i32
      %add3A_69 = arith.constant 0 : i32
      %add3A_70 = arith.addi %mul3A_68, %add3A_69 : i32
      %mul3A_71 = arith.constant 128 : i32
      %mul3A_72 = arith.muli %add3A_70, %mul3A_71 : i32
      %add3A_73 = arith.addi %mul3A_2, %mul3A_72 : i32
      %dma_wait3A_74 = arith.constant 0 : i32
      %dma_wait3A_75 = arith.constant 0 : i32
      %dma_wait3A_76 = tpu.memref_slice %arg5[%dma_wait3A_74, %dma_wait3A_75] : memref<10000x128xf32, #tpu.memory_space<hbm>> -> memref<10000x128xf32, #tpu.memory_space<hbm>>
      tpu.wait_indirect_dma semaphore(%arg15 : memref<!tpu.dma_semaphore, #tpu.memory_space<semaphore_mem>>) src(%dma_wait3A_76 : memref<10000x128xf32, #tpu.memory_space<hbm>>) dst(%arg11 : memref<128x128xf32, #tpu.memory_space<vmem>>)
      %dma_start3A_77 = arith.constant 0 : i32
      %dma_start3A_78 = tpu.memref_slice %arg6[%add3A_73, %dma_start3A_77] : memref<327680x128xf32, #tpu.memory_space<hbm>> -> memref<128x128xf32, #tpu.memory_space<hbm>>
      %dma_start3A_79 = arith.constant 0 : i32
      %dma_start3A_80 = tpu.memref_slice %arg6[%add3A_73, %dma_start3A_79] : memref<327680x128xf32, #tpu.memory_space<hbm>> -> memref<128x128xf32, #tpu.memory_space<hbm>>
      tpu.enqueue_dma source(%arg11 : memref<128x128xf32, #tpu.memory_space<vmem>>) target(%dma_start3A_80 : memref<128x128xf32, #tpu.memory_space<hbm>>) target_semaphore(%arg17 : memref<!tpu.dma_semaphore, #tpu.memory_space<semaphore_mem>>)
      %add3A_81 = arith.constant 2 : i32
      %add3A_82 = arith.addi %add3A_70, %add3A_81 : i32
      %lt3A = arith.constant 80 : i32
      %lt3A_83 = arith.cmpi slt, %add3A_82, %lt3A : i32
      %convert_element_type3A_84 = arith.extui %lt3A_83 : i1 to i32
      %cond3A_85 = arith.constant 0 : i32
      %cond3A_86 = arith.cmpi ne, %convert_element_type3A_84, %cond3A_85 : i32
      scf.if %cond3A_86 {
        %add3A_108 = arith.constant 2 : i32
        %add3A_109 = arith.addi %add3A_70, %add3A_108 : i32
        %mul3A_110 = arith.constant 128 : i32
        %mul3A_111 = arith.muli %add3A_109, %mul3A_110 : i32
        %add3A_112 = arith.addi %mul3A_2, %mul3A_111 : i32
        %dma_start3A_113 = tpu.memref_slice %arg2[%add3A_112] : memref<327680xi32, #tpu.memory_space<hbm>> -> memref<128xi32, #tpu.memory_space<hbm>>
        %dma_start3A_114 = tpu.memref_slice %arg2[%add3A_112] : memref<327680xi32, #tpu.memory_space<hbm>> -> memref<128xi32, #tpu.memory_space<hbm>>
        tpu.enqueue_dma source(%dma_start3A_114 : memref<128xi32, #tpu.memory_space<hbm>>) target(%arg7 : memref<128xi32, #tpu.memory_space<vmem>>) target_semaphore(%arg13 : memref<!tpu.dma_semaphore, #tpu.memory_space<semaphore_mem>>)
        %dma_start3A_115 = tpu.memref_slice %arg3[%add3A_112] : memref<327680xi32, #tpu.memory_space<hbm>> -> memref<128xi32, #tpu.memory_space<hbm>>
        %dma_start3A_116 = tpu.memref_slice %arg3[%add3A_112] : memref<327680xi32, #tpu.memory_space<hbm>> -> memref<128xi32, #tpu.memory_space<hbm>>
        tpu.enqueue_dma source(%dma_start3A_116 : memref<128xi32, #tpu.memory_space<hbm>>) target(%arg8 : memref<128xi32, #tpu.memory_space<vmem>>) target_semaphore(%arg13 : memref<!tpu.dma_semaphore, #tpu.memory_space<semaphore_mem>>)
      } else {
      }
      %mul3A_87 = arith.constant 2 : i32
      %mul3A_88 = arith.muli %mul3A_87, %scan3A_30 : i32
      %add3A_89 = arith.constant 1 : i32
      %add3A_90 = arith.addi %mul3A_88, %add3A_89 : i32
      %mul3A_91 = arith.constant 128 : i32
      %mul3A_92 = arith.muli %add3A_90, %mul3A_91 : i32
      %add3A_93 = arith.addi %mul3A_2, %mul3A_92 : i32
      %dma_wait3A_94 = arith.constant 0 : i32
      %dma_wait3A_95 = arith.constant 0 : i32
      %dma_wait3A_96 = tpu.memref_slice %arg5[%dma_wait3A_94, %dma_wait3A_95] : memref<10000x128xf32, #tpu.memory_space<hbm>> -> memref<10000x128xf32, #tpu.memory_space<hbm>>
      tpu.wait_indirect_dma semaphore(%arg16 : memref<!tpu.dma_semaphore, #tpu.memory_space<semaphore_mem>>) src(%dma_wait3A_96 : memref<10000x128xf32, #tpu.memory_space<hbm>>) dst(%arg12 : memref<128x128xf32, #tpu.memory_space<vmem>>)
      %dma_start3A_97 = arith.constant 0 : i32
      %dma_start3A_98 = tpu.memref_slice %arg6[%add3A_93, %dma_start3A_97] : memref<327680x128xf32, #tpu.memory_space<hbm>> -> memref<128x128xf32, #tpu.memory_space<hbm>>
      %dma_start3A_99 = arith.constant 0 : i32
      %dma_start3A_100 = tpu.memref_slice %arg6[%add3A_93, %dma_start3A_99] : memref<327680x128xf32, #tpu.memory_space<hbm>> -> memref<128x128xf32, #tpu.memory_space<hbm>>
      tpu.enqueue_dma source(%arg12 : memref<128x128xf32, #tpu.memory_space<vmem>>) target(%dma_start3A_100 : memref<128x128xf32, #tpu.memory_space<hbm>>) target_semaphore(%arg18 : memref<!tpu.dma_semaphore, #tpu.memory_space<semaphore_mem>>)
      %add3A_101 = arith.constant 2 : i32
      %add3A_102 = arith.addi %add3A_90, %add3A_101 : i32
      %lt3A_103 = arith.constant 80 : i32
      %lt3A_104 = arith.cmpi slt, %add3A_102, %lt3A_103 : i32
      %convert_element_type3A_105 = arith.extui %lt3A_104 : i1 to i32
      %cond3A_106 = arith.constant 0 : i32
      %cond3A_107 = arith.cmpi ne, %convert_element_type3A_105, %cond3A_106 : i32
      scf.if %cond3A_107 {
        %add3A_108 = arith.constant 2 : i32
        %add3A_109 = arith.addi %add3A_90, %add3A_108 : i32
        %mul3A_110 = arith.constant 128 : i32
        %mul3A_111 = arith.muli %add3A_109, %mul3A_110 : i32
        %add3A_112 = arith.addi %mul3A_2, %mul3A_111 : i32
        %dma_start3A_113 = tpu.memref_slice %arg2[%add3A_112] : memref<327680xi32, #tpu.memory_space<hbm>> -> memref<128xi32, #tpu.memory_space<hbm>>
        %dma_start3A_114 = tpu.memref_slice %arg2[%add3A_112] : memref<327680xi32, #tpu.memory_space<hbm>> -> memref<128xi32, #tpu.memory_space<hbm>>
        tpu.enqueue_dma source(%dma_start3A_114 : memref<128xi32, #tpu.memory_space<hbm>>) target(%arg9 : memref<128xi32, #tpu.memory_space<vmem>>) target_semaphore(%arg14 : memref<!tpu.dma_semaphore, #tpu.memory_space<semaphore_mem>>)
        %dma_start3A_115 = tpu.memref_slice %arg3[%add3A_112] : memref<327680xi32, #tpu.memory_space<hbm>> -> memref<128xi32, #tpu.memory_space<hbm>>
        %dma_start3A_116 = tpu.memref_slice %arg3[%add3A_112] : memref<327680xi32, #tpu.memory_space<hbm>> -> memref<128xi32, #tpu.memory_space<hbm>>
        tpu.enqueue_dma source(%dma_start3A_116 : memref<128xi32, #tpu.memory_space<hbm>>) target(%arg10 : memref<128xi32, #tpu.memory_space<vmem>>) target_semaphore(%arg14 : memref<!tpu.dma_semaphore, #tpu.memory_space<semaphore_mem>>)
      } else {
      }
    }
    %scan3A_18 = arith.constant 40 : i32
    %dma_wait3A = arith.constant 0 : i32
    %dma_wait3A_19 = arith.constant 0 : i32
    %dma_wait3A_20 = tpu.memref_slice %arg6[%dma_wait3A, %dma_wait3A_19] : memref<327680x128xf32, #tpu.memory_space<hbm>> -> memref<128x128xf32, #tpu.memory_space<hbm>>
    %dma_wait3A_21 = arith.constant 0 : i32
    %dma_wait3A_22 = arith.constant 0 : i32
    %dma_wait3A_23 = tpu.memref_slice %arg6[%dma_wait3A_21, %dma_wait3A_22] : memref<327680x128xf32, #tpu.memory_space<hbm>> -> memref<128x128xf32, #tpu.memory_space<hbm>>
    tpu.wait_dma2 semaphore(%arg17 : memref<!tpu.dma_semaphore, #tpu.memory_space<semaphore_mem>>) src(%arg11 : memref<128x128xf32, #tpu.memory_space<vmem>>) dst(%dma_wait3A_23 : memref<128x128xf32, #tpu.memory_space<hbm>>)
    %dma_wait3A_24 = arith.constant 0 : i32
    %dma_wait3A_25 = arith.constant 0 : i32
    %dma_wait3A_26 = tpu.memref_slice %arg6[%dma_wait3A_24, %dma_wait3A_25] : memref<327680x128xf32, #tpu.memory_space<hbm>> -> memref<128x128xf32, #tpu.memory_space<hbm>>
    %dma_wait3A_27 = arith.constant 0 : i32
    %dma_wait3A_28 = arith.constant 0 : i32
    %dma_wait3A_29 = tpu.memref_slice %arg6[%dma_wait3A_27, %dma_wait3A_28] : memref<327680x128xf32, #tpu.memory_space<hbm>> -> memref<128x128xf32, #tpu.memory_space<hbm>>
    tpu.wait_dma2 semaphore(%arg18 : memref<!tpu.dma_semaphore, #tpu.memory_space<semaphore_mem>>) src(%arg12 : memref<128x128xf32, #tpu.memory_space<vmem>>) dst(%dma_wait3A_29 : memref<128x128xf32, #tpu.memory_space<hbm>>)
    return
  }
}

module attributes {stable_mosaic.version = 14 : i64} {
  func.func @body(%arg0: i32, %arg1: memref<1000x128xf32, #tpu.memory_space<vmem>>, %arg2: memref<128x128xf32, #tpu.memory_space<vmem>>, %arg3: memref<1x128xf32, #tpu.memory_space<vmem>>, %arg4: memref<128x128xf32, #tpu.memory_space<vmem>>, %arg5: memref<1x128xf32, #tpu.memory_space<vmem>>, %arg6: memref<128x128xf32, #tpu.memory_space<vmem>>, %arg7: memref<128x128xf32, #tpu.memory_space<vmem>>, %arg8: memref<1000x128xf32, #tpu.memory_space<vmem>>, %arg9: memref<1000x128xf32, #tpu.memory_space<vmem>>, %arg10: memref<1000x128xf32, #tpu.memory_space<vmem>>) attributes {dimension_semantics = [#tpu.dimension_semantics<arbitrary>], iteration_bounds = array<i64: 10>, scalar_prefetch = 0 : i64, scratch_operands = 0 : i64, tpu.core_type = #tpu.core_type<tc>, window_params = [{transform_indices = @transform_0, window_bounds = array<i64: 1000, 128>}, {pipeline_mode = #tpu.pipeline_mode<synchronous>, transform_indices = @transform_1, window_bounds = array<i64: 128, 128>}, {pipeline_mode = #tpu.pipeline_mode<synchronous>, transform_indices = @transform_2, window_bounds = array<i64: 1, 128>}, {pipeline_mode = #tpu.pipeline_mode<synchronous>, transform_indices = @transform_3, window_bounds = array<i64: 128, 128>}, {pipeline_mode = #tpu.pipeline_mode<synchronous>, transform_indices = @transform_4, window_bounds = array<i64: 1, 128>}, {pipeline_mode = #tpu.pipeline_mode<synchronous>, transform_indices = @transform_5, window_bounds = array<i64: 128, 128>}, {pipeline_mode = #tpu.pipeline_mode<synchronous>, transform_indices = @transform_6, window_bounds = array<i64: 128, 128>}, {transform_indices = @transform_7, window_bounds = array<i64: 1000, 128>}, {transform_indices = @transform_8, window_bounds = array<i64: 1000, 128>}, {transform_indices = @transform_9, window_bounds = array<i64: 1000, 128>}]} {
    %get3A = arith.constant 0 : index
    %get3A_0 = arith.constant 0 : index
    %get3A_1 = vector.load %arg1[%get3A, %get3A_0] : memref<1000x128xf32, #tpu.memory_space<vmem>>, vector<1000x128xf32>
    %get3A_2 = arith.constant 0 : index
    %get3A_3 = arith.constant 0 : index
    %get3A_4 = vector.load %arg2[%get3A_2, %get3A_3] : memref<128x128xf32, #tpu.memory_space<vmem>>, vector<128x128xf32>
    %dot_general3A = arith.constant dense<0.000000e+00> : vector<1000x128xf32>
    %dot_general3A_5 = tpu.matmul %get3A_1, %get3A_4, %dot_general3A {dimension_numbers = #tpu.dot_dimension_numbers<[1], [0], [0], [1], [0, 0, 1, 1], [], []>, transpose_lhs_hint = false} : vector<1000x128xf32>, vector<128x128xf32>, vector<1000x128xf32> -> vector<1000x128xf32>
    %get3A_6 = arith.constant 0 : index
    %get3A_7 = arith.constant 0 : index
    %get3A_8 = vector.load %arg3[%get3A_6, %get3A_7] : memref<1x128xf32, #tpu.memory_space<vmem>>, vector<1x128xf32>
    %add3A = vector.broadcast %get3A_8 : vector<1x128xf32> to vector<1000x128xf32>
    %add3A_9 = arith.addf %dot_general3A_5, %add3A : vector<1000x128xf32>
    %logistic3A = arith.negf %add3A_9 : vector<1000x128xf32>
    %logistic3A_10 = math.exp %logistic3A : vector<1000x128xf32>
    %logistic3A_11 = arith.constant 1.000000e+00 : f32
    %logistic3A_12 = vector.broadcast %logistic3A_11 : f32 to vector<1000x128xf32>
    %logistic3A_13 = arith.addf %logistic3A_12, %logistic3A_10 : vector<1000x128xf32>
    %logistic3A_14 = arith.divf %logistic3A_12, %logistic3A_13 : vector<1000x128xf32>
    %mul3A = arith.mulf %add3A_9, %logistic3A_14 : vector<1000x128xf32>
    %get3A_15 = arith.constant 0 : index
    %get3A_16 = arith.constant 0 : index
    %get3A_17 = vector.load %arg4[%get3A_15, %get3A_16] : memref<128x128xf32, #tpu.memory_space<vmem>>, vector<128x128xf32>
    %dot_general3A_18 = arith.constant dense<0.000000e+00> : vector<1000x128xf32>
    %dot_general3A_19 = tpu.matmul %mul3A, %get3A_17, %dot_general3A_18 {dimension_numbers = #tpu.dot_dimension_numbers<[1], [0], [0], [1], [0, 0, 1, 1], [], []>, transpose_lhs_hint = false} : vector<1000x128xf32>, vector<128x128xf32>, vector<1000x128xf32> -> vector<1000x128xf32>
    %get3A_20 = arith.constant 0 : index
    %get3A_21 = arith.constant 0 : index
    %get3A_22 = vector.load %arg5[%get3A_20, %get3A_21] : memref<1x128xf32, #tpu.memory_space<vmem>>, vector<1x128xf32>
    %add3A_23 = vector.broadcast %get3A_22 : vector<1x128xf32> to vector<1000x128xf32>
    %add3A_24 = arith.addf %dot_general3A_19, %add3A_23 : vector<1000x128xf32>
    %swap3A = arith.constant 0 : index
    %swap3A_25 = arith.constant 0 : index
    %swap3A_26 = vector.load %arg8[%swap3A, %swap3A_25] : memref<1000x128xf32, #tpu.memory_space<vmem>>, vector<1000x128xf32>
    tpu.vector_store %arg8[%swap3A, %swap3A_25], %add3A_24 {strides = array<i32>} : memref<1000x128xf32, #tpu.memory_space<vmem>>, vector<1000x128xf32>,
    %get3A_27 = arith.constant 0 : index
    %get3A_28 = arith.constant 0 : index
    %get3A_29 = vector.load %arg6[%get3A_27, %get3A_28] : memref<128x128xf32, #tpu.memory_space<vmem>>, vector<128x128xf32>
    %dot_general3A_30 = arith.constant dense<0.000000e+00> : vector<1000x128xf32>
    %dot_general3A_31 = tpu.matmul %add3A_24, %get3A_29, %dot_general3A_30 {dimension_numbers = #tpu.dot_dimension_numbers<[1], [0], [0], [1], [0, 0, 1, 1], [], []>, transpose_lhs_hint = false} : vector<1000x128xf32>, vector<128x128xf32>, vector<1000x128xf32> -> vector<1000x128xf32>
    %swap3A_32 = arith.constant 0 : index
    %swap3A_33 = arith.constant 0 : index
    %swap3A_34 = vector.load %arg9[%swap3A_32, %swap3A_33] : memref<1000x128xf32, #tpu.memory_space<vmem>>, vector<1000x128xf32>
    tpu.vector_store %arg9[%swap3A_32, %swap3A_33], %dot_general3A_31 {strides = array<i32>} : memref<1000x128xf32, #tpu.memory_space<vmem>>, vector<1000x128xf32>,
    %get3A_35 = arith.constant 0 : index
    %get3A_36 = arith.constant 0 : index
    %get3A_37 = vector.load %arg7[%get3A_35, %get3A_36] : memref<128x128xf32, #tpu.memory_space<vmem>>, vector<128x128xf32>
    %dot_general3A_38 = arith.constant dense<0.000000e+00> : vector<1000x128xf32>
    %dot_general3A_39 = tpu.matmul %add3A_24, %get3A_37, %dot_general3A_38 {dimension_numbers = #tpu.dot_dimension_numbers<[1], [0], [0], [1], [0, 0, 1, 1], [], []>, transpose_lhs_hint = false} : vector<1000x128xf32>, vector<128x128xf32>, vector<1000x128xf32> -> vector<1000x128xf32>
    %swap3A_40 = arith.constant 0 : index
    %swap3A_41 = arith.constant 0 : index
    %swap3A_42 = vector.load %arg10[%swap3A_40, %swap3A_41] : memref<1000x128xf32, #tpu.memory_space<vmem>>, vector<1000x128xf32>
    tpu.vector_store %arg10[%swap3A_40, %swap3A_41], %dot_general3A_39 {strides = array<i32>} : memref<1000x128xf32, #tpu.memory_space<vmem>>, vector<1000x128xf32>,
    return
  }
  func.func @transform_0(%arg0: i32) -> (i32, i32) {
    %c0_i32 = arith.constant 0 : i32
    %c0_i32_0 = arith.constant 0 : i32
    return %arg0, %c0_i32 : i32, i32
  }
  func.func @transform_1(%arg0: i32) -> (i32, i32) {
    %c0_i32 = arith.constant 0 : i32
    %c0_i32_0 = arith.constant 0 : i32
    %c0_i32_1 = arith.constant 0 : i32
    return %c0_i32, %c0_i32_0 : i32, i32
  }
  func.func @transform_2(%arg0: i32) -> (i32, i32) {
    %c0_i32 = arith.constant 0 : i32
    %c0_i32_0 = arith.constant 0 : i32
    %c0_i32_1 = arith.constant 0 : i32
    return %c0_i32, %c0_i32_0 : i32, i32
  }
  func.func @transform_3(%arg0: i32) -> (i32, i32) {
    %c0_i32 = arith.constant 0 : i32
    %c0_i32_0 = arith.constant 0 : i32
    %c0_i32_1 = arith.constant 0 : i32
    return %c0_i32, %c0_i32_0 : i32, i32
  }
  func.func @transform_4(%arg0: i32) -> (i32, i32) {
    %c0_i32 = arith.constant 0 : i32
    %c0_i32_0 = arith.constant 0 : i32
    %c0_i32_1 = arith.constant 0 : i32
    return %c0_i32, %c0_i32_0 : i32, i32
  }
  func.func @transform_5(%arg0: i32) -> (i32, i32) {
    %c0_i32 = arith.constant 0 : i32
    %c0_i32_0 = arith.constant 0 : i32
    %c0_i32_1 = arith.constant 0 : i32
    return %c0_i32, %c0_i32_0 : i32, i32
  }
  func.func @transform_6(%arg0: i32) -> (i32, i32) {
    %c0_i32 = arith.constant 0 : i32
    %c0_i32_0 = arith.constant 0 : i32
    %c0_i32_1 = arith.constant 0 : i32
    return %c0_i32, %c0_i32_0 : i32, i32
  }
  func.func @transform_7(%arg0: i32) -> (i32, i32) {
    %c0_i32 = arith.constant 0 : i32
    %c0_i32_0 = arith.constant 0 : i32
    return %arg0, %c0_i32 : i32, i32
  }
  func.func @transform_8(%arg0: i32) -> (i32, i32) {
    %c0_i32 = arith.constant 0 : i32
    %c0_i32_0 = arith.constant 0 : i32
    return %arg0, %c0_i32 : i32, i32
  }
  func.func @transform_9(%arg0: i32) -> (i32, i32) {
    %c0_i32 = arith.constant 0 : i32
    %c0_i32_0 = arith.constant 0 : i32
    return %arg0, %c0_i32 : i32, i32
  }
}

module attributes {stable_mosaic.version = 14 : i64} {
  func.func @body(%arg0: i32, %arg1: memref<512x128xf32, #tpu.memory_space<vmem>>, %arg2: memref<512x8xf32, #tpu.memory_space<vmem>>, %arg3: memref<1x128xf32, #tpu.memory_space<vmem>>, %arg4: memref<1x128xf32, #tpu.memory_space<vmem>>, %arg5: memref<1x128xf32, #tpu.memory_space<vmem>>, %arg6: memref<128x128xf32, #tpu.memory_space<vmem>>, %arg7: memref<1x128xf32, #tpu.memory_space<vmem>>, %arg8: memref<512x128xf32, #tpu.memory_space<vmem>>, %arg9: memref<512x8xf32, #tpu.memory_space<vmem>>) attributes {dimension_semantics = [#tpu.dimension_semantics<arbitrary>], iteration_bounds = array<i64: 640>, scalar_prefetch = 0 : i64, scratch_operands = 0 : i64, tpu.core_type = #tpu.core_type<tc>, window_params = [{transform_indices = @transform_0, window_bounds = array<i64: 512, 128>}, {transform_indices = @transform_1, window_bounds = array<i64: 512, 8>}, {pipeline_mode = #tpu.pipeline_mode<synchronous>, transform_indices = @transform_2, window_bounds = array<i64: 1, 128>}, {pipeline_mode = #tpu.pipeline_mode<synchronous>, transform_indices = @transform_3, window_bounds = array<i64: 1, 128>}, {pipeline_mode = #tpu.pipeline_mode<synchronous>, transform_indices = @transform_4, window_bounds = array<i64: 1, 128>}, {pipeline_mode = #tpu.pipeline_mode<synchronous>, transform_indices = @transform_5, window_bounds = array<i64: 128, 128>}, {pipeline_mode = #tpu.pipeline_mode<synchronous>, transform_indices = @transform_6, window_bounds = array<i64: 1, 128>}, {transform_indices = @transform_7, window_bounds = array<i64: 512, 128>}, {transform_indices = @transform_8, window_bounds = array<i64: 512, 8>}]} {
    %get3A = arith.constant 0 : index
    %get3A_0 = arith.constant 0 : index
    %get3A_1 = vector.load %arg2[%get3A, %get3A_0] : memref<512x8xf32, #tpu.memory_space<vmem>>, vector<512x8xf32>
    %mul3A = arith.mulf %get3A_1, %get3A_1 : vector<512x8xf32>
    %reduce_sum3A = arith.constant dense<0.000000e+00> : vector<512xf32>
    %reduce_sum3A_2 = vector.multi_reduction <add>, %mul3A, %reduce_sum3A [1] : vector<512x8xf32> to vector<512xf32>
    %broadcast_in_dim3A = vector.shape_cast %reduce_sum3A_2 : vector<512xf32> to vector<512x1xf32>
    %get3A_3 = arith.constant 0 : index
    %get3A_4 = arith.constant 0 : index
    %get3A_5 = vector.load %arg1[%get3A_3, %get3A_4] : memref<512x128xf32, #tpu.memory_space<vmem>>, vector<512x128xf32>
    %get3A_6 = arith.constant 0 : index
    %get3A_7 = arith.constant 0 : index
    %get3A_8 = vector.load %arg3[%get3A_6, %get3A_7] : memref<1x128xf32, #tpu.memory_space<vmem>>, vector<1x128xf32>
    %mul3A_9 = vector.broadcast %broadcast_in_dim3A : vector<512x1xf32> to vector<512x128xf32>
    %mul3A_10 = vector.broadcast %get3A_8 : vector<1x128xf32> to vector<512x128xf32>
    %mul3A_11 = arith.mulf %mul3A_9, %mul3A_10 : vector<512x128xf32>
    %add3A = arith.addf %get3A_5, %mul3A_11 : vector<512x128xf32>
    %get3A_12 = arith.constant 0 : index
    %get3A_13 = arith.constant 0 : index
    %get3A_14 = vector.load %arg4[%get3A_12, %get3A_13] : memref<1x128xf32, #tpu.memory_space<vmem>>, vector<1x128xf32>
    %mul3A_15 = vector.broadcast %broadcast_in_dim3A : vector<512x1xf32> to vector<512x128xf32>
    %mul3A_16 = vector.broadcast %get3A_14 : vector<1x128xf32> to vector<512x128xf32>
    %mul3A_17 = arith.mulf %mul3A_15, %mul3A_16 : vector<512x128xf32>
    %add3A_18 = arith.addf %add3A, %mul3A_17 : vector<512x128xf32>
    %get3A_19 = arith.constant 0 : index
    %get3A_20 = arith.constant 0 : index
    %get3A_21 = vector.load %arg5[%get3A_19, %get3A_20] : memref<1x128xf32, #tpu.memory_space<vmem>>, vector<1x128xf32>
    %add3A_22 = vector.broadcast %get3A_21 : vector<1x128xf32> to vector<512x128xf32>
    %add3A_23 = arith.addf %add3A_18, %add3A_22 : vector<512x128xf32>
    %logistic3A = arith.negf %add3A_23 : vector<512x128xf32>
    %logistic3A_24 = math.exp %logistic3A : vector<512x128xf32>
    %logistic3A_25 = arith.constant 1.000000e+00 : f32
    %logistic3A_26 = vector.broadcast %logistic3A_25 : f32 to vector<512x128xf32>
    %logistic3A_27 = arith.addf %logistic3A_26, %logistic3A_24 : vector<512x128xf32>
    %logistic3A_28 = arith.divf %logistic3A_26, %logistic3A_27 : vector<512x128xf32>
    %mul3A_29 = arith.mulf %add3A_23, %logistic3A_28 : vector<512x128xf32>
    %get3A_30 = arith.constant 0 : index
    %get3A_31 = arith.constant 0 : index
    %get3A_32 = vector.load %arg6[%get3A_30, %get3A_31] : memref<128x128xf32, #tpu.memory_space<vmem>>, vector<128x128xf32>
    %dot_general3A = arith.constant dense<0.000000e+00> : vector<512x128xf32>
    %dot_general3A_33 = tpu.matmul %mul3A_29, %get3A_32, %dot_general3A {dimension_numbers = #tpu.dot_dimension_numbers<[1], [0], [0], [1], [0, 0, 1, 1], [], []>, transpose_lhs_hint = false} : vector<512x128xf32>, vector<128x128xf32>, vector<512x128xf32> -> vector<512x128xf32>
    %get3A_34 = arith.constant 0 : index
    %get3A_35 = arith.constant 0 : index
    %get3A_36 = vector.load %arg7[%get3A_34, %get3A_35] : memref<1x128xf32, #tpu.memory_space<vmem>>, vector<1x128xf32>
    %add3A_37 = vector.broadcast %get3A_36 : vector<1x128xf32> to vector<512x128xf32>
    %add3A_38 = arith.addf %dot_general3A_33, %add3A_37 : vector<512x128xf32>
    %logistic3A_39 = arith.negf %add3A_38 : vector<512x128xf32>
    %logistic3A_40 = math.exp %logistic3A_39 : vector<512x128xf32>
    %logistic3A_41 = arith.constant 1.000000e+00 : f32
    %logistic3A_42 = vector.broadcast %logistic3A_41 : f32 to vector<512x128xf32>
    %logistic3A_43 = arith.addf %logistic3A_42, %logistic3A_40 : vector<512x128xf32>
    %logistic3A_44 = arith.divf %logistic3A_42, %logistic3A_43 : vector<512x128xf32>
    %mul3A_45 = arith.mulf %add3A_38, %logistic3A_44 : vector<512x128xf32>
    %swap3A = arith.constant 0 : index
    %swap3A_46 = arith.constant 0 : index
    %swap3A_47 = vector.load %arg8[%swap3A, %swap3A_46] : memref<512x128xf32, #tpu.memory_space<vmem>>, vector<512x128xf32>
    tpu.vector_store %arg8[%swap3A, %swap3A_46], %mul3A_45 {strides = array<i32>} : memref<512x128xf32, #tpu.memory_space<vmem>>, vector<512x128xf32>,
    %broadcast_in_dim3A_48 = vector.shape_cast %broadcast_in_dim3A : vector<512x1xf32> to vector<512x1xf32>
    %broadcast_in_dim3A_49 = vector.broadcast %broadcast_in_dim3A_48 : vector<512x1xf32> to vector<512x8xf32>
    %swap3A_50 = arith.constant 0 : index
    %swap3A_51 = arith.constant 0 : index
    %swap3A_52 = vector.load %arg9[%swap3A_50, %swap3A_51] : memref<512x8xf32, #tpu.memory_space<vmem>>, vector<512x8xf32>
    tpu.vector_store %arg9[%swap3A_50, %swap3A_51], %broadcast_in_dim3A_49 {strides = array<i32>} : memref<512x8xf32, #tpu.memory_space<vmem>>, vector<512x8xf32>,
    return
  }
  func.func @transform_0(%arg0: i32) -> (i32, i32) {
    %c0_i32 = arith.constant 0 : i32
    %c0_i32_0 = arith.constant 0 : i32
    return %arg0, %c0_i32 : i32, i32
  }
  func.func @transform_1(%arg0: i32) -> (i32, i32) {
    %c0_i32 = arith.constant 0 : i32
    %c0_i32_0 = arith.constant 0 : i32
    return %arg0, %c0_i32 : i32, i32
  }
  func.func @transform_2(%arg0: i32) -> (i32, i32) {
    %c0_i32 = arith.constant 0 : i32
    %c0_i32_0 = arith.constant 0 : i32
    %c0_i32_1 = arith.constant 0 : i32
    return %c0_i32, %c0_i32_0 : i32, i32
  }
  func.func @transform_3(%arg0: i32) -> (i32, i32) {
    %c0_i32 = arith.constant 0 : i32
    %c0_i32_0 = arith.constant 0 : i32
    %c0_i32_1 = arith.constant 0 : i32
    return %c0_i32, %c0_i32_0 : i32, i32
  }
  func.func @transform_4(%arg0: i32) -> (i32, i32) {
    %c0_i32 = arith.constant 0 : i32
    %c0_i32_0 = arith.constant 0 : i32
    %c0_i32_1 = arith.constant 0 : i32
    return %c0_i32, %c0_i32_0 : i32, i32
  }
  func.func @transform_5(%arg0: i32) -> (i32, i32) {
    %c0_i32 = arith.constant 0 : i32
    %c0_i32_0 = arith.constant 0 : i32
    %c0_i32_1 = arith.constant 0 : i32
    return %c0_i32, %c0_i32_0 : i32, i32
  }
  func.func @transform_6(%arg0: i32) -> (i32, i32) {
    %c0_i32 = arith.constant 0 : i32
    %c0_i32_0 = arith.constant 0 : i32
    %c0_i32_1 = arith.constant 0 : i32
    return %c0_i32, %c0_i32_0 : i32, i32
  }
  func.func @transform_7(%arg0: i32) -> (i32, i32) {
    %c0_i32 = arith.constant 0 : i32
    %c0_i32_0 = arith.constant 0 : i32
    return %arg0, %c0_i32 : i32, i32
  }
  func.func @transform_8(%arg0: i32) -> (i32, i32) {
    %c0_i32 = arith.constant 0 : i32
    %c0_i32_0 = arith.constant 0 : i32
    return %arg0, %c0_i32 : i32, i32
  }
}

module attributes {stable_mosaic.version = 14 : i64} {
  func.func @body(%arg0: i32, %arg1: memref<1000x128xf32, #tpu.memory_space<vmem>>, %arg2: memref<1x1000x128xf32, #tpu.memory_space<vmem>>, %arg3: memref<1x1000x128xf32, #tpu.memory_space<vmem>>, %arg4: memref<128x128xf32, #tpu.memory_space<vmem>>, %arg5: memref<128x128xf32, #tpu.memory_space<vmem>>, %arg6: memref<1x128xf32, #tpu.memory_space<vmem>>, %arg7: memref<128x128xf32, #tpu.memory_space<vmem>>, %arg8: memref<1x128xf32, #tpu.memory_space<vmem>>, %arg9: memref<128x128xf32, #tpu.memory_space<vmem>>, %arg10: memref<128x128xf32, #tpu.memory_space<vmem>>, %arg11: memref<1000x128xf32, #tpu.memory_space<vmem>>, %arg12: memref<1000x128xf32, #tpu.memory_space<vmem>>, %arg13: memref<1000x128xf32, #tpu.memory_space<vmem>>) attributes {dimension_semantics = [#tpu.dimension_semantics<arbitrary>], iteration_bounds = array<i64: 10>, scalar_prefetch = 0 : i64, scratch_operands = 0 : i64, tpu.core_type = #tpu.core_type<tc>, window_params = [{transform_indices = @transform_0, window_bounds = array<i64: 1000, 128>}, {transform_indices = @transform_1, window_bounds = array<i64: 1, 1000, 128>}, {transform_indices = @transform_2, window_bounds = array<i64: 1, 1000, 128>}, {pipeline_mode = #tpu.pipeline_mode<synchronous>, transform_indices = @transform_3, window_bounds = array<i64: 128, 128>}, {pipeline_mode = #tpu.pipeline_mode<synchronous>, transform_indices = @transform_4, window_bounds = array<i64: 128, 128>}, {pipeline_mode = #tpu.pipeline_mode<synchronous>, transform_indices = @transform_5, window_bounds = array<i64: 1, 128>}, {pipeline_mode = #tpu.pipeline_mode<synchronous>, transform_indices = @transform_6, window_bounds = array<i64: 128, 128>}, {pipeline_mode = #tpu.pipeline_mode<synchronous>, transform_indices = @transform_7, window_bounds = array<i64: 1, 128>}, {pipeline_mode = #tpu.pipeline_mode<synchronous>, transform_indices = @transform_8, window_bounds = array<i64: 128, 128>}, {pipeline_mode = #tpu.pipeline_mode<synchronous>, transform_indices = @transform_9, window_bounds = array<i64: 128, 128>}, {transform_indices = @transform_10, window_bounds = array<i64: 1000, 128>}, {transform_indices = @transform_11, window_bounds = array<i64: 1000, 128>}, {transform_indices = @transform_12, window_bounds = array<i64: 1000, 128>}]} {
    %get3A = arith.constant 0 : index
    %get3A_0 = arith.constant 0 : index
    %get3A_1 = vector.load %arg1[%get3A, %get3A_0] : memref<1000x128xf32, #tpu.memory_space<vmem>>, vector<1000x128xf32>
    %get3A_2 = arith.constant 0 : index
    %get3A_3 = arith.constant 0 : index
    %get3A_4 = arith.constant 0 : index
    %get3A_5 = vector.load %arg2[%get3A_2, %get3A_3, %get3A_4] : memref<1x1000x128xf32, #tpu.memory_space<vmem>>, vector<1x1000x128xf32>
    %get3A_6 = vector.shape_cast %get3A_5 : vector<1x1000x128xf32> to vector<1000x128xf32>
    %get3A_7 = arith.constant 0 : index
    %get3A_8 = arith.constant 0 : index
    %get3A_9 = arith.constant 0 : index
    %get3A_10 = vector.load %arg3[%get3A_7, %get3A_8, %get3A_9] : memref<1x1000x128xf32, #tpu.memory_space<vmem>>, vector<1x1000x128xf32>
    %get3A_11 = vector.shape_cast %get3A_10 : vector<1x1000x128xf32> to vector<1000x128xf32>
    %add3A = arith.addf %get3A_6, %get3A_11 : vector<1000x128xf32>
    %mul3A = arith.constant 0.00999999977 : f32
    %mul3A_12 = vector.broadcast %mul3A : f32 to vector<1000x128xf32>
    %mul3A_13 = arith.mulf %add3A, %mul3A_12 : vector<1000x128xf32>
    %get3A_14 = arith.constant 0 : index
    %get3A_15 = arith.constant 0 : index
    %get3A_16 = vector.load %arg4[%get3A_14, %get3A_15] : memref<128x128xf32, #tpu.memory_space<vmem>>, vector<128x128xf32>
    %dot_general3A = arith.constant dense<0.000000e+00> : vector<1000x128xf32>
    %dot_general3A_17 = tpu.matmul %get3A_1, %get3A_16, %dot_general3A {dimension_numbers = #tpu.dot_dimension_numbers<[1], [0], [0], [1], [0, 0, 1, 1], [], []>, transpose_lhs_hint = false} : vector<1000x128xf32>, vector<128x128xf32>, vector<1000x128xf32> -> vector<1000x128xf32>
    %get3A_18 = arith.constant 0 : index
    %get3A_19 = arith.constant 0 : index
    %get3A_20 = vector.load %arg5[%get3A_18, %get3A_19] : memref<128x128xf32, #tpu.memory_space<vmem>>, vector<128x128xf32>
    %dot_general3A_21 = arith.constant dense<0.000000e+00> : vector<1000x128xf32>
    %dot_general3A_22 = tpu.matmul %mul3A_13, %get3A_20, %dot_general3A_21 {dimension_numbers = #tpu.dot_dimension_numbers<[1], [0], [0], [1], [0, 0, 1, 1], [], []>, transpose_lhs_hint = false} : vector<1000x128xf32>, vector<128x128xf32>, vector<1000x128xf32> -> vector<1000x128xf32>
    %add3A_23 = arith.addf %dot_general3A_17, %dot_general3A_22 : vector<1000x128xf32>
    %get3A_24 = arith.constant 0 : index
    %get3A_25 = arith.constant 0 : index
    %get3A_26 = vector.load %arg6[%get3A_24, %get3A_25] : memref<1x128xf32, #tpu.memory_space<vmem>>, vector<1x128xf32>
    %add3A_27 = vector.broadcast %get3A_26 : vector<1x128xf32> to vector<1000x128xf32>
    %add3A_28 = arith.addf %add3A_23, %add3A_27 : vector<1000x128xf32>
    %logistic3A = arith.negf %add3A_28 : vector<1000x128xf32>
    %logistic3A_29 = math.exp %logistic3A : vector<1000x128xf32>
    %logistic3A_30 = arith.constant 1.000000e+00 : f32
    %logistic3A_31 = vector.broadcast %logistic3A_30 : f32 to vector<1000x128xf32>
    %logistic3A_32 = arith.addf %logistic3A_31, %logistic3A_29 : vector<1000x128xf32>
    %logistic3A_33 = arith.divf %logistic3A_31, %logistic3A_32 : vector<1000x128xf32>
    %mul3A_34 = arith.mulf %add3A_28, %logistic3A_33 : vector<1000x128xf32>
    %get3A_35 = arith.constant 0 : index
    %get3A_36 = arith.constant 0 : index
    %get3A_37 = vector.load %arg7[%get3A_35, %get3A_36] : memref<128x128xf32, #tpu.memory_space<vmem>>, vector<128x128xf32>
    %dot_general3A_38 = arith.constant dense<0.000000e+00> : vector<1000x128xf32>
    %dot_general3A_39 = tpu.matmul %mul3A_34, %get3A_37, %dot_general3A_38 {dimension_numbers = #tpu.dot_dimension_numbers<[1], [0], [0], [1], [0, 0, 1, 1], [], []>, transpose_lhs_hint = false} : vector<1000x128xf32>, vector<128x128xf32>, vector<1000x128xf32> -> vector<1000x128xf32>
    %add3A_40 = arith.addf %get3A_1, %dot_general3A_39 : vector<1000x128xf32>
    %get3A_41 = arith.constant 0 : index
    %get3A_42 = arith.constant 0 : index
    %get3A_43 = vector.load %arg8[%get3A_41, %get3A_42] : memref<1x128xf32, #tpu.memory_space<vmem>>, vector<1x128xf32>
    %add3A_44 = vector.broadcast %get3A_43 : vector<1x128xf32> to vector<1000x128xf32>
    %add3A_45 = arith.addf %add3A_40, %add3A_44 : vector<1000x128xf32>
    %swap3A = arith.constant 0 : index
    %swap3A_46 = arith.constant 0 : index
    %swap3A_47 = vector.load %arg11[%swap3A, %swap3A_46] : memref<1000x128xf32, #tpu.memory_space<vmem>>, vector<1000x128xf32>
    tpu.vector_store %arg11[%swap3A, %swap3A_46], %add3A_45 {strides = array<i32>} : memref<1000x128xf32, #tpu.memory_space<vmem>>, vector<1000x128xf32>,
    %get3A_48 = arith.constant 0 : index
    %get3A_49 = arith.constant 0 : index
    %get3A_50 = vector.load %arg9[%get3A_48, %get3A_49] : memref<128x128xf32, #tpu.memory_space<vmem>>, vector<128x128xf32>
    %dot_general3A_51 = arith.constant dense<0.000000e+00> : vector<1000x128xf32>
    %dot_general3A_52 = tpu.matmul %add3A_45, %get3A_50, %dot_general3A_51 {dimension_numbers = #tpu.dot_dimension_numbers<[1], [0], [0], [1], [0, 0, 1, 1], [], []>, transpose_lhs_hint = false} : vector<1000x128xf32>, vector<128x128xf32>, vector<1000x128xf32> -> vector<1000x128xf32>
    %swap3A_53 = arith.constant 0 : index
    %swap3A_54 = arith.constant 0 : index
    %swap3A_55 = vector.load %arg12[%swap3A_53, %swap3A_54] : memref<1000x128xf32, #tpu.memory_space<vmem>>, vector<1000x128xf32>
    tpu.vector_store %arg12[%swap3A_53, %swap3A_54], %dot_general3A_52 {strides = array<i32>} : memref<1000x128xf32, #tpu.memory_space<vmem>>, vector<1000x128xf32>,
    %get3A_56 = arith.constant 0 : index
    %get3A_57 = arith.constant 0 : index
    %get3A_58 = vector.load %arg10[%get3A_56, %get3A_57] : memref<128x128xf32, #tpu.memory_space<vmem>>, vector<128x128xf32>
    %dot_general3A_59 = arith.constant dense<0.000000e+00> : vector<1000x128xf32>
    %dot_general3A_60 = tpu.matmul %add3A_45, %get3A_58, %dot_general3A_59 {dimension_numbers = #tpu.dot_dimension_numbers<[1], [0], [0], [1], [0, 0, 1, 1], [], []>, transpose_lhs_hint = false} : vector<1000x128xf32>, vector<128x128xf32>, vector<1000x128xf32> -> vector<1000x128xf32>
    %swap3A_61 = arith.constant 0 : index
    %swap3A_62 = arith.constant 0 : index
    %swap3A_63 = vector.load %arg13[%swap3A_61, %swap3A_62] : memref<1000x128xf32, #tpu.memory_space<vmem>>, vector<1000x128xf32>
    tpu.vector_store %arg13[%swap3A_61, %swap3A_62], %dot_general3A_60 {strides = array<i32>} : memref<1000x128xf32, #tpu.memory_space<vmem>>, vector<1000x128xf32>,
    return
  }
  func.func @transform_0(%arg0: i32) -> (i32, i32) {
    %c0_i32 = arith.constant 0 : i32
    %c0_i32_0 = arith.constant 0 : i32
    return %arg0, %c0_i32 : i32, i32
  }
  func.func @transform_1(%arg0: i32) -> (i32, i32, i32) {
    %c0_i32 = arith.constant 0 : i32
    %c0_i32_0 = arith.constant 0 : i32
    %c0_i32_1 = arith.constant 0 : i32
    return %c0_i32, %arg0, %c0_i32_0 : i32, i32, i32
  }
  func.func @transform_2(%arg0: i32) -> (i32, i32, i32) {
    %c1_i32 = arith.constant 1 : i32
    %c0_i32 = arith.constant 0 : i32
    %c0_i32_0 = arith.constant 0 : i32
    return %c1_i32, %arg0, %c0_i32 : i32, i32, i32
  }
  func.func @transform_3(%arg0: i32) -> (i32, i32) {
    %c0_i32 = arith.constant 0 : i32
    %c0_i32_0 = arith.constant 0 : i32
    %c0_i32_1 = arith.constant 0 : i32
    return %c0_i32, %c0_i32_0 : i32, i32
  }
  func.func @transform_4(%arg0: i32) -> (i32, i32) {
    %c0_i32 = arith.constant 0 : i32
    %c0_i32_0 = arith.constant 0 : i32
    %c0_i32_1 = arith.constant 0 : i32
    return %c0_i32, %c0_i32_0 : i32, i32
  }
  func.func @transform_5(%arg0: i32) -> (i32, i32) {
    %c0_i32 = arith.constant 0 : i32
    %c0_i32_0 = arith.constant 0 : i32
    %c0_i32_1 = arith.constant 0 : i32
    return %c0_i32, %c0_i32_0 : i32, i32
  }
  func.func @transform_6(%arg0: i32) -> (i32, i32) {
    %c0_i32 = arith.constant 0 : i32
    %c0_i32_0 = arith.constant 0 : i32
    %c0_i32_1 = arith.constant 0 : i32
    return %c0_i32, %c0_i32_0 : i32, i32
  }
  func.func @transform_7(%arg0: i32) -> (i32, i32) {
    %c0_i32 = arith.constant 0 : i32
    %c0_i32_0 = arith.constant 0 : i32
    %c0_i32_1 = arith.constant 0 : i32
    return %c0_i32, %c0_i32_0 : i32, i32
  }
  func.func @transform_8(%arg0: i32) -> (i32, i32) {
    %c0_i32 = arith.constant 0 : i32
    %c0_i32_0 = arith.constant 0 : i32
    %c0_i32_1 = arith.constant 0 : i32
    return %c0_i32, %c0_i32_0 : i32, i32
  }
  func.func @transform_9(%arg0: i32) -> (i32, i32) {
    %c0_i32 = arith.constant 0 : i32
    %c0_i32_0 = arith.constant 0 : i32
    %c0_i32_1 = arith.constant 0 : i32
    return %c0_i32, %c0_i32_0 : i32, i32
  }
  func.func @transform_10(%arg0: i32) -> (i32, i32) {
    %c0_i32 = arith.constant 0 : i32
    %c0_i32_0 = arith.constant 0 : i32
    return %arg0, %c0_i32 : i32, i32
  }
  func.func @transform_11(%arg0: i32) -> (i32, i32) {
    %c0_i32 = arith.constant 0 : i32
    %c0_i32_0 = arith.constant 0 : i32
    return %arg0, %c0_i32 : i32, i32
  }
  func.func @transform_12(%arg0: i32) -> (i32, i32) {
    %c0_i32 = arith.constant 0 : i32
    %c0_i32_0 = arith.constant 0 : i32
    return %arg0, %c0_i32 : i32, i32
  }
}

module attributes {stable_mosaic.version = 14 : i64} {
  func.func @body(%arg0: i32, %arg1: memref<512x128xf32, #tpu.memory_space<vmem>>, %arg2: memref<512x8xf32, #tpu.memory_space<vmem>>, %arg3: memref<1x128xf32, #tpu.memory_space<vmem>>, %arg4: memref<1x128xf32, #tpu.memory_space<vmem>>, %arg5: memref<1x128xf32, #tpu.memory_space<vmem>>, %arg6: memref<128x128xf32, #tpu.memory_space<vmem>>, %arg7: memref<1x128xf32, #tpu.memory_space<vmem>>, %arg8: memref<1x128xf32, #tpu.memory_space<vmem>>, %arg9: memref<512x128xf32, #tpu.memory_space<vmem>>) attributes {dimension_semantics = [#tpu.dimension_semantics<arbitrary>], iteration_bounds = array<i64: 640>, scalar_prefetch = 0 : i64, scratch_operands = 0 : i64, tpu.core_type = #tpu.core_type<tc>, window_params = [{transform_indices = @transform_0, window_bounds = array<i64: 512, 128>}, {transform_indices = @transform_1, window_bounds = array<i64: 512, 8>}, {pipeline_mode = #tpu.pipeline_mode<synchronous>, transform_indices = @transform_2, window_bounds = array<i64: 1, 128>}, {pipeline_mode = #tpu.pipeline_mode<synchronous>, transform_indices = @transform_3, window_bounds = array<i64: 1, 128>}, {pipeline_mode = #tpu.pipeline_mode<synchronous>, transform_indices = @transform_4, window_bounds = array<i64: 1, 128>}, {pipeline_mode = #tpu.pipeline_mode<synchronous>, transform_indices = @transform_5, window_bounds = array<i64: 128, 128>}, {pipeline_mode = #tpu.pipeline_mode<synchronous>, transform_indices = @transform_6, window_bounds = array<i64: 1, 128>}, {pipeline_mode = #tpu.pipeline_mode<synchronous>, transform_indices = @transform_7, window_bounds = array<i64: 1, 128>}, {transform_indices = @transform_8, window_bounds = array<i64: 512, 128>}]} {
    %get3A = arith.constant 0 : index
    %get3A_0 = arith.constant 0 : index
    %get3A_1 = vector.load %arg2[%get3A, %get3A_0] : memref<512x8xf32, #tpu.memory_space<vmem>>, vector<512x8xf32>
    %mul3A = arith.mulf %get3A_1, %get3A_1 : vector<512x8xf32>
    %reduce_sum3A = arith.constant dense<0.000000e+00> : vector<512xf32>
    %reduce_sum3A_2 = vector.multi_reduction <add>, %mul3A, %reduce_sum3A [1] : vector<512x8xf32> to vector<512xf32>
    %broadcast_in_dim3A = vector.shape_cast %reduce_sum3A_2 : vector<512xf32> to vector<512x1xf32>
    %get3A_3 = arith.constant 0 : index
    %get3A_4 = arith.constant 0 : index
    %get3A_5 = vector.load %arg1[%get3A_3, %get3A_4] : memref<512x128xf32, #tpu.memory_space<vmem>>, vector<512x128xf32>
    %get3A_6 = arith.constant 0 : index
    %get3A_7 = arith.constant 0 : index
    %get3A_8 = vector.load %arg3[%get3A_6, %get3A_7] : memref<1x128xf32, #tpu.memory_space<vmem>>, vector<1x128xf32>
    %mul3A_9 = vector.broadcast %broadcast_in_dim3A : vector<512x1xf32> to vector<512x128xf32>
    %mul3A_10 = vector.broadcast %get3A_8 : vector<1x128xf32> to vector<512x128xf32>
    %mul3A_11 = arith.mulf %mul3A_9, %mul3A_10 : vector<512x128xf32>
    %add3A = arith.addf %get3A_5, %mul3A_11 : vector<512x128xf32>
    %get3A_12 = arith.constant 0 : index
    %get3A_13 = arith.constant 0 : index
    %get3A_14 = vector.load %arg4[%get3A_12, %get3A_13] : memref<1x128xf32, #tpu.memory_space<vmem>>, vector<1x128xf32>
    %mul3A_15 = vector.broadcast %broadcast_in_dim3A : vector<512x1xf32> to vector<512x128xf32>
    %mul3A_16 = vector.broadcast %get3A_14 : vector<1x128xf32> to vector<512x128xf32>
    %mul3A_17 = arith.mulf %mul3A_15, %mul3A_16 : vector<512x128xf32>
    %add3A_18 = arith.addf %add3A, %mul3A_17 : vector<512x128xf32>
    %get3A_19 = arith.constant 0 : index
    %get3A_20 = arith.constant 0 : index
    %get3A_21 = vector.load %arg5[%get3A_19, %get3A_20] : memref<1x128xf32, #tpu.memory_space<vmem>>, vector<1x128xf32>
    %add3A_22 = vector.broadcast %get3A_21 : vector<1x128xf32> to vector<512x128xf32>
    %add3A_23 = arith.addf %add3A_18, %add3A_22 : vector<512x128xf32>
    %logistic3A = arith.negf %add3A_23 : vector<512x128xf32>
    %logistic3A_24 = math.exp %logistic3A : vector<512x128xf32>
    %logistic3A_25 = arith.constant 1.000000e+00 : f32
    %logistic3A_26 = vector.broadcast %logistic3A_25 : f32 to vector<512x128xf32>
    %logistic3A_27 = arith.addf %logistic3A_26, %logistic3A_24 : vector<512x128xf32>
    %logistic3A_28 = arith.divf %logistic3A_26, %logistic3A_27 : vector<512x128xf32>
    %mul3A_29 = arith.mulf %add3A_23, %logistic3A_28 : vector<512x128xf32>
    %get3A_30 = arith.constant 0 : index
    %get3A_31 = arith.constant 0 : index
    %get3A_32 = vector.load %arg6[%get3A_30, %get3A_31] : memref<128x128xf32, #tpu.memory_space<vmem>>, vector<128x128xf32>
    %dot_general3A = arith.constant dense<0.000000e+00> : vector<512x128xf32>
    %dot_general3A_33 = tpu.matmul %mul3A_29, %get3A_32, %dot_general3A {dimension_numbers = #tpu.dot_dimension_numbers<[1], [0], [0], [1], [0, 0, 1, 1], [], []>, transpose_lhs_hint = false} : vector<512x128xf32>, vector<128x128xf32>, vector<512x128xf32> -> vector<512x128xf32>
    %get3A_34 = arith.constant 0 : index
    %get3A_35 = arith.constant 0 : index
    %get3A_36 = vector.load %arg7[%get3A_34, %get3A_35] : memref<1x128xf32, #tpu.memory_space<vmem>>, vector<1x128xf32>
    %add3A_37 = vector.broadcast %get3A_36 : vector<1x128xf32> to vector<512x128xf32>
    %add3A_38 = arith.addf %dot_general3A_33, %add3A_37 : vector<512x128xf32>
    %logistic3A_39 = arith.negf %add3A_38 : vector<512x128xf32>
    %logistic3A_40 = math.exp %logistic3A_39 : vector<512x128xf32>
    %logistic3A_41 = arith.constant 1.000000e+00 : f32
    %logistic3A_42 = vector.broadcast %logistic3A_41 : f32 to vector<512x128xf32>
    %logistic3A_43 = arith.addf %logistic3A_42, %logistic3A_40 : vector<512x128xf32>
    %logistic3A_44 = arith.divf %logistic3A_42, %logistic3A_43 : vector<512x128xf32>
    %mul3A_45 = arith.mulf %add3A_38, %logistic3A_44 : vector<512x128xf32>
    %get3A_46 = arith.constant 0 : index
    %get3A_47 = arith.constant 0 : index
    %get3A_48 = vector.load %arg8[%get3A_46, %get3A_47] : memref<1x128xf32, #tpu.memory_space<vmem>>, vector<1x128xf32>
    %mul3A_49 = vector.broadcast %get3A_48 : vector<1x128xf32> to vector<512x128xf32>
    %mul3A_50 = arith.mulf %mul3A_45, %mul3A_49 : vector<512x128xf32>
    %reduce_sum3A_51 = arith.constant dense<0.000000e+00> : vector<512xf32>
    %reduce_sum3A_52 = vector.multi_reduction <add>, %mul3A_50, %reduce_sum3A_51 [1] : vector<512x128xf32> to vector<512xf32>
    %broadcast_in_dim3A_53 = vector.shape_cast %reduce_sum3A_52 : vector<512xf32> to vector<512x1xf32>
    %add3A_54 = arith.constant 9.99999993E-9 : f32
    %add3A_55 = vector.broadcast %add3A_54 : f32 to vector<512x1xf32>
    %add3A_56 = arith.addf %broadcast_in_dim3A, %add3A_55 : vector<512x1xf32>
    %sqrt3A = math.sqrt %add3A_56 : vector<512x1xf32>
    %add3A_57 = arith.constant 1.000000e+00 : f32
    %add3A_58 = vector.broadcast %add3A_57 : f32 to vector<512x1xf32>
    %add3A_59 = arith.addf %sqrt3A, %add3A_58 : vector<512x1xf32>
    %div3A = vector.broadcast %add3A_59 : vector<512x1xf32> to vector<512x8xf32>
    %div3A_60 = arith.divf %get3A_1, %div3A : vector<512x8xf32>
    %mul3A_61 = vector.broadcast %broadcast_in_dim3A_53 : vector<512x1xf32> to vector<512x8xf32>
    %mul3A_62 = arith.mulf %div3A_60, %mul3A_61 : vector<512x8xf32>
    %broadcast_in_dim3A_63 = arith.constant 0.000000e+00 : f32
    %broadcast_in_dim3A_64 = vector.broadcast %broadcast_in_dim3A_63 : f32 to vector<512x120xf32>
    %concatenate3A = tpu.concatenate %mul3A_62, %broadcast_in_dim3A_64 in 1 : vector<512x8xf32>, vector<512x120xf32> -> vector<512x128xf32>
    %swap3A = arith.constant 0 : index
    %swap3A_65 = arith.constant 0 : index
    %swap3A_66 = vector.load %arg9[%swap3A, %swap3A_65] : memref<512x128xf32, #tpu.memory_space<vmem>>, vector<512x128xf32>
    tpu.vector_store %arg9[%swap3A, %swap3A_65], %concatenate3A {strides = array<i32>} : memref<512x128xf32, #tpu.memory_space<vmem>>, vector<512x128xf32>,
    return
  }
  func.func @transform_0(%arg0: i32) -> (i32, i32) {
    %c0_i32 = arith.constant 0 : i32
    %c0_i32_0 = arith.constant 0 : i32
    return %arg0, %c0_i32 : i32, i32
  }
  func.func @transform_1(%arg0: i32) -> (i32, i32) {
    %c0_i32 = arith.constant 0 : i32
    %c0_i32_0 = arith.constant 0 : i32
    return %arg0, %c0_i32 : i32, i32
  }
  func.func @transform_2(%arg0: i32) -> (i32, i32) {
    %c0_i32 = arith.constant 0 : i32
    %c0_i32_0 = arith.constant 0 : i32
    %c0_i32_1 = arith.constant 0 : i32
    return %c0_i32, %c0_i32_0 : i32, i32
  }
  func.func @transform_3(%arg0: i32) -> (i32, i32) {
    %c0_i32 = arith.constant 0 : i32
    %c0_i32_0 = arith.constant 0 : i32
    %c0_i32_1 = arith.constant 0 : i32
    return %c0_i32, %c0_i32_0 : i32, i32
  }
  func.func @transform_4(%arg0: i32) -> (i32, i32) {
    %c0_i32 = arith.constant 0 : i32
    %c0_i32_0 = arith.constant 0 : i32
    %c0_i32_1 = arith.constant 0 : i32
    return %c0_i32, %c0_i32_0 : i32, i32
  }
  func.func @transform_5(%arg0: i32) -> (i32, i32) {
    %c0_i32 = arith.constant 0 : i32
    %c0_i32_0 = arith.constant 0 : i32
    %c0_i32_1 = arith.constant 0 : i32
    return %c0_i32, %c0_i32_0 : i32, i32
  }
  func.func @transform_6(%arg0: i32) -> (i32, i32) {
    %c0_i32 = arith.constant 0 : i32
    %c0_i32_0 = arith.constant 0 : i32
    %c0_i32_1 = arith.constant 0 : i32
    return %c0_i32, %c0_i32_0 : i32, i32
  }
  func.func @transform_7(%arg0: i32) -> (i32, i32) {
    %c0_i32 = arith.constant 0 : i32
    %c0_i32_0 = arith.constant 0 : i32
    %c0_i32_1 = arith.constant 0 : i32
    return %c0_i32, %c0_i32_0 : i32, i32
  }
  func.func @transform_8(%arg0: i32) -> (i32, i32) {
    %c0_i32 = arith.constant 0 : i32
    %c0_i32_0 = arith.constant 0 : i32
    return %arg0, %c0_i32 : i32, i32
  }
}

module attributes {stable_mosaic.version = 14 : i64} {
  func.func @body(%arg0: i32, %arg1: memref<1000x4xf32, #tpu.memory_space<vmem>>, %arg2: memref<1x1000x128xf32, #tpu.memory_space<vmem>>, %arg3: memref<1x1000x128xf32, #tpu.memory_space<vmem>>, %arg4: memref<1000x128xf32, #tpu.memory_space<vmem>>, %arg5: memref<128x128xf32, #tpu.memory_space<vmem>>, %arg6: memref<128x128xf32, #tpu.memory_space<vmem>>, %arg7: memref<1000x4xf32, #tpu.memory_space<vmem>>, %arg8: memref<1000x128xf32, #tpu.memory_space<vmem>>, %arg9: memref<1000x128xf32, #tpu.memory_space<vmem>>) attributes {dimension_semantics = [#tpu.dimension_semantics<arbitrary>], iteration_bounds = array<i64: 10>, scalar_prefetch = 0 : i64, scratch_operands = 0 : i64, tpu.core_type = #tpu.core_type<tc>, window_params = [{transform_indices = @transform_0, window_bounds = array<i64: 1000, 4>}, {transform_indices = @transform_1, window_bounds = array<i64: 1, 1000, 128>}, {transform_indices = @transform_2, window_bounds = array<i64: 1, 1000, 128>}, {transform_indices = @transform_3, window_bounds = array<i64: 1000, 128>}, {pipeline_mode = #tpu.pipeline_mode<synchronous>, transform_indices = @transform_4, window_bounds = array<i64: 128, 128>}, {pipeline_mode = #tpu.pipeline_mode<synchronous>, transform_indices = @transform_5, window_bounds = array<i64: 128, 128>}, {transform_indices = @transform_6, window_bounds = array<i64: 1000, 4>}, {transform_indices = @transform_7, window_bounds = array<i64: 1000, 128>}, {transform_indices = @transform_8, window_bounds = array<i64: 1000, 128>}]} {
    %get3A = arith.constant 0 : index
    %get3A_0 = arith.constant 0 : index
    %get3A_1 = vector.load %arg1[%get3A, %get3A_0] : memref<1000x4xf32, #tpu.memory_space<vmem>>, vector<1000x4xf32>
    %get3A_2 = arith.constant 0 : index
    %get3A_3 = arith.constant 0 : index
    %get3A_4 = arith.constant 0 : index
    %get3A_5 = vector.load %arg2[%get3A_2, %get3A_3, %get3A_4] : memref<1x1000x128xf32, #tpu.memory_space<vmem>>, vector<1x1000x4xf32>
    %get3A_6 = vector.shape_cast %get3A_5 : vector<1x1000x4xf32> to vector<1000x4xf32>
    %get3A_7 = arith.constant 0 : index
    %get3A_8 = arith.constant 0 : index
    %get3A_9 = arith.constant 0 : index
    %get3A_10 = vector.load %arg3[%get3A_7, %get3A_8, %get3A_9] : memref<1x1000x128xf32, #tpu.memory_space<vmem>>, vector<1x1000x4xf32>
    %get3A_11 = vector.shape_cast %get3A_10 : vector<1x1000x4xf32> to vector<1000x4xf32>
    %add3A = arith.addf %get3A_6, %get3A_11 : vector<1000x4xf32>
    %mul3A = arith.constant 0.00999999977 : f32
    %mul3A_12 = vector.broadcast %mul3A : f32 to vector<1000x4xf32>
    %mul3A_13 = arith.mulf %add3A, %mul3A_12 : vector<1000x4xf32>
    %add3A_14 = arith.addf %get3A_1, %mul3A_13 : vector<1000x4xf32>
    %swap3A = arith.constant 0 : index
    %swap3A_15 = arith.constant 0 : index
    %swap3A_16 = vector.load %arg7[%swap3A, %swap3A_15] : memref<1000x4xf32, #tpu.memory_space<vmem>>, vector<1000x4xf32>
    tpu.vector_store %arg7[%swap3A, %swap3A_15], %add3A_14 {strides = array<i32>} : memref<1000x4xf32, #tpu.memory_space<vmem>>, vector<1000x4xf32>,
    %get3A_17 = arith.constant 0 : index
    %get3A_18 = arith.constant 0 : index
    %get3A_19 = vector.load %arg4[%get3A_17, %get3A_18] : memref<1000x128xf32, #tpu.memory_space<vmem>>, vector<1000x128xf32>
    %get3A_20 = arith.constant 0 : index
    %get3A_21 = arith.constant 0 : index
    %get3A_22 = vector.load %arg5[%get3A_20, %get3A_21] : memref<128x128xf32, #tpu.memory_space<vmem>>, vector<128x128xf32>
    %dot_general3A = arith.constant dense<0.000000e+00> : vector<1000x128xf32>
    %dot_general3A_23 = tpu.matmul %get3A_19, %get3A_22, %dot_general3A {dimension_numbers = #tpu.dot_dimension_numbers<[1], [0], [0], [1], [0, 0, 1, 1], [], []>, transpose_lhs_hint = false} : vector<1000x128xf32>, vector<128x128xf32>, vector<1000x128xf32> -> vector<1000x128xf32>
    %swap3A_24 = arith.constant 0 : index
    %swap3A_25 = arith.constant 0 : index
    %swap3A_26 = vector.load %arg8[%swap3A_24, %swap3A_25] : memref<1000x128xf32, #tpu.memory_space<vmem>>, vector<1000x128xf32>
    tpu.vector_store %arg8[%swap3A_24, %swap3A_25], %dot_general3A_23 {strides = array<i32>} : memref<1000x128xf32, #tpu.memory_space<vmem>>, vector<1000x128xf32>,
    %get3A_27 = arith.constant 0 : index
    %get3A_28 = arith.constant 0 : index
    %get3A_29 = vector.load %arg6[%get3A_27, %get3A_28] : memref<128x128xf32, #tpu.memory_space<vmem>>, vector<128x128xf32>
    %dot_general3A_30 = arith.constant dense<0.000000e+00> : vector<1000x128xf32>
    %dot_general3A_31 = tpu.matmul %get3A_19, %get3A_29, %dot_general3A_30 {dimension_numbers = #tpu.dot_dimension_numbers<[1], [0], [0], [1], [0, 0, 1, 1], [], []>, transpose_lhs_hint = false} : vector<1000x128xf32>, vector<128x128xf32>, vector<1000x128xf32> -> vector<1000x128xf32>
    %swap3A_32 = arith.constant 0 : index
    %swap3A_33 = arith.constant 0 : index
    %swap3A_34 = vector.load %arg9[%swap3A_32, %swap3A_33] : memref<1000x128xf32, #tpu.memory_space<vmem>>, vector<1000x128xf32>
    tpu.vector_store %arg9[%swap3A_32, %swap3A_33], %dot_general3A_31 {strides = array<i32>} : memref<1000x128xf32, #tpu.memory_space<vmem>>, vector<1000x128xf32>,
    return
  }
  func.func @transform_0(%arg0: i32) -> (i32, i32) {
    %c0_i32 = arith.constant 0 : i32
    %c0_i32_0 = arith.constant 0 : i32
    return %arg0, %c0_i32 : i32, i32
  }
  func.func @transform_1(%arg0: i32) -> (i32, i32, i32) {
    %c0_i32 = arith.constant 0 : i32
    %c0_i32_0 = arith.constant 0 : i32
    %c0_i32_1 = arith.constant 0 : i32
    return %c0_i32, %arg0, %c0_i32_0 : i32, i32, i32
  }
  func.func @transform_2(%arg0: i32) -> (i32, i32, i32) {
    %c1_i32 = arith.constant 1 : i32
    %c0_i32 = arith.constant 0 : i32
    %c0_i32_0 = arith.constant 0 : i32
    return %c1_i32, %arg0, %c0_i32 : i32, i32, i32
  }
  func.func @transform_3(%arg0: i32) -> (i32, i32) {
    %c0_i32 = arith.constant 0 : i32
    %c0_i32_0 = arith.constant 0 : i32
    return %arg0, %c0_i32 : i32, i32
  }
  func.func @transform_4(%arg0: i32) -> (i32, i32) {
    %c0_i32 = arith.constant 0 : i32
    %c0_i32_0 = arith.constant 0 : i32
    %c0_i32_1 = arith.constant 0 : i32
    return %c0_i32, %c0_i32_0 : i32, i32
  }
  func.func @transform_5(%arg0: i32) -> (i32, i32) {
    %c0_i32 = arith.constant 0 : i32
    %c0_i32_0 = arith.constant 0 : i32
    %c0_i32_1 = arith.constant 0 : i32
    return %c0_i32, %c0_i32_0 : i32, i32
  }
  func.func @transform_6(%arg0: i32) -> (i32, i32) {
    %c0_i32 = arith.constant 0 : i32
    %c0_i32_0 = arith.constant 0 : i32
    return %arg0, %c0_i32 : i32, i32
  }
  func.func @transform_7(%arg0: i32) -> (i32, i32) {
    %c0_i32 = arith.constant 0 : i32
    %c0_i32_0 = arith.constant 0 : i32
    return %arg0, %c0_i32 : i32, i32
  }
  func.func @transform_8(%arg0: i32) -> (i32, i32) {
    %c0_i32 = arith.constant 0 : i32
    %c0_i32_0 = arith.constant 0 : i32
    return %arg0, %c0_i32 : i32, i32
  }
}

module attributes {stable_mosaic.version = 14 : i64} {
  func.func @body(%arg0: i32, %arg1: memref<512x128xf32, #tpu.memory_space<vmem>>, %arg2: memref<512x8xf32, #tpu.memory_space<vmem>>, %arg3: memref<512x8xf32, #tpu.memory_space<vmem>>, %arg4: memref<1x128xf32, #tpu.memory_space<vmem>>, %arg5: memref<1x128xf32, #tpu.memory_space<vmem>>, %arg6: memref<1x128xf32, #tpu.memory_space<vmem>>, %arg7: memref<128x128xf32, #tpu.memory_space<vmem>>, %arg8: memref<1x128xf32, #tpu.memory_space<vmem>>, %arg9: memref<512x128xf32, #tpu.memory_space<vmem>>) attributes {dimension_semantics = [#tpu.dimension_semantics<arbitrary>], iteration_bounds = array<i64: 640>, scalar_prefetch = 0 : i64, scratch_operands = 0 : i64, tpu.core_type = #tpu.core_type<tc>, window_params = [{transform_indices = @transform_0, window_bounds = array<i64: 512, 128>}, {transform_indices = @transform_1, window_bounds = array<i64: 512, 8>}, {transform_indices = @transform_2, window_bounds = array<i64: 512, 8>}, {pipeline_mode = #tpu.pipeline_mode<synchronous>, transform_indices = @transform_3, window_bounds = array<i64: 1, 128>}, {pipeline_mode = #tpu.pipeline_mode<synchronous>, transform_indices = @transform_4, window_bounds = array<i64: 1, 128>}, {pipeline_mode = #tpu.pipeline_mode<synchronous>, transform_indices = @transform_5, window_bounds = array<i64: 1, 128>}, {pipeline_mode = #tpu.pipeline_mode<synchronous>, transform_indices = @transform_6, window_bounds = array<i64: 128, 128>}, {pipeline_mode = #tpu.pipeline_mode<synchronous>, transform_indices = @transform_7, window_bounds = array<i64: 1, 128>}, {transform_indices = @transform_8, window_bounds = array<i64: 512, 128>}]} {
    %get3A = arith.constant 0 : index
    %get3A_0 = arith.constant 0 : index
    %get3A_1 = vector.load %arg2[%get3A, %get3A_0] : memref<512x8xf32, #tpu.memory_space<vmem>>, vector<512x8xf32>
    %mul3A = arith.mulf %get3A_1, %get3A_1 : vector<512x8xf32>
    %reduce_sum3A = arith.constant dense<0.000000e+00> : vector<512xf32>
    %reduce_sum3A_2 = vector.multi_reduction <add>, %mul3A, %reduce_sum3A [1] : vector<512x8xf32> to vector<512xf32>
    %broadcast_in_dim3A = vector.shape_cast %reduce_sum3A_2 : vector<512xf32> to vector<512x1xf32>
    %get3A_3 = arith.constant 0 : index
    %get3A_4 = arith.constant 0 : index
    %get3A_5 = vector.load %arg3[%get3A_3, %get3A_4] : memref<512x8xf32, #tpu.memory_space<vmem>>, vector<512x1xf32>
    %get3A_6 = arith.constant 0 : index
    %get3A_7 = arith.constant 0 : index
    %get3A_8 = vector.load %arg1[%get3A_6, %get3A_7] : memref<512x128xf32, #tpu.memory_space<vmem>>, vector<512x128xf32>
    %get3A_9 = arith.constant 0 : index
    %get3A_10 = arith.constant 0 : index
    %get3A_11 = vector.load %arg4[%get3A_9, %get3A_10] : memref<1x128xf32, #tpu.memory_space<vmem>>, vector<1x128xf32>
    %mul3A_12 = vector.broadcast %broadcast_in_dim3A : vector<512x1xf32> to vector<512x128xf32>
    %mul3A_13 = vector.broadcast %get3A_11 : vector<1x128xf32> to vector<512x128xf32>
    %mul3A_14 = arith.mulf %mul3A_12, %mul3A_13 : vector<512x128xf32>
    %add3A = arith.addf %get3A_8, %mul3A_14 : vector<512x128xf32>
    %get3A_15 = arith.constant 0 : index
    %get3A_16 = arith.constant 0 : index
    %get3A_17 = vector.load %arg5[%get3A_15, %get3A_16] : memref<1x128xf32, #tpu.memory_space<vmem>>, vector<1x128xf32>
    %mul3A_18 = vector.broadcast %get3A_5 : vector<512x1xf32> to vector<512x128xf32>
    %mul3A_19 = vector.broadcast %get3A_17 : vector<1x128xf32> to vector<512x128xf32>
    %mul3A_20 = arith.mulf %mul3A_18, %mul3A_19 : vector<512x128xf32>
    %add3A_21 = arith.addf %add3A, %mul3A_20 : vector<512x128xf32>
    %get3A_22 = arith.constant 0 : index
    %get3A_23 = arith.constant 0 : index
    %get3A_24 = vector.load %arg6[%get3A_22, %get3A_23] : memref<1x128xf32, #tpu.memory_space<vmem>>, vector<1x128xf32>
    %add3A_25 = vector.broadcast %get3A_24 : vector<1x128xf32> to vector<512x128xf32>
    %add3A_26 = arith.addf %add3A_21, %add3A_25 : vector<512x128xf32>
    %logistic3A = arith.negf %add3A_26 : vector<512x128xf32>
    %logistic3A_27 = math.exp %logistic3A : vector<512x128xf32>
    %logistic3A_28 = arith.constant 1.000000e+00 : f32
    %logistic3A_29 = vector.broadcast %logistic3A_28 : f32 to vector<512x128xf32>
    %logistic3A_30 = arith.addf %logistic3A_29, %logistic3A_27 : vector<512x128xf32>
    %logistic3A_31 = arith.divf %logistic3A_29, %logistic3A_30 : vector<512x128xf32>
    %mul3A_32 = arith.mulf %add3A_26, %logistic3A_31 : vector<512x128xf32>
    %get3A_33 = arith.constant 0 : index
    %get3A_34 = arith.constant 0 : index
    %get3A_35 = vector.load %arg7[%get3A_33, %get3A_34] : memref<128x128xf32, #tpu.memory_space<vmem>>, vector<128x128xf32>
    %dot_general3A = arith.constant dense<0.000000e+00> : vector<512x128xf32>
    %dot_general3A_36 = tpu.matmul %mul3A_32, %get3A_35, %dot_general3A {dimension_numbers = #tpu.dot_dimension_numbers<[1], [0], [0], [1], [0, 0, 1, 1], [], []>, transpose_lhs_hint = false} : vector<512x128xf32>, vector<128x128xf32>, vector<512x128xf32> -> vector<512x128xf32>
    %get3A_37 = arith.constant 0 : index
    %get3A_38 = arith.constant 0 : index
    %get3A_39 = vector.load %arg8[%get3A_37, %get3A_38] : memref<1x128xf32, #tpu.memory_space<vmem>>, vector<1x128xf32>
    %add3A_40 = vector.broadcast %get3A_39 : vector<1x128xf32> to vector<512x128xf32>
    %add3A_41 = arith.addf %dot_general3A_36, %add3A_40 : vector<512x128xf32>
    %logistic3A_42 = arith.negf %add3A_41 : vector<512x128xf32>
    %logistic3A_43 = math.exp %logistic3A_42 : vector<512x128xf32>
    %logistic3A_44 = arith.constant 1.000000e+00 : f32
    %logistic3A_45 = vector.broadcast %logistic3A_44 : f32 to vector<512x128xf32>
    %logistic3A_46 = arith.addf %logistic3A_45, %logistic3A_43 : vector<512x128xf32>
    %logistic3A_47 = arith.divf %logistic3A_45, %logistic3A_46 : vector<512x128xf32>
    %mul3A_48 = arith.mulf %add3A_41, %logistic3A_47 : vector<512x128xf32>
    %swap3A = arith.constant 0 : index
    %swap3A_49 = arith.constant 0 : index
    %swap3A_50 = vector.load %arg9[%swap3A, %swap3A_49] : memref<512x128xf32, #tpu.memory_space<vmem>>, vector<512x128xf32>
    tpu.vector_store %arg9[%swap3A, %swap3A_49], %mul3A_48 {strides = array<i32>} : memref<512x128xf32, #tpu.memory_space<vmem>>, vector<512x128xf32>,
    return
  }
  func.func @transform_0(%arg0: i32) -> (i32, i32) {
    %c0_i32 = arith.constant 0 : i32
    %c0_i32_0 = arith.constant 0 : i32
    return %arg0, %c0_i32 : i32, i32
  }
  func.func @transform_1(%arg0: i32) -> (i32, i32) {
    %c0_i32 = arith.constant 0 : i32
    %c0_i32_0 = arith.constant 0 : i32
    return %arg0, %c0_i32 : i32, i32
  }
  func.func @transform_2(%arg0: i32) -> (i32, i32) {
    %c0_i32 = arith.constant 0 : i32
    %c0_i32_0 = arith.constant 0 : i32
    return %arg0, %c0_i32 : i32, i32
  }
  func.func @transform_3(%arg0: i32) -> (i32, i32) {
    %c0_i32 = arith.constant 0 : i32
    %c0_i32_0 = arith.constant 0 : i32
    %c0_i32_1 = arith.constant 0 : i32
    return %c0_i32, %c0_i32_0 : i32, i32
  }
  func.func @transform_4(%arg0: i32) -> (i32, i32) {
    %c0_i32 = arith.constant 0 : i32
    %c0_i32_0 = arith.constant 0 : i32
    %c0_i32_1 = arith.constant 0 : i32
    return %c0_i32, %c0_i32_0 : i32, i32
  }
  func.func @transform_5(%arg0: i32) -> (i32, i32) {
    %c0_i32 = arith.constant 0 : i32
    %c0_i32_0 = arith.constant 0 : i32
    %c0_i32_1 = arith.constant 0 : i32
    return %c0_i32, %c0_i32_0 : i32, i32
  }
  func.func @transform_6(%arg0: i32) -> (i32, i32) {
    %c0_i32 = arith.constant 0 : i32
    %c0_i32_0 = arith.constant 0 : i32
    %c0_i32_1 = arith.constant 0 : i32
    return %c0_i32, %c0_i32_0 : i32, i32
  }
  func.func @transform_7(%arg0: i32) -> (i32, i32) {
    %c0_i32 = arith.constant 0 : i32
    %c0_i32_0 = arith.constant 0 : i32
    %c0_i32_1 = arith.constant 0 : i32
    return %c0_i32, %c0_i32_0 : i32, i32
  }
  func.func @transform_8(%arg0: i32) -> (i32, i32) {
    %c0_i32 = arith.constant 0 : i32
    %c0_i32_0 = arith.constant 0 : i32
    return %arg0, %c0_i32 : i32, i32
  }
}

module attributes {stable_mosaic.version = 14 : i64} {
  func.func @body(%arg0: i32, %arg1: memref<512x128xf32, #tpu.memory_space<vmem>>, %arg2: memref<512x8xf32, #tpu.memory_space<vmem>>, %arg3: memref<512x8xf32, #tpu.memory_space<vmem>>, %arg4: memref<1x128xf32, #tpu.memory_space<vmem>>, %arg5: memref<1x128xf32, #tpu.memory_space<vmem>>, %arg6: memref<1x128xf32, #tpu.memory_space<vmem>>, %arg7: memref<128x128xf32, #tpu.memory_space<vmem>>, %arg8: memref<1x128xf32, #tpu.memory_space<vmem>>, %arg9: memref<1x128xf32, #tpu.memory_space<vmem>>, %arg10: memref<512x128xf32, #tpu.memory_space<vmem>>) attributes {dimension_semantics = [#tpu.dimension_semantics<arbitrary>], iteration_bounds = array<i64: 640>, scalar_prefetch = 0 : i64, scratch_operands = 0 : i64, tpu.core_type = #tpu.core_type<tc>, window_params = [{transform_indices = @transform_0, window_bounds = array<i64: 512, 128>}, {transform_indices = @transform_1, window_bounds = array<i64: 512, 8>}, {transform_indices = @transform_2, window_bounds = array<i64: 512, 8>}, {pipeline_mode = #tpu.pipeline_mode<synchronous>, transform_indices = @transform_3, window_bounds = array<i64: 1, 128>}, {pipeline_mode = #tpu.pipeline_mode<synchronous>, transform_indices = @transform_4, window_bounds = array<i64: 1, 128>}, {pipeline_mode = #tpu.pipeline_mode<synchronous>, transform_indices = @transform_5, window_bounds = array<i64: 1, 128>}, {pipeline_mode = #tpu.pipeline_mode<synchronous>, transform_indices = @transform_6, window_bounds = array<i64: 128, 128>}, {pipeline_mode = #tpu.pipeline_mode<synchronous>, transform_indices = @transform_7, window_bounds = array<i64: 1, 128>}, {pipeline_mode = #tpu.pipeline_mode<synchronous>, transform_indices = @transform_8, window_bounds = array<i64: 1, 128>}, {transform_indices = @transform_9, window_bounds = array<i64: 512, 128>}]} {
    %get3A = arith.constant 0 : index
    %get3A_0 = arith.constant 0 : index
    %get3A_1 = vector.load %arg2[%get3A, %get3A_0] : memref<512x8xf32, #tpu.memory_space<vmem>>, vector<512x8xf32>
    %mul3A = arith.mulf %get3A_1, %get3A_1 : vector<512x8xf32>
    %reduce_sum3A = arith.constant dense<0.000000e+00> : vector<512xf32>
    %reduce_sum3A_2 = vector.multi_reduction <add>, %mul3A, %reduce_sum3A [1] : vector<512x8xf32> to vector<512xf32>
    %broadcast_in_dim3A = vector.shape_cast %reduce_sum3A_2 : vector<512xf32> to vector<512x1xf32>
    %get3A_3 = arith.constant 0 : index
    %get3A_4 = arith.constant 0 : index
    %get3A_5 = vector.load %arg3[%get3A_3, %get3A_4] : memref<512x8xf32, #tpu.memory_space<vmem>>, vector<512x1xf32>
    %get3A_6 = arith.constant 0 : index
    %get3A_7 = arith.constant 0 : index
    %get3A_8 = vector.load %arg1[%get3A_6, %get3A_7] : memref<512x128xf32, #tpu.memory_space<vmem>>, vector<512x128xf32>
    %get3A_9 = arith.constant 0 : index
    %get3A_10 = arith.constant 0 : index
    %get3A_11 = vector.load %arg4[%get3A_9, %get3A_10] : memref<1x128xf32, #tpu.memory_space<vmem>>, vector<1x128xf32>
    %mul3A_12 = vector.broadcast %broadcast_in_dim3A : vector<512x1xf32> to vector<512x128xf32>
    %mul3A_13 = vector.broadcast %get3A_11 : vector<1x128xf32> to vector<512x128xf32>
    %mul3A_14 = arith.mulf %mul3A_12, %mul3A_13 : vector<512x128xf32>
    %add3A = arith.addf %get3A_8, %mul3A_14 : vector<512x128xf32>
    %get3A_15 = arith.constant 0 : index
    %get3A_16 = arith.constant 0 : index
    %get3A_17 = vector.load %arg5[%get3A_15, %get3A_16] : memref<1x128xf32, #tpu.memory_space<vmem>>, vector<1x128xf32>
    %mul3A_18 = vector.broadcast %get3A_5 : vector<512x1xf32> to vector<512x128xf32>
    %mul3A_19 = vector.broadcast %get3A_17 : vector<1x128xf32> to vector<512x128xf32>
    %mul3A_20 = arith.mulf %mul3A_18, %mul3A_19 : vector<512x128xf32>
    %add3A_21 = arith.addf %add3A, %mul3A_20 : vector<512x128xf32>
    %get3A_22 = arith.constant 0 : index
    %get3A_23 = arith.constant 0 : index
    %get3A_24 = vector.load %arg6[%get3A_22, %get3A_23] : memref<1x128xf32, #tpu.memory_space<vmem>>, vector<1x128xf32>
    %add3A_25 = vector.broadcast %get3A_24 : vector<1x128xf32> to vector<512x128xf32>
    %add3A_26 = arith.addf %add3A_21, %add3A_25 : vector<512x128xf32>
    %logistic3A = arith.negf %add3A_26 : vector<512x128xf32>
    %logistic3A_27 = math.exp %logistic3A : vector<512x128xf32>
    %logistic3A_28 = arith.constant 1.000000e+00 : f32
    %logistic3A_29 = vector.broadcast %logistic3A_28 : f32 to vector<512x128xf32>
    %logistic3A_30 = arith.addf %logistic3A_29, %logistic3A_27 : vector<512x128xf32>
    %logistic3A_31 = arith.divf %logistic3A_29, %logistic3A_30 : vector<512x128xf32>
    %mul3A_32 = arith.mulf %add3A_26, %logistic3A_31 : vector<512x128xf32>
    %get3A_33 = arith.constant 0 : index
    %get3A_34 = arith.constant 0 : index
    %get3A_35 = vector.load %arg7[%get3A_33, %get3A_34] : memref<128x128xf32, #tpu.memory_space<vmem>>, vector<128x128xf32>
    %dot_general3A = arith.constant dense<0.000000e+00> : vector<512x128xf32>
    %dot_general3A_36 = tpu.matmul %mul3A_32, %get3A_35, %dot_general3A {dimension_numbers = #tpu.dot_dimension_numbers<[1], [0], [0], [1], [0, 0, 1, 1], [], []>, transpose_lhs_hint = false} : vector<512x128xf32>, vector<128x128xf32>, vector<512x128xf32> -> vector<512x128xf32>
    %get3A_37 = arith.constant 0 : index
    %get3A_38 = arith.constant 0 : index
    %get3A_39 = vector.load %arg8[%get3A_37, %get3A_38] : memref<1x128xf32, #tpu.memory_space<vmem>>, vector<1x128xf32>
    %add3A_40 = vector.broadcast %get3A_39 : vector<1x128xf32> to vector<512x128xf32>
    %add3A_41 = arith.addf %dot_general3A_36, %add3A_40 : vector<512x128xf32>
    %logistic3A_42 = arith.negf %add3A_41 : vector<512x128xf32>
    %logistic3A_43 = math.exp %logistic3A_42 : vector<512x128xf32>
    %logistic3A_44 = arith.constant 1.000000e+00 : f32
    %logistic3A_45 = vector.broadcast %logistic3A_44 : f32 to vector<512x128xf32>
    %logistic3A_46 = arith.addf %logistic3A_45, %logistic3A_43 : vector<512x128xf32>
    %logistic3A_47 = arith.divf %logistic3A_45, %logistic3A_46 : vector<512x128xf32>
    %mul3A_48 = arith.mulf %add3A_41, %logistic3A_47 : vector<512x128xf32>
    %get3A_49 = arith.constant 0 : index
    %get3A_50 = arith.constant 0 : index
    %get3A_51 = vector.load %arg9[%get3A_49, %get3A_50] : memref<1x128xf32, #tpu.memory_space<vmem>>, vector<1x128xf32>
    %mul3A_52 = vector.broadcast %get3A_51 : vector<1x128xf32> to vector<512x128xf32>
    %mul3A_53 = arith.mulf %mul3A_48, %mul3A_52 : vector<512x128xf32>
    %reduce_sum3A_54 = arith.constant dense<0.000000e+00> : vector<512xf32>
    %reduce_sum3A_55 = vector.multi_reduction <add>, %mul3A_53, %reduce_sum3A_54 [1] : vector<512x128xf32> to vector<512xf32>
    %broadcast_in_dim3A_56 = vector.shape_cast %reduce_sum3A_55 : vector<512xf32> to vector<512x1xf32>
    %add3A_57 = arith.constant 9.99999993E-9 : f32
    %add3A_58 = vector.broadcast %add3A_57 : f32 to vector<512x1xf32>
    %add3A_59 = arith.addf %broadcast_in_dim3A, %add3A_58 : vector<512x1xf32>
    %sqrt3A = math.sqrt %add3A_59 : vector<512x1xf32>
    %add3A_60 = arith.constant 1.000000e+00 : f32
    %add3A_61 = vector.broadcast %add3A_60 : f32 to vector<512x1xf32>
    %add3A_62 = arith.addf %sqrt3A, %add3A_61 : vector<512x1xf32>
    %div3A = vector.broadcast %add3A_62 : vector<512x1xf32> to vector<512x8xf32>
    %div3A_63 = arith.divf %get3A_1, %div3A : vector<512x8xf32>
    %mul3A_64 = vector.broadcast %broadcast_in_dim3A_56 : vector<512x1xf32> to vector<512x8xf32>
    %mul3A_65 = arith.mulf %div3A_63, %mul3A_64 : vector<512x8xf32>
    %broadcast_in_dim3A_66 = arith.constant 0.000000e+00 : f32
    %broadcast_in_dim3A_67 = vector.broadcast %broadcast_in_dim3A_66 : f32 to vector<512x120xf32>
    %concatenate3A = tpu.concatenate %mul3A_65, %broadcast_in_dim3A_67 in 1 : vector<512x8xf32>, vector<512x120xf32> -> vector<512x128xf32>
    %swap3A = arith.constant 0 : index
    %swap3A_68 = arith.constant 0 : index
    %swap3A_69 = vector.load %arg10[%swap3A, %swap3A_68] : memref<512x128xf32, #tpu.memory_space<vmem>>, vector<512x128xf32>
    tpu.vector_store %arg10[%swap3A, %swap3A_68], %concatenate3A {strides = array<i32>} : memref<512x128xf32, #tpu.memory_space<vmem>>, vector<512x128xf32>,
    return
  }
  func.func @transform_0(%arg0: i32) -> (i32, i32) {
    %c0_i32 = arith.constant 0 : i32
    %c0_i32_0 = arith.constant 0 : i32
    return %arg0, %c0_i32 : i32, i32
  }
  func.func @transform_1(%arg0: i32) -> (i32, i32) {
    %c0_i32 = arith.constant 0 : i32
    %c0_i32_0 = arith.constant 0 : i32
    return %arg0, %c0_i32 : i32, i32
  }
  func.func @transform_2(%arg0: i32) -> (i32, i32) {
    %c0_i32 = arith.constant 0 : i32
    %c0_i32_0 = arith.constant 0 : i32
    return %arg0, %c0_i32 : i32, i32
  }
  func.func @transform_3(%arg0: i32) -> (i32, i32) {
    %c0_i32 = arith.constant 0 : i32
    %c0_i32_0 = arith.constant 0 : i32
    %c0_i32_1 = arith.constant 0 : i32
    return %c0_i32, %c0_i32_0 : i32, i32
  }
  func.func @transform_4(%arg0: i32) -> (i32, i32) {
    %c0_i32 = arith.constant 0 : i32
    %c0_i32_0 = arith.constant 0 : i32
    %c0_i32_1 = arith.constant 0 : i32
    return %c0_i32, %c0_i32_0 : i32, i32
  }
  func.func @transform_5(%arg0: i32) -> (i32, i32) {
    %c0_i32 = arith.constant 0 : i32
    %c0_i32_0 = arith.constant 0 : i32
    %c0_i32_1 = arith.constant 0 : i32
    return %c0_i32, %c0_i32_0 : i32, i32
  }
  func.func @transform_6(%arg0: i32) -> (i32, i32) {
    %c0_i32 = arith.constant 0 : i32
    %c0_i32_0 = arith.constant 0 : i32
    %c0_i32_1 = arith.constant 0 : i32
    return %c0_i32, %c0_i32_0 : i32, i32
  }
  func.func @transform_7(%arg0: i32) -> (i32, i32) {
    %c0_i32 = arith.constant 0 : i32
    %c0_i32_0 = arith.constant 0 : i32
    %c0_i32_1 = arith.constant 0 : i32
    return %c0_i32, %c0_i32_0 : i32, i32
  }
  func.func @transform_8(%arg0: i32) -> (i32, i32) {
    %c0_i32 = arith.constant 0 : i32
    %c0_i32_0 = arith.constant 0 : i32
    %c0_i32_1 = arith.constant 0 : i32
    return %c0_i32, %c0_i32_0 : i32, i32
  }
  func.func @transform_9(%arg0: i32) -> (i32, i32) {
    %c0_i32 = arith.constant 0 : i32
    %c0_i32_0 = arith.constant 0 : i32
    return %arg0, %c0_i32 : i32, i32
  }
}

module attributes {stable_mosaic.version = 14 : i64} {
  func.func @body(%arg0: i32, %arg1: memref<1000x128xf32, #tpu.memory_space<vmem>>, %arg2: memref<1000x4xf32, #tpu.memory_space<vmem>>, %arg3: memref<1x1000x128xf32, #tpu.memory_space<vmem>>, %arg4: memref<1x1000x128xf32, #tpu.memory_space<vmem>>, %arg5: memref<128x128xf32, #tpu.memory_space<vmem>>, %arg6: memref<1x128xf32, #tpu.memory_space<vmem>>, %arg7: memref<128x128xf32, #tpu.memory_space<vmem>>, %arg8: memref<1x128xf32, #tpu.memory_space<vmem>>, %arg9: memref<128x128xf32, #tpu.memory_space<vmem>>, %arg10: memref<1x128xf32, #tpu.memory_space<vmem>>, %arg11: memref<1000x128xf32, #tpu.memory_space<vmem>>, %arg12: memref<1000x3xf32, #tpu.memory_space<vmem>>) attributes {dimension_semantics = [#tpu.dimension_semantics<arbitrary>], iteration_bounds = array<i64: 10>, scalar_prefetch = 0 : i64, scratch_operands = 0 : i64, tpu.core_type = #tpu.core_type<tc>, window_params = [{transform_indices = @transform_0, window_bounds = array<i64: 1000, 128>}, {transform_indices = @transform_1, window_bounds = array<i64: 1000, 4>}, {transform_indices = @transform_2, window_bounds = array<i64: 1, 1000, 128>}, {transform_indices = @transform_3, window_bounds = array<i64: 1, 1000, 128>}, {pipeline_mode = #tpu.pipeline_mode<synchronous>, transform_indices = @transform_4, window_bounds = array<i64: 128, 128>}, {pipeline_mode = #tpu.pipeline_mode<synchronous>, transform_indices = @transform_5, window_bounds = array<i64: 1, 128>}, {pipeline_mode = #tpu.pipeline_mode<synchronous>, transform_indices = @transform_6, window_bounds = array<i64: 128, 128>}, {pipeline_mode = #tpu.pipeline_mode<synchronous>, transform_indices = @transform_7, window_bounds = array<i64: 1, 128>}, {pipeline_mode = #tpu.pipeline_mode<synchronous>, transform_indices = @transform_8, window_bounds = array<i64: 128, 128>}, {pipeline_mode = #tpu.pipeline_mode<synchronous>, transform_indices = @transform_9, window_bounds = array<i64: 1, 128>}, {transform_indices = @transform_10, window_bounds = array<i64: 1000, 128>}, {transform_indices = @transform_11, window_bounds = array<i64: 1000, 3>}]} {
    %get3A = arith.constant 0 : index
    %get3A_0 = arith.constant 0 : index
    %get3A_1 = vector.load %arg1[%get3A, %get3A_0] : memref<1000x128xf32, #tpu.memory_space<vmem>>, vector<1000x128xf32>
    %get3A_2 = arith.constant 0 : index
    %get3A_3 = arith.constant 0 : index
    %get3A_4 = vector.load %arg5[%get3A_2, %get3A_3] : memref<128x128xf32, #tpu.memory_space<vmem>>, vector<128x128xf32>
    %dot_general3A = arith.constant dense<0.000000e+00> : vector<1000x128xf32>
    %dot_general3A_5 = tpu.matmul %get3A_1, %get3A_4, %dot_general3A {dimension_numbers = #tpu.dot_dimension_numbers<[1], [0], [0], [1], [0, 0, 1, 1], [], []>, transpose_lhs_hint = false} : vector<1000x128xf32>, vector<128x128xf32>, vector<1000x128xf32> -> vector<1000x128xf32>
    %get3A_6 = arith.constant 0 : index
    %get3A_7 = arith.constant 0 : index
    %get3A_8 = vector.load %arg6[%get3A_6, %get3A_7] : memref<1x128xf32, #tpu.memory_space<vmem>>, vector<1x128xf32>
    %add3A = vector.broadcast %get3A_8 : vector<1x128xf32> to vector<1000x128xf32>
    %add3A_9 = arith.addf %dot_general3A_5, %add3A : vector<1000x128xf32>
    %logistic3A = arith.negf %add3A_9 : vector<1000x128xf32>
    %logistic3A_10 = math.exp %logistic3A : vector<1000x128xf32>
    %logistic3A_11 = arith.constant 1.000000e+00 : f32
    %logistic3A_12 = vector.broadcast %logistic3A_11 : f32 to vector<1000x128xf32>
    %logistic3A_13 = arith.addf %logistic3A_12, %logistic3A_10 : vector<1000x128xf32>
    %logistic3A_14 = arith.divf %logistic3A_12, %logistic3A_13 : vector<1000x128xf32>
    %mul3A = arith.mulf %add3A_9, %logistic3A_14 : vector<1000x128xf32>
    %get3A_15 = arith.constant 0 : index
    %get3A_16 = arith.constant 0 : index
    %get3A_17 = vector.load %arg7[%get3A_15, %get3A_16] : memref<128x128xf32, #tpu.memory_space<vmem>>, vector<128x128xf32>
    %dot_general3A_18 = arith.constant dense<0.000000e+00> : vector<1000x128xf32>
    %dot_general3A_19 = tpu.matmul %mul3A, %get3A_17, %dot_general3A_18 {dimension_numbers = #tpu.dot_dimension_numbers<[1], [0], [0], [1], [0, 0, 1, 1], [], []>, transpose_lhs_hint = false} : vector<1000x128xf32>, vector<128x128xf32>, vector<1000x128xf32> -> vector<1000x128xf32>
    %get3A_20 = arith.constant 0 : index
    %get3A_21 = arith.constant 0 : index
    %get3A_22 = vector.load %arg8[%get3A_20, %get3A_21] : memref<1x128xf32, #tpu.memory_space<vmem>>, vector<1x128xf32>
    %add3A_23 = vector.broadcast %get3A_22 : vector<1x128xf32> to vector<1000x128xf32>
    %add3A_24 = arith.addf %dot_general3A_19, %add3A_23 : vector<1000x128xf32>
    %logistic3A_25 = arith.negf %add3A_24 : vector<1000x128xf32>
    %logistic3A_26 = math.exp %logistic3A_25 : vector<1000x128xf32>
    %logistic3A_27 = arith.constant 1.000000e+00 : f32
    %logistic3A_28 = vector.broadcast %logistic3A_27 : f32 to vector<1000x128xf32>
    %logistic3A_29 = arith.addf %logistic3A_28, %logistic3A_26 : vector<1000x128xf32>
    %logistic3A_30 = arith.divf %logistic3A_28, %logistic3A_29 : vector<1000x128xf32>
    %mul3A_31 = arith.mulf %add3A_24, %logistic3A_30 : vector<1000x128xf32>
    %get3A_32 = arith.constant 0 : index
    %get3A_33 = arith.constant 0 : index
    %get3A_34 = vector.load %arg9[%get3A_32, %get3A_33] : memref<128x128xf32, #tpu.memory_space<vmem>>, vector<128x128xf32>
    %dot_general3A_35 = arith.constant dense<0.000000e+00> : vector<1000x128xf32>
    %dot_general3A_36 = tpu.matmul %mul3A_31, %get3A_34, %dot_general3A_35 {dimension_numbers = #tpu.dot_dimension_numbers<[1], [0], [0], [1], [0, 0, 1, 1], [], []>, transpose_lhs_hint = false} : vector<1000x128xf32>, vector<128x128xf32>, vector<1000x128xf32> -> vector<1000x128xf32>
    %get3A_37 = arith.constant 0 : index
    %get3A_38 = arith.constant 0 : index
    %get3A_39 = vector.load %arg10[%get3A_37, %get3A_38] : memref<1x128xf32, #tpu.memory_space<vmem>>, vector<1x128xf32>
    %add3A_40 = vector.broadcast %get3A_39 : vector<1x128xf32> to vector<1000x128xf32>
    %add3A_41 = arith.addf %dot_general3A_36, %add3A_40 : vector<1000x128xf32>
    %swap3A = arith.constant 0 : index
    %swap3A_42 = arith.constant 0 : index
    %swap3A_43 = vector.load %arg11[%swap3A, %swap3A_42] : memref<1000x128xf32, #tpu.memory_space<vmem>>, vector<1000x128xf32>
    tpu.vector_store %arg11[%swap3A, %swap3A_42], %add3A_41 {strides = array<i32>} : memref<1000x128xf32, #tpu.memory_space<vmem>>, vector<1000x128xf32>,
    %get3A_44 = arith.constant 0 : index
    %get3A_45 = arith.constant 0 : index
    %get3A_46 = vector.load %arg2[%get3A_44, %get3A_45] : memref<1000x4xf32, #tpu.memory_space<vmem>>, vector<1000x3xf32>
    %get3A_47 = arith.constant 0 : index
    %get3A_48 = arith.constant 0 : index
    %get3A_49 = arith.constant 0 : index
    %get3A_50 = vector.load %arg3[%get3A_47, %get3A_48, %get3A_49] : memref<1x1000x128xf32, #tpu.memory_space<vmem>>, vector<1x1000x3xf32>
    %get3A_51 = vector.shape_cast %get3A_50 : vector<1x1000x3xf32> to vector<1000x3xf32>
    %get3A_52 = arith.constant 0 : index
    %get3A_53 = arith.constant 0 : index
    %get3A_54 = arith.constant 0 : index
    %get3A_55 = vector.load %arg4[%get3A_52, %get3A_53, %get3A_54] : memref<1x1000x128xf32, #tpu.memory_space<vmem>>, vector<1x1000x3xf32>
    %get3A_56 = vector.shape_cast %get3A_55 : vector<1x1000x3xf32> to vector<1000x3xf32>
    %add3A_57 = arith.addf %get3A_51, %get3A_56 : vector<1000x3xf32>
    %mul3A_58 = arith.constant 0.00999999977 : f32
    %mul3A_59 = vector.broadcast %mul3A_58 : f32 to vector<1000x3xf32>
    %mul3A_60 = arith.mulf %add3A_57, %mul3A_59 : vector<1000x3xf32>
    %add3A_61 = arith.addf %get3A_46, %mul3A_60 : vector<1000x3xf32>
    %swap3A_62 = arith.constant 0 : index
    %swap3A_63 = arith.constant 0 : index
    %swap3A_64 = vector.load %arg12[%swap3A_62, %swap3A_63] : memref<1000x3xf32, #tpu.memory_space<vmem>>, vector<1000x3xf32>
    tpu.vector_store %arg12[%swap3A_62, %swap3A_63], %add3A_61 {strides = array<i32>} : memref<1000x3xf32, #tpu.memory_space<vmem>>, vector<1000x3xf32>,
    return
  }
  func.func @transform_0(%arg0: i32) -> (i32, i32) {
    %c0_i32 = arith.constant 0 : i32
    %c0_i32_0 = arith.constant 0 : i32
    return %arg0, %c0_i32 : i32, i32
  }
  func.func @transform_1(%arg0: i32) -> (i32, i32) {
    %c0_i32 = arith.constant 0 : i32
    %c0_i32_0 = arith.constant 0 : i32
    return %arg0, %c0_i32 : i32, i32
  }
  func.func @transform_2(%arg0: i32) -> (i32, i32, i32) {
    %c0_i32 = arith.constant 0 : i32
    %c0_i32_0 = arith.constant 0 : i32
    %c0_i32_1 = arith.constant 0 : i32
    return %c0_i32, %arg0, %c0_i32_0 : i32, i32, i32
  }
  func.func @transform_3(%arg0: i32) -> (i32, i32, i32) {
    %c1_i32 = arith.constant 1 : i32
    %c0_i32 = arith.constant 0 : i32
    %c0_i32_0 = arith.constant 0 : i32
    return %c1_i32, %arg0, %c0_i32 : i32, i32, i32
  }
  func.func @transform_4(%arg0: i32) -> (i32, i32) {
    %c0_i32 = arith.constant 0 : i32
    %c0_i32_0 = arith.constant 0 : i32
    %c0_i32_1 = arith.constant 0 : i32
    return %c0_i32, %c0_i32_0 : i32, i32
  }
  func.func @transform_5(%arg0: i32) -> (i32, i32) {
    %c0_i32 = arith.constant 0 : i32
    %c0_i32_0 = arith.constant 0 : i32
    %c0_i32_1 = arith.constant 0 : i32
    return %c0_i32, %c0_i32_0 : i32, i32
  }
  func.func @transform_6(%arg0: i32) -> (i32, i32) {
    %c0_i32 = arith.constant 0 : i32
    %c0_i32_0 = arith.constant 0 : i32
    %c0_i32_1 = arith.constant 0 : i32
    return %c0_i32, %c0_i32_0 : i32, i32
  }
  func.func @transform_7(%arg0: i32) -> (i32, i32) {
    %c0_i32 = arith.constant 0 : i32
    %c0_i32_0 = arith.constant 0 : i32
    %c0_i32_1 = arith.constant 0 : i32
    return %c0_i32, %c0_i32_0 : i32, i32
  }
  func.func @transform_8(%arg0: i32) -> (i32, i32) {
    %c0_i32 = arith.constant 0 : i32
    %c0_i32_0 = arith.constant 0 : i32
    %c0_i32_1 = arith.constant 0 : i32
    return %c0_i32, %c0_i32_0 : i32, i32
  }
  func.func @transform_9(%arg0: i32) -> (i32, i32) {
    %c0_i32 = arith.constant 0 : i32
    %c0_i32_0 = arith.constant 0 : i32
    %c0_i32_1 = arith.constant 0 : i32
    return %c0_i32, %c0_i32_0 : i32, i32
  }
  func.func @transform_10(%arg0: i32) -> (i32, i32) {
    %c0_i32 = arith.constant 0 : i32
    %c0_i32_0 = arith.constant 0 : i32
    return %arg0, %c0_i32 : i32, i32
  }
  func.func @transform_11(%arg0: i32) -> (i32, i32) {
    %c0_i32 = arith.constant 0 : i32
    %c0_i32_0 = arith.constant 0 : i32
    return %arg0, %c0_i32 : i32, i32
  }
}

</mosaic_0001>

<sc_bundles>
// kernel: kernel.19.cloned.1.call-start
scs
__scs_entry_jumppad:
0x0: {  	(pc) =	sbr.rel $0x88, $3  }
0x1: {  	(tag) =	ssettag $0x0;
	lr =	simm.s32 $0x1  }
0x2: {  	[smem:$0x3F7A] =	sst lr;
	_ =	strace $0xD0000000  }
0x3: {  	_ = 	snop  }
0x4: {  	_ = 	snop  }
0x5: {  	_ = 	snop  }
0x6: {  	_ = 	snop  }
0x7: {  	_ = 	snop  }
__scs_overlays_trampoline_lowered:
0x8: {  	[smem:$0x3F89] =	sst s0  }
0x9: {  	[smem:$0x3F8A] =	sst s1  }
0xa: {  	[smem:$0x3F8B] =	sst s2  }
0xb: {  	[smem:$0x3F8C] =	sst s3  }
0xc: {  	[smem:$0x3F8D] =	sst s4  }
0xd: {  	[smem:$0x3F8E] =	sst s5  }
0xe: {  	[smem:$0x3F8F] =	sst s6  }
0xf: {  	[smem:$0x3F90] =	sst s7  }
0x10: {  	[smem:$0x3F91] =	sst s8  }
0x11: {  	[smem:$0x3F92] =	sst s9;
	s0 =	simm.s32 @!p0 $0x0  }
0x12: {  	s1 =	sld [smem:$0x3F78];
	s0 =	simm.s32 @p0 $0x1  }
0x13: {  	[smem:$0x3F93] =	sst s0;
	s0 =	simm.s32 @!p1 $0x0  }
0x14: {  	s2 =	sld [smem:$0x3F77];
	s0 =	simm.s32 @p1 $0x1  }
0x15: {  	[smem:$0x3F94] =	sst s0;
	s0 =	simm.s32 @!p2 $0x0  }
0x16: {  	s3 =	sld [smem:$0x3FDB];
	s0 =	simm.s32 @p2 $0x1  }
0x17: {  	s4 =	simm.s32 $0x1BF5;
	[smem:$0x3F96] =	sst s0  }
0x18: {  	s0 =	sld [smem:$0x3F79];
	_ =	swait.ge [sflag:s4], $0x0  }
0x19: {  	s7 =	sld [smem:$0x3F7A]  }
0x1a: {  	s8 =	sadd.s32 $0xFFFFE003, lr  }
0x1b: {  	s9 =	sadd.s32 $0xFFFFFEF7, lr;
	s5 =	simm.s32 $0xFFFFFFFF;
	p2 =	slt.u32 s8, $0xFFFFF086  }
0x1c: {  	p1 =	slt.u32 s9, $0xF7A;
	s5 =	simm.s32 @!p2 $0x0  }
0x1d: {  	s5 =	simm.s32 @p1 $0x1;
	p0 =	seq.s32 s7, s2  }
0x1e: {  	s7 =	smul.u32 @!p0 $0xF7A, s2;
	p2 =	seq.s32 @!p0 s5, $0x0  }
0x1f: {  	s9 =	smul.u32 $0xF7A, s1;
	s8 =	simm.s32 @!p0 $0x1BF5;
	p2 =	por !p2, p0  }
0x20: {  	[sflag:s8] =	ssyncset.s32 @!p0 $0xFFFFF086;
	s6 =	sadd.s32 @!p0 s3, s7;
	s7 =	simm.s32 @!p0 $0x108  }
0x21: {  	s3 =	sadd.s32 s3, s9;
	s6 =	sadd.s32 @!p0 $0x88, s6;
	s7 =	simm.s32 @p2 $0x1082  }
0x22: {  	[simem:s7], [sflag:s8] =	dma.local @!p0 [hbm:s6], $0xF7A  }
0x23: {  	s9 =	sor.u32 $0xD0000000, s2;
	s6 =	simm.s32 $0x108;
	_ =	swait.ge @!p0 [sflag:s8], $0x0  }
0x24: {  	s3 =	sadd.s32 $0x88, s3;
	s6 =	simm.s32 @!p1 $0x1082;
	[sflag:s4] =	ssyncset.s32 $0xFFFFF086  }
0x25: {  	[simem:s6], [sflag:s4] =	dma.local [hbm:s3], $0xF7A  }
0x26: {  	[smem:$0x3F7A] =	sst s1;
	(tag) =	ssettag s2;
	_ =	strace s9  }
0x27: {  	s1 =	sld [smem:$0x3F8A]  }
0x28: {  	s2 =	sld [smem:$0x3F8B]  }
0x29: {  	s4 =	sld [smem:$0x3F8D]  }
0x2a: {  	p0 =	seq.s32 s5, $0x0;
	s5 =	sld [smem:$0x3F8E]  }
0x2b: {  	s6 =	sld [smem:$0x3F8F]  }
0x2c: {  	s7 =	sld [smem:$0x3F90]  }
0x2d: {  	s3 =	simm.s32 $0x108;
	s8 =	sld [smem:$0x3F91]  }
0x2e: {  	s3 =	simm.s32 @!p0 $0x1082;
	s9 =	sld [smem:$0x3F92]  }
0x2f: {  	lr =	sadd.s32 s0, s3;
	s0 =	sld [smem:$0x3F89]  }
0x30: {  	s3 =	sld [smem:$0x3F8C]  }
0x31: {  	[smem:$0x3F95] =	sst s10  }
0x32: {  	s10 =	sld [smem:$0x3F93];
	_ =	sdelay $0x3  }
0x33: {  	p0 =	seq.s32 s10, $0x1;
	s10 =	sld [smem:$0x3F95];
	_ =	sdelay $0x3  }
0x34: {  	[smem:$0x3F95] =	sst s10  }
0x35: {  	s10 =	sld [smem:$0x3F94];
	_ =	sdelay $0x3  }
0x36: {  	p1 =	seq.s32 s10, $0x1;
	s10 =	sld [smem:$0x3F95];
	_ =	sdelay $0x3  }
0x37: {  	[smem:$0x3F95] =	sst s10  }
0x38: {  	s10 =	sld [smem:$0x3F96]  }
0x39: {  	_ = 	snop;
	(pc) =	sbr.ind lr, $3  }
0x3a: {  	_ = 	snop  }
0x3b: {  	_ = 	snop  }
0x3c: {  	p2 =	seq.s32 s10, $0x1;
	s10 =	sld [smem:$0x3F95]  }
0x3d: {  	_ =	shalt  }
0x3e: {  	_ =	shalt  }
0x3f: {  	_ =	shalt  }
0x40: {  	_ =	shalt  }
0x41: {  	_ =	shalt  }
0x42: {  	_ =	shalt  }
0x43: {  	_ =	shalt  }
0x44: {  	_ =	shalt  }
0x45: {  	_ =	shalt  }
0x46: {  	_ =	shalt  }
0x47: {  	_ =	shalt  }
0x48: {  	_ =	shalt  }
0x49: {  	_ =	shalt  }
0x4a: {  	_ =	shalt  }
0x4b: {  	_ =	shalt  }
0x4c: {  	_ =	shalt  }
0x4d: {  	_ =	shalt  }
0x4e: {  	_ =	shalt  }
0x4f: {  	_ =	shalt  }
0x50: {  	_ =	shalt  }
0x51: {  	_ =	shalt  }
0x52: {  	_ =	shalt  }
0x53: {  	_ =	shalt  }
0x54: {  	_ =	shalt  }
0x55: {  	_ =	shalt  }
0x56: {  	_ =	shalt  }
0x57: {  	_ =	shalt  }
0x58: {  	_ =	shalt  }
0x59: {  	_ =	shalt  }
0x5a: {  	_ =	shalt  }
0x5b: {  	_ =	shalt  }
0x5c: {  	_ =	shalt  }
0x5d: {  	_ =	shalt  }
0x5e: {  	_ =	shalt  }
0x5f: {  	_ =	shalt  }
0x60: {  	_ =	shalt  }
0x61: {  	_ =	shalt  }
0x62: {  	_ =	shalt  }
0x63: {  	_ =	shalt  }
0x64: {  	_ =	shalt  }
0x65: {  	_ =	shalt  }
0x66: {  	_ =	shalt  }
0x67: {  	_ =	shalt  }
0x68: {  	_ =	shalt  }
0x69: {  	_ =	shalt  }
0x6a: {  	_ =	shalt  }
0x6b: {  	_ =	shalt  }
0x6c: {  	_ =	shalt  }
0x6d: {  	_ =	shalt  }
0x6e: {  	_ =	shalt  }
0x6f: {  	_ =	shalt  }
0x70: {  	_ =	shalt  }
0x71: {  	_ =	shalt  }
0x72: {  	_ =	shalt  }
0x73: {  	_ =	shalt  }
0x74: {  	_ =	shalt  }
0x75: {  	_ =	shalt  }
0x76: {  	_ =	shalt  }
0x77: {  	_ =	shalt  }
0x78: {  	_ =	shalt  }
0x79: {  	_ =	shalt  }
0x7a: {  	_ =	shalt  }
0x7b: {  	_ =	shalt  }
0x7c: {  	_ =	shalt  }
0x7d: {  	_ =	shalt  }
0x7e: {  	_ =	shalt  }
0x7f: {  	_ =	shalt  }
0x80: {  	_ =	shalt  }
0x81: {  	_ =	shalt  }
0x82: {  	_ =	shalt  }
0x83: {  	_ =	shalt  }
0x84: {  	_ =	shalt  }
0x85: {  	_ =	shalt  }
0x86: {  	_ =	shalt  }
0x87: {  	_ =	shalt  }
.Lfunc_end0:
.L_simem_size_0:
called_computation_lowered:
.L_overlay_start_0:
0x88: {  	s2 =	sld [smem:$0x3FD9]  }
0x89: {  	s3 =	sld [smem:$0x3FFE];
	_ =	sdelay $0x1  }
0x8a: {  	s1 =	srdreg.scid  }
0x8b: {  	s0 =	sand.u32 $0x1, s1  }
0x8c: {  	s16 =	sshll.u32 s0, $0xA;
	s2 =	sadd.s32 s3, s2  }
0x8d: {  	s2 =	sadd.s32 s2, s16  }
0x8e: {  	[smem:$0x3FA1] =	sst s2  }
0x8f: {  	_ = 	snop  }
0x90: {  	(tm) =	ssettm $0x1  }
0x91: {  	s17 =	sld [smem:$0x3FFB];
	_ =	sdelay $0x3  }
0x92: {  	_ =	strace s17  }
0x93: {  	s2 =	sld [smem:$0x3FFC];
	_ =	sdelay $0x3  }
0x94: {  	_ =	strace s2  }
0x95: {  	s2 =	sld [smem:$0x3FFD];
	_ =	sdelay $0x3  }
0x96: {  	_ =	strace s2  }
0x97: {  	_ =	strace $0x8FFFFFFF  }
0x98: {  	s18 =	sld [smem:$0x3FDB];
	_ =	sdelay $0x1  }
0x99: {  	s19 =	simm.s32 $_scs_section_size  }
0x9a: {  	s4 =	simm.s32 $_size__tile_overlayer_lowered;
	s5 =	simm.s32 $_tile_overlayer_lowered  }
0x9b: {  	s22 =	simm.s32 $0x1BFF;
	s21 =	sshll.u32 s5, $0x1;
	s2 =	sadd.s32 s19, s18  }
0x9c: {  	s6 =	simm.s32 $0x0;
	s20 =	sshll.u32 s4, $0x1;
	s4 =	sadd.s32 s21, s2  }
0x9d: {  	[timem:s6], [sflag:s22] =	dma.local [hbm:s4], s20  }
0x9e: {  	_ =	swait.ge [sflag:s22], s20  }
0x9f: {  	s3 =	ssub.s32 $0x0, s20;
	[sflag:s22] =	ssyncset.done $0x0  }
0xa0: {  	[sflag:s22] =	ssyncadd.s32 s3;
	_ =	sdelay $0x1  }
0xa1: {  	s23 =	simm.s32 $0x1B8B  }
0xa2: {  	_ =	swait.ge [sflag:s23], $0x1  }
0xa3: {  	[sflag:s23] =	ssyncset.done $0x0  }
0xa4: {  	s25 =	simm.s32 $0x1B8E;
	s24 =	sld [smem:$0x3FFE];
	[sflag:s23] =	ssyncadd.s32 $0xFFFFFFFF  }
0xa5: {  	s26 =	simm.s32 $execute0_lowered;
	[smem:$0x3FD2] =	sst s25  }
0xa6: {  	s4 =	sshll.u32 s26, $0x1;
	_ =	strace $0x80000046;
	[dreg:$0x1] =	wrdreg $0xFFFFFFFF  }
0xa7: {  	s28 =	simm.s32 $_size_execute0_lowered;
	s2 =	sadd.s32 s2, s4;
	[dreg:$0x0] =	wrdreg $0x0  }
0xa8: {  	s4 =	sshll.u32 s28, $0x1;
	[dreg:$0x2] =	wrdreg s2  }
0xa9: {  	[dreg:$0x3] =	wrdreg s4  }
0xaa: {  	[dreg:$0x4] =	wrdreg $0xC0  }
0xab: {  	_ =	task [dreg:s6], $0x5FFFF  }
0xac: {  	[dreg:$0x1] =	wrdreg $0xFFFFFFFF  }
0xad: {  	[dreg:$0x0] =	wrdreg $0x60  }
0xae: {  	[dreg:$0x2] =	wrdreg s24  }
0xaf: {  	[dreg:$0x3] =	wrdreg $0x9  }
0xb0: {  	_ =	task.clear_ibuf [dreg:s6], $0x4FFFF;
	_ =	strace $0x90000046  }
0xb1: {  	s29 =	simm.s32 $0x9;
	_ =	strace $0x80000048  }
0xb2: {  	_ =	swait.ge [sflag:s29], $0x1  }
0xb3: {  	[sflag:s29] =	ssyncadd.s32 $0xFFFFFFFF  }
0xb4: {  	_ =	strace $0x90000048  }
0xb5: {  	_ =	sfence  }
0xb6: {  	s30 =	sld [smem:$0x0];
	_ =	sdelay $0x2  }
0xb7: {  	s31 =	sshll.u32 s1, $0xD;
	s1 =	sshrl.u32 s1, $0x2  }
0xb8: {  	s3 =	sand.u32 $0x4000, s31;
	s1 =	sadd.s32 s1, s30  }
0xb9: {  	s0 =	sor.u32 s3, s0;
	s1 =	sshll.u32 s1, $0x11  }
0xba: {  	s0 =	sor.u32 s1, s0  }
0xbb: {  	s0 =	sadd.s32 $0x8F2B, s0  }
0xbc: {  	[sflag:s0] =	ssyncadd.remote.s32 $0x1  }
0xbd: {  	_ =	sfence.sel $0xFFFF  }
0xbe: {  	[dreg:$0x0] =	wrdreg $0xFFFFFFFF;
	(pc) =	sbr.abs _section_cstart, $3  }
0xbf: {  	[dreg:$0x1] =	wrdreg $0xFFFFFFFF  }
0xc0: {  	_ =	task.clear_ibuf [dreg:s6], $0x2FFFF;
	_ =	strace $0x9FFFFFFF  }
0xc1: {  	(tm) =	ssettm $0x7FFFFFFF  }
tec
execute0_lowered:
.L_overlay_start_1:
0x0: {  	(tag) =	ssettag $0x1  }
0x1: {  	s0 =	rddreg [dreg:$0x0];
	s2 =	simm.s32 $0x0  }
0x2: {  	s1 =	srdreg.scid;
	s4 =	stileid.u32;
	s18 =	simm.s32 $0x8A00  }
0x3: {  	s20 =	simm.s32 $0x8200;
	s28 =	simm.s32 $0x2;
	s29 =	simm.s32 $0x4200  }
0x4: {  	s30 =	simm.s32 $0x3;
	s31 =	simm.s32 $0x4;
	[smem:$0x7FF] =	sst s2  }
0x5: {  	s3 =	sadd.s32 $0xB200, s0;
	s1 =	sand.u32 $0x1, s1;
	s6 =	sshll.u32 s4, $0x1  }
0x6: {  	s4 =	sadd.s32 $0x47800, s0;
	s5 =	sadd.s32 $0x51800, s0;
	s8 =	sadd.s32 $0x1F200, s0  }
0x7: {  	s9 =	sadd.s32 $0xEFC00, s0;
	s10 =	sadd.s32 $0x9FC00, s0;
	s7 =	sor.u32 s1, s6  }
0x8: {  	_ =	strace $0x80000047;
	s1 =	ssub.s32 $0x2, s1;
	s7 =	smul.u32 $0x2800, s7  }
0x9: {  	s6 =	sadd.s32 $0x78A00, s0;
	[dreg:$0x2] =	wrdreg s8;
	s21 =	sshrl.u32 s1, $0x1  }
0xa: {  	s22 =	ssub.s32 s1, s21;
	s21 =	simm.s32 $0x8600;
	s23 =	sshrl.u32 s7, $0x3  }
0xb: {  	s15 =	sor.u32 $0x100, s7;
	s16 =	sor.u32 $0x180, s7;
	s0 =	smax.u32 s22, $0x1  }
0xc: {  	s22 =	simm.s32 $0x0;
	s24 =	sadd.s32 s3, s23;
	s25 =	sadd.s32 s4, s23  }
.Ltmp0:
0xd: {  	s1 =	sor.u32 $0x10, s23;
	[dreg:$0x7] =	wrdreg s0;
	(pc) =	sbr.rel .LBB2_1-.Ltmp0, $4  }
0xe: {  	s23 =	simm.s32 $0x100;
	s0 =	simm.s32 $0x5;
	[dreg:$0x3] =	wrdreg s24  }
0xf: {  	[dreg:$0x4] =	wrdreg s25;
	s26 =	sadd.s32 s3, s1;
	s1 =	sadd.s32 s4, s1  }
0x10: {  	v0 =	vlaneseq.u32;
	s24 =	simm.s32 $0x180;
	s25 =	simm.s32 $0x1;
	[dreg:$0x5] =	wrdreg s26  }
0x11: {  	v1 =	vimm.f32 $0.0e+00;
	v0 =	vmul.u32 $0x8, v0;
	[dreg:$0x6] =	wrdreg s1;
	s26 =	simm.s32 $0x200;
	s1 =	simm.s32 $0x6  }
.LBB2_8:
0x12: {  	_ =	swait.ge [sflag:s0], $0x4000  }
0x13: {  	[sflag:s0] =	ssyncset.done $0x0  }
0x14: {  	[sflag:s0] =	ssyncadd.s32 $0xFFFFC000  }
0x15: {  	_ =	swait.ge [sflag:s0], $0x400  }
0x16: {  	[sflag:s0] =	ssyncset.done $0x0  }
0x17: {  	[sflag:s0] =	ssyncadd.s32 $0xFFFFFC00  }
0x18: {  	_ =	swait.ge [sflag:s1], $0x4000  }
0x19: {  	[sflag:s1] =	ssyncset.done $0x0  }
0x1a: {  	[sflag:s1] =	ssyncadd.s32 $0xFFFFC000  }
0x1b: {  	_ =	swait.ge [sflag:s1], $0x400  }
0x1c: {  	s22 =	sadd.s32 $0x1, s22;
	s8 =	rddreg [dreg:$0x7]  }
0x1d: {  	p0 =	sne.s32 s22, s8  }
.Ltmp1:
0x1e: {  	_ = 	snop;
	(pc) =	sbr.rel @!p0 .LBB2_9-.Ltmp1, $3  }
0x1f: {  	_ =	sdelay $0x1  }
0x20: {  	[sflag:s1] =	ssyncset.done $0x0  }
0x21: {  	[sflag:s1] =	ssyncadd.s32 $0xFFFFFC00  }
.LBB2_1:
0x22: {  	v2 =	vmov s2  }
0x23: {  	v2 =	vshll.u32 v2, $0x3  }
0x24: {  	v6 =	vor.u32 v0, v2  }
0x25: {  	s8 =	rddreg [dreg:$0x2];
	s19 =	simm.s32 $0x7;
	v2 =	vor.u32 $0x3, v6  }
0x26: {  	[tilespmem:s18], [sflag:$0x7] =	stream.linear.gather [hbm4b:s8+s2], $0x9C80, $0x38;
	v3 =	vor.u32 $0x4, v6;
	[tilespmem:$0x12680] =	vst v63  }
0x27: {  	_ =	swait.ge [sflag:s19], $0x9C80;
	v4 =	vor.u32 $0x5, v6  }
0x28: {  	[sflag:s19] =	ssyncset.done $0x0;
	v5 =	vor.u32 $0x6, v6  }
0x29: {  	v6 =	vor.u32 $0x7, v6;
	[sflag:s19] =	ssyncadd.s32 $0xFFFF6380  }
0x2a: {  	[tilespmem:v2+s20+$0x0] =	vst.idx.msk $0xffff, v1  }
0x2b: {  	s8 =	simm.s32 $0x10;
	[tilespmem:v3+s20+$0x0] =	vst.idx.msk $0xffff, v1  }
.LBB2_2:
0x2c: {  	v7 =	vmov s8;
	p0 =	sne.s32 s8, $0x70;
	s8 =	sadd.s32 $0x10, s8;
	[tilespmem:v4+s20+$0x0] =	vst.idx.msk $0xffff, v1  }
0x2d: {  	v7 =	vshll.u32 v7, $0x3;
	[tilespmem:v5+s20+$0x0] =	vst.idx.msk $0xffff, v1  }
0x2e: {  	v7 =	vor.u32 v0, v7;
	[tilespmem:v6+s20+$0x0] =	vst.idx.msk $0xffff, v1  }
0x2f: {  	[tilespmem:v2+s21+$0x0] =	vst.idx.msk $0xffff, v1;
	v2 =	vor.u32 $0x3, v7  }
0x30: {  	[tilespmem:v3+s21+$0x0] =	vst.idx.msk $0xffff, v1;
	v3 =	vor.u32 $0x4, v7  }
.Ltmp2:
0x31: {  	[tilespmem:v4+s21+$0x0] =	vst.idx.msk $0xffff, v1;
	v4 =	vor.u32 $0x5, v7;
	(pc) =	sbr.rel @p0 .LBB2_2-.Ltmp2, $4  }
0x32: {  	[tilespmem:v5+s21+$0x0] =	vst.idx.msk $0xffff, v1;
	v5 =	vor.u32 $0x6, v7  }
0x33: {  	[tilespmem:v6+s21+$0x0] =	vst.idx.msk $0xffff, v1;
	v6 =	vor.u32 $0x7, v7  }
0x34: {  	[tilespmem:v2+s20+$0x0] =	vst.idx.msk $0xffff, v1  }
0x35: {  	[tilespmem:v3+s20+$0x0] =	vst.idx.msk $0xffff, v1  }
0x36: {  	_ =	sdelay $0x3  }
0x37: {  	[tilespmem:v4+s20+$0x0] =	vst.idx.msk $0xffff, v1  }
0x38: {  	[tilespmem:v5+s20+$0x0] =	vst.idx.msk $0xffff, v1  }
0x39: {  	[tilespmem:v6+s20+$0x0] =	vst.idx.msk $0xffff, v1  }
0x3a: {  	[tilespmem:v2+s21+$0x0] =	vst.idx.msk $0xffff, v1  }
0x3b: {  	[tilespmem:v3+s21+$0x0] =	vst.idx.msk $0xffff, v1  }
0x3c: {  	[tilespmem:v4+s21+$0x0] =	vst.idx.msk $0xffff, v1  }
0x3d: {  	[tilespmem:v5+s21+$0x0] =	vst.idx.msk $0xffff, v1  }
0x3e: {  	s8 =	simm.s32 $0x0;
	s11 =	rddreg [dreg:$0x3];
	[tilespmem:v6+s21+$0x0] =	vst.idx.msk $0xffff, v1  }
0x3f: {  	[tilespmem:s8], [sflag:$0x1] =	stream.linear.gather [hbm4b:s11+s8], $0x80, $0x38;
	[tilespmem:$0x12680] =	vst v63  }
0x40: {  	s14 =	rddreg [dreg:$0x4];
	s12 =	simm.s32 $0x80  }
0x41: {  	[tilespmem:s12], [sflag:$0x1] =	stream.linear.gather [hbm4b:s14+s8], $0x80, $0x38;
	[tilespmem:$0x12680] =	vst v63  }
0x42: {  	s17 =	rddreg [dreg:$0x5]  }
0x43: {  	[tilespmem:s23], [sflag:$0x2] =	stream.linear.gather [hbm4b:s17+s8], $0x80, $0x38;
	[tilespmem:$0x12680] =	vst v63  }
0x44: {  	s19 =	rddreg [dreg:$0x6];
	s11 =	simm.s32 $0x0  }
0x45: {  	[tilespmem:s24], [sflag:$0x2] =	stream.linear.gather [hbm4b:s19+s8], $0x80, $0x38;
	[tilespmem:$0x12680] =	vst v63  }
.LBB2_4:
0x46: {  	p0 =	seq.s32 s11, $0x0  }
0x47: {  	s12 =	simm.s32 @!p0 $0x5  }
0x48: {  	_ =	swait.ge @!p0 [sflag:s12], $0x4000  }
0x49: {  	[sflag:s12] =	ssyncset.done @!p0 $0x0  }
0x4a: {  	[sflag:s12] =	ssyncadd.s32 @!p0 $0xFFFFC000  }
0x4b: {  	_ =	swait.ge @!p0 [sflag:s12], $0x400  }
0x4c: {  	[sflag:s12] =	ssyncset.done @!p0 $0x0  }
0x4d: {  	[sflag:s12] =	ssyncadd.s32 @!p0 $0xFFFFFC00;
	s12 =	simm.s32 @!p0 $0x6  }
0x4e: {  	_ =	swait.ge @!p0 [sflag:s12], $0x4000  }
0x4f: {  	[sflag:s12] =	ssyncset.done @!p0 $0x0  }
0x50: {  	[sflag:s12] =	ssyncadd.s32 @!p0 $0xFFFFC000  }
0x51: {  	_ =	swait.ge @!p0 [sflag:s12], $0x400  }
0x52: {  	[sflag:s12] =	ssyncset.done @!p0 $0x0  }
0x53: {  	[sflag:s12] =	ssyncadd.s32 @!p0 $0xFFFFFC00  }
0x54: {  	_ =	swait.ge [sflag:s25], $0x80  }
0x55: {  	[sflag:s25] =	ssyncset.done $0x0  }
0x56: {  	[sflag:s25] =	ssyncadd.s32 $0xFFFFFF80  }
0x57: {  	_ =	swait.ge [sflag:s25], $0x80  }
0x58: {  	[sflag:s25] =	ssyncset.done $0x0  }
0x59: {  	s12 =	simm.s32 $0x80;
	[sflag:s25] =	ssyncadd.s32 $0xFFFFFF80  }
0x5a: {  	[tilespmem:s26], [sflag:$0x3] =	stream.indirect.gather [hbm4b:s5+s12], $0x80, s8, s12, $0xb8;
	[tilespmem:$0x12680] =	vst v63  }
0x5b: {  	_ =	swait.ge [sflag:s28], $0x80  }
0x5c: {  	[sflag:s28] =	ssyncset.done $0x0  }
0x5d: {  	[sflag:s28] =	ssyncadd.s32 $0xFFFFFF80  }
0x5e: {  	_ =	swait.ge [sflag:s28], $0x80  }
0x5f: {  	[sflag:s28] =	ssyncset.done $0x0  }
0x60: {  	s13 =	simm.s32 $0x100;
	[sflag:s28] =	ssyncadd.s32 $0xFFFFFF80  }
0x61: {  	[tilespmem:s29], [sflag:$0x4] =	stream.indirect.gather [hbm4b:s5+s12], $0x80, s13, s12, $0xb8;
	[tilespmem:$0x12680] =	vst v63  }
0x62: {  	_ =	swait.ge [sflag:s30], $0x4000  }
0x63: {  	[sflag:s30] =	ssyncset.done $0x0  }
0x64: {  	[sflag:s30] =	ssyncadd.s32 $0xFFFFC000  }
0x65: {  	[tilespmem:s26], [sflag:$0x3] =	stream.indirect.gather.add.f32 [hbm:s6], $0x80, s12, s12, $0xb8;
	[tilespmem:$0x12680] =	vst v63  }
0x66: {  	_ =	swait.ge [sflag:s31], $0x4000  }
0x67: {  	s14 =	simm.s32 $0x180;
	[sflag:s31] =	ssyncset.done $0x0  }
0x68: {  	s17 =	simm.s32 $0x0;
	s19 =	simm.s32 $0x0;
	[sflag:s31] =	ssyncadd.s32 $0xFFFFC000  }
0x69: {  	[tilespmem:s29], [sflag:$0x4] =	stream.indirect.gather.add.f32 [hbm:s6], $0x80, s14, s12, $0xb8;
	[tilespmem:$0x12680] =	vst v63  }
.LBB2_5:
0x6a: {  	v2 =	vld [tilespmem:s17+$0x0]  }
0x6b: {  	v3 =	vld [tilespmem:s12+$0x0];
	_ =	sdelay $0x3  }
0x6c: {  	v2 =	vshll.u32 v2, $0x2  }
0x6d: {  	v3 =	vshll.u32 v3, $0x2;
	_ =	sdelay $0x3  }
0x6e: {  	v4 =	vld.idx.msk [tilespmem:v2+s18+$0x0], $0xffff  }
0x6f: {  	v5 =	vmov s19;
	v6 =	vld.idx.msk [tilespmem:v3+s18+$0x0], $0xffff  }
0x70: {  	v5 =	vshll.u32 v5, $0x3  }
0x71: {  	v5 =	vor.u32 v0, v5  }
0x72: {  	v7 =	vor.u32 $0x1, v2  }
0x73: {  	v8 =	vor.u32 $0x1, v3  }
0x74: {  	v4 =	vsub.f32 v4, v6;
	_ =	sdelay $0x1  }
0x75: {  	[tilespmem:v5+s20+$0x0] =	vst.idx.msk $0xffff, v4  }
0x76: {  	v4 =	vld.idx.msk [tilespmem:v7+s18+$0x0], $0xffff  }
0x77: {  	v59 =	vld.idx.msk [tilespmem:v8+s18+$0x0], $0xffff;
	_ =	sdelay $0x1  }
0x78: {  	v60 =	vor.u32 $0x1, v5  }
0x79: {  	v2 =	vor.u32 $0x2, v2  }
0x7a: {  	v3 =	vor.u32 $0x2, v3  }
0x7b: {  	v4 =	vsub.f32 v4, v59;
	_ =	sdelay $0x1  }
0x7c: {  	[tilespmem:v60+s20+$0x0] =	vst.idx.msk $0xffff, v4  }
0x7d: {  	v2 =	vld.idx.msk [tilespmem:v2+s18+$0x0], $0xffff  }
0x7e: {  	v3 =	vld.idx.msk [tilespmem:v3+s18+$0x0], $0xffff;
	_ =	sdelay $0x1  }
0x7f: {  	v61 =	vor.u32 $0x2, v5;
	_ =	sdelay $0x2  }
0x80: {  	v2 =	vsub.f32 v2, v3;
	_ =	sdelay $0x1  }
0x81: {  	[tilespmem:v61+s20+$0x0] =	vst.idx.msk $0xffff, v2  }
0x82: {  	v2 =	vld [tilespmem:s13+$0x0]  }
0x83: {  	v3 =	vld [tilespmem:s14+$0x0];
	_ =	sdelay $0x3  }
0x84: {  	v2 =	vshll.u32 v2, $0x2  }
0x85: {  	v3 =	vshll.u32 v3, $0x2;
	_ =	sdelay $0x3  }
0x86: {  	v62 =	vld.idx.msk [tilespmem:v2+s18+$0x0], $0xffff  }
0x87: {  	v63 =	vld.idx.msk [tilespmem:v3+s18+$0x0], $0xffff;
	_ =	sdelay $0x2  }
0x88: {  	v9 =	vor.u32 $0x1, v2  }
0x89: {  	v10 =	vor.u32 $0x1, v3  }
0x8a: {  	v6 =	vsub.f32 v62, v63;
	_ =	sdelay $0x1  }
0x8b: {  	[tilespmem:v5+s21+$0x0] =	vst.idx.msk $0xffff, v6  }
0x8c: {  	v5 =	vld.idx.msk [tilespmem:v9+s18+$0x0], $0xffff  }
0x8d: {  	v6 =	vld.idx.msk [tilespmem:v10+s18+$0x0], $0xffff;
	_ =	sdelay $0x2  }
0x8e: {  	v2 =	vor.u32 $0x2, v2  }
0x8f: {  	v3 =	vor.u32 $0x2, v3  }
0x90: {  	v5 =	vsub.f32 v5, v6;
	_ =	sdelay $0x1  }
0x91: {  	[tilespmem:v60+s21+$0x0] =	vst.idx.msk $0xffff, v5  }
0x92: {  	v2 =	vld.idx.msk [tilespmem:v2+s18+$0x0], $0xffff  }
0x93: {  	v3 =	vld.idx.msk [tilespmem:v3+s18+$0x0], $0xffff;
	_ =	sdelay $0x1  }
0x94: {  	p0 =	sne.s32 s19, $0x70  }
.Ltmp3:
0x95: {  	_ = 	snop;
	(pc) =	sbr.rel @p0 .LBB2_5-.Ltmp3, $4  }
0x96: {  	_ = 	snop  }
0x97: {  	v2 =	vsub.f32 v2, v3  }
0x98: {  	s17 =	sadd.s32 $0x10, s17;
	s12 =	sadd.s32 $0x10, s12  }
0x99: {  	s19 =	sadd.s32 $0x10, s19;
	s13 =	sadd.s32 $0x10, s13;
	s14 =	sadd.s32 $0x10, s14;
	[tilespmem:v61+s21+$0x0] =	vst.idx.msk $0xffff, v2  }
0x9a: {  	s12 =	sshll.u32 s11, $0x8;
	_ =	swait.ge [sflag:s30], $0x4000  }
0x9b: {  	s13 =	sadd.s32 s7, s12;
	[sflag:s30] =	ssyncset.done $0x0  }
0x9c: {  	[sflag:s30] =	ssyncadd.s32 $0xFFFFC000;
	s14 =	sadd.s32 s10, s13;
	s13 =	sshll.u32 s13, $0x4  }
0x9d: {  	[hbm4b:s14+s2] =	stream.linear.scatter [tilespmem:s20], [sflag:$0x5], $0x400, $0x38;
	[tilespmem:$0x12680] =	vst v63  }
0x9e: {  	p0 =	seq.s32 s11, $0x27;
	s13 =	sadd.s32 s9, s13  }
0x9f: {  	[hbm4b:s13+s2] =	stream.linear.scatter [tilespmem:s26], [sflag:$0x5], $0x4000, $0x38;
	[tilespmem:$0x12680] =	vst v63  }
0xa0: {  	s13 =	sadd.s32 @!p0 s12, s15  }
0xa1: {  	s13 =	sshrl.u32 @!p0 s13, $0x3  }
0xa2: {  	s17 =	simm.s32 @!p0 $0x0;
	s14 =	sadd.s32 @!p0 s3, s13  }
0xa3: {  	[tilespmem:s17], [sflag:$0x1] =	stream.linear.gather @!p0 [hbm4b:s14+s17], $0x80, $0x38;
	[tilespmem:$0x12680] =	vst v63  }
0xa4: {  	s13 =	sadd.s32 @!p0 s4, s13;
	s14 =	simm.s32 @!p0 $0x80  }
0xa5: {  	[tilespmem:s14], [sflag:$0x1] =	stream.linear.gather @!p0 [hbm4b:s13+s17], $0x80, $0x38;
	[tilespmem:$0x12680] =	vst v63  }
0xa6: {  	s17 =	sadd.s32 s12, s7;
	_ =	swait.ge [sflag:s31], $0x4000  }
.Ltmp4:
0xa7: {  	s13 =	sadd.s32 $0x80, s17;
	[sflag:s31] =	ssyncset.done $0x0;
	(pc) =	sbr.rel @p0 .LBB2_8-.Ltmp4, $4  }
0xa8: {  	s19 =	sadd.s32 s10, s13;
	s13 =	sshll.u32 s13, $0x4;
	[sflag:s31] =	ssyncadd.s32 $0xFFFFC000  }
0xa9: {  	[hbm4b:s19+s2] =	stream.linear.scatter [tilespmem:s21], [sflag:$0x6], $0x400, $0x38;
	[tilespmem:$0x12680] =	vst v63  }
0xaa: {  	s13 =	sadd.s32 s9, s13  }
0xab: {  	[hbm4b:s13+s2] =	stream.linear.scatter [tilespmem:s29], [sflag:$0x6], $0x4000, $0x38;
	[tilespmem:$0x12680] =	vst v63  }
0xac: {  	s12 =	sadd.s32 s12, s16  }
.Ltmp5:
0xad: {  	s12 =	sshrl.u32 s12, $0x3;
	(pc) =	sbr.rel .LBB2_4-.Ltmp5, $4  }
0xae: {  	s13 =	sadd.s32 s3, s12  }
0xaf: {  	[tilespmem:s23], [sflag:$0x2] =	stream.linear.gather [hbm4b:s13+s2], $0x80, $0x38;
	[tilespmem:$0x12680] =	vst v63  }
0xb0: {  	s11 =	sadd.s32 $0x1, s11;
	s12 =	sadd.s32 s4, s12  }
0xb1: {  	[tilespmem:s24], [sflag:$0x2] =	stream.linear.gather [hbm4b:s12+s2], $0x80, $0x38;
	[tilespmem:$0x12680] =	vst v63  }
.LBB2_9:
0xb2: {  	_ =	sfence.sel $0x180000  }
0xb3: {  	[bflag:$0x0] =	sbarrier.arrive $0xFFFF  }
0xb4: {  	_ =	strace $0x90000047  }
0xb5: {  	s0 =	stileid.u32;
	[bflag:$0x2] =	sbarrier.arrive $0xFFFF  }
0xb6: {  	p0 =	sne.s32 s0, $0x0;
	s0 =	rddreg [dreg:$0x1]  }
0xb7: {  	s0 =	sadd.s32 @!p0 $0x100000, s0  }
0xb8: {  	[sflag:s0] =	ssyncadd.tile.s32 @!p0 $0x1;
	_ =	shalt  }
.Lfunc_end2:
_tile_overlayer_lowered:
.L_overlay_start_2:
0xb9: {  	(tag) =	ssettag $0x2  }
0xba: {  	s0 =	rddreg [dreg:$0x0];
	s2 =	stileid.u32  }
0xbb: {  	s1 =	rddreg [dreg:$0x1];
	p0 =	sne.s32 s2, $0x0  }
0xbc: {  	s3 =	rddreg [dreg:$0x2];
	[bflag:$0x3] =	sbarrier.arrive $0xFFFF;
	s2 =	simm.s32 @!p0 $0x1C07  }
0xbd: {  	[timem:s3], [sflag:s2] =	dma.local @!p0 [hbm:s0], s1  }
0xbe: {  	s0 =	simm.s32 @!p0 $0x7  }
0xbf: {  	_ =	swait.ge @!p0 [sflag:s0], s1  }
0xc0: {  	s1 =	ssub.s32 @!p0 $0x0, s1;
	[sflag:s0] =	ssyncset.done @!p0 $0x0  }
0xc1: {  	[sflag:s0] =	ssyncadd.s32 @!p0 s1  }
0xc2: {  	[bflag:$0x3] =	sbarrier.arrive $0xFFFF  }
0xc3: {  	_ =	shalt  }

// kernel: kernel.22.cloned.1.call-start
scs
__scs_entry_jumppad:
0x0: {  	(pc) =	sbr.rel $0x88, $3  }
0x1: {  	(tag) =	ssettag $0x0;
	lr =	simm.s32 $0x1  }
0x2: {  	[smem:$0x3F7A] =	sst lr;
	_ =	strace $0xD0000000  }
0x3: {  	_ = 	snop  }
0x4: {  	_ = 	snop  }
0x5: {  	_ = 	snop  }
0x6: {  	_ = 	snop  }
0x7: {  	_ = 	snop  }
__scs_overlays_trampoline_lowered:
0x8: {  	[smem:$0x3F89] =	sst s0  }
0x9: {  	[smem:$0x3F8A] =	sst s1  }
0xa: {  	[smem:$0x3F8B] =	sst s2  }
0xb: {  	[smem:$0x3F8C] =	sst s3  }
0xc: {  	[smem:$0x3F8D] =	sst s4  }
0xd: {  	[smem:$0x3F8E] =	sst s5  }
0xe: {  	[smem:$0x3F8F] =	sst s6  }
0xf: {  	[smem:$0x3F90] =	sst s7  }
0x10: {  	[smem:$0x3F91] =	sst s8  }
0x11: {  	[smem:$0x3F92] =	sst s9;
	s0 =	simm.s32 @!p0 $0x0  }
0x12: {  	s1 =	sld [smem:$0x3F78];
	s0 =	simm.s32 @p0 $0x1  }
0x13: {  	[smem:$0x3F93] =	sst s0;
	s0 =	simm.s32 @!p1 $0x0  }
0x14: {  	s2 =	sld [smem:$0x3F77];
	s0 =	simm.s32 @p1 $0x1  }
0x15: {  	[smem:$0x3F94] =	sst s0;
	s0 =	simm.s32 @!p2 $0x0  }
0x16: {  	s3 =	sld [smem:$0x3FDB];
	s0 =	simm.s32 @p2 $0x1  }
0x17: {  	s4 =	simm.s32 $0x1BF5;
	[smem:$0x3F96] =	sst s0  }
0x18: {  	s0 =	sld [smem:$0x3F79];
	_ =	swait.ge [sflag:s4], $0x0  }
0x19: {  	s7 =	sld [smem:$0x3F7A]  }
0x1a: {  	s8 =	sadd.s32 $0xFFFFE003, lr  }
0x1b: {  	s9 =	sadd.s32 $0xFFFFFEF7, lr;
	s5 =	simm.s32 $0xFFFFFFFF;
	p2 =	slt.u32 s8, $0xFFFFF086  }
0x1c: {  	p1 =	slt.u32 s9, $0xF7A;
	s5 =	simm.s32 @!p2 $0x0  }
0x1d: {  	s5 =	simm.s32 @p1 $0x1;
	p0 =	seq.s32 s7, s2  }
0x1e: {  	s7 =	smul.u32 @!p0 $0xF7A, s2;
	p2 =	seq.s32 @!p0 s5, $0x0  }
0x1f: {  	s9 =	smul.u32 $0xF7A, s1;
	s8 =	simm.s32 @!p0 $0x1BF5;
	p2 =	por !p2, p0  }
0x20: {  	[sflag:s8] =	ssyncset.s32 @!p0 $0xFFFFF086;
	s6 =	sadd.s32 @!p0 s3, s7;
	s7 =	simm.s32 @!p0 $0x108  }
0x21: {  	s3 =	sadd.s32 s3, s9;
	s6 =	sadd.s32 @!p0 $0x88, s6;
	s7 =	simm.s32 @p2 $0x1082  }
0x22: {  	[simem:s7], [sflag:s8] =	dma.local @!p0 [hbm:s6], $0xF7A  }
0x23: {  	s9 =	sor.u32 $0xD0000000, s2;
	s6 =	simm.s32 $0x108;
	_ =	swait.ge @!p0 [sflag:s8], $0x0  }
0x24: {  	s3 =	sadd.s32 $0x88, s3;
	s6 =	simm.s32 @!p1 $0x1082;
	[sflag:s4] =	ssyncset.s32 $0xFFFFF086  }
0x25: {  	[simem:s6], [sflag:s4] =	dma.local [hbm:s3], $0xF7A  }
0x26: {  	[smem:$0x3F7A] =	sst s1;
	(tag) =	ssettag s2;
	_ =	strace s9  }
0x27: {  	s1 =	sld [smem:$0x3F8A]  }
0x28: {  	s2 =	sld [smem:$0x3F8B]  }
0x29: {  	s4 =	sld [smem:$0x3F8D]  }
0x2a: {  	p0 =	seq.s32 s5, $0x0;
	s5 =	sld [smem:$0x3F8E]  }
0x2b: {  	s6 =	sld [smem:$0x3F8F]  }
0x2c: {  	s7 =	sld [smem:$0x3F90]  }
0x2d: {  	s3 =	simm.s32 $0x108;
	s8 =	sld [smem:$0x3F91]  }
0x2e: {  	s3 =	simm.s32 @!p0 $0x1082;
	s9 =	sld [smem:$0x3F92]  }
0x2f: {  	lr =	sadd.s32 s0, s3;
	s0 =	sld [smem:$0x3F89]  }
0x30: {  	s3 =	sld [smem:$0x3F8C]  }
0x31: {  	[smem:$0x3F95] =	sst s10  }
0x32: {  	s10 =	sld [smem:$0x3F93];
	_ =	sdelay $0x3  }
0x33: {  	p0 =	seq.s32 s10, $0x1;
	s10 =	sld [smem:$0x3F95];
	_ =	sdelay $0x3  }
0x34: {  	[smem:$0x3F95] =	sst s10  }
0x35: {  	s10 =	sld [smem:$0x3F94];
	_ =	sdelay $0x3  }
0x36: {  	p1 =	seq.s32 s10, $0x1;
	s10 =	sld [smem:$0x3F95];
	_ =	sdelay $0x3  }
0x37: {  	[smem:$0x3F95] =	sst s10  }
0x38: {  	s10 =	sld [smem:$0x3F96]  }
0x39: {  	_ = 	snop;
	(pc) =	sbr.ind lr, $3  }
0x3a: {  	_ = 	snop  }
0x3b: {  	_ = 	snop  }
0x3c: {  	p2 =	seq.s32 s10, $0x1;
	s10 =	sld [smem:$0x3F95]  }
0x3d: {  	_ =	shalt  }
0x3e: {  	_ =	shalt  }
0x3f: {  	_ =	shalt  }
0x40: {  	_ =	shalt  }
0x41: {  	_ =	shalt  }
0x42: {  	_ =	shalt  }
0x43: {  	_ =	shalt  }
0x44: {  	_ =	shalt  }
0x45: {  	_ =	shalt  }
0x46: {  	_ =	shalt  }
0x47: {  	_ =	shalt  }
0x48: {  	_ =	shalt  }
0x49: {  	_ =	shalt  }
0x4a: {  	_ =	shalt  }
0x4b: {  	_ =	shalt  }
0x4c: {  	_ =	shalt  }
0x4d: {  	_ =	shalt  }
0x4e: {  	_ =	shalt  }
0x4f: {  	_ =	shalt  }
0x50: {  	_ =	shalt  }
0x51: {  	_ =	shalt  }
0x52: {  	_ =	shalt  }
0x53: {  	_ =	shalt  }
0x54: {  	_ =	shalt  }
0x55: {  	_ =	shalt  }
0x56: {  	_ =	shalt  }
0x57: {  	_ =	shalt  }
0x58: {  	_ =	shalt  }
0x59: {  	_ =	shalt  }
0x5a: {  	_ =	shalt  }
0x5b: {  	_ =	shalt  }
0x5c: {  	_ =	shalt  }
0x5d: {  	_ =	shalt  }
0x5e: {  	_ =	shalt  }
0x5f: {  	_ =	shalt  }
0x60: {  	_ =	shalt  }
0x61: {  	_ =	shalt  }
0x62: {  	_ =	shalt  }
0x63: {  	_ =	shalt  }
0x64: {  	_ =	shalt  }
0x65: {  	_ =	shalt  }
0x66: {  	_ =	shalt  }
0x67: {  	_ =	shalt  }
0x68: {  	_ =	shalt  }
0x69: {  	_ =	shalt  }
0x6a: {  	_ =	shalt  }
0x6b: {  	_ =	shalt  }
0x6c: {  	_ =	shalt  }
0x6d: {  	_ =	shalt  }
0x6e: {  	_ =	shalt  }
0x6f: {  	_ =	shalt  }
0x70: {  	_ =	shalt  }
0x71: {  	_ =	shalt  }
0x72: {  	_ =	shalt  }
0x73: {  	_ =	shalt  }
0x74: {  	_ =	shalt  }
0x75: {  	_ =	shalt  }
0x76: {  	_ =	shalt  }
0x77: {  	_ =	shalt  }
0x78: {  	_ =	shalt  }
0x79: {  	_ =	shalt  }
0x7a: {  	_ =	shalt  }
0x7b: {  	_ =	shalt  }
0x7c: {  	_ =	shalt  }
0x7d: {  	_ =	shalt  }
0x7e: {  	_ =	shalt  }
0x7f: {  	_ =	shalt  }
0x80: {  	_ =	shalt  }
0x81: {  	_ =	shalt  }
0x82: {  	_ =	shalt  }
0x83: {  	_ =	shalt  }
0x84: {  	_ =	shalt  }
0x85: {  	_ =	shalt  }
0x86: {  	_ =	shalt  }
0x87: {  	_ =	shalt  }
.Lfunc_end0:
.L_simem_size_0:
called_computation.1_lowered:
.L_overlay_start_0:
0x88: {  	s2 =	sld [smem:$0x3FD9]  }
0x89: {  	s3 =	sld [smem:$0x3FFE];
	_ =	sdelay $0x1  }
0x8a: {  	s1 =	srdreg.scid  }
0x8b: {  	s0 =	sand.u32 $0x1, s1  }
0x8c: {  	s16 =	sshll.u32 s0, $0xA;
	s2 =	sadd.s32 s3, s2  }
0x8d: {  	s2 =	sadd.s32 s2, s16  }
0x8e: {  	[smem:$0x3FA1] =	sst s2  }
0x8f: {  	_ = 	snop  }
0x90: {  	(tm) =	ssettm $0x1  }
0x91: {  	s17 =	sld [smem:$0x3FFB];
	_ =	sdelay $0x3  }
0x92: {  	_ =	strace s17  }
0x93: {  	s2 =	sld [smem:$0x3FFC];
	_ =	sdelay $0x3  }
0x94: {  	_ =	strace s2  }
0x95: {  	s2 =	sld [smem:$0x3FFD];
	_ =	sdelay $0x3  }
0x96: {  	_ =	strace s2  }
0x97: {  	_ =	strace $0x8FFFFFFF  }
0x98: {  	s18 =	sld [smem:$0x3FDB];
	_ =	sdelay $0x1  }
0x99: {  	s19 =	simm.s32 $_scs_section_size  }
0x9a: {  	s4 =	simm.s32 $_size__tile_overlayer_lowered;
	s5 =	simm.s32 $_tile_overlayer_lowered  }
0x9b: {  	s22 =	simm.s32 $0x1BFF;
	s21 =	sshll.u32 s5, $0x1;
	s2 =	sadd.s32 s19, s18  }
0x9c: {  	s6 =	simm.s32 $0x0;
	s20 =	sshll.u32 s4, $0x1;
	s4 =	sadd.s32 s21, s2  }
0x9d: {  	[timem:s6], [sflag:s22] =	dma.local [hbm:s4], s20  }
0x9e: {  	_ =	swait.ge [sflag:s22], s20  }
0x9f: {  	s3 =	ssub.s32 $0x0, s20;
	[sflag:s22] =	ssyncset.done $0x0  }
0xa0: {  	[sflag:s22] =	ssyncadd.s32 s3;
	_ =	sdelay $0x1  }
0xa1: {  	s23 =	simm.s32 $0x1B8B  }
0xa2: {  	_ =	swait.ge [sflag:s23], $0x1  }
0xa3: {  	[sflag:s23] =	ssyncset.done $0x0  }
0xa4: {  	s25 =	simm.s32 $0x1B8E;
	s24 =	sld [smem:$0x3FFE];
	[sflag:s23] =	ssyncadd.s32 $0xFFFFFFFF  }
0xa5: {  	s26 =	simm.s32 $execute0_lowered;
	[smem:$0x3FD2] =	sst s25  }
0xa6: {  	s4 =	sshll.u32 s26, $0x1;
	_ =	strace $0x80000049;
	[dreg:$0x1] =	wrdreg $0xFFFFFFFF  }
0xa7: {  	s28 =	simm.s32 $_size_execute0_lowered;
	s2 =	sadd.s32 s2, s4;
	[dreg:$0x0] =	wrdreg $0x0  }
0xa8: {  	s4 =	sshll.u32 s28, $0x1;
	[dreg:$0x2] =	wrdreg s2  }
0xa9: {  	[dreg:$0x3] =	wrdreg s4  }
0xaa: {  	[dreg:$0x4] =	wrdreg $0xC0  }
0xab: {  	_ =	task [dreg:s6], $0x5FFFF  }
0xac: {  	[dreg:$0x1] =	wrdreg $0xFFFFFFFF  }
0xad: {  	[dreg:$0x0] =	wrdreg $0x60  }
0xae: {  	[dreg:$0x2] =	wrdreg s24  }
0xaf: {  	[dreg:$0x3] =	wrdreg $0x81000  }
0xb0: {  	[dreg:$0x4] =	wrdreg $0x9  }
0xb1: {  	_ =	task.clear_ibuf [dreg:s6], $0x5FFFF;
	_ =	strace $0x90000049  }
0xb2: {  	s29 =	simm.s32 $0x9;
	_ =	strace $0x8000004B  }
0xb3: {  	_ =	swait.ge [sflag:s29], $0x1  }
0xb4: {  	[sflag:s29] =	ssyncadd.s32 $0xFFFFFFFF  }
0xb5: {  	_ =	strace $0x9000004B  }
0xb6: {  	_ =	sfence  }
0xb7: {  	s30 =	sld [smem:$0x0];
	_ =	sdelay $0x2  }
0xb8: {  	s31 =	sshll.u32 s1, $0xD;
	s1 =	sshrl.u32 s1, $0x2  }
0xb9: {  	s3 =	sand.u32 $0x4000, s31;
	s1 =	sadd.s32 s1, s30  }
0xba: {  	s0 =	sor.u32 s3, s0;
	s1 =	sshll.u32 s1, $0x11  }
0xbb: {  	s0 =	sor.u32 s1, s0  }
0xbc: {  	s0 =	sadd.s32 $0x8F2B, s0  }
0xbd: {  	[sflag:s0] =	ssyncadd.remote.s32 $0x1  }
0xbe: {  	_ =	sfence.sel $0xFFFF  }
0xbf: {  	[dreg:$0x0] =	wrdreg $0xFFFFFFFF;
	(pc) =	sbr.abs _section_cstart, $3  }
0xc0: {  	[dreg:$0x1] =	wrdreg $0xFFFFFFFF  }
0xc1: {  	_ =	task.clear_ibuf [dreg:s6], $0x2FFFF;
	_ =	strace $0x9FFFFFFF  }
0xc2: {  	(tm) =	ssettm $0x7FFFFFFF  }
0xc3: {  	_ =	shalt  }
tec
execute0_lowered:
.L_overlay_start_1:
0x0: {  	(tag) =	ssettag $0x1  }
0x1: {  	s0 =	rddreg [dreg:$0x0]  }
0x2: {  	s2 =	rddreg [dreg:$0x1]  }
0x3: {  	s4 =	srdreg.scid;
	s1 =	stileid.u32  }
0x4: {  	s3 =	simm.s32 $0x0;
	s28 =	simm.s32 $0x2;
	s14 =	smul.u32 $0x14000, s1  }
0x5: {  	s29 =	simm.s32 $0x0;
	s18 =	sand.u32 $0x1, s4;
	s21 =	smul.u32 $0x50000, s1  }
0x6: {  	s25 =	sshll.u32 s1, $0x1;
	[smem:$0x7FF] =	sst s3;
	s24 =	smul.u32 $0x5000, s1  }
0x7: {  	s19 =	sadd.s32 $0x15200, s0;
	s20 =	sadd.s32 $0xAEFC00, s0;
	s17 =	smul.u32 $0x140000, s18  }
0x8: {  	s0 =	sadd.s32 $0x51800, s0;
	s4 =	sor.u32 s18, s25;
	s25 =	smul.u32 $0x2800, s18  }
0x9: {  	_ =	strace $0x8000004A;
	s5 =	ssub.s32 $0x2, s18;
	s6 =	smul.u32 $0x2800, s4  }
0xa: {  	s7 =	smul.u32 $0x28000, s4;
	s26 =	sshrl.u32 s5, $0x1;
	s10 =	sshrl.u32 s21, $0x2  }
0xb: {  	s15 =	sadd.s32 $0x4000, s14;
	s16 =	sadd.s32 $0x8000, s14;
	s22 =	sadd.s32 $0xC000, s14  }
0xc: {  	s23 =	sadd.s32 $0x10000, s14;
	s9 =	ssub.s32 s5, s26;
	s8 =	sadd.s32 s17, s14  }
0xd: {  	s10 =	sadd.s32 s10, s2;
	s11 =	sadd.s32 s15, s2;
	s12 =	sadd.s32 s16, s2  }
0xe: {  	s13 =	sadd.s32 s22, s2;
	s15 =	sadd.s32 s17, s15;
	s16 =	sadd.s32 s17, s16  }
0xf: {  	s14 =	sadd.s32 s23, s2;
	s22 =	sadd.s32 s17, s22;
	s23 =	sadd.s32 s17, s23  }
0x10: {  	s26 =	sadd.s32 s25, s24;
	s24 =	simm.s32 $0x80;
	s25 =	simm.s32 $0x4100  }
0x11: {  	s30 =	sshrl.u32 s6, $0x3;
	s5 =	sadd.s32 s20, s7;
	s31 =	sor.u32 $0x80, s6  }
0x12: {  	s8 =	sshrl.u32 s8, $0x3;
	s9 =	smax.u32 s9, $0x1;
	s15 =	sshrl.u32 s15, $0x3  }
0x13: {  	s16 =	sshrl.u32 s16, $0x3;
	s22 =	sshrl.u32 s22, $0x3;
	s1 =	sshrl.u32 s23, $0x3  }
0x14: {  	s23 =	simm.s32 $0x3;
	s4 =	sadd.s32 s19, s30;
	s6 =	sshrl.u32 s31, $0x3  }
0x15: {  	s7 =	sshll.u32 s31, $0x4;
	s8 =	sadd.s32 s0, s8;
	s15 =	sadd.s32 s0, s15  }
0x16: {  	s16 =	sadd.s32 s0, s16;
	s17 =	sadd.s32 s0, s22;
	s22 =	sadd.s32 s21, s20  }
0x17: {  	s30 =	sor.u32 $0x180, s26;
	[dreg:$0x3] =	wrdreg s4;
	s6 =	sadd.s32 s19, s6  }
0x18: {  	s7 =	sadd.s32 s20, s7;
	s4 =	smul.u32 $0x28000, s18;
	s18 =	sadd.s32 s0, s1  }
0x19: {  	s20 =	sor.u32 $0x100, s26;
	s21 =	sshrl.u32 s30, $0x3;
	s26 =	simm.s32 $0x1  }
0x1a: {  	s31 =	sshrl.u32 s20, $0x3;
	s20 =	sadd.s32 s21, s19;
	s0 =	sadd.s32 s4, s22  }
0x1b: {  	v0 =	vimm.f32 $0.0e+00;
	s21 =	sadd.s32 s31, s19;
	s22 =	simm.s32 $0x100;
	s0 =	sadd.s32 $0x1800, s0  }
.LBB2_1:
0x1c: {  	s19 =	simm.s32 $0x0;
	s30 =	simm.s32 $0x200  }
.LBB2_2:
0x1d: {  	p0 =	sne.s32 s30, $0xFE00;
	[tilespmem:s19+$0x170] =	vst v0  }
0x1e: {  	[tilespmem:s19+$0x100] =	vst v0  }
0x1f: {  	[tilespmem:s19+$0x110] =	vst v0  }
.Ltmp0:
0x20: {  	[tilespmem:s19+$0x120] =	vst v0;
	(pc) =	sbr.rel @p0 .LBB2_2-.Ltmp0, $4  }
0x21: {  	[tilespmem:s19+$0x130] =	vst v0  }
0x22: {  	[tilespmem:s19+$0x140] =	vst v0  }
0x23: {  	[tilespmem:s19+$0x150] =	vst v0  }
0x24: {  	[tilespmem:s19+$0x160] =	vst v0;
	s19 =	sshra.s32 s30, $0x2;
	s30 =	sadd.s32 $0x200, s30  }
0x25: {  	[tilespmem:s19+$0x170] =	vst v0  }
0x26: {  	[tilespmem:s19+$0x100] =	vst v0  }
0x27: {  	[tilespmem:s19+$0x110] =	vst v0  }
0x28: {  	[tilespmem:s19+$0x120] =	vst v0  }
0x29: {  	[tilespmem:s19+$0x130] =	vst v0  }
0x2a: {  	[tilespmem:s19+$0x140] =	vst v0  }
0x2b: {  	[tilespmem:s19+$0x150] =	vst v0  }
0x2c: {  	[tilespmem:s19+$0x160] =	vst v0  }
0x2d: {  	[spmem:s10] =	stream.linear.scatter [tilespmem:s22], [sflag:$0x3], $0x4000, $0x38;
	[tilespmem:$0x1C100] =	vst v63  }
0x2e: {  	_ =	swait.ge [sflag:s23], $0x4000  }
0x2f: {  	[sflag:s23] =	ssyncset.done $0x0  }
0x30: {  	[sflag:s23] =	ssyncadd.s32 $0xFFFFC000  }
0x31: {  	[spmem:s11] =	stream.linear.scatter [tilespmem:s22], [sflag:$0x3], $0x4000, $0x38;
	[tilespmem:$0x1C100] =	vst v63  }
0x32: {  	_ =	swait.ge [sflag:s23], $0x4000  }
0x33: {  	[sflag:s23] =	ssyncset.done $0x0  }
0x34: {  	[sflag:s23] =	ssyncadd.s32 $0xFFFFC000  }
0x35: {  	[spmem:s12] =	stream.linear.scatter [tilespmem:s22], [sflag:$0x3], $0x4000, $0x38;
	[tilespmem:$0x1C100] =	vst v63  }
0x36: {  	_ =	swait.ge [sflag:s23], $0x4000  }
0x37: {  	[sflag:s23] =	ssyncset.done $0x0  }
0x38: {  	[sflag:s23] =	ssyncadd.s32 $0xFFFFC000  }
0x39: {  	[spmem:s13] =	stream.linear.scatter [tilespmem:s22], [sflag:$0x3], $0x4000, $0x38;
	[tilespmem:$0x1C100] =	vst v63  }
0x3a: {  	_ =	swait.ge [sflag:s23], $0x4000  }
0x3b: {  	[sflag:s23] =	ssyncset.done $0x0  }
0x3c: {  	[sflag:s23] =	ssyncadd.s32 $0xFFFFC000  }
0x3d: {  	[spmem:s14] =	stream.linear.scatter [tilespmem:s22], [sflag:$0x3], $0x4000, $0x38;
	[tilespmem:$0x1C100] =	vst v63  }
0x3e: {  	_ =	swait.ge [sflag:s23], $0x4000  }
0x3f: {  	[sflag:s23] =	ssyncset.done $0x0  }
0x40: {  	[sflag:s23] =	ssyncadd.s32 $0xFFFFC000  }
0x41: {  	[bflag:$0x0] =	sbarrier.arrive $0xFFFF  }
0x42: {  	s4 =	simm.s32 $0x0;
	s1 =	rddreg [dreg:$0x3]  }
0x43: {  	[tilespmem:s4], [sflag:$0x1] =	stream.linear.gather [hbm4b:s1+s4], $0x80, $0x38;
	[tilespmem:$0x1C100] =	vst v63  }
0x44: {  	_ = 	snop  }
0x45: {  	[tilespmem:s22], [sflag:$0x1] =	stream.linear.gather [hbm4b:s5+s4], $0x4000, $0x38;
	[tilespmem:$0x1C100] =	vst v63  }
0x46: {  	_ = 	snop  }
0x47: {  	[tilespmem:s24], [sflag:$0x2] =	stream.linear.gather [hbm4b:s6+s4], $0x80, $0x38;
	[tilespmem:$0x1C100] =	vst v63  }
0x48: {  	_ = 	snop  }
0x49: {  	[tilespmem:s25], [sflag:$0x2] =	stream.linear.gather [hbm4b:s7+s4], $0x4000, $0x38;
	[tilespmem:$0x1C100] =	vst v63  }
0x4a: {  	_ =	swait.ge [sflag:s26], $0x80  }
0x4b: {  	[sflag:s26] =	ssyncset.done $0x0  }
0x4c: {  	[sflag:s26] =	ssyncadd.s32 $0xFFFFFF80  }
0x4d: {  	_ =	swait.ge [sflag:s26], $0x4000  }
0x4e: {  	[sflag:s26] =	ssyncset.done $0x0  }
0x4f: {  	[sflag:s26] =	ssyncadd.s32 $0xFFFFC000  }
0x50: {  	[spmem:s2] =	stream.indirect.scatter.add.f32 [tilespmem:s22], [sflag:$0x3], $0x80, s3, s24, $0xb8;
	[tilespmem:$0x1C100] =	vst v63  }
0x51: {  	_ =	swait.ge [sflag:s23], $0x4000  }
0x52: {  	[sflag:s23] =	ssyncset.done $0x0  }
0x53: {  	s4 =	sadd.s32 $0x0, s21;
	[sflag:s23] =	ssyncadd.s32 $0xFFFFC000  }
0x54: {  	[tilespmem:s3], [sflag:$0x1] =	stream.linear.gather [hbm4b:s4+s3], $0x80, $0x38;
	[tilespmem:$0x1C100] =	vst v63  }
0x55: {  	s1 =	sadd.s32 $0xFFFFF800, s0  }
0x56: {  	[tilespmem:s22], [sflag:$0x1] =	stream.linear.gather [hbm4b:s1+s3], $0x4000, $0x38;
	[tilespmem:$0x1C100] =	vst v63  }
0x57: {  	_ =	swait.ge [sflag:s28], $0x80  }
0x58: {  	[sflag:s28] =	ssyncset.done $0x0  }
0x59: {  	[sflag:s28] =	ssyncadd.s32 $0xFFFFFF80  }
0x5a: {  	_ =	swait.ge [sflag:s28], $0x4000  }
0x5b: {  	[sflag:s28] =	ssyncset.done $0x0  }
0x5c: {  	[sflag:s28] =	ssyncadd.s32 $0xFFFFC000  }
0x5d: {  	[spmem:s2] =	stream.indirect.scatter.add.f32 [tilespmem:s25], [sflag:$0x3], $0x80, s24, s24, $0xb8;
	[tilespmem:$0x1C100] =	vst v63  }
0x5e: {  	_ =	swait.ge [sflag:s23], $0x4000  }
0x5f: {  	s30 =	simm.s32 $0x20;
	s31 =	sadd.s32 $0x1000, s0;
	[sflag:s23] =	ssyncset.done $0x0  }
0x60: {  	s19 =	smov.u32 s0;
	s4 =	sadd.s32 $0x0, s20;
	[sflag:s23] =	ssyncadd.s32 $0xFFFFC000  }
0x61: {  	[tilespmem:s24], [sflag:$0x2] =	stream.linear.gather [hbm4b:s4+s3], $0x80, $0x38;
	[tilespmem:$0x1C100] =	vst v63  }
.LBB2_4:
0x62: {  	[tilespmem:s25], [sflag:$0x2] =	stream.linear.gather [hbm4b:s19+s3], $0x4000, $0x38;
	[tilespmem:$0x1C100] =	vst v63  }
0x63: {  	s1 =	smov.u32 s30;
	s19 =	smov.u32 s31  }
0x64: {  	p0 =	sne.s32 s30, $0x4C0;
	s30 =	sadd.s32 $0x20, s30;
	_ =	swait.ge [sflag:s26], $0x80  }
0x65: {  	[sflag:s26] =	ssyncset.done $0x0  }
0x66: {  	[sflag:s26] =	ssyncadd.s32 $0xFFFFFF80  }
0x67: {  	_ =	swait.ge [sflag:s26], $0x4000  }
0x68: {  	[sflag:s26] =	ssyncset.done $0x0  }
0x69: {  	[sflag:s26] =	ssyncadd.s32 $0xFFFFC000  }
0x6a: {  	[spmem:s2] =	stream.indirect.scatter.add.f32 [tilespmem:s22], [sflag:$0x3], $0x80, s3, s24, $0xb8;
	[tilespmem:$0x1C100] =	vst v63  }
0x6b: {  	_ =	swait.ge [sflag:s23], $0x4000  }
0x6c: {  	[sflag:s23] =	ssyncset.done $0x0  }
0x6d: {  	s4 =	sadd.s32 s1, s21;
	[sflag:s23] =	ssyncadd.s32 $0xFFFFC000  }
0x6e: {  	[tilespmem:s3], [sflag:$0x1] =	stream.linear.gather [hbm4b:s4+s3], $0x80, $0x38;
	[tilespmem:$0x1C100] =	vst v63  }
0x6f: {  	s4 =	sadd.s32 $0xFFFFF800, s31  }
0x70: {  	[tilespmem:s22], [sflag:$0x1] =	stream.linear.gather [hbm4b:s4+s3], $0x4000, $0x38;
	[tilespmem:$0x1C100] =	vst v63  }
0x71: {  	_ =	swait.ge [sflag:s28], $0x80  }
0x72: {  	[sflag:s28] =	ssyncset.done $0x0  }
0x73: {  	[sflag:s28] =	ssyncadd.s32 $0xFFFFFF80  }
0x74: {  	_ =	swait.ge [sflag:s28], $0x4000  }
0x75: {  	[sflag:s28] =	ssyncset.done $0x0  }
0x76: {  	[sflag:s28] =	ssyncadd.s32 $0xFFFFC000  }
0x77: {  	[spmem:s2] =	stream.indirect.scatter.add.f32 [tilespmem:s25], [sflag:$0x3], $0x80, s24, s24, $0xb8;
	[tilespmem:$0x1C100] =	vst v63  }
.Ltmp1:
0x78: {  	_ =	swait.ge [sflag:s23], $0x4000;
	(pc) =	sbr.rel @p0 .LBB2_4-.Ltmp1, $4  }
0x79: {  	[sflag:s23] =	ssyncset.done $0x0  }
0x7a: {  	s1 =	sadd.s32 s1, s20;
	[sflag:s23] =	ssyncadd.s32 $0xFFFFC000  }
0x7b: {  	[tilespmem:s24], [sflag:$0x2] =	stream.linear.gather [hbm4b:s1+s3], $0x80, $0x38;
	[tilespmem:$0x1C100] =	vst v63  }
0x7c: {  	s31 =	sadd.s32 $0x1000, s31  }
0x7d: {  	[tilespmem:s25], [sflag:$0x2] =	stream.linear.gather [hbm4b:s19+s3], $0x4000, $0x38;
	[tilespmem:$0x1C100] =	vst v63  }
0x7e: {  	_ =	swait.ge [sflag:s26], $0x80  }
0x7f: {  	[sflag:s26] =	ssyncset.done $0x0  }
0x80: {  	[sflag:s26] =	ssyncadd.s32 $0xFFFFFF80  }
0x81: {  	_ =	swait.ge [sflag:s26], $0x4000  }
0x82: {  	[sflag:s26] =	ssyncset.done $0x0  }
0x83: {  	[sflag:s26] =	ssyncadd.s32 $0xFFFFC000  }
0x84: {  	[spmem:s2] =	stream.indirect.scatter.add.f32 [tilespmem:s22], [sflag:$0x3], $0x80, s3, s24, $0xb8;
	[tilespmem:$0x1C100] =	vst v63  }
0x85: {  	_ =	swait.ge [sflag:s23], $0x4000  }
0x86: {  	[sflag:s23] =	ssyncset.done $0x0  }
0x87: {  	[sflag:s23] =	ssyncadd.s32 $0xFFFFC000  }
0x88: {  	_ =	swait.ge [sflag:s28], $0x80  }
0x89: {  	[sflag:s28] =	ssyncset.done $0x0  }
0x8a: {  	[sflag:s28] =	ssyncadd.s32 $0xFFFFFF80  }
0x8b: {  	_ =	swait.ge [sflag:s28], $0x4000  }
0x8c: {  	[sflag:s28] =	ssyncset.done $0x0  }
0x8d: {  	[sflag:s28] =	ssyncadd.s32 $0xFFFFC000  }
0x8e: {  	[spmem:s2] =	stream.indirect.scatter.add.f32 [tilespmem:s25], [sflag:$0x3], $0x80, s24, s24, $0xb8;
	[tilespmem:$0x1C100] =	vst v63  }
0x8f: {  	_ =	swait.ge [sflag:s23], $0x4000  }
0x90: {  	s1 =	stileid.u32;
	[sflag:s23] =	ssyncset.done $0x0  }
0x91: {  	s1 =	sshll.u32 s1, $0x6;
	[sflag:s23] =	ssyncadd.s32 $0xFFFFC000  }
0x92: {  	s4 =	sshrl.u32 s10, $0x3;
	s1 =	sor.u32 $0x1C03, s1;
	[bflag:$0x0] =	sbarrier.arrive $0xFFFF  }
0x93: {  	[hbm:s8], [sflag:s1] =	dma.local [spmem:s4], $0x800  }
0x94: {  	_ =	swait.ge [sflag:s23], $0x800  }
0x95: {  	[sflag:s23] =	ssyncset.done $0x0  }
0x96: {  	s31 =	sshrl.u32 s11, $0x3;
	[sflag:s23] =	ssyncadd.s32 $0xFFFFF800  }
0x97: {  	[hbm:s15], [sflag:s1] =	dma.local [spmem:s31], $0x800  }
0x98: {  	_ =	swait.ge [sflag:s23], $0x800  }
0x99: {  	[sflag:s23] =	ssyncset.done $0x0  }
0x9a: {  	s19 =	sshrl.u32 s12, $0x3;
	[sflag:s23] =	ssyncadd.s32 $0xFFFFF800  }
0x9b: {  	[hbm:s16], [sflag:s1] =	dma.local [spmem:s19], $0x800  }
0x9c: {  	_ =	swait.ge [sflag:s23], $0x800  }
0x9d: {  	[sflag:s23] =	ssyncset.done $0x0  }
0x9e: {  	s30 =	sshrl.u32 s13, $0x3;
	[sflag:s23] =	ssyncadd.s32 $0xFFFFF800  }
0x9f: {  	[hbm:s17], [sflag:s1] =	dma.local [spmem:s30], $0x800  }
0xa0: {  	s29 =	sadd.s32 $0x1, s29;
	_ =	swait.ge [sflag:s23], $0x800  }
0xa1: {  	p0 =	sne.s32 s29, s9;
	[sflag:s23] =	ssyncset.done $0x0  }
.Ltmp2:
0xa2: {  	s31 =	sshrl.u32 s14, $0x3;
	[sflag:s23] =	ssyncadd.s32 $0xFFFFF800;
	(pc) =	sbr.rel @p0 .LBB2_1-.Ltmp2, $4  }
0xa3: {  	[hbm:s18], [sflag:s1] =	dma.local [spmem:s31], $0x800  }
0xa4: {  	_ =	swait.ge [sflag:s23], $0x800  }
0xa5: {  	[sflag:s23] =	ssyncset.done $0x0  }
0xa6: {  	[sflag:s23] =	ssyncadd.s32 $0xFFFFF800  }
0xa7: {  	_ =	sfence.sel $0x180000  }
0xa8: {  	[bflag:$0x0] =	sbarrier.arrive $0xFFFF  }
0xa9: {  	_ =	strace $0x9000004A  }
0xaa: {  	s0 =	stileid.u32;
	[bflag:$0x2] =	sbarrier.arrive $0xFFFF  }
0xab: {  	p0 =	sne.s32 s0, $0x0;
	s0 =	rddreg [dreg:$0x2]  }
0xac: {  	s0 =	sadd.s32 @!p0 $0x100000, s0  }
0xad: {  	[sflag:s0] =	ssyncadd.tile.s32 @!p0 $0x1;
	_ =	shalt  }
.Lfunc_end2:
_tile_overlayer_lowered:
.L_overlay_start_2:
0xae: {  	(tag) =	ssettag $0x2  }
0xaf: {  	s0 =	rddreg [dreg:$0x0];
	s2 =	stileid.u32  }
0xb0: {  	s1 =	rddreg [dreg:$0x1];
	p0 =	sne.s32 s2, $0x0  }
0xb1: {  	s3 =	rddreg [dreg:$0x2];
	[bflag:$0x3] =	sbarrier.arrive $0xFFFF;
	s2 =	simm.s32 @!p0 $0x1C03  }
0xb2: {  	[timem:s3], [sflag:s2] =	dma.local @!p0 [hbm:s0], s1  }
0xb3: {  	s0 =	simm.s32 @!p0 $0x3  }
0xb4: {  	_ =	swait.ge @!p0 [sflag:s0], s1  }
0xb5: {  	s1 =	ssub.s32 @!p0 $0x0, s1;
	[sflag:s0] =	ssyncset.done @!p0 $0x0  }
0xb6: {  	[sflag:s0] =	ssyncadd.s32 @!p0 s1  }
0xb7: {  	[bflag:$0x3] =	sbarrier.arrive $0xFFFF  }
0xb8: {  	_ =	shalt  }

// kernel: kernel.25.cloned.1.call-start
scs
__scs_entry_jumppad:
0x0: {  	(pc) =	sbr.rel $0x88, $3  }
0x1: {  	(tag) =	ssettag $0x0;
	lr =	simm.s32 $0x1  }
0x2: {  	[smem:$0x3F7A] =	sst lr;
	_ =	strace $0xD0000000  }
0x3: {  	_ = 	snop  }
0x4: {  	_ = 	snop  }
0x5: {  	_ = 	snop  }
0x6: {  	_ = 	snop  }
0x7: {  	_ = 	snop  }
__scs_overlays_trampoline_lowered:
0x8: {  	[smem:$0x3F89] =	sst s0  }
0x9: {  	[smem:$0x3F8A] =	sst s1  }
0xa: {  	[smem:$0x3F8B] =	sst s2  }
0xb: {  	[smem:$0x3F8C] =	sst s3  }
0xc: {  	[smem:$0x3F8D] =	sst s4  }
0xd: {  	[smem:$0x3F8E] =	sst s5  }
0xe: {  	[smem:$0x3F8F] =	sst s6  }
0xf: {  	[smem:$0x3F90] =	sst s7  }
0x10: {  	[smem:$0x3F91] =	sst s8  }
0x11: {  	[smem:$0x3F92] =	sst s9;
	s0 =	simm.s32 @!p0 $0x0  }
0x12: {  	s1 =	sld [smem:$0x3F78];
	s0 =	simm.s32 @p0 $0x1  }
0x13: {  	[smem:$0x3F93] =	sst s0;
	s0 =	simm.s32 @!p1 $0x0  }
0x14: {  	s2 =	sld [smem:$0x3F77];
	s0 =	simm.s32 @p1 $0x1  }
0x15: {  	[smem:$0x3F94] =	sst s0;
	s0 =	simm.s32 @!p2 $0x0  }
0x16: {  	s3 =	sld [smem:$0x3FDB];
	s0 =	simm.s32 @p2 $0x1  }
0x17: {  	s4 =	simm.s32 $0x1BF5;
	[smem:$0x3F96] =	sst s0  }
0x18: {  	s0 =	sld [smem:$0x3F79];
	_ =	swait.ge [sflag:s4], $0x0  }
0x19: {  	s7 =	sld [smem:$0x3F7A]  }
0x1a: {  	s8 =	sadd.s32 $0xFFFFE003, lr  }
0x1b: {  	s9 =	sadd.s32 $0xFFFFFEF7, lr;
	s5 =	simm.s32 $0xFFFFFFFF;
	p2 =	slt.u32 s8, $0xFFFFF086  }
0x1c: {  	p1 =	slt.u32 s9, $0xF7A;
	s5 =	simm.s32 @!p2 $0x0  }
0x1d: {  	s5 =	simm.s32 @p1 $0x1;
	p0 =	seq.s32 s7, s2  }
0x1e: {  	s7 =	smul.u32 @!p0 $0xF7A, s2;
	p2 =	seq.s32 @!p0 s5, $0x0  }
0x1f: {  	s9 =	smul.u32 $0xF7A, s1;
	s8 =	simm.s32 @!p0 $0x1BF5;
	p2 =	por !p2, p0  }
0x20: {  	[sflag:s8] =	ssyncset.s32 @!p0 $0xFFFFF086;
	s6 =	sadd.s32 @!p0 s3, s7;
	s7 =	simm.s32 @!p0 $0x108  }
0x21: {  	s3 =	sadd.s32 s3, s9;
	s6 =	sadd.s32 @!p0 $0x88, s6;
	s7 =	simm.s32 @p2 $0x1082  }
0x22: {  	[simem:s7], [sflag:s8] =	dma.local @!p0 [hbm:s6], $0xF7A  }
0x23: {  	s9 =	sor.u32 $0xD0000000, s2;
	s6 =	simm.s32 $0x108;
	_ =	swait.ge @!p0 [sflag:s8], $0x0  }
0x24: {  	s3 =	sadd.s32 $0x88, s3;
	s6 =	simm.s32 @!p1 $0x1082;
	[sflag:s4] =	ssyncset.s32 $0xFFFFF086  }
0x25: {  	[simem:s6], [sflag:s4] =	dma.local [hbm:s3], $0xF7A  }
0x26: {  	[smem:$0x3F7A] =	sst s1;
	(tag) =	ssettag s2;
	_ =	strace s9  }
0x27: {  	s1 =	sld [smem:$0x3F8A]  }
0x28: {  	s2 =	sld [smem:$0x3F8B]  }
0x29: {  	s4 =	sld [smem:$0x3F8D]  }
0x2a: {  	p0 =	seq.s32 s5, $0x0;
	s5 =	sld [smem:$0x3F8E]  }
0x2b: {  	s6 =	sld [smem:$0x3F8F]  }
0x2c: {  	s7 =	sld [smem:$0x3F90]  }
0x2d: {  	s3 =	simm.s32 $0x108;
	s8 =	sld [smem:$0x3F91]  }
0x2e: {  	s3 =	simm.s32 @!p0 $0x1082;
	s9 =	sld [smem:$0x3F92]  }
0x2f: {  	lr =	sadd.s32 s0, s3;
	s0 =	sld [smem:$0x3F89]  }
0x30: {  	s3 =	sld [smem:$0x3F8C]  }
0x31: {  	[smem:$0x3F95] =	sst s10  }
0x32: {  	s10 =	sld [smem:$0x3F93];
	_ =	sdelay $0x3  }
0x33: {  	p0 =	seq.s32 s10, $0x1;
	s10 =	sld [smem:$0x3F95];
	_ =	sdelay $0x3  }
0x34: {  	[smem:$0x3F95] =	sst s10  }
0x35: {  	s10 =	sld [smem:$0x3F94];
	_ =	sdelay $0x3  }
0x36: {  	p1 =	seq.s32 s10, $0x1;
	s10 =	sld [smem:$0x3F95];
	_ =	sdelay $0x3  }
0x37: {  	[smem:$0x3F95] =	sst s10  }
0x38: {  	s10 =	sld [smem:$0x3F96]  }
0x39: {  	_ = 	snop;
	(pc) =	sbr.ind lr, $3  }
0x3a: {  	_ = 	snop  }
0x3b: {  	_ = 	snop  }
0x3c: {  	p2 =	seq.s32 s10, $0x1;
	s10 =	sld [smem:$0x3F95]  }
0x3d: {  	_ =	shalt  }
0x3e: {  	_ =	shalt  }
0x3f: {  	_ =	shalt  }
0x40: {  	_ =	shalt  }
0x41: {  	_ =	shalt  }
0x42: {  	_ =	shalt  }
0x43: {  	_ =	shalt  }
0x44: {  	_ =	shalt  }
0x45: {  	_ =	shalt  }
0x46: {  	_ =	shalt  }
0x47: {  	_ =	shalt  }
0x48: {  	_ =	shalt  }
0x49: {  	_ =	shalt  }
0x4a: {  	_ =	shalt  }
0x4b: {  	_ =	shalt  }
0x4c: {  	_ =	shalt  }
0x4d: {  	_ =	shalt  }
0x4e: {  	_ =	shalt  }
0x4f: {  	_ =	shalt  }
0x50: {  	_ =	shalt  }
0x51: {  	_ =	shalt  }
0x52: {  	_ =	shalt  }
0x53: {  	_ =	shalt  }
0x54: {  	_ =	shalt  }
0x55: {  	_ =	shalt  }
0x56: {  	_ =	shalt  }
0x57: {  	_ =	shalt  }
0x58: {  	_ =	shalt  }
0x59: {  	_ =	shalt  }
0x5a: {  	_ =	shalt  }
0x5b: {  	_ =	shalt  }
0x5c: {  	_ =	shalt  }
0x5d: {  	_ =	shalt  }
0x5e: {  	_ =	shalt  }
0x5f: {  	_ =	shalt  }
0x60: {  	_ =	shalt  }
0x61: {  	_ =	shalt  }
0x62: {  	_ =	shalt  }
0x63: {  	_ =	shalt  }
0x64: {  	_ =	shalt  }
0x65: {  	_ =	shalt  }
0x66: {  	_ =	shalt  }
0x67: {  	_ =	shalt  }
0x68: {  	_ =	shalt  }
0x69: {  	_ =	shalt  }
0x6a: {  	_ =	shalt  }
0x6b: {  	_ =	shalt  }
0x6c: {  	_ =	shalt  }
0x6d: {  	_ =	shalt  }
0x6e: {  	_ =	shalt  }
0x6f: {  	_ =	shalt  }
0x70: {  	_ =	shalt  }
0x71: {  	_ =	shalt  }
0x72: {  	_ =	shalt  }
0x73: {  	_ =	shalt  }
0x74: {  	_ =	shalt  }
0x75: {  	_ =	shalt  }
0x76: {  	_ =	shalt  }
0x77: {  	_ =	shalt  }
0x78: {  	_ =	shalt  }
0x79: {  	_ =	shalt  }
0x7a: {  	_ =	shalt  }
0x7b: {  	_ =	shalt  }
0x7c: {  	_ =	shalt  }
0x7d: {  	_ =	shalt  }
0x7e: {  	_ =	shalt  }
0x7f: {  	_ =	shalt  }
0x80: {  	_ =	shalt  }
0x81: {  	_ =	shalt  }
0x82: {  	_ =	shalt  }
0x83: {  	_ =	shalt  }
0x84: {  	_ =	shalt  }
0x85: {  	_ =	shalt  }
0x86: {  	_ =	shalt  }
0x87: {  	_ =	shalt  }
.Lfunc_end0:
.L_simem_size_0:
called_computation.2_lowered:
.L_overlay_start_0:
0x88: {  	s2 =	sld [smem:$0x3FD9]  }
0x89: {  	s3 =	sld [smem:$0x3FFE];
	_ =	sdelay $0x1  }
0x8a: {  	s1 =	srdreg.scid  }
0x8b: {  	s0 =	sand.u32 $0x1, s1  }
0x8c: {  	s16 =	sshll.u32 s0, $0xA;
	s2 =	sadd.s32 s3, s2  }
0x8d: {  	s2 =	sadd.s32 s2, s16  }
0x8e: {  	[smem:$0x3FA1] =	sst s2  }
0x8f: {  	_ = 	snop  }
0x90: {  	(tm) =	ssettm $0x1  }
0x91: {  	s17 =	sld [smem:$0x3FFB];
	_ =	sdelay $0x3  }
0x92: {  	_ =	strace s17  }
0x93: {  	s2 =	sld [smem:$0x3FFC];
	_ =	sdelay $0x3  }
0x94: {  	_ =	strace s2  }
0x95: {  	s2 =	sld [smem:$0x3FFD];
	_ =	sdelay $0x3  }
0x96: {  	_ =	strace s2  }
0x97: {  	_ =	strace $0x8FFFFFFF  }
0x98: {  	s18 =	sld [smem:$0x3FDB];
	_ =	sdelay $0x1  }
0x99: {  	s19 =	simm.s32 $_scs_section_size  }
0x9a: {  	s4 =	simm.s32 $_size__tile_overlayer_lowered;
	s5 =	simm.s32 $_tile_overlayer_lowered  }
0x9b: {  	s22 =	simm.s32 $0x1BFF;
	s21 =	sshll.u32 s5, $0x1;
	s2 =	sadd.s32 s19, s18  }
0x9c: {  	s6 =	simm.s32 $0x0;
	s20 =	sshll.u32 s4, $0x1;
	s4 =	sadd.s32 s21, s2  }
0x9d: {  	[timem:s6], [sflag:s22] =	dma.local [hbm:s4], s20  }
0x9e: {  	_ =	swait.ge [sflag:s22], s20  }
0x9f: {  	s3 =	ssub.s32 $0x0, s20;
	[sflag:s22] =	ssyncset.done $0x0  }
0xa0: {  	[sflag:s22] =	ssyncadd.s32 s3;
	_ =	sdelay $0x1  }
0xa1: {  	s23 =	simm.s32 $0x1B8B  }
0xa2: {  	_ =	swait.ge [sflag:s23], $0x1  }
0xa3: {  	[sflag:s23] =	ssyncset.done $0x0  }
0xa4: {  	s25 =	simm.s32 $0x1B8E;
	s24 =	sld [smem:$0x3FFE];
	[sflag:s23] =	ssyncadd.s32 $0xFFFFFFFF  }
0xa5: {  	s26 =	simm.s32 $execute0_lowered;
	[smem:$0x3FD2] =	sst s25  }
0xa6: {  	s4 =	sshll.u32 s26, $0x1;
	_ =	strace $0x8000004C;
	[dreg:$0x1] =	wrdreg $0xFFFFFFFF  }
0xa7: {  	s28 =	simm.s32 $_size_execute0_lowered;
	s2 =	sadd.s32 s2, s4;
	[dreg:$0x0] =	wrdreg $0x0  }
0xa8: {  	s4 =	sshll.u32 s28, $0x1;
	[dreg:$0x2] =	wrdreg s2  }
0xa9: {  	[dreg:$0x3] =	wrdreg s4  }
0xaa: {  	[dreg:$0x4] =	wrdreg $0xC0  }
0xab: {  	_ =	task [dreg:s6], $0x5FFFF  }
0xac: {  	[dreg:$0x1] =	wrdreg $0xFFFFFFFF  }
0xad: {  	[dreg:$0x0] =	wrdreg $0x60  }
0xae: {  	[dreg:$0x2] =	wrdreg s24  }
0xaf: {  	[dreg:$0x3] =	wrdreg $0x9  }
0xb0: {  	_ =	task.clear_ibuf [dreg:s6], $0x4FFFF;
	_ =	strace $0x9000004C  }
0xb1: {  	s29 =	simm.s32 $0x9;
	_ =	strace $0x8000004E  }
0xb2: {  	_ =	swait.ge [sflag:s29], $0x1  }
0xb3: {  	[sflag:s29] =	ssyncadd.s32 $0xFFFFFFFF  }
0xb4: {  	_ =	strace $0x9000004E  }
0xb5: {  	_ =	sfence  }
0xb6: {  	s30 =	sld [smem:$0x0];
	_ =	sdelay $0x2  }
0xb7: {  	s31 =	sshll.u32 s1, $0xD;
	s1 =	sshrl.u32 s1, $0x2  }
0xb8: {  	s3 =	sand.u32 $0x4000, s31;
	s1 =	sadd.s32 s1, s30  }
0xb9: {  	s0 =	sor.u32 s3, s0;
	s1 =	sshll.u32 s1, $0x11  }
0xba: {  	s0 =	sor.u32 s1, s0  }
0xbb: {  	s0 =	sadd.s32 $0x8F2B, s0  }
0xbc: {  	[sflag:s0] =	ssyncadd.remote.s32 $0x1  }
0xbd: {  	_ =	sfence.sel $0xFFFF  }
0xbe: {  	[dreg:$0x0] =	wrdreg $0xFFFFFFFF;
	(pc) =	sbr.abs _section_cstart, $3  }
0xbf: {  	[dreg:$0x1] =	wrdreg $0xFFFFFFFF  }
0xc0: {  	_ =	task.clear_ibuf [dreg:s6], $0x2FFFF;
	_ =	strace $0x9FFFFFFF  }
0xc1: {  	(tm) =	ssettm $0x7FFFFFFF  }
tec
execute0_lowered:
.L_overlay_start_1:
0x0: {  	(tag) =	ssettag $0x1  }
0x1: {  	s0 =	rddreg [dreg:$0x0];
	s2 =	simm.s32 $0x0  }
0x2: {  	s3 =	srdreg.scid;
	s1 =	stileid.u32;
	s20 =	simm.s32 $0x1  }
0x3: {  	s21 =	simm.s32 $0x200;
	s28 =	simm.s32 $0x6;
	s13 =	smul.u32 $0x5000, s1  }
0x4: {  	s29 =	simm.s32 $0x0;
	[smem:$0x7FF] =	sst s2;
	s17 =	smul.u32 $0x50000, s1  }
0x5: {  	s11 =	sand.u32 $0x1, s3;
	s22 =	sshll.u32 s1, $0x1;
	s18 =	smul.u32 $0x280000, s1  }
0x6: {  	s15 =	sadd.s32 $0xB200, s0;
	s3 =	sadd.s32 $0xAEFC00, s0;
	s16 =	smul.u32 $0x2800, s11  }
0x7: {  	s14 =	sadd.s32 $0x47800, s0;
	s4 =	sadd.s32 $0xB16E00, s0;
	s24 =	smul.u32 $0x28000, s11  }
0x8: {  	s0 =	sadd.s32 $0x51800, s0;
	s5 =	sor.u32 s11, s22;
	s19 =	smul.u32 $0x140000, s11  }
0x9: {  	_ =	strace $0x8000004D;
	s7 =	ssub.s32 $0x2, s11;
	s6 =	smul.u32 $0x2800, s5  }
0xa: {  	s22 =	simm.s32 $0x2;
	s8 =	sshrl.u32 s7, $0x1;
	s10 =	smul.u32 $0x28000, s5  }
0xb: {  	s17 =	sadd.s32 s17, s0;
	s12 =	ssub.s32 s7, s8;
	s13 =	sadd.s32 s16, s13  }
0xc: {  	s16 =	sadd.s32 s24, s17;
	s18 =	sadd.s32 s19, s18;
	s17 =	simm.s32 $0x80  }
0xd: {  	s19 =	simm.s32 $0x180;
	s24 =	simm.s32 $0x3;
	s9 =	sshrl.u32 s6, $0x3  }
0xe: {  	s10 =	sadd.s32 s0, s10;
	s25 =	sor.u32 $0x180, s13;
	s26 =	sor.u32 $0x100, s13  }
0xf: {  	s13 =	sadd.s32 $0x800, s16;
	s31 =	sshrl.u32 s18, $0x3;
	s18 =	simm.s32 $0x100  }
0x10: {  	s5 =	sadd.s32 s15, s9;
	s6 =	sadd.s32 s14, s9;
	s23 =	sor.u32 $0x10, s9  }
.Ltmp0:
0x11: {  	s9 =	smax.u32 s12, $0x1;
	s10 =	sadd.s32 $0x27800, s10;
	(pc) =	sbr.rel .LBB2_1-.Ltmp0, $4  }
0x12: {  	s12 =	sshrl.u32 s25, $0x3;
	s30 =	sshrl.u32 s26, $0x3;
	s16 =	sadd.s32 s31, s0  }
0x13: {  	s25 =	simm.s32 $0x4;
	s26 =	simm.s32 $0x5;
	s7 =	sadd.s32 s15, s23  }
0x14: {  	s8 =	sadd.s32 s14, s23;
	s11 =	sadd.s32 s12, s14;
	s12 =	sadd.s32 s12, s15  }
0x15: {  	s14 =	sadd.s32 s30, s14;
	s15 =	sadd.s32 s30, s15;
	s23 =	simm.s32 $0x4200  }
.LBB2_4:
0x16: {  	_ =	swait.ge [sflag:s25], $0x4000  }
0x17: {  	[sflag:s25] =	ssyncset.done $0x0  }
0x18: {  	s29 =	sadd.s32 $0x1, s29;
	[sflag:s25] =	ssyncadd.s32 $0xFFFFC000  }
0x19: {  	[hbm4b:s10+s2] =	stream.linear.scatter [tilespmem:s23], [sflag:$0x6], $0x4000, $0x38;
	[tilespmem:$0x8200] =	vst v63  }
0x1a: {  	p0 =	sne.s32 s29, s9;
	_ =	swait.ge [sflag:s26], $0x4000  }
.Ltmp1:
0x1b: {  	[sflag:s26] =	ssyncset.done $0x0;
	(pc) =	sbr.rel @!p0 .LBB2_5-.Ltmp1, $4  }
0x1c: {  	[sflag:s26] =	ssyncadd.s32 $0xFFFFC000  }
0x1d: {  	_ =	swait.ge [sflag:s28], $0x4000  }
0x1e: {  	[sflag:s28] =	ssyncset.done $0x0  }
0x1f: {  	[sflag:s28] =	ssyncadd.s32 $0xFFFFC000  }
.LBB2_1:
0x20: {  	[tilespmem:s2], [sflag:$0x1] =	stream.linear.gather [hbm4b:s5+s2], $0x80, $0x38;
	[tilespmem:$0x8200] =	vst v63  }
0x21: {  	_ = 	snop  }
0x22: {  	[tilespmem:s17], [sflag:$0x1] =	stream.linear.gather [hbm4b:s6+s2], $0x80, $0x38;
	[tilespmem:$0x8200] =	vst v63  }
0x23: {  	_ = 	snop  }
0x24: {  	[tilespmem:s18], [sflag:$0x2] =	stream.linear.gather [hbm4b:s7+s2], $0x80, $0x38;
	[tilespmem:$0x8200] =	vst v63  }
0x25: {  	s30 =	smov.u32 s16;
	s31 =	smov.u32 s13;
	s0 =	simm.s32 $0x0  }
0x26: {  	[tilespmem:s19], [sflag:$0x2] =	stream.linear.gather [hbm4b:s8+s2], $0x80, $0x38;
	[tilespmem:$0x8200] =	vst v63  }
.LBB2_2:
0x27: {  	p0 =	seq.s32 s0, $0x0  }
0x28: {  	s1 =	simm.s32 @!p0 $0x5  }
0x29: {  	_ =	swait.ge @!p0 [sflag:s1], $0x4000  }
0x2a: {  	[sflag:s1] =	ssyncset.done @!p0 $0x0  }
0x2b: {  	[sflag:s1] =	ssyncadd.s32 @!p0 $0xFFFFC000;
	s1 =	simm.s32 @!p0 $0x6  }
0x2c: {  	_ =	swait.ge @!p0 [sflag:s1], $0x4000  }
0x2d: {  	[sflag:s1] =	ssyncset.done @!p0 $0x0  }
0x2e: {  	[sflag:s1] =	ssyncadd.s32 @!p0 $0xFFFFC000  }
0x2f: {  	_ =	swait.ge [sflag:s20], $0x80  }
0x30: {  	[sflag:s20] =	ssyncset.done $0x0  }
0x31: {  	[sflag:s20] =	ssyncadd.s32 $0xFFFFFF80  }
0x32: {  	_ =	swait.ge [sflag:s20], $0x80  }
0x33: {  	[sflag:s20] =	ssyncset.done $0x0  }
0x34: {  	[sflag:s20] =	ssyncadd.s32 $0xFFFFFF80  }
0x35: {  	[tilespmem:s21], [sflag:$0x3] =	stream.indirect.gather [hbm4b:s3+s17], $0x80, s2, s17, $0xb8;
	[tilespmem:$0x8200] =	vst v63  }
0x36: {  	_ =	swait.ge [sflag:s22], $0x80  }
0x37: {  	[sflag:s22] =	ssyncset.done $0x0  }
0x38: {  	[sflag:s22] =	ssyncadd.s32 $0xFFFFFF80  }
0x39: {  	_ =	swait.ge [sflag:s22], $0x80  }
0x3a: {  	[sflag:s22] =	ssyncset.done $0x0  }
0x3b: {  	[sflag:s22] =	ssyncadd.s32 $0xFFFFFF80  }
0x3c: {  	[tilespmem:s23], [sflag:$0x4] =	stream.indirect.gather [hbm4b:s3+s17], $0x80, s18, s17, $0xb8;
	[tilespmem:$0x8200] =	vst v63  }
0x3d: {  	_ =	swait.ge [sflag:s24], $0x4000  }
0x3e: {  	[sflag:s24] =	ssyncset.done $0x0  }
0x3f: {  	[sflag:s24] =	ssyncadd.s32 $0xFFFFC000  }
0x40: {  	[tilespmem:s21], [sflag:$0x3] =	stream.indirect.gather.add.f32 [hbm:s4], $0x80, s17, s17, $0xb8;
	[tilespmem:$0x8200] =	vst v63  }
0x41: {  	_ =	swait.ge [sflag:s25], $0x4000  }
0x42: {  	[sflag:s25] =	ssyncset.done $0x0  }
0x43: {  	p0 =	seq.s32 s0, $0x4E0;
	[sflag:s25] =	ssyncadd.s32 $0xFFFFC000  }
0x44: {  	[tilespmem:s23], [sflag:$0x4] =	stream.indirect.gather.add.f32 [hbm:s4], $0x80, s19, s17, $0xb8;
	[tilespmem:$0x8200] =	vst v63  }
.Ltmp2:
0x45: {  	_ = 	snop;
	(pc) =	sbr.rel @p0 .LBB2_4-.Ltmp2, $4  }
0x46: {  	_ =	swait.ge [sflag:s24], $0x4000  }
0x47: {  	[sflag:s24] =	ssyncset.done $0x0  }
0x48: {  	[sflag:s24] =	ssyncadd.s32 $0xFFFFC000  }
0x49: {  	[hbm4b:s30+s2] =	stream.linear.scatter [tilespmem:s21], [sflag:$0x5], $0x4000, $0x38;
	[tilespmem:$0x8200] =	vst v63  }
0x4a: {  	s1 =	sadd.s32 s0, s15  }
0x4b: {  	[tilespmem:s2], [sflag:$0x1] =	stream.linear.gather [hbm4b:s1+s2], $0x80, $0x38;
	[tilespmem:$0x8200] =	vst v63  }
0x4c: {  	s1 =	sadd.s32 s0, s14  }
0x4d: {  	[tilespmem:s17], [sflag:$0x1] =	stream.linear.gather [hbm4b:s1+s2], $0x80, $0x38;
	[tilespmem:$0x8200] =	vst v63  }
0x4e: {  	_ =	swait.ge [sflag:s25], $0x4000  }
0x4f: {  	[sflag:s25] =	ssyncset.done $0x0  }
0x50: {  	[sflag:s25] =	ssyncadd.s32 $0xFFFFC000  }
0x51: {  	[hbm4b:s31+s2] =	stream.linear.scatter [tilespmem:s23], [sflag:$0x6], $0x4000, $0x38;
	[tilespmem:$0x8200] =	vst v63  }
.Ltmp3:
0x52: {  	_ = 	snop;
	(pc) =	sbr.rel .LBB2_2-.Ltmp3, $4  }
0x53: {  	s30 =	sadd.s32 $0x1000, s30;
	s1 =	sadd.s32 s0, s12  }
0x54: {  	[tilespmem:s18], [sflag:$0x2] =	stream.linear.gather [hbm4b:s1+s2], $0x80, $0x38;
	[tilespmem:$0x8200] =	vst v63  }
0x55: {  	s31 =	sadd.s32 $0x1000, s31;
	s1 =	sadd.s32 s0, s11;
	s0 =	sadd.s32 $0x20, s0  }
0x56: {  	[tilespmem:s19], [sflag:$0x2] =	stream.linear.gather [hbm4b:s1+s2], $0x80, $0x38;
	[tilespmem:$0x8200] =	vst v63  }
.LBB2_5:
0x57: {  	_ =	sfence.sel $0x180000  }
0x58: {  	[bflag:$0x0] =	sbarrier.arrive $0xFFFF  }
0x59: {  	_ =	strace $0x9000004D  }
0x5a: {  	s0 =	stileid.u32;
	[bflag:$0x2] =	sbarrier.arrive $0xFFFF  }
0x5b: {  	p0 =	sne.s32 s0, $0x0;
	s0 =	rddreg [dreg:$0x1]  }
0x5c: {  	s0 =	sadd.s32 @!p0 $0x100000, s0  }
0x5d: {  	[sflag:s0] =	ssyncadd.tile.s32 @!p0 $0x1;
	_ =	shalt  }
.Lfunc_end2:
_tile_overlayer_lowered:
.L_overlay_start_2:
0x5e: {  	(tag) =	ssettag $0x2  }
0x5f: {  	s0 =	rddreg [dreg:$0x0];
	s2 =	stileid.u32  }
0x60: {  	s1 =	rddreg [dreg:$0x1];
	p0 =	sne.s32 s2, $0x0  }
0x61: {  	s3 =	rddreg [dreg:$0x2];
	[bflag:$0x3] =	sbarrier.arrive $0xFFFF;
	s2 =	simm.s32 @!p0 $0x1C07  }
0x62: {  	[timem:s3], [sflag:s2] =	dma.local @!p0 [hbm:s0], s1  }
0x63: {  	s0 =	simm.s32 @!p0 $0x7  }
0x64: {  	_ =	swait.ge @!p0 [sflag:s0], s1  }
0x65: {  	s1 =	ssub.s32 @!p0 $0x0, s1;
	[sflag:s0] =	ssyncset.done @!p0 $0x0  }
0x66: {  	[sflag:s0] =	ssyncadd.s32 @!p0 s1  }
0x67: {  	[bflag:$0x3] =	sbarrier.arrive $0xFFFF  }
0x68: {  	_ =	shalt  }

// kernel: kernel.28.cloned.1.call-start
scs
__scs_entry_jumppad:
0x0: {  	(pc) =	sbr.rel $0x88, $3  }
0x1: {  	(tag) =	ssettag $0x0;
	lr =	simm.s32 $0x1  }
0x2: {  	[smem:$0x3F7A] =	sst lr;
	_ =	strace $0xD0000000  }
0x3: {  	_ = 	snop  }
0x4: {  	_ = 	snop  }
0x5: {  	_ = 	snop  }
0x6: {  	_ = 	snop  }
0x7: {  	_ = 	snop  }
__scs_overlays_trampoline_lowered:
0x8: {  	[smem:$0x3F89] =	sst s0  }
0x9: {  	[smem:$0x3F8A] =	sst s1  }
0xa: {  	[smem:$0x3F8B] =	sst s2  }
0xb: {  	[smem:$0x3F8C] =	sst s3  }
0xc: {  	[smem:$0x3F8D] =	sst s4  }
0xd: {  	[smem:$0x3F8E] =	sst s5  }
0xe: {  	[smem:$0x3F8F] =	sst s6  }
0xf: {  	[smem:$0x3F90] =	sst s7  }
0x10: {  	[smem:$0x3F91] =	sst s8  }
0x11: {  	[smem:$0x3F92] =	sst s9;
	s0 =	simm.s32 @!p0 $0x0  }
0x12: {  	s1 =	sld [smem:$0x3F78];
	s0 =	simm.s32 @p0 $0x1  }
0x13: {  	[smem:$0x3F93] =	sst s0;
	s0 =	simm.s32 @!p1 $0x0  }
0x14: {  	s2 =	sld [smem:$0x3F77];
	s0 =	simm.s32 @p1 $0x1  }
0x15: {  	[smem:$0x3F94] =	sst s0;
	s0 =	simm.s32 @!p2 $0x0  }
0x16: {  	s3 =	sld [smem:$0x3FDB];
	s0 =	simm.s32 @p2 $0x1  }
0x17: {  	s4 =	simm.s32 $0x1BF5;
	[smem:$0x3F96] =	sst s0  }
0x18: {  	s0 =	sld [smem:$0x3F79];
	_ =	swait.ge [sflag:s4], $0x0  }
0x19: {  	s7 =	sld [smem:$0x3F7A]  }
0x1a: {  	s8 =	sadd.s32 $0xFFFFE003, lr  }
0x1b: {  	s9 =	sadd.s32 $0xFFFFFEF7, lr;
	s5 =	simm.s32 $0xFFFFFFFF;
	p2 =	slt.u32 s8, $0xFFFFF086  }
0x1c: {  	p1 =	slt.u32 s9, $0xF7A;
	s5 =	simm.s32 @!p2 $0x0  }
0x1d: {  	s5 =	simm.s32 @p1 $0x1;
	p0 =	seq.s32 s7, s2  }
0x1e: {  	s7 =	smul.u32 @!p0 $0xF7A, s2;
	p2 =	seq.s32 @!p0 s5, $0x0  }
0x1f: {  	s9 =	smul.u32 $0xF7A, s1;
	s8 =	simm.s32 @!p0 $0x1BF5;
	p2 =	por !p2, p0  }
0x20: {  	[sflag:s8] =	ssyncset.s32 @!p0 $0xFFFFF086;
	s6 =	sadd.s32 @!p0 s3, s7;
	s7 =	simm.s32 @!p0 $0x108  }
0x21: {  	s3 =	sadd.s32 s3, s9;
	s6 =	sadd.s32 @!p0 $0x88, s6;
	s7 =	simm.s32 @p2 $0x1082  }
0x22: {  	[simem:s7], [sflag:s8] =	dma.local @!p0 [hbm:s6], $0xF7A  }
0x23: {  	s9 =	sor.u32 $0xD0000000, s2;
	s6 =	simm.s32 $0x108;
	_ =	swait.ge @!p0 [sflag:s8], $0x0  }
0x24: {  	s3 =	sadd.s32 $0x88, s3;
	s6 =	simm.s32 @!p1 $0x1082;
	[sflag:s4] =	ssyncset.s32 $0xFFFFF086  }
0x25: {  	[simem:s6], [sflag:s4] =	dma.local [hbm:s3], $0xF7A  }
0x26: {  	[smem:$0x3F7A] =	sst s1;
	(tag) =	ssettag s2;
	_ =	strace s9  }
0x27: {  	s1 =	sld [smem:$0x3F8A]  }
0x28: {  	s2 =	sld [smem:$0x3F8B]  }
0x29: {  	s4 =	sld [smem:$0x3F8D]  }
0x2a: {  	p0 =	seq.s32 s5, $0x0;
	s5 =	sld [smem:$0x3F8E]  }
0x2b: {  	s6 =	sld [smem:$0x3F8F]  }
0x2c: {  	s7 =	sld [smem:$0x3F90]  }
0x2d: {  	s3 =	simm.s32 $0x108;
	s8 =	sld [smem:$0x3F91]  }
0x2e: {  	s3 =	simm.s32 @!p0 $0x1082;
	s9 =	sld [smem:$0x3F92]  }
0x2f: {  	lr =	sadd.s32 s0, s3;
	s0 =	sld [smem:$0x3F89]  }
0x30: {  	s3 =	sld [smem:$0x3F8C]  }
0x31: {  	[smem:$0x3F95] =	sst s10  }
0x32: {  	s10 =	sld [smem:$0x3F93];
	_ =	sdelay $0x3  }
0x33: {  	p0 =	seq.s32 s10, $0x1;
	s10 =	sld [smem:$0x3F95];
	_ =	sdelay $0x3  }
0x34: {  	[smem:$0x3F95] =	sst s10  }
0x35: {  	s10 =	sld [smem:$0x3F94];
	_ =	sdelay $0x3  }
0x36: {  	p1 =	seq.s32 s10, $0x1;
	s10 =	sld [smem:$0x3F95];
	_ =	sdelay $0x3  }
0x37: {  	[smem:$0x3F95] =	sst s10  }
0x38: {  	s10 =	sld [smem:$0x3F96]  }
0x39: {  	_ = 	snop;
	(pc) =	sbr.ind lr, $3  }
0x3a: {  	_ = 	snop  }
0x3b: {  	_ = 	snop  }
0x3c: {  	p2 =	seq.s32 s10, $0x1;
	s10 =	sld [smem:$0x3F95]  }
0x3d: {  	_ =	shalt  }
0x3e: {  	_ =	shalt  }
0x3f: {  	_ =	shalt  }
0x40: {  	_ =	shalt  }
0x41: {  	_ =	shalt  }
0x42: {  	_ =	shalt  }
0x43: {  	_ =	shalt  }
0x44: {  	_ =	shalt  }
0x45: {  	_ =	shalt  }
0x46: {  	_ =	shalt  }
0x47: {  	_ =	shalt  }
0x48: {  	_ =	shalt  }
0x49: {  	_ =	shalt  }
0x4a: {  	_ =	shalt  }
0x4b: {  	_ =	shalt  }
0x4c: {  	_ =	shalt  }
0x4d: {  	_ =	shalt  }
0x4e: {  	_ =	shalt  }
0x4f: {  	_ =	shalt  }
0x50: {  	_ =	shalt  }
0x51: {  	_ =	shalt  }
0x52: {  	_ =	shalt  }
0x53: {  	_ =	shalt  }
0x54: {  	_ =	shalt  }
0x55: {  	_ =	shalt  }
0x56: {  	_ =	shalt  }
0x57: {  	_ =	shalt  }
0x58: {  	_ =	shalt  }
0x59: {  	_ =	shalt  }
0x5a: {  	_ =	shalt  }
0x5b: {  	_ =	shalt  }
0x5c: {  	_ =	shalt  }
0x5d: {  	_ =	shalt  }
0x5e: {  	_ =	shalt  }
0x5f: {  	_ =	shalt  }
0x60: {  	_ =	shalt  }
0x61: {  	_ =	shalt  }
0x62: {  	_ =	shalt  }
0x63: {  	_ =	shalt  }
0x64: {  	_ =	shalt  }
0x65: {  	_ =	shalt  }
0x66: {  	_ =	shalt  }
0x67: {  	_ =	shalt  }
0x68: {  	_ =	shalt  }
0x69: {  	_ =	shalt  }
0x6a: {  	_ =	shalt  }
0x6b: {  	_ =	shalt  }
0x6c: {  	_ =	shalt  }
0x6d: {  	_ =	shalt  }
0x6e: {  	_ =	shalt  }
0x6f: {  	_ =	shalt  }
0x70: {  	_ =	shalt  }
0x71: {  	_ =	shalt  }
0x72: {  	_ =	shalt  }
0x73: {  	_ =	shalt  }
0x74: {  	_ =	shalt  }
0x75: {  	_ =	shalt  }
0x76: {  	_ =	shalt  }
0x77: {  	_ =	shalt  }
0x78: {  	_ =	shalt  }
0x79: {  	_ =	shalt  }
0x7a: {  	_ =	shalt  }
0x7b: {  	_ =	shalt  }
0x7c: {  	_ =	shalt  }
0x7d: {  	_ =	shalt  }
0x7e: {  	_ =	shalt  }
0x7f: {  	_ =	shalt  }
0x80: {  	_ =	shalt  }
0x81: {  	_ =	shalt  }
0x82: {  	_ =	shalt  }
0x83: {  	_ =	shalt  }
0x84: {  	_ =	shalt  }
0x85: {  	_ =	shalt  }
0x86: {  	_ =	shalt  }
0x87: {  	_ =	shalt  }
.Lfunc_end0:
.L_simem_size_0:
called_computation.3_lowered:
.L_overlay_start_0:
0x88: {  	s2 =	sld [smem:$0x3FD9]  }
0x89: {  	s3 =	sld [smem:$0x3FFE];
	_ =	sdelay $0x1  }
0x8a: {  	s1 =	srdreg.scid  }
0x8b: {  	s0 =	sand.u32 $0x1, s1  }
0x8c: {  	s16 =	sshll.u32 s0, $0xA;
	s2 =	sadd.s32 s3, s2  }
0x8d: {  	s2 =	sadd.s32 s2, s16  }
0x8e: {  	[smem:$0x3FA1] =	sst s2  }
0x8f: {  	_ = 	snop  }
0x90: {  	(tm) =	ssettm $0x1  }
0x91: {  	s17 =	sld [smem:$0x3FFB];
	_ =	sdelay $0x3  }
0x92: {  	_ =	strace s17  }
0x93: {  	s2 =	sld [smem:$0x3FFC];
	_ =	sdelay $0x3  }
0x94: {  	_ =	strace s2  }
0x95: {  	s2 =	sld [smem:$0x3FFD];
	_ =	sdelay $0x3  }
0x96: {  	_ =	strace s2  }
0x97: {  	_ =	strace $0x8FFFFFFF  }
0x98: {  	s18 =	sld [smem:$0x3FDB];
	_ =	sdelay $0x1  }
0x99: {  	s19 =	simm.s32 $_scs_section_size  }
0x9a: {  	s4 =	simm.s32 $_size__tile_overlayer_lowered;
	s5 =	simm.s32 $_tile_overlayer_lowered  }
0x9b: {  	s22 =	simm.s32 $0x1BFF;
	s21 =	sshll.u32 s5, $0x1;
	s2 =	sadd.s32 s19, s18  }
0x9c: {  	s6 =	simm.s32 $0x0;
	s20 =	sshll.u32 s4, $0x1;
	s4 =	sadd.s32 s21, s2  }
0x9d: {  	[timem:s6], [sflag:s22] =	dma.local [hbm:s4], s20  }
0x9e: {  	_ =	swait.ge [sflag:s22], s20  }
0x9f: {  	s3 =	ssub.s32 $0x0, s20;
	[sflag:s22] =	ssyncset.done $0x0  }
0xa0: {  	[sflag:s22] =	ssyncadd.s32 s3;
	_ =	sdelay $0x1  }
0xa1: {  	s23 =	simm.s32 $0x1B8B  }
0xa2: {  	_ =	swait.ge [sflag:s23], $0x1  }
0xa3: {  	[sflag:s23] =	ssyncset.done $0x0  }
0xa4: {  	s25 =	simm.s32 $0x1B8E;
	s24 =	sld [smem:$0x3FFE];
	[sflag:s23] =	ssyncadd.s32 $0xFFFFFFFF  }
0xa5: {  	s26 =	simm.s32 $execute0_lowered;
	[smem:$0x3FD2] =	sst s25  }
0xa6: {  	s4 =	sshll.u32 s26, $0x1;
	_ =	strace $0x8000004F;
	[dreg:$0x1] =	wrdreg $0xFFFFFFFF  }
0xa7: {  	s28 =	simm.s32 $_size_execute0_lowered;
	s2 =	sadd.s32 s2, s4;
	[dreg:$0x0] =	wrdreg $0x0  }
0xa8: {  	s4 =	sshll.u32 s28, $0x1;
	[dreg:$0x2] =	wrdreg s2  }
0xa9: {  	[dreg:$0x3] =	wrdreg s4  }
0xaa: {  	[dreg:$0x4] =	wrdreg $0xC0  }
0xab: {  	_ =	task [dreg:s6], $0x5FFFF  }
0xac: {  	[dreg:$0x1] =	wrdreg $0xFFFFFFFF  }
0xad: {  	[dreg:$0x0] =	wrdreg $0x60  }
0xae: {  	[dreg:$0x2] =	wrdreg s24  }
0xaf: {  	[dreg:$0x3] =	wrdreg $0x81000  }
0xb0: {  	[dreg:$0x4] =	wrdreg $0x9  }
0xb1: {  	_ =	task.clear_ibuf [dreg:s6], $0x5FFFF;
	_ =	strace $0x9000004F  }
0xb2: {  	s29 =	simm.s32 $0x9;
	_ =	strace $0x80000051  }
0xb3: {  	_ =	swait.ge [sflag:s29], $0x1  }
0xb4: {  	[sflag:s29] =	ssyncadd.s32 $0xFFFFFFFF  }
0xb5: {  	_ =	strace $0x90000051  }
0xb6: {  	_ =	sfence  }
0xb7: {  	s30 =	sld [smem:$0x0];
	_ =	sdelay $0x2  }
0xb8: {  	s31 =	sshll.u32 s1, $0xD;
	s1 =	sshrl.u32 s1, $0x2  }
0xb9: {  	s3 =	sand.u32 $0x4000, s31;
	s1 =	sadd.s32 s1, s30  }
0xba: {  	s0 =	sor.u32 s3, s0;
	s1 =	sshll.u32 s1, $0x11  }
0xbb: {  	s0 =	sor.u32 s1, s0  }
0xbc: {  	s0 =	sadd.s32 $0x8F2B, s0  }
0xbd: {  	[sflag:s0] =	ssyncadd.remote.s32 $0x1  }
0xbe: {  	_ =	sfence.sel $0xFFFF  }
0xbf: {  	[dreg:$0x0] =	wrdreg $0xFFFFFFFF;
	(pc) =	sbr.abs _section_cstart, $3  }
0xc0: {  	[dreg:$0x1] =	wrdreg $0xFFFFFFFF  }
0xc1: {  	_ =	task.clear_ibuf [dreg:s6], $0x2FFFF;
	_ =	strace $0x9FFFFFFF  }
0xc2: {  	(tm) =	ssettm $0x7FFFFFFF  }
0xc3: {  	_ =	shalt  }
tec
execute0_lowered:
.L_overlay_start_1:
0x0: {  	(tag) =	ssettag $0x1  }
0x1: {  	s0 =	rddreg [dreg:$0x0]  }
0x2: {  	s2 =	rddreg [dreg:$0x1]  }
0x3: {  	s4 =	srdreg.scid;
	s1 =	stileid.u32  }
0x4: {  	s3 =	simm.s32 $0x0;
	s28 =	simm.s32 $0x2;
	s14 =	smul.u32 $0x14000, s1  }
0x5: {  	s29 =	simm.s32 $0x0;
	s18 =	sand.u32 $0x1, s4;
	s21 =	smul.u32 $0x50000, s1  }
0x6: {  	s25 =	sshll.u32 s1, $0x1;
	[smem:$0x7FF] =	sst s3;
	s24 =	smul.u32 $0x5000, s1  }
0x7: {  	s19 =	sadd.s32 $0x15200, s0;
	s20 =	sadd.s32 $0xAEFC00, s0;
	s17 =	smul.u32 $0x140000, s18  }
0x8: {  	s0 =	sadd.s32 $0x51800, s0;
	s4 =	sor.u32 s18, s25;
	s25 =	smul.u32 $0x2800, s18  }
0x9: {  	_ =	strace $0x80000050;
	s5 =	ssub.s32 $0x2, s18;
	s6 =	smul.u32 $0x2800, s4  }
0xa: {  	s7 =	smul.u32 $0x28000, s4;
	s26 =	sshrl.u32 s5, $0x1;
	s10 =	sshrl.u32 s21, $0x2  }
0xb: {  	s15 =	sadd.s32 $0x4000, s14;
	s16 =	sadd.s32 $0x8000, s14;
	s22 =	sadd.s32 $0xC000, s14  }
0xc: {  	s23 =	sadd.s32 $0x10000, s14;
	s9 =	ssub.s32 s5, s26;
	s8 =	sadd.s32 s17, s14  }
0xd: {  	s10 =	sadd.s32 s10, s2;
	s11 =	sadd.s32 s15, s2;
	s12 =	sadd.s32 s16, s2  }
0xe: {  	s13 =	sadd.s32 s22, s2;
	s15 =	sadd.s32 s17, s15;
	s16 =	sadd.s32 s17, s16  }
0xf: {  	s14 =	sadd.s32 s23, s2;
	s22 =	sadd.s32 s17, s22;
	s23 =	sadd.s32 s17, s23  }
0x10: {  	s26 =	sadd.s32 s25, s24;
	s24 =	simm.s32 $0x80;
	s25 =	simm.s32 $0x4100  }
0x11: {  	s30 =	sshrl.u32 s6, $0x3;
	s5 =	sadd.s32 s20, s7;
	s31 =	sor.u32 $0x80, s6  }
0x12: {  	s8 =	sshrl.u32 s8, $0x3;
	s9 =	smax.u32 s9, $0x1;
	s15 =	sshrl.u32 s15, $0x3  }
0x13: {  	s16 =	sshrl.u32 s16, $0x3;
	s22 =	sshrl.u32 s22, $0x3;
	s1 =	sshrl.u32 s23, $0x3  }
0x14: {  	s23 =	simm.s32 $0x3;
	s4 =	sadd.s32 s19, s30;
	s6 =	sshrl.u32 s31, $0x3  }
0x15: {  	s7 =	sshll.u32 s31, $0x4;
	s8 =	sadd.s32 s0, s8;
	s15 =	sadd.s32 s0, s15  }
0x16: {  	s16 =	sadd.s32 s0, s16;
	s17 =	sadd.s32 s0, s22;
	s22 =	sadd.s32 s21, s20  }
0x17: {  	s30 =	sor.u32 $0x180, s26;
	[dreg:$0x3] =	wrdreg s4;
	s6 =	sadd.s32 s19, s6  }
0x18: {  	s7 =	sadd.s32 s20, s7;
	s4 =	smul.u32 $0x28000, s18;
	s18 =	sadd.s32 s0, s1  }
0x19: {  	s20 =	sor.u32 $0x100, s26;
	s21 =	sshrl.u32 s30, $0x3;
	s26 =	simm.s32 $0x1  }
0x1a: {  	s31 =	sshrl.u32 s20, $0x3;
	s20 =	sadd.s32 s21, s19;
	s0 =	sadd.s32 s4, s22  }
0x1b: {  	v0 =	vimm.f32 $0.0e+00;
	s21 =	sadd.s32 s31, s19;
	s22 =	simm.s32 $0x100;
	s0 =	sadd.s32 $0x1800, s0  }
.LBB2_1:
0x1c: {  	s19 =	simm.s32 $0x0;
	s30 =	simm.s32 $0x200  }
.LBB2_2:
0x1d: {  	p0 =	sne.s32 s30, $0xFE00;
	[tilespmem:s19+$0x170] =	vst v0  }
0x1e: {  	[tilespmem:s19+$0x100] =	vst v0  }
0x1f: {  	[tilespmem:s19+$0x110] =	vst v0  }
.Ltmp0:
0x20: {  	[tilespmem:s19+$0x120] =	vst v0;
	(pc) =	sbr.rel @p0 .LBB2_2-.Ltmp0, $4  }
0x21: {  	[tilespmem:s19+$0x130] =	vst v0  }
0x22: {  	[tilespmem:s19+$0x140] =	vst v0  }
0x23: {  	[tilespmem:s19+$0x150] =	vst v0  }
0x24: {  	[tilespmem:s19+$0x160] =	vst v0;
	s19 =	sshra.s32 s30, $0x2;
	s30 =	sadd.s32 $0x200, s30  }
0x25: {  	[tilespmem:s19+$0x170] =	vst v0  }
0x26: {  	[tilespmem:s19+$0x100] =	vst v0  }
0x27: {  	[tilespmem:s19+$0x110] =	vst v0  }
0x28: {  	[tilespmem:s19+$0x120] =	vst v0  }
0x29: {  	[tilespmem:s19+$0x130] =	vst v0  }
0x2a: {  	[tilespmem:s19+$0x140] =	vst v0  }
0x2b: {  	[tilespmem:s19+$0x150] =	vst v0  }
0x2c: {  	[tilespmem:s19+$0x160] =	vst v0  }
0x2d: {  	[spmem:s10] =	stream.linear.scatter [tilespmem:s22], [sflag:$0x3], $0x4000, $0x38;
	[tilespmem:$0x1C100] =	vst v63  }
0x2e: {  	_ =	swait.ge [sflag:s23], $0x4000  }
0x2f: {  	[sflag:s23] =	ssyncset.done $0x0  }
0x30: {  	[sflag:s23] =	ssyncadd.s32 $0xFFFFC000  }
0x31: {  	[spmem:s11] =	stream.linear.scatter [tilespmem:s22], [sflag:$0x3], $0x4000, $0x38;
	[tilespmem:$0x1C100] =	vst v63  }
0x32: {  	_ =	swait.ge [sflag:s23], $0x4000  }
0x33: {  	[sflag:s23] =	ssyncset.done $0x0  }
0x34: {  	[sflag:s23] =	ssyncadd.s32 $0xFFFFC000  }
0x35: {  	[spmem:s12] =	stream.linear.scatter [tilespmem:s22], [sflag:$0x3], $0x4000, $0x38;
	[tilespmem:$0x1C100] =	vst v63  }
0x36: {  	_ =	swait.ge [sflag:s23], $0x4000  }
0x37: {  	[sflag:s23] =	ssyncset.done $0x0  }
0x38: {  	[sflag:s23] =	ssyncadd.s32 $0xFFFFC000  }
0x39: {  	[spmem:s13] =	stream.linear.scatter [tilespmem:s22], [sflag:$0x3], $0x4000, $0x38;
	[tilespmem:$0x1C100] =	vst v63  }
0x3a: {  	_ =	swait.ge [sflag:s23], $0x4000  }
0x3b: {  	[sflag:s23] =	ssyncset.done $0x0  }
0x3c: {  	[sflag:s23] =	ssyncadd.s32 $0xFFFFC000  }
0x3d: {  	[spmem:s14] =	stream.linear.scatter [tilespmem:s22], [sflag:$0x3], $0x4000, $0x38;
	[tilespmem:$0x1C100] =	vst v63  }
0x3e: {  	_ =	swait.ge [sflag:s23], $0x4000  }
0x3f: {  	[sflag:s23] =	ssyncset.done $0x0  }
0x40: {  	[sflag:s23] =	ssyncadd.s32 $0xFFFFC000  }
0x41: {  	[bflag:$0x0] =	sbarrier.arrive $0xFFFF  }
0x42: {  	s4 =	simm.s32 $0x0;
	s1 =	rddreg [dreg:$0x3]  }
0x43: {  	[tilespmem:s4], [sflag:$0x1] =	stream.linear.gather [hbm4b:s1+s4], $0x80, $0x38;
	[tilespmem:$0x1C100] =	vst v63  }
0x44: {  	_ = 	snop  }
0x45: {  	[tilespmem:s22], [sflag:$0x1] =	stream.linear.gather [hbm4b:s5+s4], $0x4000, $0x38;
	[tilespmem:$0x1C100] =	vst v63  }
0x46: {  	_ = 	snop  }
0x47: {  	[tilespmem:s24], [sflag:$0x2] =	stream.linear.gather [hbm4b:s6+s4], $0x80, $0x38;
	[tilespmem:$0x1C100] =	vst v63  }
0x48: {  	_ = 	snop  }
0x49: {  	[tilespmem:s25], [sflag:$0x2] =	stream.linear.gather [hbm4b:s7+s4], $0x4000, $0x38;
	[tilespmem:$0x1C100] =	vst v63  }
0x4a: {  	_ =	swait.ge [sflag:s26], $0x80  }
0x4b: {  	[sflag:s26] =	ssyncset.done $0x0  }
0x4c: {  	[sflag:s26] =	ssyncadd.s32 $0xFFFFFF80  }
0x4d: {  	_ =	swait.ge [sflag:s26], $0x4000  }
0x4e: {  	[sflag:s26] =	ssyncset.done $0x0  }
0x4f: {  	[sflag:s26] =	ssyncadd.s32 $0xFFFFC000  }
0x50: {  	[spmem:s2] =	stream.indirect.scatter.add.f32 [tilespmem:s22], [sflag:$0x3], $0x80, s3, s24, $0xb8;
	[tilespmem:$0x1C100] =	vst v63  }
0x51: {  	_ =	swait.ge [sflag:s23], $0x4000  }
0x52: {  	[sflag:s23] =	ssyncset.done $0x0  }
0x53: {  	s4 =	sadd.s32 $0x0, s21;
	[sflag:s23] =	ssyncadd.s32 $0xFFFFC000  }
0x54: {  	[tilespmem:s3], [sflag:$0x1] =	stream.linear.gather [hbm4b:s4+s3], $0x80, $0x38;
	[tilespmem:$0x1C100] =	vst v63  }
0x55: {  	s1 =	sadd.s32 $0xFFFFF800, s0  }
0x56: {  	[tilespmem:s22], [sflag:$0x1] =	stream.linear.gather [hbm4b:s1+s3], $0x4000, $0x38;
	[tilespmem:$0x1C100] =	vst v63  }
0x57: {  	_ =	swait.ge [sflag:s28], $0x80  }
0x58: {  	[sflag:s28] =	ssyncset.done $0x0  }
0x59: {  	[sflag:s28] =	ssyncadd.s32 $0xFFFFFF80  }
0x5a: {  	_ =	swait.ge [sflag:s28], $0x4000  }
0x5b: {  	[sflag:s28] =	ssyncset.done $0x0  }
0x5c: {  	[sflag:s28] =	ssyncadd.s32 $0xFFFFC000  }
0x5d: {  	[spmem:s2] =	stream.indirect.scatter.add.f32 [tilespmem:s25], [sflag:$0x3], $0x80, s24, s24, $0xb8;
	[tilespmem:$0x1C100] =	vst v63  }
0x5e: {  	_ =	swait.ge [sflag:s23], $0x4000  }
0x5f: {  	s30 =	simm.s32 $0x20;
	s31 =	sadd.s32 $0x1000, s0;
	[sflag:s23] =	ssyncset.done $0x0  }
0x60: {  	s19 =	smov.u32 s0;
	s4 =	sadd.s32 $0x0, s20;
	[sflag:s23] =	ssyncadd.s32 $0xFFFFC000  }
0x61: {  	[tilespmem:s24], [sflag:$0x2] =	stream.linear.gather [hbm4b:s4+s3], $0x80, $0x38;
	[tilespmem:$0x1C100] =	vst v63  }
.LBB2_4:
0x62: {  	[tilespmem:s25], [sflag:$0x2] =	stream.linear.gather [hbm4b:s19+s3], $0x4000, $0x38;
	[tilespmem:$0x1C100] =	vst v63  }
0x63: {  	s1 =	smov.u32 s30;
	s19 =	smov.u32 s31  }
0x64: {  	p0 =	sne.s32 s30, $0x4C0;
	s30 =	sadd.s32 $0x20, s30;
	_ =	swait.ge [sflag:s26], $0x80  }
0x65: {  	[sflag:s26] =	ssyncset.done $0x0  }
0x66: {  	[sflag:s26] =	ssyncadd.s32 $0xFFFFFF80  }
0x67: {  	_ =	swait.ge [sflag:s26], $0x4000  }
0x68: {  	[sflag:s26] =	ssyncset.done $0x0  }
0x69: {  	[sflag:s26] =	ssyncadd.s32 $0xFFFFC000  }
0x6a: {  	[spmem:s2] =	stream.indirect.scatter.add.f32 [tilespmem:s22], [sflag:$0x3], $0x80, s3, s24, $0xb8;
	[tilespmem:$0x1C100] =	vst v63  }
0x6b: {  	_ =	swait.ge [sflag:s23], $0x4000  }
0x6c: {  	[sflag:s23] =	ssyncset.done $0x0  }
0x6d: {  	s4 =	sadd.s32 s1, s21;
	[sflag:s23] =	ssyncadd.s32 $0xFFFFC000  }
0x6e: {  	[tilespmem:s3], [sflag:$0x1] =	stream.linear.gather [hbm4b:s4+s3], $0x80, $0x38;
	[tilespmem:$0x1C100] =	vst v63  }
0x6f: {  	s4 =	sadd.s32 $0xFFFFF800, s31  }
0x70: {  	[tilespmem:s22], [sflag:$0x1] =	stream.linear.gather [hbm4b:s4+s3], $0x4000, $0x38;
	[tilespmem:$0x1C100] =	vst v63  }
0x71: {  	_ =	swait.ge [sflag:s28], $0x80  }
0x72: {  	[sflag:s28] =	ssyncset.done $0x0  }
0x73: {  	[sflag:s28] =	ssyncadd.s32 $0xFFFFFF80  }
0x74: {  	_ =	swait.ge [sflag:s28], $0x4000  }
0x75: {  	[sflag:s28] =	ssyncset.done $0x0  }
0x76: {  	[sflag:s28] =	ssyncadd.s32 $0xFFFFC000  }
0x77: {  	[spmem:s2] =	stream.indirect.scatter.add.f32 [tilespmem:s25], [sflag:$0x3], $0x80, s24, s24, $0xb8;
	[tilespmem:$0x1C100] =	vst v63  }
.Ltmp1:
0x78: {  	_ =	swait.ge [sflag:s23], $0x4000;
	(pc) =	sbr.rel @p0 .LBB2_4-.Ltmp1, $4  }
0x79: {  	[sflag:s23] =	ssyncset.done $0x0  }
0x7a: {  	s1 =	sadd.s32 s1, s20;
	[sflag:s23] =	ssyncadd.s32 $0xFFFFC000  }
0x7b: {  	[tilespmem:s24], [sflag:$0x2] =	stream.linear.gather [hbm4b:s1+s3], $0x80, $0x38;
	[tilespmem:$0x1C100] =	vst v63  }
0x7c: {  	s31 =	sadd.s32 $0x1000, s31  }
0x7d: {  	[tilespmem:s25], [sflag:$0x2] =	stream.linear.gather [hbm4b:s19+s3], $0x4000, $0x38;
	[tilespmem:$0x1C100] =	vst v63  }
0x7e: {  	_ =	swait.ge [sflag:s26], $0x80  }
0x7f: {  	[sflag:s26] =	ssyncset.done $0x0  }
0x80: {  	[sflag:s26] =	ssyncadd.s32 $0xFFFFFF80  }
0x81: {  	_ =	swait.ge [sflag:s26], $0x4000  }
0x82: {  	[sflag:s26] =	ssyncset.done $0x0  }
0x83: {  	[sflag:s26] =	ssyncadd.s32 $0xFFFFC000  }
0x84: {  	[spmem:s2] =	stream.indirect.scatter.add.f32 [tilespmem:s22], [sflag:$0x3], $0x80, s3, s24, $0xb8;
	[tilespmem:$0x1C100] =	vst v63  }
0x85: {  	_ =	swait.ge [sflag:s23], $0x4000  }
0x86: {  	[sflag:s23] =	ssyncset.done $0x0  }
0x87: {  	[sflag:s23] =	ssyncadd.s32 $0xFFFFC000  }
0x88: {  	_ =	swait.ge [sflag:s28], $0x80  }
0x89: {  	[sflag:s28] =	ssyncset.done $0x0  }
0x8a: {  	[sflag:s28] =	ssyncadd.s32 $0xFFFFFF80  }
0x8b: {  	_ =	swait.ge [sflag:s28], $0x4000  }
0x8c: {  	[sflag:s28] =	ssyncset.done $0x0  }
0x8d: {  	[sflag:s28] =	ssyncadd.s32 $0xFFFFC000  }
0x8e: {  	[spmem:s2] =	stream.indirect.scatter.add.f32 [tilespmem:s25], [sflag:$0x3], $0x80, s24, s24, $0xb8;
	[tilespmem:$0x1C100] =	vst v63  }
0x8f: {  	_ =	swait.ge [sflag:s23], $0x4000  }
0x90: {  	s1 =	stileid.u32;
	[sflag:s23] =	ssyncset.done $0x0  }
0x91: {  	s1 =	sshll.u32 s1, $0x6;
	[sflag:s23] =	ssyncadd.s32 $0xFFFFC000  }
0x92: {  	s4 =	sshrl.u32 s10, $0x3;
	s1 =	sor.u32 $0x1C03, s1;
	[bflag:$0x0] =	sbarrier.arrive $0xFFFF  }
0x93: {  	[hbm:s8], [sflag:s1] =	dma.local [spmem:s4], $0x800  }
0x94: {  	_ =	swait.ge [sflag:s23], $0x800  }
0x95: {  	[sflag:s23] =	ssyncset.done $0x0  }
0x96: {  	s31 =	sshrl.u32 s11, $0x3;
	[sflag:s23] =	ssyncadd.s32 $0xFFFFF800  }
0x97: {  	[hbm:s15], [sflag:s1] =	dma.local [spmem:s31], $0x800  }
0x98: {  	_ =	swait.ge [sflag:s23], $0x800  }
0x99: {  	[sflag:s23] =	ssyncset.done $0x0  }
0x9a: {  	s19 =	sshrl.u32 s12, $0x3;
	[sflag:s23] =	ssyncadd.s32 $0xFFFFF800  }
0x9b: {  	[hbm:s16], [sflag:s1] =	dma.local [spmem:s19], $0x800  }
0x9c: {  	_ =	swait.ge [sflag:s23], $0x800  }
0x9d: {  	[sflag:s23] =	ssyncset.done $0x0  }
0x9e: {  	s30 =	sshrl.u32 s13, $0x3;
	[sflag:s23] =	ssyncadd.s32 $0xFFFFF800  }
0x9f: {  	[hbm:s17], [sflag:s1] =	dma.local [spmem:s30], $0x800  }
0xa0: {  	s29 =	sadd.s32 $0x1, s29;
	_ =	swait.ge [sflag:s23], $0x800  }
0xa1: {  	p0 =	sne.s32 s29, s9;
	[sflag:s23] =	ssyncset.done $0x0  }
.Ltmp2:
0xa2: {  	s31 =	sshrl.u32 s14, $0x3;
	[sflag:s23] =	ssyncadd.s32 $0xFFFFF800;
	(pc) =	sbr.rel @p0 .LBB2_1-.Ltmp2, $4  }
0xa3: {  	[hbm:s18], [sflag:s1] =	dma.local [spmem:s31], $0x800  }
0xa4: {  	_ =	swait.ge [sflag:s23], $0x800  }
0xa5: {  	[sflag:s23] =	ssyncset.done $0x0  }
0xa6: {  	[sflag:s23] =	ssyncadd.s32 $0xFFFFF800  }
0xa7: {  	_ =	sfence.sel $0x180000  }
0xa8: {  	[bflag:$0x0] =	sbarrier.arrive $0xFFFF  }
0xa9: {  	_ =	strace $0x90000050  }
0xaa: {  	s0 =	stileid.u32;
	[bflag:$0x2] =	sbarrier.arrive $0xFFFF  }
0xab: {  	p0 =	sne.s32 s0, $0x0;
	s0 =	rddreg [dreg:$0x2]  }
0xac: {  	s0 =	sadd.s32 @!p0 $0x100000, s0  }
0xad: {  	[sflag:s0] =	ssyncadd.tile.s32 @!p0 $0x1;
	_ =	shalt  }
.Lfunc_end2:
_tile_overlayer_lowered:
.L_overlay_start_2:
0xae: {  	(tag) =	ssettag $0x2  }
0xaf: {  	s0 =	rddreg [dreg:$0x0];
	s2 =	stileid.u32  }
0xb0: {  	s1 =	rddreg [dreg:$0x1];
	p0 =	sne.s32 s2, $0x0  }
0xb1: {  	s3 =	rddreg [dreg:$0x2];
	[bflag:$0x3] =	sbarrier.arrive $0xFFFF;
	s2 =	simm.s32 @!p0 $0x1C03  }
0xb2: {  	[timem:s3], [sflag:s2] =	dma.local @!p0 [hbm:s0], s1  }
0xb3: {  	s0 =	simm.s32 @!p0 $0x3  }
0xb4: {  	_ =	swait.ge @!p0 [sflag:s0], s1  }
0xb5: {  	s1 =	ssub.s32 @!p0 $0x0, s1;
	[sflag:s0] =	ssyncset.done @!p0 $0x0  }
0xb6: {  	[sflag:s0] =	ssyncadd.s32 @!p0 s1  }
0xb7: {  	[bflag:$0x3] =	sbarrier.arrive $0xFFFF  }
0xb8: {  	_ =	shalt  }

// kernel: kernel.31.cloned.1.call-start
scs
__scs_entry_jumppad:
0x0: {  	(pc) =	sbr.rel $0x88, $3  }
0x1: {  	(tag) =	ssettag $0x0;
	lr =	simm.s32 $0x1  }
0x2: {  	[smem:$0x3F7A] =	sst lr;
	_ =	strace $0xD0000000  }
0x3: {  	_ = 	snop  }
0x4: {  	_ = 	snop  }
0x5: {  	_ = 	snop  }
0x6: {  	_ = 	snop  }
0x7: {  	_ = 	snop  }
__scs_overlays_trampoline_lowered:
0x8: {  	[smem:$0x3F89] =	sst s0  }
0x9: {  	[smem:$0x3F8A] =	sst s1  }
0xa: {  	[smem:$0x3F8B] =	sst s2  }
0xb: {  	[smem:$0x3F8C] =	sst s3  }
0xc: {  	[smem:$0x3F8D] =	sst s4  }
0xd: {  	[smem:$0x3F8E] =	sst s5  }
0xe: {  	[smem:$0x3F8F] =	sst s6  }
0xf: {  	[smem:$0x3F90] =	sst s7  }
0x10: {  	[smem:$0x3F91] =	sst s8  }
0x11: {  	[smem:$0x3F92] =	sst s9;
	s0 =	simm.s32 @!p0 $0x0  }
0x12: {  	s1 =	sld [smem:$0x3F78];
	s0 =	simm.s32 @p0 $0x1  }
0x13: {  	[smem:$0x3F93] =	sst s0;
	s0 =	simm.s32 @!p1 $0x0  }
0x14: {  	s2 =	sld [smem:$0x3F77];
	s0 =	simm.s32 @p1 $0x1  }
0x15: {  	[smem:$0x3F94] =	sst s0;
	s0 =	simm.s32 @!p2 $0x0  }
0x16: {  	s3 =	sld [smem:$0x3FDB];
	s0 =	simm.s32 @p2 $0x1  }
0x17: {  	s4 =	simm.s32 $0x1BF5;
	[smem:$0x3F96] =	sst s0  }
0x18: {  	s0 =	sld [smem:$0x3F79];
	_ =	swait.ge [sflag:s4], $0x0  }
0x19: {  	s7 =	sld [smem:$0x3F7A]  }
0x1a: {  	s8 =	sadd.s32 $0xFFFFE003, lr  }
0x1b: {  	s9 =	sadd.s32 $0xFFFFFEF7, lr;
	s5 =	simm.s32 $0xFFFFFFFF;
	p2 =	slt.u32 s8, $0xFFFFF086  }
0x1c: {  	p1 =	slt.u32 s9, $0xF7A;
	s5 =	simm.s32 @!p2 $0x0  }
0x1d: {  	s5 =	simm.s32 @p1 $0x1;
	p0 =	seq.s32 s7, s2  }
0x1e: {  	s7 =	smul.u32 @!p0 $0xF7A, s2;
	p2 =	seq.s32 @!p0 s5, $0x0  }
0x1f: {  	s9 =	smul.u32 $0xF7A, s1;
	s8 =	simm.s32 @!p0 $0x1BF5;
	p2 =	por !p2, p0  }
0x20: {  	[sflag:s8] =	ssyncset.s32 @!p0 $0xFFFFF086;
	s6 =	sadd.s32 @!p0 s3, s7;
	s7 =	simm.s32 @!p0 $0x108  }
0x21: {  	s3 =	sadd.s32 s3, s9;
	s6 =	sadd.s32 @!p0 $0x88, s6;
	s7 =	simm.s32 @p2 $0x1082  }
0x22: {  	[simem:s7], [sflag:s8] =	dma.local @!p0 [hbm:s6], $0xF7A  }
0x23: {  	s9 =	sor.u32 $0xD0000000, s2;
	s6 =	simm.s32 $0x108;
	_ =	swait.ge @!p0 [sflag:s8], $0x0  }
0x24: {  	s3 =	sadd.s32 $0x88, s3;
	s6 =	simm.s32 @!p1 $0x1082;
	[sflag:s4] =	ssyncset.s32 $0xFFFFF086  }
0x25: {  	[simem:s6], [sflag:s4] =	dma.local [hbm:s3], $0xF7A  }
0x26: {  	[smem:$0x3F7A] =	sst s1;
	(tag) =	ssettag s2;
	_ =	strace s9  }
0x27: {  	s1 =	sld [smem:$0x3F8A]  }
0x28: {  	s2 =	sld [smem:$0x3F8B]  }
0x29: {  	s4 =	sld [smem:$0x3F8D]  }
0x2a: {  	p0 =	seq.s32 s5, $0x0;
	s5 =	sld [smem:$0x3F8E]  }
0x2b: {  	s6 =	sld [smem:$0x3F8F]  }
0x2c: {  	s7 =	sld [smem:$0x3F90]  }
0x2d: {  	s3 =	simm.s32 $0x108;
	s8 =	sld [smem:$0x3F91]  }
0x2e: {  	s3 =	simm.s32 @!p0 $0x1082;
	s9 =	sld [smem:$0x3F92]  }
0x2f: {  	lr =	sadd.s32 s0, s3;
	s0 =	sld [smem:$0x3F89]  }
0x30: {  	s3 =	sld [smem:$0x3F8C]  }
0x31: {  	[smem:$0x3F95] =	sst s10  }
0x32: {  	s10 =	sld [smem:$0x3F93];
	_ =	sdelay $0x3  }
0x33: {  	p0 =	seq.s32 s10, $0x1;
	s10 =	sld [smem:$0x3F95];
	_ =	sdelay $0x3  }
0x34: {  	[smem:$0x3F95] =	sst s10  }
0x35: {  	s10 =	sld [smem:$0x3F94];
	_ =	sdelay $0x3  }
0x36: {  	p1 =	seq.s32 s10, $0x1;
	s10 =	sld [smem:$0x3F95];
	_ =	sdelay $0x3  }
0x37: {  	[smem:$0x3F95] =	sst s10  }
0x38: {  	s10 =	sld [smem:$0x3F96]  }
0x39: {  	_ = 	snop;
	(pc) =	sbr.ind lr, $3  }
0x3a: {  	_ = 	snop  }
0x3b: {  	_ = 	snop  }
0x3c: {  	p2 =	seq.s32 s10, $0x1;
	s10 =	sld [smem:$0x3F95]  }
0x3d: {  	_ =	shalt  }
0x3e: {  	_ =	shalt  }
0x3f: {  	_ =	shalt  }
0x40: {  	_ =	shalt  }
0x41: {  	_ =	shalt  }
0x42: {  	_ =	shalt  }
0x43: {  	_ =	shalt  }
0x44: {  	_ =	shalt  }
0x45: {  	_ =	shalt  }
0x46: {  	_ =	shalt  }
0x47: {  	_ =	shalt  }
0x48: {  	_ =	shalt  }
0x49: {  	_ =	shalt  }
0x4a: {  	_ =	shalt  }
0x4b: {  	_ =	shalt  }
0x4c: {  	_ =	shalt  }
0x4d: {  	_ =	shalt  }
0x4e: {  	_ =	shalt  }
0x4f: {  	_ =	shalt  }
0x50: {  	_ =	shalt  }
0x51: {  	_ =	shalt  }
0x52: {  	_ =	shalt  }
0x53: {  	_ =	shalt  }
0x54: {  	_ =	shalt  }
0x55: {  	_ =	shalt  }
0x56: {  	_ =	shalt  }
0x57: {  	_ =	shalt  }
0x58: {  	_ =	shalt  }
0x59: {  	_ =	shalt  }
0x5a: {  	_ =	shalt  }
0x5b: {  	_ =	shalt  }
0x5c: {  	_ =	shalt  }
0x5d: {  	_ =	shalt  }
0x5e: {  	_ =	shalt  }
0x5f: {  	_ =	shalt  }
0x60: {  	_ =	shalt  }
0x61: {  	_ =	shalt  }
0x62: {  	_ =	shalt  }
0x63: {  	_ =	shalt  }
0x64: {  	_ =	shalt  }
0x65: {  	_ =	shalt  }
0x66: {  	_ =	shalt  }
0x67: {  	_ =	shalt  }
0x68: {  	_ =	shalt  }
0x69: {  	_ =	shalt  }
0x6a: {  	_ =	shalt  }
0x6b: {  	_ =	shalt  }
0x6c: {  	_ =	shalt  }
0x6d: {  	_ =	shalt  }
0x6e: {  	_ =	shalt  }
0x6f: {  	_ =	shalt  }
0x70: {  	_ =	shalt  }
0x71: {  	_ =	shalt  }
0x72: {  	_ =	shalt  }
0x73: {  	_ =	shalt  }
0x74: {  	_ =	shalt  }
0x75: {  	_ =	shalt  }
0x76: {  	_ =	shalt  }
0x77: {  	_ =	shalt  }
0x78: {  	_ =	shalt  }
0x79: {  	_ =	shalt  }
0x7a: {  	_ =	shalt  }
0x7b: {  	_ =	shalt  }
0x7c: {  	_ =	shalt  }
0x7d: {  	_ =	shalt  }
0x7e: {  	_ =	shalt  }
0x7f: {  	_ =	shalt  }
0x80: {  	_ =	shalt  }
0x81: {  	_ =	shalt  }
0x82: {  	_ =	shalt  }
0x83: {  	_ =	shalt  }
0x84: {  	_ =	shalt  }
0x85: {  	_ =	shalt  }
0x86: {  	_ =	shalt  }
0x87: {  	_ =	shalt  }
.Lfunc_end0:
.L_simem_size_0:
called_computation.4_lowered:
.L_overlay_start_0:
0x88: {  	s2 =	sld [smem:$0x3FD9]  }
0x89: {  	s3 =	sld [smem:$0x3FFE];
	_ =	sdelay $0x1  }
0x8a: {  	s1 =	srdreg.scid  }
0x8b: {  	s0 =	sand.u32 $0x1, s1  }
0x8c: {  	s16 =	sshll.u32 s0, $0xA;
	s2 =	sadd.s32 s3, s2  }
0x8d: {  	s2 =	sadd.s32 s2, s16  }
0x8e: {  	[smem:$0x3FA1] =	sst s2  }
0x8f: {  	_ = 	snop  }
0x90: {  	(tm) =	ssettm $0x1  }
0x91: {  	s17 =	sld [smem:$0x3FFB];
	_ =	sdelay $0x3  }
0x92: {  	_ =	strace s17  }
0x93: {  	s2 =	sld [smem:$0x3FFC];
	_ =	sdelay $0x3  }
0x94: {  	_ =	strace s2  }
0x95: {  	s2 =	sld [smem:$0x3FFD];
	_ =	sdelay $0x3  }
0x96: {  	_ =	strace s2  }
0x97: {  	_ =	strace $0x8FFFFFFF  }
0x98: {  	s18 =	sld [smem:$0x3FDB];
	_ =	sdelay $0x1  }
0x99: {  	s19 =	simm.s32 $_scs_section_size  }
0x9a: {  	s4 =	simm.s32 $_size__tile_overlayer_lowered;
	s5 =	simm.s32 $_tile_overlayer_lowered  }
0x9b: {  	s22 =	simm.s32 $0x1BFF;
	s21 =	sshll.u32 s5, $0x1;
	s2 =	sadd.s32 s19, s18  }
0x9c: {  	s6 =	simm.s32 $0x0;
	s20 =	sshll.u32 s4, $0x1;
	s4 =	sadd.s32 s21, s2  }
0x9d: {  	[timem:s6], [sflag:s22] =	dma.local [hbm:s4], s20  }
0x9e: {  	_ =	swait.ge [sflag:s22], s20  }
0x9f: {  	s3 =	ssub.s32 $0x0, s20;
	[sflag:s22] =	ssyncset.done $0x0  }
0xa0: {  	[sflag:s22] =	ssyncadd.s32 s3;
	_ =	sdelay $0x1  }
0xa1: {  	s23 =	simm.s32 $0x1B8B  }
0xa2: {  	_ =	swait.ge [sflag:s23], $0x1  }
0xa3: {  	[sflag:s23] =	ssyncset.done $0x0  }
0xa4: {  	s25 =	simm.s32 $0x1B8E;
	s24 =	sld [smem:$0x3FFE];
	[sflag:s23] =	ssyncadd.s32 $0xFFFFFFFF  }
0xa5: {  	s26 =	simm.s32 $execute0_lowered;
	[smem:$0x3FD2] =	sst s25  }
0xa6: {  	s4 =	sshll.u32 s26, $0x1;
	_ =	strace $0x80000052;
	[dreg:$0x1] =	wrdreg $0xFFFFFFFF  }
0xa7: {  	s28 =	simm.s32 $_size_execute0_lowered;
	s2 =	sadd.s32 s2, s4;
	[dreg:$0x0] =	wrdreg $0x0  }
0xa8: {  	s4 =	sshll.u32 s28, $0x1;
	[dreg:$0x2] =	wrdreg s2  }
0xa9: {  	[dreg:$0x3] =	wrdreg s4  }
0xaa: {  	[dreg:$0x4] =	wrdreg $0xC0  }
0xab: {  	_ =	task [dreg:s6], $0x5FFFF  }
0xac: {  	[dreg:$0x1] =	wrdreg $0xFFFFFFFF  }
0xad: {  	[dreg:$0x0] =	wrdreg $0x60  }
0xae: {  	[dreg:$0x2] =	wrdreg s24  }
0xaf: {  	[dreg:$0x3] =	wrdreg $0x9  }
0xb0: {  	_ =	task.clear_ibuf [dreg:s6], $0x4FFFF;
	_ =	strace $0x90000052  }
0xb1: {  	s29 =	simm.s32 $0x9;
	_ =	strace $0x80000054  }
0xb2: {  	_ =	swait.ge [sflag:s29], $0x1  }
0xb3: {  	[sflag:s29] =	ssyncadd.s32 $0xFFFFFFFF  }
0xb4: {  	_ =	strace $0x90000054  }
0xb5: {  	_ =	sfence  }
0xb6: {  	s30 =	sld [smem:$0x0];
	_ =	sdelay $0x2  }
0xb7: {  	s31 =	sshll.u32 s1, $0xD;
	s1 =	sshrl.u32 s1, $0x2  }
0xb8: {  	s3 =	sand.u32 $0x4000, s31;
	s1 =	sadd.s32 s1, s30  }
0xb9: {  	s0 =	sor.u32 s3, s0;
	s1 =	sshll.u32 s1, $0x11  }
0xba: {  	s0 =	sor.u32 s1, s0  }
0xbb: {  	s0 =	sadd.s32 $0x8F2B, s0  }
0xbc: {  	[sflag:s0] =	ssyncadd.remote.s32 $0x1  }
0xbd: {  	_ =	sfence.sel $0xFFFF  }
0xbe: {  	[dreg:$0x0] =	wrdreg $0xFFFFFFFF;
	(pc) =	sbr.abs _section_cstart, $3  }
0xbf: {  	[dreg:$0x1] =	wrdreg $0xFFFFFFFF  }
0xc0: {  	_ =	task.clear_ibuf [dreg:s6], $0x2FFFF;
	_ =	strace $0x9FFFFFFF  }
0xc1: {  	(tm) =	ssettm $0x7FFFFFFF  }
tec
execute0_lowered:
.L_overlay_start_1:
0x0: {  	(tag) =	ssettag $0x1  }
0x1: {  	s0 =	rddreg [dreg:$0x0];
	s2 =	simm.s32 $0x0  }
0x2: {  	s1 =	srdreg.scid;
	s4 =	stileid.u32;
	s18 =	simm.s32 $0x8A00  }
0x3: {  	s20 =	simm.s32 $0x8200;
	s28 =	simm.s32 $0x2;
	s29 =	simm.s32 $0x4200  }
0x4: {  	s30 =	simm.s32 $0x3;
	s31 =	simm.s32 $0x4;
	[smem:$0x7FF] =	sst s2  }
0x5: {  	s3 =	sadd.s32 $0xB200, s0;
	s1 =	sand.u32 $0x1, s1;
	s6 =	sshll.u32 s4, $0x1  }
0x6: {  	s4 =	sadd.s32 $0x47800, s0;
	s5 =	sadd.s32 $0x51800, s0;
	s8 =	sadd.s32 $0x9FC00, s0  }
0x7: {  	s9 =	sadd.s32 $0xF1000, s0;
	s10 =	sadd.s32 $0xA1000, s0;
	s7 =	sor.u32 s1, s6  }
0x8: {  	_ =	strace $0x80000053;
	s1 =	ssub.s32 $0x2, s1;
	s7 =	smul.u32 $0x2800, s7  }
0x9: {  	s6 =	sadd.s32 $0x1F200, s0;
	[dreg:$0x2] =	wrdreg s8;
	s21 =	sshrl.u32 s1, $0x1  }
0xa: {  	s22 =	ssub.s32 s1, s21;
	s21 =	simm.s32 $0x8600;
	s23 =	sshrl.u32 s7, $0x3  }
0xb: {  	s15 =	sor.u32 $0x100, s7;
	s16 =	sor.u32 $0x180, s7;
	s0 =	smax.u32 s22, $0x1  }
0xc: {  	s22 =	simm.s32 $0x0;
	s24 =	sadd.s32 s3, s23;
	s25 =	sadd.s32 s4, s23  }
.Ltmp0:
0xd: {  	s1 =	sor.u32 $0x10, s23;
	[dreg:$0x7] =	wrdreg s0;
	(pc) =	sbr.rel .LBB2_1-.Ltmp0, $4  }
0xe: {  	s23 =	simm.s32 $0x100;
	s0 =	simm.s32 $0x5;
	[dreg:$0x3] =	wrdreg s24  }
0xf: {  	[dreg:$0x4] =	wrdreg s25;
	s26 =	sadd.s32 s3, s1;
	s1 =	sadd.s32 s4, s1  }
0x10: {  	v0 =	vlaneseq.u32;
	s24 =	simm.s32 $0x180;
	s25 =	simm.s32 $0x1;
	[dreg:$0x5] =	wrdreg s26  }
0x11: {  	v1 =	vimm.f32 $0.0e+00;
	v0 =	vmul.u32 $0x8, v0;
	[dreg:$0x6] =	wrdreg s1;
	s26 =	simm.s32 $0x200;
	s1 =	simm.s32 $0x6  }
.LBB2_8:
0x12: {  	_ =	swait.ge [sflag:s0], $0x4000  }
0x13: {  	[sflag:s0] =	ssyncset.done $0x0  }
0x14: {  	[sflag:s0] =	ssyncadd.s32 $0xFFFFC000  }
0x15: {  	_ =	swait.ge [sflag:s0], $0x400  }
0x16: {  	[sflag:s0] =	ssyncset.done $0x0  }
0x17: {  	[sflag:s0] =	ssyncadd.s32 $0xFFFFFC00  }
0x18: {  	_ =	swait.ge [sflag:s1], $0x4000  }
0x19: {  	[sflag:s1] =	ssyncset.done $0x0  }
0x1a: {  	[sflag:s1] =	ssyncadd.s32 $0xFFFFC000  }
0x1b: {  	_ =	swait.ge [sflag:s1], $0x400  }
0x1c: {  	s22 =	sadd.s32 $0x1, s22;
	s8 =	rddreg [dreg:$0x7]  }
0x1d: {  	p0 =	sne.s32 s22, s8  }
.Ltmp1:
0x1e: {  	_ = 	snop;
	(pc) =	sbr.rel @!p0 .LBB2_9-.Ltmp1, $3  }
0x1f: {  	_ =	sdelay $0x1  }
0x20: {  	[sflag:s1] =	ssyncset.done $0x0  }
0x21: {  	[sflag:s1] =	ssyncadd.s32 $0xFFFFFC00  }
.LBB2_1:
0x22: {  	v2 =	vmov s2  }
0x23: {  	v2 =	vshll.u32 v2, $0x3  }
0x24: {  	v6 =	vor.u32 v0, v2  }
0x25: {  	s8 =	rddreg [dreg:$0x2];
	s19 =	simm.s32 $0x7;
	v2 =	vor.u32 $0x3, v6  }
0x26: {  	[tilespmem:s18], [sflag:$0x7] =	stream.linear.gather [hbm4b:s8+s2], $0x9C80, $0x38;
	v3 =	vor.u32 $0x4, v6;
	[tilespmem:$0x12680] =	vst v63  }
0x27: {  	_ =	swait.ge [sflag:s19], $0x9C80;
	v4 =	vor.u32 $0x5, v6  }
0x28: {  	[sflag:s19] =	ssyncset.done $0x0;
	v5 =	vor.u32 $0x6, v6  }
0x29: {  	v6 =	vor.u32 $0x7, v6;
	[sflag:s19] =	ssyncadd.s32 $0xFFFF6380  }
0x2a: {  	[tilespmem:v2+s20+$0x0] =	vst.idx.msk $0xffff, v1  }
0x2b: {  	s8 =	simm.s32 $0x10;
	[tilespmem:v3+s20+$0x0] =	vst.idx.msk $0xffff, v1  }
.LBB2_2:
0x2c: {  	v7 =	vmov s8;
	p0 =	sne.s32 s8, $0x70;
	s8 =	sadd.s32 $0x10, s8;
	[tilespmem:v4+s20+$0x0] =	vst.idx.msk $0xffff, v1  }
0x2d: {  	v7 =	vshll.u32 v7, $0x3;
	[tilespmem:v5+s20+$0x0] =	vst.idx.msk $0xffff, v1  }
0x2e: {  	v7 =	vor.u32 v0, v7;
	[tilespmem:v6+s20+$0x0] =	vst.idx.msk $0xffff, v1  }
0x2f: {  	[tilespmem:v2+s21+$0x0] =	vst.idx.msk $0xffff, v1;
	v2 =	vor.u32 $0x3, v7  }
0x30: {  	[tilespmem:v3+s21+$0x0] =	vst.idx.msk $0xffff, v1;
	v3 =	vor.u32 $0x4, v7  }
.Ltmp2:
0x31: {  	[tilespmem:v4+s21+$0x0] =	vst.idx.msk $0xffff, v1;
	v4 =	vor.u32 $0x5, v7;
	(pc) =	sbr.rel @p0 .LBB2_2-.Ltmp2, $4  }
0x32: {  	[tilespmem:v5+s21+$0x0] =	vst.idx.msk $0xffff, v1;
	v5 =	vor.u32 $0x6, v7  }
0x33: {  	[tilespmem:v6+s21+$0x0] =	vst.idx.msk $0xffff, v1;
	v6 =	vor.u32 $0x7, v7  }
0x34: {  	[tilespmem:v2+s20+$0x0] =	vst.idx.msk $0xffff, v1  }
0x35: {  	[tilespmem:v3+s20+$0x0] =	vst.idx.msk $0xffff, v1  }
0x36: {  	_ =	sdelay $0x3  }
0x37: {  	[tilespmem:v4+s20+$0x0] =	vst.idx.msk $0xffff, v1  }
0x38: {  	[tilespmem:v5+s20+$0x0] =	vst.idx.msk $0xffff, v1  }
0x39: {  	[tilespmem:v6+s20+$0x0] =	vst.idx.msk $0xffff, v1  }
0x3a: {  	[tilespmem:v2+s21+$0x0] =	vst.idx.msk $0xffff, v1  }
0x3b: {  	[tilespmem:v3+s21+$0x0] =	vst.idx.msk $0xffff, v1  }
0x3c: {  	[tilespmem:v4+s21+$0x0] =	vst.idx.msk $0xffff, v1  }
0x3d: {  	[tilespmem:v5+s21+$0x0] =	vst.idx.msk $0xffff, v1  }
0x3e: {  	s8 =	simm.s32 $0x0;
	s11 =	rddreg [dreg:$0x3];
	[tilespmem:v6+s21+$0x0] =	vst.idx.msk $0xffff, v1  }
0x3f: {  	[tilespmem:s8], [sflag:$0x1] =	stream.linear.gather [hbm4b:s11+s8], $0x80, $0x38;
	[tilespmem:$0x12680] =	vst v63  }
0x40: {  	s14 =	rddreg [dreg:$0x4];
	s12 =	simm.s32 $0x80  }
0x41: {  	[tilespmem:s12], [sflag:$0x1] =	stream.linear.gather [hbm4b:s14+s8], $0x80, $0x38;
	[tilespmem:$0x12680] =	vst v63  }
0x42: {  	s17 =	rddreg [dreg:$0x5]  }
0x43: {  	[tilespmem:s23], [sflag:$0x2] =	stream.linear.gather [hbm4b:s17+s8], $0x80, $0x38;
	[tilespmem:$0x12680] =	vst v63  }
0x44: {  	s19 =	rddreg [dreg:$0x6];
	s11 =	simm.s32 $0x0  }
0x45: {  	[tilespmem:s24], [sflag:$0x2] =	stream.linear.gather [hbm4b:s19+s8], $0x80, $0x38;
	[tilespmem:$0x12680] =	vst v63  }
.LBB2_4:
0x46: {  	p0 =	seq.s32 s11, $0x0  }
0x47: {  	s12 =	simm.s32 @!p0 $0x5  }
0x48: {  	_ =	swait.ge @!p0 [sflag:s12], $0x4000  }
0x49: {  	[sflag:s12] =	ssyncset.done @!p0 $0x0  }
0x4a: {  	[sflag:s12] =	ssyncadd.s32 @!p0 $0xFFFFC000  }
0x4b: {  	_ =	swait.ge @!p0 [sflag:s12], $0x400  }
0x4c: {  	[sflag:s12] =	ssyncset.done @!p0 $0x0  }
0x4d: {  	[sflag:s12] =	ssyncadd.s32 @!p0 $0xFFFFFC00;
	s12 =	simm.s32 @!p0 $0x6  }
0x4e: {  	_ =	swait.ge @!p0 [sflag:s12], $0x4000  }
0x4f: {  	[sflag:s12] =	ssyncset.done @!p0 $0x0  }
0x50: {  	[sflag:s12] =	ssyncadd.s32 @!p0 $0xFFFFC000  }
0x51: {  	_ =	swait.ge @!p0 [sflag:s12], $0x400  }
0x52: {  	[sflag:s12] =	ssyncset.done @!p0 $0x0  }
0x53: {  	[sflag:s12] =	ssyncadd.s32 @!p0 $0xFFFFFC00  }
0x54: {  	_ =	swait.ge [sflag:s25], $0x80  }
0x55: {  	[sflag:s25] =	ssyncset.done $0x0  }
0x56: {  	[sflag:s25] =	ssyncadd.s32 $0xFFFFFF80  }
0x57: {  	_ =	swait.ge [sflag:s25], $0x80  }
0x58: {  	[sflag:s25] =	ssyncset.done $0x0  }
0x59: {  	s12 =	simm.s32 $0x80;
	[sflag:s25] =	ssyncadd.s32 $0xFFFFFF80  }
0x5a: {  	[tilespmem:s26], [sflag:$0x3] =	stream.indirect.gather [hbm4b:s5+s12], $0x80, s8, s12, $0xb8;
	[tilespmem:$0x12680] =	vst v63  }
0x5b: {  	_ =	swait.ge [sflag:s28], $0x80  }
0x5c: {  	[sflag:s28] =	ssyncset.done $0x0  }
0x5d: {  	[sflag:s28] =	ssyncadd.s32 $0xFFFFFF80  }
0x5e: {  	_ =	swait.ge [sflag:s28], $0x80  }
0x5f: {  	[sflag:s28] =	ssyncset.done $0x0  }
0x60: {  	s13 =	simm.s32 $0x100;
	[sflag:s28] =	ssyncadd.s32 $0xFFFFFF80  }
0x61: {  	[tilespmem:s29], [sflag:$0x4] =	stream.indirect.gather [hbm4b:s5+s12], $0x80, s13, s12, $0xb8;
	[tilespmem:$0x12680] =	vst v63  }
0x62: {  	_ =	swait.ge [sflag:s30], $0x4000  }
0x63: {  	[sflag:s30] =	ssyncset.done $0x0  }
0x64: {  	[sflag:s30] =	ssyncadd.s32 $0xFFFFC000  }
0x65: {  	[tilespmem:s26], [sflag:$0x3] =	stream.indirect.gather.add.f32 [hbm:s6], $0x80, s12, s12, $0xb8;
	[tilespmem:$0x12680] =	vst v63  }
0x66: {  	_ =	swait.ge [sflag:s31], $0x4000  }
0x67: {  	s14 =	simm.s32 $0x180;
	[sflag:s31] =	ssyncset.done $0x0  }
0x68: {  	s17 =	simm.s32 $0x0;
	s19 =	simm.s32 $0x0;
	[sflag:s31] =	ssyncadd.s32 $0xFFFFC000  }
0x69: {  	[tilespmem:s29], [sflag:$0x4] =	stream.indirect.gather.add.f32 [hbm:s6], $0x80, s14, s12, $0xb8;
	[tilespmem:$0x12680] =	vst v63  }
.LBB2_5:
0x6a: {  	v2 =	vld [tilespmem:s17+$0x0]  }
0x6b: {  	v3 =	vld [tilespmem:s12+$0x0];
	_ =	sdelay $0x3  }
0x6c: {  	v2 =	vshll.u32 v2, $0x2  }
0x6d: {  	v3 =	vshll.u32 v3, $0x2;
	_ =	sdelay $0x3  }
0x6e: {  	v4 =	vld.idx.msk [tilespmem:v2+s18+$0x0], $0xffff  }
0x6f: {  	v5 =	vmov s19;
	v6 =	vld.idx.msk [tilespmem:v3+s18+$0x0], $0xffff  }
0x70: {  	v5 =	vshll.u32 v5, $0x3  }
0x71: {  	v5 =	vor.u32 v0, v5  }
0x72: {  	v7 =	vor.u32 $0x1, v2  }
0x73: {  	v8 =	vor.u32 $0x1, v3  }
0x74: {  	v4 =	vsub.f32 v4, v6;
	_ =	sdelay $0x1  }
0x75: {  	[tilespmem:v5+s20+$0x0] =	vst.idx.msk $0xffff, v4  }
0x76: {  	v4 =	vld.idx.msk [tilespmem:v7+s18+$0x0], $0xffff  }
0x77: {  	v59 =	vld.idx.msk [tilespmem:v8+s18+$0x0], $0xffff;
	_ =	sdelay $0x1  }
0x78: {  	v60 =	vor.u32 $0x1, v5  }
0x79: {  	v2 =	vor.u32 $0x2, v2  }
0x7a: {  	v3 =	vor.u32 $0x2, v3  }
0x7b: {  	v4 =	vsub.f32 v4, v59;
	_ =	sdelay $0x1  }
0x7c: {  	[tilespmem:v60+s20+$0x0] =	vst.idx.msk $0xffff, v4  }
0x7d: {  	v2 =	vld.idx.msk [tilespmem:v2+s18+$0x0], $0xffff  }
0x7e: {  	v3 =	vld.idx.msk [tilespmem:v3+s18+$0x0], $0xffff;
	_ =	sdelay $0x1  }
0x7f: {  	v61 =	vor.u32 $0x2, v5;
	_ =	sdelay $0x2  }
0x80: {  	v2 =	vsub.f32 v2, v3;
	_ =	sdelay $0x1  }
0x81: {  	[tilespmem:v61+s20+$0x0] =	vst.idx.msk $0xffff, v2  }
0x82: {  	v2 =	vld [tilespmem:s13+$0x0]  }
0x83: {  	v3 =	vld [tilespmem:s14+$0x0];
	_ =	sdelay $0x3  }
0x84: {  	v2 =	vshll.u32 v2, $0x2  }
0x85: {  	v3 =	vshll.u32 v3, $0x2;
	_ =	sdelay $0x3  }
0x86: {  	v62 =	vld.idx.msk [tilespmem:v2+s18+$0x0], $0xffff  }
0x87: {  	v63 =	vld.idx.msk [tilespmem:v3+s18+$0x0], $0xffff;
	_ =	sdelay $0x2  }
0x88: {  	v9 =	vor.u32 $0x1, v2  }
0x89: {  	v10 =	vor.u32 $0x1, v3  }
0x8a: {  	v6 =	vsub.f32 v62, v63;
	_ =	sdelay $0x1  }
0x8b: {  	[tilespmem:v5+s21+$0x0] =	vst.idx.msk $0xffff, v6  }
0x8c: {  	v5 =	vld.idx.msk [tilespmem:v9+s18+$0x0], $0xffff  }
0x8d: {  	v6 =	vld.idx.msk [tilespmem:v10+s18+$0x0], $0xffff;
	_ =	sdelay $0x2  }
0x8e: {  	v2 =	vor.u32 $0x2, v2  }
0x8f: {  	v3 =	vor.u32 $0x2, v3  }
0x90: {  	v5 =	vsub.f32 v5, v6;
	_ =	sdelay $0x1  }
0x91: {  	[tilespmem:v60+s21+$0x0] =	vst.idx.msk $0xffff, v5  }
0x92: {  	v2 =	vld.idx.msk [tilespmem:v2+s18+$0x0], $0xffff  }
0x93: {  	v3 =	vld.idx.msk [tilespmem:v3+s18+$0x0], $0xffff;
	_ =	sdelay $0x1  }
0x94: {  	p0 =	sne.s32 s19, $0x70  }
.Ltmp3:
0x95: {  	_ = 	snop;
	(pc) =	sbr.rel @p0 .LBB2_5-.Ltmp3, $4  }
0x96: {  	_ = 	snop  }
0x97: {  	v2 =	vsub.f32 v2, v3  }
0x98: {  	s17 =	sadd.s32 $0x10, s17;
	s12 =	sadd.s32 $0x10, s12  }
0x99: {  	s19 =	sadd.s32 $0x10, s19;
	s13 =	sadd.s32 $0x10, s13;
	s14 =	sadd.s32 $0x10, s14;
	[tilespmem:v61+s21+$0x0] =	vst.idx.msk $0xffff, v2  }
0x9a: {  	s12 =	sshll.u32 s11, $0x8;
	_ =	swait.ge [sflag:s30], $0x4000  }
0x9b: {  	s13 =	sadd.s32 s7, s12;
	[sflag:s30] =	ssyncset.done $0x0  }
0x9c: {  	[sflag:s30] =	ssyncadd.s32 $0xFFFFC000;
	s14 =	sadd.s32 s10, s13;
	s13 =	sshll.u32 s13, $0x4  }
0x9d: {  	[hbm4b:s14+s2] =	stream.linear.scatter [tilespmem:s20], [sflag:$0x5], $0x400, $0x38;
	[tilespmem:$0x12680] =	vst v63  }
0x9e: {  	p0 =	seq.s32 s11, $0x27;
	s13 =	sadd.s32 s9, s13  }
0x9f: {  	[hbm4b:s13+s2] =	stream.linear.scatter [tilespmem:s26], [sflag:$0x5], $0x4000, $0x38;
	[tilespmem:$0x12680] =	vst v63  }
0xa0: {  	s13 =	sadd.s32 @!p0 s12, s15  }
0xa1: {  	s13 =	sshrl.u32 @!p0 s13, $0x3  }
0xa2: {  	s17 =	simm.s32 @!p0 $0x0;
	s14 =	sadd.s32 @!p0 s3, s13  }
0xa3: {  	[tilespmem:s17], [sflag:$0x1] =	stream.linear.gather @!p0 [hbm4b:s14+s17], $0x80, $0x38;
	[tilespmem:$0x12680] =	vst v63  }
0xa4: {  	s13 =	sadd.s32 @!p0 s4, s13;
	s14 =	simm.s32 @!p0 $0x80  }
0xa5: {  	[tilespmem:s14], [sflag:$0x1] =	stream.linear.gather @!p0 [hbm4b:s13+s17], $0x80, $0x38;
	[tilespmem:$0x12680] =	vst v63  }
0xa6: {  	s17 =	sadd.s32 s12, s7;
	_ =	swait.ge [sflag:s31], $0x4000  }
.Ltmp4:
0xa7: {  	s13 =	sadd.s32 $0x80, s17;
	[sflag:s31] =	ssyncset.done $0x0;
	(pc) =	sbr.rel @p0 .LBB2_8-.Ltmp4, $4  }
0xa8: {  	s19 =	sadd.s32 s10, s13;
	s13 =	sshll.u32 s13, $0x4;
	[sflag:s31] =	ssyncadd.s32 $0xFFFFC000  }
0xa9: {  	[hbm4b:s19+s2] =	stream.linear.scatter [tilespmem:s21], [sflag:$0x6], $0x400, $0x38;
	[tilespmem:$0x12680] =	vst v63  }
0xaa: {  	s13 =	sadd.s32 s9, s13  }
0xab: {  	[hbm4b:s13+s2] =	stream.linear.scatter [tilespmem:s29], [sflag:$0x6], $0x4000, $0x38;
	[tilespmem:$0x12680] =	vst v63  }
0xac: {  	s12 =	sadd.s32 s12, s16  }
.Ltmp5:
0xad: {  	s12 =	sshrl.u32 s12, $0x3;
	(pc) =	sbr.rel .LBB2_4-.Ltmp5, $4  }
0xae: {  	s13 =	sadd.s32 s3, s12  }
0xaf: {  	[tilespmem:s23], [sflag:$0x2] =	stream.linear.gather [hbm4b:s13+s2], $0x80, $0x38;
	[tilespmem:$0x12680] =	vst v63  }
0xb0: {  	s11 =	sadd.s32 $0x1, s11;
	s12 =	sadd.s32 s4, s12  }
0xb1: {  	[tilespmem:s24], [sflag:$0x2] =	stream.linear.gather [hbm4b:s12+s2], $0x80, $0x38;
	[tilespmem:$0x12680] =	vst v63  }
.LBB2_9:
0xb2: {  	_ =	sfence.sel $0x180000  }
0xb3: {  	[bflag:$0x0] =	sbarrier.arrive $0xFFFF  }
0xb4: {  	_ =	strace $0x90000053  }
0xb5: {  	s0 =	stileid.u32;
	[bflag:$0x2] =	sbarrier.arrive $0xFFFF  }
0xb6: {  	p0 =	sne.s32 s0, $0x0;
	s0 =	rddreg [dreg:$0x1]  }
0xb7: {  	s0 =	sadd.s32 @!p0 $0x100000, s0  }
0xb8: {  	[sflag:s0] =	ssyncadd.tile.s32 @!p0 $0x1;
	_ =	shalt  }
.Lfunc_end2:
_tile_overlayer_lowered:
.L_overlay_start_2:
0xb9: {  	(tag) =	ssettag $0x2  }
0xba: {  	s0 =	rddreg [dreg:$0x0];
	s2 =	stileid.u32  }
0xbb: {  	s1 =	rddreg [dreg:$0x1];
	p0 =	sne.s32 s2, $0x0  }
0xbc: {  	s3 =	rddreg [dreg:$0x2];
	[bflag:$0x3] =	sbarrier.arrive $0xFFFF;
	s2 =	simm.s32 @!p0 $0x1C07  }
0xbd: {  	[timem:s3], [sflag:s2] =	dma.local @!p0 [hbm:s0], s1  }
0xbe: {  	s0 =	simm.s32 @!p0 $0x7  }
0xbf: {  	_ =	swait.ge @!p0 [sflag:s0], s1  }
0xc0: {  	s1 =	ssub.s32 @!p0 $0x0, s1;
	[sflag:s0] =	ssyncset.done @!p0 $0x0  }
0xc1: {  	[sflag:s0] =	ssyncadd.s32 @!p0 s1  }
0xc2: {  	[bflag:$0x3] =	sbarrier.arrive $0xFFFF  }
0xc3: {  	_ =	shalt  }

// kernel: kernel.34.cloned.1.call-start
scs
__scs_entry_jumppad:
0x0: {  	(pc) =	sbr.rel $0x88, $3  }
0x1: {  	(tag) =	ssettag $0x0;
	lr =	simm.s32 $0x1  }
0x2: {  	[smem:$0x3F7A] =	sst lr;
	_ =	strace $0xD0000000  }
0x3: {  	_ = 	snop  }
0x4: {  	_ = 	snop  }
0x5: {  	_ = 	snop  }
0x6: {  	_ = 	snop  }
0x7: {  	_ = 	snop  }
__scs_overlays_trampoline_lowered:
0x8: {  	[smem:$0x3F89] =	sst s0  }
0x9: {  	[smem:$0x3F8A] =	sst s1  }
0xa: {  	[smem:$0x3F8B] =	sst s2  }
0xb: {  	[smem:$0x3F8C] =	sst s3  }
0xc: {  	[smem:$0x3F8D] =	sst s4  }
0xd: {  	[smem:$0x3F8E] =	sst s5  }
0xe: {  	[smem:$0x3F8F] =	sst s6  }
0xf: {  	[smem:$0x3F90] =	sst s7  }
0x10: {  	[smem:$0x3F91] =	sst s8  }
0x11: {  	[smem:$0x3F92] =	sst s9;
	s0 =	simm.s32 @!p0 $0x0  }
0x12: {  	s1 =	sld [smem:$0x3F78];
	s0 =	simm.s32 @p0 $0x1  }
0x13: {  	[smem:$0x3F93] =	sst s0;
	s0 =	simm.s32 @!p1 $0x0  }
0x14: {  	s2 =	sld [smem:$0x3F77];
	s0 =	simm.s32 @p1 $0x1  }
0x15: {  	[smem:$0x3F94] =	sst s0;
	s0 =	simm.s32 @!p2 $0x0  }
0x16: {  	s3 =	sld [smem:$0x3FDB];
	s0 =	simm.s32 @p2 $0x1  }
0x17: {  	s4 =	simm.s32 $0x1BF5;
	[smem:$0x3F96] =	sst s0  }
0x18: {  	s0 =	sld [smem:$0x3F79];
	_ =	swait.ge [sflag:s4], $0x0  }
0x19: {  	s7 =	sld [smem:$0x3F7A]  }
0x1a: {  	s8 =	sadd.s32 $0xFFFFE003, lr  }
0x1b: {  	s9 =	sadd.s32 $0xFFFFFEF7, lr;
	s5 =	simm.s32 $0xFFFFFFFF;
	p2 =	slt.u32 s8, $0xFFFFF086  }
0x1c: {  	p1 =	slt.u32 s9, $0xF7A;
	s5 =	simm.s32 @!p2 $0x0  }
0x1d: {  	s5 =	simm.s32 @p1 $0x1;
	p0 =	seq.s32 s7, s2  }
0x1e: {  	s7 =	smul.u32 @!p0 $0xF7A, s2;
	p2 =	seq.s32 @!p0 s5, $0x0  }
0x1f: {  	s9 =	smul.u32 $0xF7A, s1;
	s8 =	simm.s32 @!p0 $0x1BF5;
	p2 =	por !p2, p0  }
0x20: {  	[sflag:s8] =	ssyncset.s32 @!p0 $0xFFFFF086;
	s6 =	sadd.s32 @!p0 s3, s7;
	s7 =	simm.s32 @!p0 $0x108  }
0x21: {  	s3 =	sadd.s32 s3, s9;
	s6 =	sadd.s32 @!p0 $0x88, s6;
	s7 =	simm.s32 @p2 $0x1082  }
0x22: {  	[simem:s7], [sflag:s8] =	dma.local @!p0 [hbm:s6], $0xF7A  }
0x23: {  	s9 =	sor.u32 $0xD0000000, s2;
	s6 =	simm.s32 $0x108;
	_ =	swait.ge @!p0 [sflag:s8], $0x0  }
0x24: {  	s3 =	sadd.s32 $0x88, s3;
	s6 =	simm.s32 @!p1 $0x1082;
	[sflag:s4] =	ssyncset.s32 $0xFFFFF086  }
0x25: {  	[simem:s6], [sflag:s4] =	dma.local [hbm:s3], $0xF7A  }
0x26: {  	[smem:$0x3F7A] =	sst s1;
	(tag) =	ssettag s2;
	_ =	strace s9  }
0x27: {  	s1 =	sld [smem:$0x3F8A]  }
0x28: {  	s2 =	sld [smem:$0x3F8B]  }
0x29: {  	s4 =	sld [smem:$0x3F8D]  }
0x2a: {  	p0 =	seq.s32 s5, $0x0;
	s5 =	sld [smem:$0x3F8E]  }
0x2b: {  	s6 =	sld [smem:$0x3F8F]  }
0x2c: {  	s7 =	sld [smem:$0x3F90]  }
0x2d: {  	s3 =	simm.s32 $0x108;
	s8 =	sld [smem:$0x3F91]  }
0x2e: {  	s3 =	simm.s32 @!p0 $0x1082;
	s9 =	sld [smem:$0x3F92]  }
0x2f: {  	lr =	sadd.s32 s0, s3;
	s0 =	sld [smem:$0x3F89]  }
0x30: {  	s3 =	sld [smem:$0x3F8C]  }
0x31: {  	[smem:$0x3F95] =	sst s10  }
0x32: {  	s10 =	sld [smem:$0x3F93];
	_ =	sdelay $0x3  }
0x33: {  	p0 =	seq.s32 s10, $0x1;
	s10 =	sld [smem:$0x3F95];
	_ =	sdelay $0x3  }
0x34: {  	[smem:$0x3F95] =	sst s10  }
0x35: {  	s10 =	sld [smem:$0x3F94];
	_ =	sdelay $0x3  }
0x36: {  	p1 =	seq.s32 s10, $0x1;
	s10 =	sld [smem:$0x3F95];
	_ =	sdelay $0x3  }
0x37: {  	[smem:$0x3F95] =	sst s10  }
0x38: {  	s10 =	sld [smem:$0x3F96]  }
0x39: {  	_ = 	snop;
	(pc) =	sbr.ind lr, $3  }
0x3a: {  	_ = 	snop  }
0x3b: {  	_ = 	snop  }
0x3c: {  	p2 =	seq.s32 s10, $0x1;
	s10 =	sld [smem:$0x3F95]  }
0x3d: {  	_ =	shalt  }
0x3e: {  	_ =	shalt  }
0x3f: {  	_ =	shalt  }
0x40: {  	_ =	shalt  }
0x41: {  	_ =	shalt  }
0x42: {  	_ =	shalt  }
0x43: {  	_ =	shalt  }
0x44: {  	_ =	shalt  }
0x45: {  	_ =	shalt  }
0x46: {  	_ =	shalt  }
0x47: {  	_ =	shalt  }
0x48: {  	_ =	shalt  }
0x49: {  	_ =	shalt  }
0x4a: {  	_ =	shalt  }
0x4b: {  	_ =	shalt  }
0x4c: {  	_ =	shalt  }
0x4d: {  	_ =	shalt  }
0x4e: {  	_ =	shalt  }
0x4f: {  	_ =	shalt  }
0x50: {  	_ =	shalt  }
0x51: {  	_ =	shalt  }
0x52: {  	_ =	shalt  }
0x53: {  	_ =	shalt  }
0x54: {  	_ =	shalt  }
0x55: {  	_ =	shalt  }
0x56: {  	_ =	shalt  }
0x57: {  	_ =	shalt  }
0x58: {  	_ =	shalt  }
0x59: {  	_ =	shalt  }
0x5a: {  	_ =	shalt  }
0x5b: {  	_ =	shalt  }
0x5c: {  	_ =	shalt  }
0x5d: {  	_ =	shalt  }
0x5e: {  	_ =	shalt  }
0x5f: {  	_ =	shalt  }
0x60: {  	_ =	shalt  }
0x61: {  	_ =	shalt  }
0x62: {  	_ =	shalt  }
0x63: {  	_ =	shalt  }
0x64: {  	_ =	shalt  }
0x65: {  	_ =	shalt  }
0x66: {  	_ =	shalt  }
0x67: {  	_ =	shalt  }
0x68: {  	_ =	shalt  }
0x69: {  	_ =	shalt  }
0x6a: {  	_ =	shalt  }
0x6b: {  	_ =	shalt  }
0x6c: {  	_ =	shalt  }
0x6d: {  	_ =	shalt  }
0x6e: {  	_ =	shalt  }
0x6f: {  	_ =	shalt  }
0x70: {  	_ =	shalt  }
0x71: {  	_ =	shalt  }
0x72: {  	_ =	shalt  }
0x73: {  	_ =	shalt  }
0x74: {  	_ =	shalt  }
0x75: {  	_ =	shalt  }
0x76: {  	_ =	shalt  }
0x77: {  	_ =	shalt  }
0x78: {  	_ =	shalt  }
0x79: {  	_ =	shalt  }
0x7a: {  	_ =	shalt  }
0x7b: {  	_ =	shalt  }
0x7c: {  	_ =	shalt  }
0x7d: {  	_ =	shalt  }
0x7e: {  	_ =	shalt  }
0x7f: {  	_ =	shalt  }
0x80: {  	_ =	shalt  }
0x81: {  	_ =	shalt  }
0x82: {  	_ =	shalt  }
0x83: {  	_ =	shalt  }
0x84: {  	_ =	shalt  }
0x85: {  	_ =	shalt  }
0x86: {  	_ =	shalt  }
0x87: {  	_ =	shalt  }
.Lfunc_end0:
.L_simem_size_0:
called_computation.5_lowered:
.L_overlay_start_0:
0x88: {  	s2 =	sld [smem:$0x3FD9]  }
0x89: {  	s3 =	sld [smem:$0x3FFE];
	_ =	sdelay $0x1  }
0x8a: {  	s1 =	srdreg.scid  }
0x8b: {  	s0 =	sand.u32 $0x1, s1  }
0x8c: {  	s16 =	sshll.u32 s0, $0xA;
	s2 =	sadd.s32 s3, s2  }
0x8d: {  	s2 =	sadd.s32 s2, s16  }
0x8e: {  	[smem:$0x3FA1] =	sst s2  }
0x8f: {  	_ = 	snop  }
0x90: {  	(tm) =	ssettm $0x1  }
0x91: {  	s17 =	sld [smem:$0x3FFB];
	_ =	sdelay $0x3  }
0x92: {  	_ =	strace s17  }
0x93: {  	s2 =	sld [smem:$0x3FFC];
	_ =	sdelay $0x3  }
0x94: {  	_ =	strace s2  }
0x95: {  	s2 =	sld [smem:$0x3FFD];
	_ =	sdelay $0x3  }
0x96: {  	_ =	strace s2  }
0x97: {  	_ =	strace $0x8FFFFFFF  }
0x98: {  	s18 =	sld [smem:$0x3FDB];
	_ =	sdelay $0x1  }
0x99: {  	s19 =	simm.s32 $_scs_section_size  }
0x9a: {  	s4 =	simm.s32 $_size__tile_overlayer_lowered;
	s5 =	simm.s32 $_tile_overlayer_lowered  }
0x9b: {  	s22 =	simm.s32 $0x1BFF;
	s21 =	sshll.u32 s5, $0x1;
	s2 =	sadd.s32 s19, s18  }
0x9c: {  	s6 =	simm.s32 $0x0;
	s20 =	sshll.u32 s4, $0x1;
	s4 =	sadd.s32 s21, s2  }
0x9d: {  	[timem:s6], [sflag:s22] =	dma.local [hbm:s4], s20  }
0x9e: {  	_ =	swait.ge [sflag:s22], s20  }
0x9f: {  	s3 =	ssub.s32 $0x0, s20;
	[sflag:s22] =	ssyncset.done $0x0  }
0xa0: {  	[sflag:s22] =	ssyncadd.s32 s3;
	_ =	sdelay $0x1  }
0xa1: {  	s23 =	simm.s32 $0x1B8B  }
0xa2: {  	_ =	swait.ge [sflag:s23], $0x1  }
0xa3: {  	[sflag:s23] =	ssyncset.done $0x0  }
0xa4: {  	s25 =	simm.s32 $0x1B8E;
	s24 =	sld [smem:$0x3FFE];
	[sflag:s23] =	ssyncadd.s32 $0xFFFFFFFF  }
0xa5: {  	s26 =	simm.s32 $execute0_lowered;
	[smem:$0x3FD2] =	sst s25  }
0xa6: {  	s4 =	sshll.u32 s26, $0x1;
	_ =	strace $0x80000055;
	[dreg:$0x1] =	wrdreg $0xFFFFFFFF  }
0xa7: {  	s28 =	simm.s32 $_size_execute0_lowered;
	s2 =	sadd.s32 s2, s4;
	[dreg:$0x0] =	wrdreg $0x0  }
0xa8: {  	s4 =	sshll.u32 s28, $0x1;
	[dreg:$0x2] =	wrdreg s2  }
0xa9: {  	[dreg:$0x3] =	wrdreg s4  }
0xaa: {  	[dreg:$0x4] =	wrdreg $0xC0  }
0xab: {  	_ =	task [dreg:s6], $0x5FFFF  }
0xac: {  	[dreg:$0x1] =	wrdreg $0xFFFFFFFF  }
0xad: {  	[dreg:$0x0] =	wrdreg $0x60  }
0xae: {  	[dreg:$0x2] =	wrdreg s24  }
0xaf: {  	[dreg:$0x3] =	wrdreg $0x81000  }
0xb0: {  	[dreg:$0x4] =	wrdreg $0x9  }
0xb1: {  	_ =	task.clear_ibuf [dreg:s6], $0x5FFFF;
	_ =	strace $0x90000055  }
0xb2: {  	s29 =	simm.s32 $0x9;
	_ =	strace $0x80000057  }
0xb3: {  	_ =	swait.ge [sflag:s29], $0x1  }
0xb4: {  	[sflag:s29] =	ssyncadd.s32 $0xFFFFFFFF  }
0xb5: {  	_ =	strace $0x90000057  }
0xb6: {  	_ =	sfence  }
0xb7: {  	s30 =	sld [smem:$0x0];
	_ =	sdelay $0x2  }
0xb8: {  	s31 =	sshll.u32 s1, $0xD;
	s1 =	sshrl.u32 s1, $0x2  }
0xb9: {  	s3 =	sand.u32 $0x4000, s31;
	s1 =	sadd.s32 s1, s30  }
0xba: {  	s0 =	sor.u32 s3, s0;
	s1 =	sshll.u32 s1, $0x11  }
0xbb: {  	s0 =	sor.u32 s1, s0  }
0xbc: {  	s0 =	sadd.s32 $0x8F2B, s0  }
0xbd: {  	[sflag:s0] =	ssyncadd.remote.s32 $0x1  }
0xbe: {  	_ =	sfence.sel $0xFFFF  }
0xbf: {  	[dreg:$0x0] =	wrdreg $0xFFFFFFFF;
	(pc) =	sbr.abs _section_cstart, $3  }
0xc0: {  	[dreg:$0x1] =	wrdreg $0xFFFFFFFF  }
0xc1: {  	_ =	task.clear_ibuf [dreg:s6], $0x2FFFF;
	_ =	strace $0x9FFFFFFF  }
0xc2: {  	(tm) =	ssettm $0x7FFFFFFF  }
0xc3: {  	_ =	shalt  }
tec
execute0_lowered:
.L_overlay_start_1:
0x0: {  	(tag) =	ssettag $0x1  }
0x1: {  	s0 =	rddreg [dreg:$0x0]  }
0x2: {  	s2 =	rddreg [dreg:$0x1]  }
0x3: {  	s4 =	srdreg.scid;
	s1 =	stileid.u32  }
0x4: {  	s3 =	simm.s32 $0x0;
	s28 =	simm.s32 $0x2;
	s14 =	smul.u32 $0x14000, s1  }
0x5: {  	s29 =	simm.s32 $0x0;
	s18 =	sand.u32 $0x1, s4;
	s21 =	smul.u32 $0x50000, s1  }
0x6: {  	s25 =	sshll.u32 s1, $0x1;
	[smem:$0x7FF] =	sst s3;
	s24 =	smul.u32 $0x5000, s1  }
0x7: {  	s19 =	sadd.s32 $0x15200, s0;
	s20 =	sadd.s32 $0x14EFC00, s0;
	s17 =	smul.u32 $0x140000, s18  }
0x8: {  	s0 =	sadd.s32 $0xAF1000, s0;
	s4 =	sor.u32 s18, s25;
	s25 =	smul.u32 $0x2800, s18  }
0x9: {  	_ =	strace $0x80000056;
	s5 =	ssub.s32 $0x2, s18;
	s6 =	smul.u32 $0x2800, s4  }
0xa: {  	s7 =	smul.u32 $0x28000, s4;
	s26 =	sshrl.u32 s5, $0x1;
	s10 =	sshrl.u32 s21, $0x2  }
0xb: {  	s15 =	sadd.s32 $0x4000, s14;
	s16 =	sadd.s32 $0x8000, s14;
	s22 =	sadd.s32 $0xC000, s14  }
0xc: {  	s23 =	sadd.s32 $0x10000, s14;
	s9 =	ssub.s32 s5, s26;
	s8 =	sadd.s32 s17, s14  }
0xd: {  	s10 =	sadd.s32 s10, s2;
	s11 =	sadd.s32 s15, s2;
	s12 =	sadd.s32 s16, s2  }
0xe: {  	s13 =	sadd.s32 s22, s2;
	s15 =	sadd.s32 s17, s15;
	s16 =	sadd.s32 s17, s16  }
0xf: {  	s14 =	sadd.s32 s23, s2;
	s22 =	sadd.s32 s17, s22;
	s23 =	sadd.s32 s17, s23  }
0x10: {  	s26 =	sadd.s32 s25, s24;
	s24 =	simm.s32 $0x80;
	s25 =	simm.s32 $0x4100  }
0x11: {  	s30 =	sshrl.u32 s6, $0x3;
	s5 =	sadd.s32 s20, s7;
	s31 =	sor.u32 $0x80, s6  }
0x12: {  	s8 =	sshrl.u32 s8, $0x3;
	s9 =	smax.u32 s9, $0x1;
	s15 =	sshrl.u32 s15, $0x3  }
0x13: {  	s16 =	sshrl.u32 s16, $0x3;
	s22 =	sshrl.u32 s22, $0x3;
	s1 =	sshrl.u32 s23, $0x3  }
0x14: {  	s23 =	simm.s32 $0x3;
	s4 =	sadd.s32 s19, s30;
	s6 =	sshrl.u32 s31, $0x3  }
0x15: {  	s7 =	sshll.u32 s31, $0x4;
	s8 =	sadd.s32 s0, s8;
	s15 =	sadd.s32 s0, s15  }
0x16: {  	s16 =	sadd.s32 s0, s16;
	s17 =	sadd.s32 s0, s22;
	s22 =	sadd.s32 s21, s20  }
0x17: {  	s30 =	sor.u32 $0x180, s26;
	[dreg:$0x3] =	wrdreg s4;
	s6 =	sadd.s32 s19, s6  }
0x18: {  	s7 =	sadd.s32 s20, s7;
	s4 =	smul.u32 $0x28000, s18;
	s18 =	sadd.s32 s0, s1  }
0x19: {  	s20 =	sor.u32 $0x100, s26;
	s21 =	sshrl.u32 s30, $0x3;
	s26 =	simm.s32 $0x1  }
0x1a: {  	s31 =	sshrl.u32 s20, $0x3;
	s20 =	sadd.s32 s21, s19;
	s0 =	sadd.s32 s4, s22  }
0x1b: {  	v0 =	vimm.f32 $0.0e+00;
	s21 =	sadd.s32 s31, s19;
	s22 =	simm.s32 $0x100;
	s0 =	sadd.s32 $0x1800, s0  }
.LBB2_1:
0x1c: {  	s19 =	simm.s32 $0x0;
	s30 =	simm.s32 $0x200  }
.LBB2_2:
0x1d: {  	p0 =	sne.s32 s30, $0xFE00;
	[tilespmem:s19+$0x170] =	vst v0  }
0x1e: {  	[tilespmem:s19+$0x100] =	vst v0  }
0x1f: {  	[tilespmem:s19+$0x110] =	vst v0  }
.Ltmp0:
0x20: {  	[tilespmem:s19+$0x120] =	vst v0;
	(pc) =	sbr.rel @p0 .LBB2_2-.Ltmp0, $4  }
0x21: {  	[tilespmem:s19+$0x130] =	vst v0  }
0x22: {  	[tilespmem:s19+$0x140] =	vst v0  }
0x23: {  	[tilespmem:s19+$0x150] =	vst v0  }
0x24: {  	[tilespmem:s19+$0x160] =	vst v0;
	s19 =	sshra.s32 s30, $0x2;
	s30 =	sadd.s32 $0x200, s30  }
0x25: {  	[tilespmem:s19+$0x170] =	vst v0  }
0x26: {  	[tilespmem:s19+$0x100] =	vst v0  }
0x27: {  	[tilespmem:s19+$0x110] =	vst v0  }
0x28: {  	[tilespmem:s19+$0x120] =	vst v0  }
0x29: {  	[tilespmem:s19+$0x130] =	vst v0  }
0x2a: {  	[tilespmem:s19+$0x140] =	vst v0  }
0x2b: {  	[tilespmem:s19+$0x150] =	vst v0  }
0x2c: {  	[tilespmem:s19+$0x160] =	vst v0  }
0x2d: {  	[spmem:s10] =	stream.linear.scatter [tilespmem:s22], [sflag:$0x3], $0x4000, $0x38;
	[tilespmem:$0x1C100] =	vst v63  }
0x2e: {  	_ =	swait.ge [sflag:s23], $0x4000  }
0x2f: {  	[sflag:s23] =	ssyncset.done $0x0  }
0x30: {  	[sflag:s23] =	ssyncadd.s32 $0xFFFFC000  }
0x31: {  	[spmem:s11] =	stream.linear.scatter [tilespmem:s22], [sflag:$0x3], $0x4000, $0x38;
	[tilespmem:$0x1C100] =	vst v63  }
0x32: {  	_ =	swait.ge [sflag:s23], $0x4000  }
0x33: {  	[sflag:s23] =	ssyncset.done $0x0  }
0x34: {  	[sflag:s23] =	ssyncadd.s32 $0xFFFFC000  }
0x35: {  	[spmem:s12] =	stream.linear.scatter [tilespmem:s22], [sflag:$0x3], $0x4000, $0x38;
	[tilespmem:$0x1C100] =	vst v63  }
0x36: {  	_ =	swait.ge [sflag:s23], $0x4000  }
0x37: {  	[sflag:s23] =	ssyncset.done $0x0  }
0x38: {  	[sflag:s23] =	ssyncadd.s32 $0xFFFFC000  }
0x39: {  	[spmem:s13] =	stream.linear.scatter [tilespmem:s22], [sflag:$0x3], $0x4000, $0x38;
	[tilespmem:$0x1C100] =	vst v63  }
0x3a: {  	_ =	swait.ge [sflag:s23], $0x4000  }
0x3b: {  	[sflag:s23] =	ssyncset.done $0x0  }
0x3c: {  	[sflag:s23] =	ssyncadd.s32 $0xFFFFC000  }
0x3d: {  	[spmem:s14] =	stream.linear.scatter [tilespmem:s22], [sflag:$0x3], $0x4000, $0x38;
	[tilespmem:$0x1C100] =	vst v63  }
0x3e: {  	_ =	swait.ge [sflag:s23], $0x4000  }
0x3f: {  	[sflag:s23] =	ssyncset.done $0x0  }
0x40: {  	[sflag:s23] =	ssyncadd.s32 $0xFFFFC000  }
0x41: {  	[bflag:$0x0] =	sbarrier.arrive $0xFFFF  }
0x42: {  	s4 =	simm.s32 $0x0;
	s1 =	rddreg [dreg:$0x3]  }
0x43: {  	[tilespmem:s4], [sflag:$0x1] =	stream.linear.gather [hbm4b:s1+s4], $0x80, $0x38;
	[tilespmem:$0x1C100] =	vst v63  }
0x44: {  	_ = 	snop  }
0x45: {  	[tilespmem:s22], [sflag:$0x1] =	stream.linear.gather [hbm4b:s5+s4], $0x4000, $0x38;
	[tilespmem:$0x1C100] =	vst v63  }
0x46: {  	_ = 	snop  }
0x47: {  	[tilespmem:s24], [sflag:$0x2] =	stream.linear.gather [hbm4b:s6+s4], $0x80, $0x38;
	[tilespmem:$0x1C100] =	vst v63  }
0x48: {  	_ = 	snop  }
0x49: {  	[tilespmem:s25], [sflag:$0x2] =	stream.linear.gather [hbm4b:s7+s4], $0x4000, $0x38;
	[tilespmem:$0x1C100] =	vst v63  }
0x4a: {  	_ =	swait.ge [sflag:s26], $0x80  }
0x4b: {  	[sflag:s26] =	ssyncset.done $0x0  }
0x4c: {  	[sflag:s26] =	ssyncadd.s32 $0xFFFFFF80  }
0x4d: {  	_ =	swait.ge [sflag:s26], $0x4000  }
0x4e: {  	[sflag:s26] =	ssyncset.done $0x0  }
0x4f: {  	[sflag:s26] =	ssyncadd.s32 $0xFFFFC000  }
0x50: {  	[spmem:s2] =	stream.indirect.scatter.add.f32 [tilespmem:s22], [sflag:$0x3], $0x80, s3, s24, $0xb8;
	[tilespmem:$0x1C100] =	vst v63  }
0x51: {  	_ =	swait.ge [sflag:s23], $0x4000  }
0x52: {  	[sflag:s23] =	ssyncset.done $0x0  }
0x53: {  	s4 =	sadd.s32 $0x0, s21;
	[sflag:s23] =	ssyncadd.s32 $0xFFFFC000  }
0x54: {  	[tilespmem:s3], [sflag:$0x1] =	stream.linear.gather [hbm4b:s4+s3], $0x80, $0x38;
	[tilespmem:$0x1C100] =	vst v63  }
0x55: {  	s1 =	sadd.s32 $0xFFFFF800, s0  }
0x56: {  	[tilespmem:s22], [sflag:$0x1] =	stream.linear.gather [hbm4b:s1+s3], $0x4000, $0x38;
	[tilespmem:$0x1C100] =	vst v63  }
0x57: {  	_ =	swait.ge [sflag:s28], $0x80  }
0x58: {  	[sflag:s28] =	ssyncset.done $0x0  }
0x59: {  	[sflag:s28] =	ssyncadd.s32 $0xFFFFFF80  }
0x5a: {  	_ =	swait.ge [sflag:s28], $0x4000  }
0x5b: {  	[sflag:s28] =	ssyncset.done $0x0  }
0x5c: {  	[sflag:s28] =	ssyncadd.s32 $0xFFFFC000  }
0x5d: {  	[spmem:s2] =	stream.indirect.scatter.add.f32 [tilespmem:s25], [sflag:$0x3], $0x80, s24, s24, $0xb8;
	[tilespmem:$0x1C100] =	vst v63  }
0x5e: {  	_ =	swait.ge [sflag:s23], $0x4000  }
0x5f: {  	s30 =	simm.s32 $0x20;
	s31 =	sadd.s32 $0x1000, s0;
	[sflag:s23] =	ssyncset.done $0x0  }
0x60: {  	s19 =	smov.u32 s0;
	s4 =	sadd.s32 $0x0, s20;
	[sflag:s23] =	ssyncadd.s32 $0xFFFFC000  }
0x61: {  	[tilespmem:s24], [sflag:$0x2] =	stream.linear.gather [hbm4b:s4+s3], $0x80, $0x38;
	[tilespmem:$0x1C100] =	vst v63  }
.LBB2_4:
0x62: {  	[tilespmem:s25], [sflag:$0x2] =	stream.linear.gather [hbm4b:s19+s3], $0x4000, $0x38;
	[tilespmem:$0x1C100] =	vst v63  }
0x63: {  	s1 =	smov.u32 s30;
	s19 =	smov.u32 s31  }
0x64: {  	p0 =	sne.s32 s30, $0x4C0;
	s30 =	sadd.s32 $0x20, s30;
	_ =	swait.ge [sflag:s26], $0x80  }
0x65: {  	[sflag:s26] =	ssyncset.done $0x0  }
0x66: {  	[sflag:s26] =	ssyncadd.s32 $0xFFFFFF80  }
0x67: {  	_ =	swait.ge [sflag:s26], $0x4000  }
0x68: {  	[sflag:s26] =	ssyncset.done $0x0  }
0x69: {  	[sflag:s26] =	ssyncadd.s32 $0xFFFFC000  }
0x6a: {  	[spmem:s2] =	stream.indirect.scatter.add.f32 [tilespmem:s22], [sflag:$0x3], $0x80, s3, s24, $0xb8;
	[tilespmem:$0x1C100] =	vst v63  }
0x6b: {  	_ =	swait.ge [sflag:s23], $0x4000  }
0x6c: {  	[sflag:s23] =	ssyncset.done $0x0  }
0x6d: {  	s4 =	sadd.s32 s1, s21;
	[sflag:s23] =	ssyncadd.s32 $0xFFFFC000  }
0x6e: {  	[tilespmem:s3], [sflag:$0x1] =	stream.linear.gather [hbm4b:s4+s3], $0x80, $0x38;
	[tilespmem:$0x1C100] =	vst v63  }
0x6f: {  	s4 =	sadd.s32 $0xFFFFF800, s31  }
0x70: {  	[tilespmem:s22], [sflag:$0x1] =	stream.linear.gather [hbm4b:s4+s3], $0x4000, $0x38;
	[tilespmem:$0x1C100] =	vst v63  }
0x71: {  	_ =	swait.ge [sflag:s28], $0x80  }
0x72: {  	[sflag:s28] =	ssyncset.done $0x0  }
0x73: {  	[sflag:s28] =	ssyncadd.s32 $0xFFFFFF80  }
0x74: {  	_ =	swait.ge [sflag:s28], $0x4000  }
0x75: {  	[sflag:s28] =	ssyncset.done $0x0  }
0x76: {  	[sflag:s28] =	ssyncadd.s32 $0xFFFFC000  }
0x77: {  	[spmem:s2] =	stream.indirect.scatter.add.f32 [tilespmem:s25], [sflag:$0x3], $0x80, s24, s24, $0xb8;
	[tilespmem:$0x1C100] =	vst v63  }
.Ltmp1:
0x78: {  	_ =	swait.ge [sflag:s23], $0x4000;
	(pc) =	sbr.rel @p0 .LBB2_4-.Ltmp1, $4  }
0x79: {  	[sflag:s23] =	ssyncset.done $0x0  }
0x7a: {  	s1 =	sadd.s32 s1, s20;
	[sflag:s23] =	ssyncadd.s32 $0xFFFFC000  }
0x7b: {  	[tilespmem:s24], [sflag:$0x2] =	stream.linear.gather [hbm4b:s1+s3], $0x80, $0x38;
	[tilespmem:$0x1C100] =	vst v63  }
0x7c: {  	s31 =	sadd.s32 $0x1000, s31  }
0x7d: {  	[tilespmem:s25], [sflag:$0x2] =	stream.linear.gather [hbm4b:s19+s3], $0x4000, $0x38;
	[tilespmem:$0x1C100] =	vst v63  }
0x7e: {  	_ =	swait.ge [sflag:s26], $0x80  }
0x7f: {  	[sflag:s26] =	ssyncset.done $0x0  }
0x80: {  	[sflag:s26] =	ssyncadd.s32 $0xFFFFFF80  }
0x81: {  	_ =	swait.ge [sflag:s26], $0x4000  }
0x82: {  	[sflag:s26] =	ssyncset.done $0x0  }
0x83: {  	[sflag:s26] =	ssyncadd.s32 $0xFFFFC000  }
0x84: {  	[spmem:s2] =	stream.indirect.scatter.add.f32 [tilespmem:s22], [sflag:$0x3], $0x80, s3, s24, $0xb8;
	[tilespmem:$0x1C100] =	vst v63  }
0x85: {  	_ =	swait.ge [sflag:s23], $0x4000  }
0x86: {  	[sflag:s23] =	ssyncset.done $0x0  }
0x87: {  	[sflag:s23] =	ssyncadd.s32 $0xFFFFC000  }
0x88: {  	_ =	swait.ge [sflag:s28], $0x80  }
0x89: {  	[sflag:s28] =	ssyncset.done $0x0  }
0x8a: {  	[sflag:s28] =	ssyncadd.s32 $0xFFFFFF80  }
0x8b: {  	_ =	swait.ge [sflag:s28], $0x4000  }
0x8c: {  	[sflag:s28] =	ssyncset.done $0x0  }
0x8d: {  	[sflag:s28] =	ssyncadd.s32 $0xFFFFC000  }
0x8e: {  	[spmem:s2] =	stream.indirect.scatter.add.f32 [tilespmem:s25], [sflag:$0x3], $0x80, s24, s24, $0xb8;
	[tilespmem:$0x1C100] =	vst v63  }
0x8f: {  	_ =	swait.ge [sflag:s23], $0x4000  }
0x90: {  	s1 =	stileid.u32;
	[sflag:s23] =	ssyncset.done $0x0  }
0x91: {  	s1 =	sshll.u32 s1, $0x6;
	[sflag:s23] =	ssyncadd.s32 $0xFFFFC000  }
0x92: {  	s4 =	sshrl.u32 s10, $0x3;
	s1 =	sor.u32 $0x1C03, s1;
	[bflag:$0x0] =	sbarrier.arrive $0xFFFF  }
0x93: {  	[hbm:s8], [sflag:s1] =	dma.local [spmem:s4], $0x800  }
0x94: {  	_ =	swait.ge [sflag:s23], $0x800  }
0x95: {  	[sflag:s23] =	ssyncset.done $0x0  }
0x96: {  	s31 =	sshrl.u32 s11, $0x3;
	[sflag:s23] =	ssyncadd.s32 $0xFFFFF800  }
0x97: {  	[hbm:s15], [sflag:s1] =	dma.local [spmem:s31], $0x800  }
0x98: {  	_ =	swait.ge [sflag:s23], $0x800  }
0x99: {  	[sflag:s23] =	ssyncset.done $0x0  }
0x9a: {  	s19 =	sshrl.u32 s12, $0x3;
	[sflag:s23] =	ssyncadd.s32 $0xFFFFF800  }
0x9b: {  	[hbm:s16], [sflag:s1] =	dma.local [spmem:s19], $0x800  }
0x9c: {  	_ =	swait.ge [sflag:s23], $0x800  }
0x9d: {  	[sflag:s23] =	ssyncset.done $0x0  }
0x9e: {  	s30 =	sshrl.u32 s13, $0x3;
	[sflag:s23] =	ssyncadd.s32 $0xFFFFF800  }
0x9f: {  	[hbm:s17], [sflag:s1] =	dma.local [spmem:s30], $0x800  }
0xa0: {  	s29 =	sadd.s32 $0x1, s29;
	_ =	swait.ge [sflag:s23], $0x800  }
0xa1: {  	p0 =	sne.s32 s29, s9;
	[sflag:s23] =	ssyncset.done $0x0  }
.Ltmp2:
0xa2: {  	s31 =	sshrl.u32 s14, $0x3;
	[sflag:s23] =	ssyncadd.s32 $0xFFFFF800;
	(pc) =	sbr.rel @p0 .LBB2_1-.Ltmp2, $4  }
0xa3: {  	[hbm:s18], [sflag:s1] =	dma.local [spmem:s31], $0x800  }
0xa4: {  	_ =	swait.ge [sflag:s23], $0x800  }
0xa5: {  	[sflag:s23] =	ssyncset.done $0x0  }
0xa6: {  	[sflag:s23] =	ssyncadd.s32 $0xFFFFF800  }
0xa7: {  	_ =	sfence.sel $0x180000  }
0xa8: {  	[bflag:$0x0] =	sbarrier.arrive $0xFFFF  }
0xa9: {  	_ =	strace $0x90000056  }
0xaa: {  	s0 =	stileid.u32;
	[bflag:$0x2] =	sbarrier.arrive $0xFFFF  }
0xab: {  	p0 =	sne.s32 s0, $0x0;
	s0 =	rddreg [dreg:$0x2]  }
0xac: {  	s0 =	sadd.s32 @!p0 $0x100000, s0  }
0xad: {  	[sflag:s0] =	ssyncadd.tile.s32 @!p0 $0x1;
	_ =	shalt  }
.Lfunc_end2:
_tile_overlayer_lowered:
.L_overlay_start_2:
0xae: {  	(tag) =	ssettag $0x2  }
0xaf: {  	s0 =	rddreg [dreg:$0x0];
	s2 =	stileid.u32  }
0xb0: {  	s1 =	rddreg [dreg:$0x1];
	p0 =	sne.s32 s2, $0x0  }
0xb1: {  	s3 =	rddreg [dreg:$0x2];
	[bflag:$0x3] =	sbarrier.arrive $0xFFFF;
	s2 =	simm.s32 @!p0 $0x1C03  }
0xb2: {  	[timem:s3], [sflag:s2] =	dma.local @!p0 [hbm:s0], s1  }
0xb3: {  	s0 =	simm.s32 @!p0 $0x3  }
0xb4: {  	_ =	swait.ge @!p0 [sflag:s0], s1  }
0xb5: {  	s1 =	ssub.s32 @!p0 $0x0, s1;
	[sflag:s0] =	ssyncset.done @!p0 $0x0  }
0xb6: {  	[sflag:s0] =	ssyncadd.s32 @!p0 s1  }
0xb7: {  	[bflag:$0x3] =	sbarrier.arrive $0xFFFF  }
0xb8: {  	_ =	shalt  }

// kernel: kernel.37.cloned.1.call-start
scs
__scs_entry_jumppad:
0x0: {  	(pc) =	sbr.rel $0x88, $3  }
0x1: {  	(tag) =	ssettag $0x0;
	lr =	simm.s32 $0x1  }
0x2: {  	[smem:$0x3F7A] =	sst lr;
	_ =	strace $0xD0000000  }
0x3: {  	_ = 	snop  }
0x4: {  	_ = 	snop  }
0x5: {  	_ = 	snop  }
0x6: {  	_ = 	snop  }
0x7: {  	_ = 	snop  }
__scs_overlays_trampoline_lowered:
0x8: {  	[smem:$0x3F89] =	sst s0  }
0x9: {  	[smem:$0x3F8A] =	sst s1  }
0xa: {  	[smem:$0x3F8B] =	sst s2  }
0xb: {  	[smem:$0x3F8C] =	sst s3  }
0xc: {  	[smem:$0x3F8D] =	sst s4  }
0xd: {  	[smem:$0x3F8E] =	sst s5  }
0xe: {  	[smem:$0x3F8F] =	sst s6  }
0xf: {  	[smem:$0x3F90] =	sst s7  }
0x10: {  	[smem:$0x3F91] =	sst s8  }
0x11: {  	[smem:$0x3F92] =	sst s9;
	s0 =	simm.s32 @!p0 $0x0  }
0x12: {  	s1 =	sld [smem:$0x3F78];
	s0 =	simm.s32 @p0 $0x1  }
0x13: {  	[smem:$0x3F93] =	sst s0;
	s0 =	simm.s32 @!p1 $0x0  }
0x14: {  	s2 =	sld [smem:$0x3F77];
	s0 =	simm.s32 @p1 $0x1  }
0x15: {  	[smem:$0x3F94] =	sst s0;
	s0 =	simm.s32 @!p2 $0x0  }
0x16: {  	s3 =	sld [smem:$0x3FDB];
	s0 =	simm.s32 @p2 $0x1  }
0x17: {  	s4 =	simm.s32 $0x1BF5;
	[smem:$0x3F96] =	sst s0  }
0x18: {  	s0 =	sld [smem:$0x3F79];
	_ =	swait.ge [sflag:s4], $0x0  }
0x19: {  	s7 =	sld [smem:$0x3F7A]  }
0x1a: {  	s8 =	sadd.s32 $0xFFFFE003, lr  }
0x1b: {  	s9 =	sadd.s32 $0xFFFFFEF7, lr;
	s5 =	simm.s32 $0xFFFFFFFF;
	p2 =	slt.u32 s8, $0xFFFFF086  }
0x1c: {  	p1 =	slt.u32 s9, $0xF7A;
	s5 =	simm.s32 @!p2 $0x0  }
0x1d: {  	s5 =	simm.s32 @p1 $0x1;
	p0 =	seq.s32 s7, s2  }
0x1e: {  	s7 =	smul.u32 @!p0 $0xF7A, s2;
	p2 =	seq.s32 @!p0 s5, $0x0  }
0x1f: {  	s9 =	smul.u32 $0xF7A, s1;
	s8 =	simm.s32 @!p0 $0x1BF5;
	p2 =	por !p2, p0  }
0x20: {  	[sflag:s8] =	ssyncset.s32 @!p0 $0xFFFFF086;
	s6 =	sadd.s32 @!p0 s3, s7;
	s7 =	simm.s32 @!p0 $0x108  }
0x21: {  	s3 =	sadd.s32 s3, s9;
	s6 =	sadd.s32 @!p0 $0x88, s6;
	s7 =	simm.s32 @p2 $0x1082  }
0x22: {  	[simem:s7], [sflag:s8] =	dma.local @!p0 [hbm:s6], $0xF7A  }
0x23: {  	s9 =	sor.u32 $0xD0000000, s2;
	s6 =	simm.s32 $0x108;
	_ =	swait.ge @!p0 [sflag:s8], $0x0  }
0x24: {  	s3 =	sadd.s32 $0x88, s3;
	s6 =	simm.s32 @!p1 $0x1082;
	[sflag:s4] =	ssyncset.s32 $0xFFFFF086  }
0x25: {  	[simem:s6], [sflag:s4] =	dma.local [hbm:s3], $0xF7A  }
0x26: {  	[smem:$0x3F7A] =	sst s1;
	(tag) =	ssettag s2;
	_ =	strace s9  }
0x27: {  	s1 =	sld [smem:$0x3F8A]  }
0x28: {  	s2 =	sld [smem:$0x3F8B]  }
0x29: {  	s4 =	sld [smem:$0x3F8D]  }
0x2a: {  	p0 =	seq.s32 s5, $0x0;
	s5 =	sld [smem:$0x3F8E]  }
0x2b: {  	s6 =	sld [smem:$0x3F8F]  }
0x2c: {  	s7 =	sld [smem:$0x3F90]  }
0x2d: {  	s3 =	simm.s32 $0x108;
	s8 =	sld [smem:$0x3F91]  }
0x2e: {  	s3 =	simm.s32 @!p0 $0x1082;
	s9 =	sld [smem:$0x3F92]  }
0x2f: {  	lr =	sadd.s32 s0, s3;
	s0 =	sld [smem:$0x3F89]  }
0x30: {  	s3 =	sld [smem:$0x3F8C]  }
0x31: {  	[smem:$0x3F95] =	sst s10  }
0x32: {  	s10 =	sld [smem:$0x3F93];
	_ =	sdelay $0x3  }
0x33: {  	p0 =	seq.s32 s10, $0x1;
	s10 =	sld [smem:$0x3F95];
	_ =	sdelay $0x3  }
0x34: {  	[smem:$0x3F95] =	sst s10  }
0x35: {  	s10 =	sld [smem:$0x3F94];
	_ =	sdelay $0x3  }
0x36: {  	p1 =	seq.s32 s10, $0x1;
	s10 =	sld [smem:$0x3F95];
	_ =	sdelay $0x3  }
0x37: {  	[smem:$0x3F95] =	sst s10  }
0x38: {  	s10 =	sld [smem:$0x3F96]  }
0x39: {  	_ = 	snop;
	(pc) =	sbr.ind lr, $3  }
0x3a: {  	_ = 	snop  }
0x3b: {  	_ = 	snop  }
0x3c: {  	p2 =	seq.s32 s10, $0x1;
	s10 =	sld [smem:$0x3F95]  }
0x3d: {  	_ =	shalt  }
0x3e: {  	_ =	shalt  }
0x3f: {  	_ =	shalt  }
0x40: {  	_ =	shalt  }
0x41: {  	_ =	shalt  }
0x42: {  	_ =	shalt  }
0x43: {  	_ =	shalt  }
0x44: {  	_ =	shalt  }
0x45: {  	_ =	shalt  }
0x46: {  	_ =	shalt  }
0x47: {  	_ =	shalt  }
0x48: {  	_ =	shalt  }
0x49: {  	_ =	shalt  }
0x4a: {  	_ =	shalt  }
0x4b: {  	_ =	shalt  }
0x4c: {  	_ =	shalt  }
0x4d: {  	_ =	shalt  }
0x4e: {  	_ =	shalt  }
0x4f: {  	_ =	shalt  }
0x50: {  	_ =	shalt  }
0x51: {  	_ =	shalt  }
0x52: {  	_ =	shalt  }
0x53: {  	_ =	shalt  }
0x54: {  	_ =	shalt  }
0x55: {  	_ =	shalt  }
0x56: {  	_ =	shalt  }
0x57: {  	_ =	shalt  }
0x58: {  	_ =	shalt  }
0x59: {  	_ =	shalt  }
0x5a: {  	_ =	shalt  }
0x5b: {  	_ =	shalt  }
0x5c: {  	_ =	shalt  }
0x5d: {  	_ =	shalt  }
0x5e: {  	_ =	shalt  }
0x5f: {  	_ =	shalt  }
0x60: {  	_ =	shalt  }
0x61: {  	_ =	shalt  }
0x62: {  	_ =	shalt  }
0x63: {  	_ =	shalt  }
0x64: {  	_ =	shalt  }
0x65: {  	_ =	shalt  }
0x66: {  	_ =	shalt  }
0x67: {  	_ =	shalt  }
0x68: {  	_ =	shalt  }
0x69: {  	_ =	shalt  }
0x6a: {  	_ =	shalt  }
0x6b: {  	_ =	shalt  }
0x6c: {  	_ =	shalt  }
0x6d: {  	_ =	shalt  }
0x6e: {  	_ =	shalt  }
0x6f: {  	_ =	shalt  }
0x70: {  	_ =	shalt  }
0x71: {  	_ =	shalt  }
0x72: {  	_ =	shalt  }
0x73: {  	_ =	shalt  }
0x74: {  	_ =	shalt  }
0x75: {  	_ =	shalt  }
0x76: {  	_ =	shalt  }
0x77: {  	_ =	shalt  }
0x78: {  	_ =	shalt  }
0x79: {  	_ =	shalt  }
0x7a: {  	_ =	shalt  }
0x7b: {  	_ =	shalt  }
0x7c: {  	_ =	shalt  }
0x7d: {  	_ =	shalt  }
0x7e: {  	_ =	shalt  }
0x7f: {  	_ =	shalt  }
0x80: {  	_ =	shalt  }
0x81: {  	_ =	shalt  }
0x82: {  	_ =	shalt  }
0x83: {  	_ =	shalt  }
0x84: {  	_ =	shalt  }
0x85: {  	_ =	shalt  }
0x86: {  	_ =	shalt  }
0x87: {  	_ =	shalt  }
.Lfunc_end0:
.L_simem_size_0:
called_computation.6_lowered:
.L_overlay_start_0:
0x88: {  	s2 =	sld [smem:$0x3FD9]  }
0x89: {  	s3 =	sld [smem:$0x3FFE];
	_ =	sdelay $0x1  }
0x8a: {  	s1 =	srdreg.scid  }
0x8b: {  	s0 =	sand.u32 $0x1, s1  }
0x8c: {  	s16 =	sshll.u32 s0, $0xA;
	s2 =	sadd.s32 s3, s2  }
0x8d: {  	s2 =	sadd.s32 s2, s16  }
0x8e: {  	[smem:$0x3FA1] =	sst s2  }
0x8f: {  	_ = 	snop  }
0x90: {  	(tm) =	ssettm $0x1  }
0x91: {  	s17 =	sld [smem:$0x3FFB];
	_ =	sdelay $0x3  }
0x92: {  	_ =	strace s17  }
0x93: {  	s2 =	sld [smem:$0x3FFC];
	_ =	sdelay $0x3  }
0x94: {  	_ =	strace s2  }
0x95: {  	s2 =	sld [smem:$0x3FFD];
	_ =	sdelay $0x3  }
0x96: {  	_ =	strace s2  }
0x97: {  	_ =	strace $0x8FFFFFFF  }
0x98: {  	s18 =	sld [smem:$0x3FDB];
	_ =	sdelay $0x1  }
0x99: {  	s19 =	simm.s32 $_scs_section_size  }
0x9a: {  	s4 =	simm.s32 $_size__tile_overlayer_lowered;
	s5 =	simm.s32 $_tile_overlayer_lowered  }
0x9b: {  	s22 =	simm.s32 $0x1BFF;
	s21 =	sshll.u32 s5, $0x1;
	s2 =	sadd.s32 s19, s18  }
0x9c: {  	s6 =	simm.s32 $0x0;
	s20 =	sshll.u32 s4, $0x1;
	s4 =	sadd.s32 s21, s2  }
0x9d: {  	[timem:s6], [sflag:s22] =	dma.local [hbm:s4], s20  }
0x9e: {  	_ =	swait.ge [sflag:s22], s20  }
0x9f: {  	s3 =	ssub.s32 $0x0, s20;
	[sflag:s22] =	ssyncset.done $0x0  }
0xa0: {  	[sflag:s22] =	ssyncadd.s32 s3;
	_ =	sdelay $0x1  }
0xa1: {  	s23 =	simm.s32 $0x1B8B  }
0xa2: {  	_ =	swait.ge [sflag:s23], $0x1  }
0xa3: {  	[sflag:s23] =	ssyncset.done $0x0  }
0xa4: {  	s25 =	simm.s32 $0x1B8E;
	s24 =	sld [smem:$0x3FFE];
	[sflag:s23] =	ssyncadd.s32 $0xFFFFFFFF  }
0xa5: {  	s26 =	simm.s32 $execute0_lowered;
	[smem:$0x3FD2] =	sst s25  }
0xa6: {  	s4 =	sshll.u32 s26, $0x1;
	_ =	strace $0x80000058;
	[dreg:$0x1] =	wrdreg $0xFFFFFFFF  }
0xa7: {  	s28 =	simm.s32 $_size_execute0_lowered;
	s2 =	sadd.s32 s2, s4;
	[dreg:$0x0] =	wrdreg $0x0  }
0xa8: {  	s4 =	sshll.u32 s28, $0x1;
	[dreg:$0x2] =	wrdreg s2  }
0xa9: {  	[dreg:$0x3] =	wrdreg s4  }
0xaa: {  	[dreg:$0x4] =	wrdreg $0xC0  }
0xab: {  	_ =	task [dreg:s6], $0x5FFFF  }
0xac: {  	[dreg:$0x1] =	wrdreg $0xFFFFFFFF  }
0xad: {  	[dreg:$0x0] =	wrdreg $0x60  }
0xae: {  	[dreg:$0x2] =	wrdreg s24  }
0xaf: {  	[dreg:$0x3] =	wrdreg $0x9  }
0xb0: {  	_ =	task.clear_ibuf [dreg:s6], $0x4FFFF;
	_ =	strace $0x90000058  }
0xb1: {  	s29 =	simm.s32 $0x9;
	_ =	strace $0x8000005A  }
0xb2: {  	_ =	swait.ge [sflag:s29], $0x1  }
0xb3: {  	[sflag:s29] =	ssyncadd.s32 $0xFFFFFFFF  }
0xb4: {  	_ =	strace $0x9000005A  }
0xb5: {  	_ =	sfence  }
0xb6: {  	s30 =	sld [smem:$0x0];
	_ =	sdelay $0x2  }
0xb7: {  	s31 =	sshll.u32 s1, $0xD;
	s1 =	sshrl.u32 s1, $0x2  }
0xb8: {  	s3 =	sand.u32 $0x4000, s31;
	s1 =	sadd.s32 s1, s30  }
0xb9: {  	s0 =	sor.u32 s3, s0;
	s1 =	sshll.u32 s1, $0x11  }
0xba: {  	s0 =	sor.u32 s1, s0  }
0xbb: {  	s0 =	sadd.s32 $0x8F2B, s0  }
0xbc: {  	[sflag:s0] =	ssyncadd.remote.s32 $0x1  }
0xbd: {  	_ =	sfence.sel $0xFFFF  }
0xbe: {  	[dreg:$0x0] =	wrdreg $0xFFFFFFFF;
	(pc) =	sbr.abs _section_cstart, $3  }
0xbf: {  	[dreg:$0x1] =	wrdreg $0xFFFFFFFF  }
0xc0: {  	_ =	task.clear_ibuf [dreg:s6], $0x2FFFF;
	_ =	strace $0x9FFFFFFF  }
0xc1: {  	(tm) =	ssettm $0x7FFFFFFF  }
tec
execute0_lowered:
.L_overlay_start_1:
0x0: {  	(tag) =	ssettag $0x1  }
0x1: {  	s0 =	rddreg [dreg:$0x0];
	s2 =	simm.s32 $0x0  }
0x2: {  	s3 =	srdreg.scid;
	s1 =	stileid.u32;
	s20 =	simm.s32 $0x1  }
0x3: {  	s21 =	simm.s32 $0x200;
	s28 =	simm.s32 $0x6;
	s13 =	smul.u32 $0x5000, s1  }
0x4: {  	s29 =	simm.s32 $0x0;
	[smem:$0x7FF] =	sst s2;
	s17 =	smul.u32 $0x50000, s1  }
0x5: {  	s11 =	sand.u32 $0x1, s3;
	s22 =	sshll.u32 s1, $0x1;
	s18 =	smul.u32 $0x280000, s1  }
0x6: {  	s15 =	sadd.s32 $0xB200, s0;
	s14 =	sadd.s32 $0x47800, s0;
	s16 =	smul.u32 $0x2800, s11  }
0x7: {  	s3 =	sadd.s32 $0x51800, s0;
	s4 =	sadd.s32 $0x1F200, s0;
	s24 =	smul.u32 $0x28000, s11  }
0x8: {  	s0 =	sadd.s32 $0x9FC00, s0;
	s5 =	sor.u32 s11, s22;
	s19 =	smul.u32 $0x140000, s11  }
0x9: {  	_ =	strace $0x80000059;
	s7 =	ssub.s32 $0x2, s11;
	s6 =	smul.u32 $0x2800, s5  }
0xa: {  	s22 =	simm.s32 $0x2;
	s8 =	sshrl.u32 s7, $0x1;
	s10 =	smul.u32 $0x28000, s5  }
0xb: {  	s17 =	sadd.s32 s17, s0;
	s12 =	ssub.s32 s7, s8;
	s13 =	sadd.s32 s16, s13  }
0xc: {  	s16 =	sadd.s32 s24, s17;
	s18 =	sadd.s32 s19, s18;
	s17 =	simm.s32 $0x80  }
0xd: {  	s19 =	simm.s32 $0x180;
	s24 =	simm.s32 $0x3;
	s9 =	sshrl.u32 s6, $0x3  }
0xe: {  	s10 =	sadd.s32 s0, s10;
	s25 =	sor.u32 $0x180, s13;
	s26 =	sor.u32 $0x100, s13  }
0xf: {  	s13 =	sadd.s32 $0x800, s16;
	s31 =	sshrl.u32 s18, $0x3;
	s18 =	simm.s32 $0x100  }
0x10: {  	s5 =	sadd.s32 s15, s9;
	s6 =	sadd.s32 s14, s9;
	s23 =	sor.u32 $0x10, s9  }
.Ltmp0:
0x11: {  	s9 =	smax.u32 s12, $0x1;
	s10 =	sadd.s32 $0x27800, s10;
	(pc) =	sbr.rel .LBB2_1-.Ltmp0, $4  }
0x12: {  	s12 =	sshrl.u32 s25, $0x3;
	s30 =	sshrl.u32 s26, $0x3;
	s16 =	sadd.s32 s31, s0  }
0x13: {  	s25 =	simm.s32 $0x4;
	s26 =	simm.s32 $0x5;
	s7 =	sadd.s32 s15, s23  }
0x14: {  	s8 =	sadd.s32 s14, s23;
	s11 =	sadd.s32 s12, s14;
	s12 =	sadd.s32 s12, s15  }
0x15: {  	s14 =	sadd.s32 s30, s14;
	s15 =	sadd.s32 s30, s15;
	s23 =	simm.s32 $0x4200  }
.LBB2_4:
0x16: {  	_ =	swait.ge [sflag:s25], $0x4000  }
0x17: {  	[sflag:s25] =	ssyncset.done $0x0  }
0x18: {  	s29 =	sadd.s32 $0x1, s29;
	[sflag:s25] =	ssyncadd.s32 $0xFFFFC000  }
0x19: {  	[hbm4b:s10+s2] =	stream.linear.scatter [tilespmem:s23], [sflag:$0x6], $0x4000, $0x38;
	[tilespmem:$0x8200] =	vst v63  }
0x1a: {  	p0 =	sne.s32 s29, s9;
	_ =	swait.ge [sflag:s26], $0x4000  }
.Ltmp1:
0x1b: {  	[sflag:s26] =	ssyncset.done $0x0;
	(pc) =	sbr.rel @!p0 .LBB2_5-.Ltmp1, $4  }
0x1c: {  	[sflag:s26] =	ssyncadd.s32 $0xFFFFC000  }
0x1d: {  	_ =	swait.ge [sflag:s28], $0x4000  }
0x1e: {  	[sflag:s28] =	ssyncset.done $0x0  }
0x1f: {  	[sflag:s28] =	ssyncadd.s32 $0xFFFFC000  }
.LBB2_1:
0x20: {  	[tilespmem:s2], [sflag:$0x1] =	stream.linear.gather [hbm4b:s5+s2], $0x80, $0x38;
	[tilespmem:$0x8200] =	vst v63  }
0x21: {  	_ = 	snop  }
0x22: {  	[tilespmem:s17], [sflag:$0x1] =	stream.linear.gather [hbm4b:s6+s2], $0x80, $0x38;
	[tilespmem:$0x8200] =	vst v63  }
0x23: {  	_ = 	snop  }
0x24: {  	[tilespmem:s18], [sflag:$0x2] =	stream.linear.gather [hbm4b:s7+s2], $0x80, $0x38;
	[tilespmem:$0x8200] =	vst v63  }
0x25: {  	s30 =	smov.u32 s16;
	s31 =	smov.u32 s13;
	s0 =	simm.s32 $0x0  }
0x26: {  	[tilespmem:s19], [sflag:$0x2] =	stream.linear.gather [hbm4b:s8+s2], $0x80, $0x38;
	[tilespmem:$0x8200] =	vst v63  }
.LBB2_2:
0x27: {  	p0 =	seq.s32 s0, $0x0  }
0x28: {  	s1 =	simm.s32 @!p0 $0x5  }
0x29: {  	_ =	swait.ge @!p0 [sflag:s1], $0x4000  }
0x2a: {  	[sflag:s1] =	ssyncset.done @!p0 $0x0  }
0x2b: {  	[sflag:s1] =	ssyncadd.s32 @!p0 $0xFFFFC000;
	s1 =	simm.s32 @!p0 $0x6  }
0x2c: {  	_ =	swait.ge @!p0 [sflag:s1], $0x4000  }
0x2d: {  	[sflag:s1] =	ssyncset.done @!p0 $0x0  }
0x2e: {  	[sflag:s1] =	ssyncadd.s32 @!p0 $0xFFFFC000  }
0x2f: {  	_ =	swait.ge [sflag:s20], $0x80  }
0x30: {  	[sflag:s20] =	ssyncset.done $0x0  }
0x31: {  	[sflag:s20] =	ssyncadd.s32 $0xFFFFFF80  }
0x32: {  	_ =	swait.ge [sflag:s20], $0x80  }
0x33: {  	[sflag:s20] =	ssyncset.done $0x0  }
0x34: {  	[sflag:s20] =	ssyncadd.s32 $0xFFFFFF80  }
0x35: {  	[tilespmem:s21], [sflag:$0x3] =	stream.indirect.gather [hbm4b:s3+s17], $0x80, s2, s17, $0xb8;
	[tilespmem:$0x8200] =	vst v63  }
0x36: {  	_ =	swait.ge [sflag:s22], $0x80  }
0x37: {  	[sflag:s22] =	ssyncset.done $0x0  }
0x38: {  	[sflag:s22] =	ssyncadd.s32 $0xFFFFFF80  }
0x39: {  	_ =	swait.ge [sflag:s22], $0x80  }
0x3a: {  	[sflag:s22] =	ssyncset.done $0x0  }
0x3b: {  	[sflag:s22] =	ssyncadd.s32 $0xFFFFFF80  }
0x3c: {  	[tilespmem:s23], [sflag:$0x4] =	stream.indirect.gather [hbm4b:s3+s17], $0x80, s18, s17, $0xb8;
	[tilespmem:$0x8200] =	vst v63  }
0x3d: {  	_ =	swait.ge [sflag:s24], $0x4000  }
0x3e: {  	[sflag:s24] =	ssyncset.done $0x0  }
0x3f: {  	[sflag:s24] =	ssyncadd.s32 $0xFFFFC000  }
0x40: {  	[tilespmem:s21], [sflag:$0x3] =	stream.indirect.gather.add.f32 [hbm:s4], $0x80, s17, s17, $0xb8;
	[tilespmem:$0x8200] =	vst v63  }
0x41: {  	_ =	swait.ge [sflag:s25], $0x4000  }
0x42: {  	[sflag:s25] =	ssyncset.done $0x0  }
0x43: {  	p0 =	seq.s32 s0, $0x4E0;
	[sflag:s25] =	ssyncadd.s32 $0xFFFFC000  }
0x44: {  	[tilespmem:s23], [sflag:$0x4] =	stream.indirect.gather.add.f32 [hbm:s4], $0x80, s19, s17, $0xb8;
	[tilespmem:$0x8200] =	vst v63  }
.Ltmp2:
0x45: {  	_ = 	snop;
	(pc) =	sbr.rel @p0 .LBB2_4-.Ltmp2, $4  }
0x46: {  	_ =	swait.ge [sflag:s24], $0x4000  }
0x47: {  	[sflag:s24] =	ssyncset.done $0x0  }
0x48: {  	[sflag:s24] =	ssyncadd.s32 $0xFFFFC000  }
0x49: {  	[hbm4b:s30+s2] =	stream.linear.scatter [tilespmem:s21], [sflag:$0x5], $0x4000, $0x38;
	[tilespmem:$0x8200] =	vst v63  }
0x4a: {  	s1 =	sadd.s32 s0, s15  }
0x4b: {  	[tilespmem:s2], [sflag:$0x1] =	stream.linear.gather [hbm4b:s1+s2], $0x80, $0x38;
	[tilespmem:$0x8200] =	vst v63  }
0x4c: {  	s1 =	sadd.s32 s0, s14  }
0x4d: {  	[tilespmem:s17], [sflag:$0x1] =	stream.linear.gather [hbm4b:s1+s2], $0x80, $0x38;
	[tilespmem:$0x8200] =	vst v63  }
0x4e: {  	_ =	swait.ge [sflag:s25], $0x4000  }
0x4f: {  	[sflag:s25] =	ssyncset.done $0x0  }
0x50: {  	[sflag:s25] =	ssyncadd.s32 $0xFFFFC000  }
0x51: {  	[hbm4b:s31+s2] =	stream.linear.scatter [tilespmem:s23], [sflag:$0x6], $0x4000, $0x38;
	[tilespmem:$0x8200] =	vst v63  }
.Ltmp3:
0x52: {  	_ = 	snop;
	(pc) =	sbr.rel .LBB2_2-.Ltmp3, $4  }
0x53: {  	s30 =	sadd.s32 $0x1000, s30;
	s1 =	sadd.s32 s0, s12  }
0x54: {  	[tilespmem:s18], [sflag:$0x2] =	stream.linear.gather [hbm4b:s1+s2], $0x80, $0x38;
	[tilespmem:$0x8200] =	vst v63  }
0x55: {  	s31 =	sadd.s32 $0x1000, s31;
	s1 =	sadd.s32 s0, s11;
	s0 =	sadd.s32 $0x20, s0  }
0x56: {  	[tilespmem:s19], [sflag:$0x2] =	stream.linear.gather [hbm4b:s1+s2], $0x80, $0x38;
	[tilespmem:$0x8200] =	vst v63  }
.LBB2_5:
0x57: {  	_ =	sfence.sel $0x180000  }
0x58: {  	[bflag:$0x0] =	sbarrier.arrive $0xFFFF  }
0x59: {  	_ =	strace $0x90000059  }
0x5a: {  	s0 =	stileid.u32;
	[bflag:$0x2] =	sbarrier.arrive $0xFFFF  }
0x5b: {  	p0 =	sne.s32 s0, $0x0;
	s0 =	rddreg [dreg:$0x1]  }
0x5c: {  	s0 =	sadd.s32 @!p0 $0x100000, s0  }
0x5d: {  	[sflag:s0] =	ssyncadd.tile.s32 @!p0 $0x1;
	_ =	shalt  }
.Lfunc_end2:
_tile_overlayer_lowered:
.L_overlay_start_2:
0x5e: {  	(tag) =	ssettag $0x2  }
0x5f: {  	s0 =	rddreg [dreg:$0x0];
	s2 =	stileid.u32  }
0x60: {  	s1 =	rddreg [dreg:$0x1];
	p0 =	sne.s32 s2, $0x0  }
0x61: {  	s3 =	rddreg [dreg:$0x2];
	[bflag:$0x3] =	sbarrier.arrive $0xFFFF;
	s2 =	simm.s32 @!p0 $0x1C07  }
0x62: {  	[timem:s3], [sflag:s2] =	dma.local @!p0 [hbm:s0], s1  }
0x63: {  	s0 =	simm.s32 @!p0 $0x7  }
0x64: {  	_ =	swait.ge @!p0 [sflag:s0], s1  }
0x65: {  	s1 =	ssub.s32 @!p0 $0x0, s1;
	[sflag:s0] =	ssyncset.done @!p0 $0x0  }
0x66: {  	[sflag:s0] =	ssyncadd.s32 @!p0 s1  }
0x67: {  	[bflag:$0x3] =	sbarrier.arrive $0xFFFF  }
0x68: {  	_ =	shalt  }

// kernel: kernel.40.cloned.1.call-start
scs
__scs_entry_jumppad:
0x0: {  	(pc) =	sbr.rel $0x88, $3  }
0x1: {  	(tag) =	ssettag $0x0;
	lr =	simm.s32 $0x1  }
0x2: {  	[smem:$0x3F7A] =	sst lr;
	_ =	strace $0xD0000000  }
0x3: {  	_ = 	snop  }
0x4: {  	_ = 	snop  }
0x5: {  	_ = 	snop  }
0x6: {  	_ = 	snop  }
0x7: {  	_ = 	snop  }
__scs_overlays_trampoline_lowered:
0x8: {  	[smem:$0x3F89] =	sst s0  }
0x9: {  	[smem:$0x3F8A] =	sst s1  }
0xa: {  	[smem:$0x3F8B] =	sst s2  }
0xb: {  	[smem:$0x3F8C] =	sst s3  }
0xc: {  	[smem:$0x3F8D] =	sst s4  }
0xd: {  	[smem:$0x3F8E] =	sst s5  }
0xe: {  	[smem:$0x3F8F] =	sst s6  }
0xf: {  	[smem:$0x3F90] =	sst s7  }
0x10: {  	[smem:$0x3F91] =	sst s8  }
0x11: {  	[smem:$0x3F92] =	sst s9;
	s0 =	simm.s32 @!p0 $0x0  }
0x12: {  	s1 =	sld [smem:$0x3F78];
	s0 =	simm.s32 @p0 $0x1  }
0x13: {  	[smem:$0x3F93] =	sst s0;
	s0 =	simm.s32 @!p1 $0x0  }
0x14: {  	s2 =	sld [smem:$0x3F77];
	s0 =	simm.s32 @p1 $0x1  }
0x15: {  	[smem:$0x3F94] =	sst s0;
	s0 =	simm.s32 @!p2 $0x0  }
0x16: {  	s3 =	sld [smem:$0x3FDB];
	s0 =	simm.s32 @p2 $0x1  }
0x17: {  	s4 =	simm.s32 $0x1BF5;
	[smem:$0x3F96] =	sst s0  }
0x18: {  	s0 =	sld [smem:$0x3F79];
	_ =	swait.ge [sflag:s4], $0x0  }
0x19: {  	s7 =	sld [smem:$0x3F7A]  }
0x1a: {  	s8 =	sadd.s32 $0xFFFFE003, lr  }
0x1b: {  	s9 =	sadd.s32 $0xFFFFFEF7, lr;
	s5 =	simm.s32 $0xFFFFFFFF;
	p2 =	slt.u32 s8, $0xFFFFF086  }
0x1c: {  	p1 =	slt.u32 s9, $0xF7A;
	s5 =	simm.s32 @!p2 $0x0  }
0x1d: {  	s5 =	simm.s32 @p1 $0x1;
	p0 =	seq.s32 s7, s2  }
0x1e: {  	s7 =	smul.u32 @!p0 $0xF7A, s2;
	p2 =	seq.s32 @!p0 s5, $0x0  }
0x1f: {  	s9 =	smul.u32 $0xF7A, s1;
	s8 =	simm.s32 @!p0 $0x1BF5;
	p2 =	por !p2, p0  }
0x20: {  	[sflag:s8] =	ssyncset.s32 @!p0 $0xFFFFF086;
	s6 =	sadd.s32 @!p0 s3, s7;
	s7 =	simm.s32 @!p0 $0x108  }
0x21: {  	s3 =	sadd.s32 s3, s9;
	s6 =	sadd.s32 @!p0 $0x88, s6;
	s7 =	simm.s32 @p2 $0x1082  }
0x22: {  	[simem:s7], [sflag:s8] =	dma.local @!p0 [hbm:s6], $0xF7A  }
0x23: {  	s9 =	sor.u32 $0xD0000000, s2;
	s6 =	simm.s32 $0x108;
	_ =	swait.ge @!p0 [sflag:s8], $0x0  }
0x24: {  	s3 =	sadd.s32 $0x88, s3;
	s6 =	simm.s32 @!p1 $0x1082;
	[sflag:s4] =	ssyncset.s32 $0xFFFFF086  }
0x25: {  	[simem:s6], [sflag:s4] =	dma.local [hbm:s3], $0xF7A  }
0x26: {  	[smem:$0x3F7A] =	sst s1;
	(tag) =	ssettag s2;
	_ =	strace s9  }
0x27: {  	s1 =	sld [smem:$0x3F8A]  }
0x28: {  	s2 =	sld [smem:$0x3F8B]  }
0x29: {  	s4 =	sld [smem:$0x3F8D]  }
0x2a: {  	p0 =	seq.s32 s5, $0x0;
	s5 =	sld [smem:$0x3F8E]  }
0x2b: {  	s6 =	sld [smem:$0x3F8F]  }
0x2c: {  	s7 =	sld [smem:$0x3F90]  }
0x2d: {  	s3 =	simm.s32 $0x108;
	s8 =	sld [smem:$0x3F91]  }
0x2e: {  	s3 =	simm.s32 @!p0 $0x1082;
	s9 =	sld [smem:$0x3F92]  }
0x2f: {  	lr =	sadd.s32 s0, s3;
	s0 =	sld [smem:$0x3F89]  }
0x30: {  	s3 =	sld [smem:$0x3F8C]  }
0x31: {  	[smem:$0x3F95] =	sst s10  }
0x32: {  	s10 =	sld [smem:$0x3F93];
	_ =	sdelay $0x3  }
0x33: {  	p0 =	seq.s32 s10, $0x1;
	s10 =	sld [smem:$0x3F95];
	_ =	sdelay $0x3  }
0x34: {  	[smem:$0x3F95] =	sst s10  }
0x35: {  	s10 =	sld [smem:$0x3F94];
	_ =	sdelay $0x3  }
0x36: {  	p1 =	seq.s32 s10, $0x1;
	s10 =	sld [smem:$0x3F95];
	_ =	sdelay $0x3  }
0x37: {  	[smem:$0x3F95] =	sst s10  }
0x38: {  	s10 =	sld [smem:$0x3F96]  }
0x39: {  	_ = 	snop;
	(pc) =	sbr.ind lr, $3  }
0x3a: {  	_ = 	snop  }
0x3b: {  	_ = 	snop  }
0x3c: {  	p2 =	seq.s32 s10, $0x1;
	s10 =	sld [smem:$0x3F95]  }
0x3d: {  	_ =	shalt  }
0x3e: {  	_ =	shalt  }
0x3f: {  	_ =	shalt  }
0x40: {  	_ =	shalt  }
0x41: {  	_ =	shalt  }
0x42: {  	_ =	shalt  }
0x43: {  	_ =	shalt  }
0x44: {  	_ =	shalt  }
0x45: {  	_ =	shalt  }
0x46: {  	_ =	shalt  }
0x47: {  	_ =	shalt  }
0x48: {  	_ =	shalt  }
0x49: {  	_ =	shalt  }
0x4a: {  	_ =	shalt  }
0x4b: {  	_ =	shalt  }
0x4c: {  	_ =	shalt  }
0x4d: {  	_ =	shalt  }
0x4e: {  	_ =	shalt  }
0x4f: {  	_ =	shalt  }
0x50: {  	_ =	shalt  }
0x51: {  	_ =	shalt  }
0x52: {  	_ =	shalt  }
0x53: {  	_ =	shalt  }
0x54: {  	_ =	shalt  }
0x55: {  	_ =	shalt  }
0x56: {  	_ =	shalt  }
0x57: {  	_ =	shalt  }
0x58: {  	_ =	shalt  }
0x59: {  	_ =	shalt  }
0x5a: {  	_ =	shalt  }
0x5b: {  	_ =	shalt  }
0x5c: {  	_ =	shalt  }
0x5d: {  	_ =	shalt  }
0x5e: {  	_ =	shalt  }
0x5f: {  	_ =	shalt  }
0x60: {  	_ =	shalt  }
0x61: {  	_ =	shalt  }
0x62: {  	_ =	shalt  }
0x63: {  	_ =	shalt  }
0x64: {  	_ =	shalt  }
0x65: {  	_ =	shalt  }
0x66: {  	_ =	shalt  }
0x67: {  	_ =	shalt  }
0x68: {  	_ =	shalt  }
0x69: {  	_ =	shalt  }
0x6a: {  	_ =	shalt  }
0x6b: {  	_ =	shalt  }
0x6c: {  	_ =	shalt  }
0x6d: {  	_ =	shalt  }
0x6e: {  	_ =	shalt  }
0x6f: {  	_ =	shalt  }
0x70: {  	_ =	shalt  }
0x71: {  	_ =	shalt  }
0x72: {  	_ =	shalt  }
0x73: {  	_ =	shalt  }
0x74: {  	_ =	shalt  }
0x75: {  	_ =	shalt  }
0x76: {  	_ =	shalt  }
0x77: {  	_ =	shalt  }
0x78: {  	_ =	shalt  }
0x79: {  	_ =	shalt  }
0x7a: {  	_ =	shalt  }
0x7b: {  	_ =	shalt  }
0x7c: {  	_ =	shalt  }
0x7d: {  	_ =	shalt  }
0x7e: {  	_ =	shalt  }
0x7f: {  	_ =	shalt  }
0x80: {  	_ =	shalt  }
0x81: {  	_ =	shalt  }
0x82: {  	_ =	shalt  }
0x83: {  	_ =	shalt  }
0x84: {  	_ =	shalt  }
0x85: {  	_ =	shalt  }
0x86: {  	_ =	shalt  }
0x87: {  	_ =	shalt  }
.Lfunc_end0:
.L_simem_size_0:
called_computation.7_lowered:
.L_overlay_start_0:
0x88: {  	s2 =	sld [smem:$0x3FD9]  }
0x89: {  	s3 =	sld [smem:$0x3FFE];
	_ =	sdelay $0x1  }
0x8a: {  	s1 =	srdreg.scid  }
0x8b: {  	s0 =	sand.u32 $0x1, s1  }
0x8c: {  	s16 =	sshll.u32 s0, $0xA;
	s2 =	sadd.s32 s3, s2  }
0x8d: {  	s2 =	sadd.s32 s2, s16  }
0x8e: {  	[smem:$0x3FA1] =	sst s2  }
0x8f: {  	_ = 	snop  }
0x90: {  	(tm) =	ssettm $0x1  }
0x91: {  	s17 =	sld [smem:$0x3FFB];
	_ =	sdelay $0x3  }
0x92: {  	_ =	strace s17  }
0x93: {  	s2 =	sld [smem:$0x3FFC];
	_ =	sdelay $0x3  }
0x94: {  	_ =	strace s2  }
0x95: {  	s2 =	sld [smem:$0x3FFD];
	_ =	sdelay $0x3  }
0x96: {  	_ =	strace s2  }
0x97: {  	_ =	strace $0x8FFFFFFF  }
0x98: {  	s18 =	sld [smem:$0x3FDB];
	_ =	sdelay $0x1  }
0x99: {  	s19 =	simm.s32 $_scs_section_size  }
0x9a: {  	s4 =	simm.s32 $_size__tile_overlayer_lowered;
	s5 =	simm.s32 $_tile_overlayer_lowered  }
0x9b: {  	s22 =	simm.s32 $0x1BFF;
	s21 =	sshll.u32 s5, $0x1;
	s2 =	sadd.s32 s19, s18  }
0x9c: {  	s6 =	simm.s32 $0x0;
	s20 =	sshll.u32 s4, $0x1;
	s4 =	sadd.s32 s21, s2  }
0x9d: {  	[timem:s6], [sflag:s22] =	dma.local [hbm:s4], s20  }
0x9e: {  	_ =	swait.ge [sflag:s22], s20  }
0x9f: {  	s3 =	ssub.s32 $0x0, s20;
	[sflag:s22] =	ssyncset.done $0x0  }
0xa0: {  	[sflag:s22] =	ssyncadd.s32 s3;
	_ =	sdelay $0x1  }
0xa1: {  	s23 =	simm.s32 $0x1B8B  }
0xa2: {  	_ =	swait.ge [sflag:s23], $0x1  }
0xa3: {  	[sflag:s23] =	ssyncset.done $0x0  }
0xa4: {  	s25 =	simm.s32 $0x1B8E;
	s24 =	sld [smem:$0x3FFE];
	[sflag:s23] =	ssyncadd.s32 $0xFFFFFFFF  }
0xa5: {  	s26 =	simm.s32 $execute0_lowered;
	[smem:$0x3FD2] =	sst s25  }
0xa6: {  	s4 =	sshll.u32 s26, $0x1;
	_ =	strace $0x8000005B;
	[dreg:$0x1] =	wrdreg $0xFFFFFFFF  }
0xa7: {  	s28 =	simm.s32 $_size_execute0_lowered;
	s2 =	sadd.s32 s2, s4;
	[dreg:$0x0] =	wrdreg $0x0  }
0xa8: {  	s4 =	sshll.u32 s28, $0x1;
	[dreg:$0x2] =	wrdreg s2  }
0xa9: {  	[dreg:$0x3] =	wrdreg s4  }
0xaa: {  	[dreg:$0x4] =	wrdreg $0xC0  }
0xab: {  	_ =	task [dreg:s6], $0x5FFFF  }
0xac: {  	[dreg:$0x1] =	wrdreg $0xFFFFFFFF  }
0xad: {  	[dreg:$0x0] =	wrdreg $0x60  }
0xae: {  	[dreg:$0x2] =	wrdreg s24  }
0xaf: {  	[dreg:$0x3] =	wrdreg $0x81000  }
0xb0: {  	[dreg:$0x4] =	wrdreg $0x9  }
0xb1: {  	_ =	task.clear_ibuf [dreg:s6], $0x5FFFF;
	_ =	strace $0x9000005B  }
0xb2: {  	s29 =	simm.s32 $0x9;
	_ =	strace $0x8000005D  }
0xb3: {  	_ =	swait.ge [sflag:s29], $0x1  }
0xb4: {  	[sflag:s29] =	ssyncadd.s32 $0xFFFFFFFF  }
0xb5: {  	_ =	strace $0x9000005D  }
0xb6: {  	_ =	sfence  }
0xb7: {  	s30 =	sld [smem:$0x0];
	_ =	sdelay $0x2  }
0xb8: {  	s31 =	sshll.u32 s1, $0xD;
	s1 =	sshrl.u32 s1, $0x2  }
0xb9: {  	s3 =	sand.u32 $0x4000, s31;
	s1 =	sadd.s32 s1, s30  }
0xba: {  	s0 =	sor.u32 s3, s0;
	s1 =	sshll.u32 s1, $0x11  }
0xbb: {  	s0 =	sor.u32 s1, s0  }
0xbc: {  	s0 =	sadd.s32 $0x8F2B, s0  }
0xbd: {  	[sflag:s0] =	ssyncadd.remote.s32 $0x1  }
0xbe: {  	_ =	sfence.sel $0xFFFF  }
0xbf: {  	[dreg:$0x0] =	wrdreg $0xFFFFFFFF;
	(pc) =	sbr.abs _section_cstart, $3  }
0xc0: {  	[dreg:$0x1] =	wrdreg $0xFFFFFFFF  }
0xc1: {  	_ =	task.clear_ibuf [dreg:s6], $0x2FFFF;
	_ =	strace $0x9FFFFFFF  }
0xc2: {  	(tm) =	ssettm $0x7FFFFFFF  }
0xc3: {  	_ =	shalt  }
tec
execute0_lowered:
.L_overlay_start_1:
0x0: {  	(tag) =	ssettag $0x1  }
0x1: {  	s0 =	rddreg [dreg:$0x0]  }
0x2: {  	s2 =	rddreg [dreg:$0x1]  }
0x3: {  	s4 =	srdreg.scid;
	s1 =	stileid.u32  }
0x4: {  	s3 =	simm.s32 $0x0;
	s28 =	simm.s32 $0x2;
	s14 =	smul.u32 $0x14000, s1  }
0x5: {  	s29 =	simm.s32 $0x0;
	s18 =	sand.u32 $0x1, s4;
	s21 =	smul.u32 $0x50000, s1  }
0x6: {  	s25 =	sshll.u32 s1, $0x1;
	[smem:$0x7FF] =	sst s3;
	s24 =	smul.u32 $0x5000, s1  }
0x7: {  	s19 =	sadd.s32 $0x15200, s0;
	s20 =	sadd.s32 $0x14EFC00, s0;
	s17 =	smul.u32 $0x140000, s18  }
0x8: {  	s0 =	sadd.s32 $0x1F200, s0;
	s4 =	sor.u32 s18, s25;
	s25 =	smul.u32 $0x2800, s18  }
0x9: {  	_ =	strace $0x8000005C;
	s5 =	ssub.s32 $0x2, s18;
	s6 =	smul.u32 $0x2800, s4  }
0xa: {  	s7 =	smul.u32 $0x28000, s4;
	s26 =	sshrl.u32 s5, $0x1;
	s10 =	sshrl.u32 s21, $0x2  }
0xb: {  	s15 =	sadd.s32 $0x4000, s14;
	s16 =	sadd.s32 $0x8000, s14;
	s22 =	sadd.s32 $0xC000, s14  }
0xc: {  	s23 =	sadd.s32 $0x10000, s14;
	s9 =	ssub.s32 s5, s26;
	s8 =	sadd.s32 s17, s14  }
0xd: {  	s10 =	sadd.s32 s10, s2;
	s11 =	sadd.s32 s15, s2;
	s12 =	sadd.s32 s16, s2  }
0xe: {  	s13 =	sadd.s32 s22, s2;
	s15 =	sadd.s32 s17, s15;
	s16 =	sadd.s32 s17, s16  }
0xf: {  	s14 =	sadd.s32 s23, s2;
	s22 =	sadd.s32 s17, s22;
	s23 =	sadd.s32 s17, s23  }
0x10: {  	s26 =	sadd.s32 s25, s24;
	s24 =	simm.s32 $0x80;
	s25 =	simm.s32 $0x4100  }
0x11: {  	s30 =	sshrl.u32 s6, $0x3;
	s5 =	sadd.s32 s20, s7;
	s31 =	sor.u32 $0x80, s6  }
0x12: {  	s8 =	sshrl.u32 s8, $0x3;
	s9 =	smax.u32 s9, $0x1;
	s15 =	sshrl.u32 s15, $0x3  }
0x13: {  	s16 =	sshrl.u32 s16, $0x3;
	s22 =	sshrl.u32 s22, $0x3;
	s1 =	sshrl.u32 s23, $0x3  }
0x14: {  	s23 =	simm.s32 $0x3;
	s4 =	sadd.s32 s19, s30;
	s6 =	sshrl.u32 s31, $0x3  }
0x15: {  	s7 =	sshll.u32 s31, $0x4;
	s8 =	sadd.s32 s0, s8;
	s15 =	sadd.s32 s0, s15  }
0x16: {  	s16 =	sadd.s32 s0, s16;
	s17 =	sadd.s32 s0, s22;
	s22 =	sadd.s32 s21, s20  }
0x17: {  	s30 =	sor.u32 $0x180, s26;
	[dreg:$0x3] =	wrdreg s4;
	s6 =	sadd.s32 s19, s6  }
0x18: {  	s7 =	sadd.s32 s20, s7;
	s4 =	smul.u32 $0x28000, s18;
	s18 =	sadd.s32 s0, s1  }
0x19: {  	s20 =	sor.u32 $0x100, s26;
	s21 =	sshrl.u32 s30, $0x3;
	s26 =	simm.s32 $0x1  }
0x1a: {  	s31 =	sshrl.u32 s20, $0x3;
	s20 =	sadd.s32 s21, s19;
	s0 =	sadd.s32 s4, s22  }
0x1b: {  	v0 =	vimm.f32 $0.0e+00;
	s21 =	sadd.s32 s31, s19;
	s22 =	simm.s32 $0x100;
	s0 =	sadd.s32 $0x1800, s0  }
.LBB2_1:
0x1c: {  	s19 =	simm.s32 $0x0;
	s30 =	simm.s32 $0x200  }
.LBB2_2:
0x1d: {  	p0 =	sne.s32 s30, $0xFE00;
	[tilespmem:s19+$0x170] =	vst v0  }
0x1e: {  	[tilespmem:s19+$0x100] =	vst v0  }
0x1f: {  	[tilespmem:s19+$0x110] =	vst v0  }
.Ltmp0:
0x20: {  	[tilespmem:s19+$0x120] =	vst v0;
	(pc) =	sbr.rel @p0 .LBB2_2-.Ltmp0, $4  }
0x21: {  	[tilespmem:s19+$0x130] =	vst v0  }
0x22: {  	[tilespmem:s19+$0x140] =	vst v0  }
0x23: {  	[tilespmem:s19+$0x150] =	vst v0  }
0x24: {  	[tilespmem:s19+$0x160] =	vst v0;
	s19 =	sshra.s32 s30, $0x2;
	s30 =	sadd.s32 $0x200, s30  }
0x25: {  	[tilespmem:s19+$0x170] =	vst v0  }
0x26: {  	[tilespmem:s19+$0x100] =	vst v0  }
0x27: {  	[tilespmem:s19+$0x110] =	vst v0  }
0x28: {  	[tilespmem:s19+$0x120] =	vst v0  }
0x29: {  	[tilespmem:s19+$0x130] =	vst v0  }
0x2a: {  	[tilespmem:s19+$0x140] =	vst v0  }
0x2b: {  	[tilespmem:s19+$0x150] =	vst v0  }
0x2c: {  	[tilespmem:s19+$0x160] =	vst v0  }
0x2d: {  	[spmem:s10] =	stream.linear.scatter [tilespmem:s22], [sflag:$0x3], $0x4000, $0x38;
	[tilespmem:$0x1C100] =	vst v63  }
0x2e: {  	_ =	swait.ge [sflag:s23], $0x4000  }
0x2f: {  	[sflag:s23] =	ssyncset.done $0x0  }
0x30: {  	[sflag:s23] =	ssyncadd.s32 $0xFFFFC000  }
0x31: {  	[spmem:s11] =	stream.linear.scatter [tilespmem:s22], [sflag:$0x3], $0x4000, $0x38;
	[tilespmem:$0x1C100] =	vst v63  }
0x32: {  	_ =	swait.ge [sflag:s23], $0x4000  }
0x33: {  	[sflag:s23] =	ssyncset.done $0x0  }
0x34: {  	[sflag:s23] =	ssyncadd.s32 $0xFFFFC000  }
0x35: {  	[spmem:s12] =	stream.linear.scatter [tilespmem:s22], [sflag:$0x3], $0x4000, $0x38;
	[tilespmem:$0x1C100] =	vst v63  }
0x36: {  	_ =	swait.ge [sflag:s23], $0x4000  }
0x37: {  	[sflag:s23] =	ssyncset.done $0x0  }
0x38: {  	[sflag:s23] =	ssyncadd.s32 $0xFFFFC000  }
0x39: {  	[spmem:s13] =	stream.linear.scatter [tilespmem:s22], [sflag:$0x3], $0x4000, $0x38;
	[tilespmem:$0x1C100] =	vst v63  }
0x3a: {  	_ =	swait.ge [sflag:s23], $0x4000  }
0x3b: {  	[sflag:s23] =	ssyncset.done $0x0  }
0x3c: {  	[sflag:s23] =	ssyncadd.s32 $0xFFFFC000  }
0x3d: {  	[spmem:s14] =	stream.linear.scatter [tilespmem:s22], [sflag:$0x3], $0x4000, $0x38;
	[tilespmem:$0x1C100] =	vst v63  }
0x3e: {  	_ =	swait.ge [sflag:s23], $0x4000  }
0x3f: {  	[sflag:s23] =	ssyncset.done $0x0  }
0x40: {  	[sflag:s23] =	ssyncadd.s32 $0xFFFFC000  }
0x41: {  	[bflag:$0x0] =	sbarrier.arrive $0xFFFF  }
0x42: {  	s4 =	simm.s32 $0x0;
	s1 =	rddreg [dreg:$0x3]  }
0x43: {  	[tilespmem:s4], [sflag:$0x1] =	stream.linear.gather [hbm4b:s1+s4], $0x80, $0x38;
	[tilespmem:$0x1C100] =	vst v63  }
0x44: {  	_ = 	snop  }
0x45: {  	[tilespmem:s22], [sflag:$0x1] =	stream.linear.gather [hbm4b:s5+s4], $0x4000, $0x38;
	[tilespmem:$0x1C100] =	vst v63  }
0x46: {  	_ = 	snop  }
0x47: {  	[tilespmem:s24], [sflag:$0x2] =	stream.linear.gather [hbm4b:s6+s4], $0x80, $0x38;
	[tilespmem:$0x1C100] =	vst v63  }
0x48: {  	_ = 	snop  }
0x49: {  	[tilespmem:s25], [sflag:$0x2] =	stream.linear.gather [hbm4b:s7+s4], $0x4000, $0x38;
	[tilespmem:$0x1C100] =	vst v63  }
0x4a: {  	_ =	swait.ge [sflag:s26], $0x80  }
0x4b: {  	[sflag:s26] =	ssyncset.done $0x0  }
0x4c: {  	[sflag:s26] =	ssyncadd.s32 $0xFFFFFF80  }
0x4d: {  	_ =	swait.ge [sflag:s26], $0x4000  }
0x4e: {  	[sflag:s26] =	ssyncset.done $0x0  }
0x4f: {  	[sflag:s26] =	ssyncadd.s32 $0xFFFFC000  }
0x50: {  	[spmem:s2] =	stream.indirect.scatter.add.f32 [tilespmem:s22], [sflag:$0x3], $0x80, s3, s24, $0xb8;
	[tilespmem:$0x1C100] =	vst v63  }
0x51: {  	_ =	swait.ge [sflag:s23], $0x4000  }
0x52: {  	[sflag:s23] =	ssyncset.done $0x0  }
0x53: {  	s4 =	sadd.s32 $0x0, s21;
	[sflag:s23] =	ssyncadd.s32 $0xFFFFC000  }
0x54: {  	[tilespmem:s3], [sflag:$0x1] =	stream.linear.gather [hbm4b:s4+s3], $0x80, $0x38;
	[tilespmem:$0x1C100] =	vst v63  }
0x55: {  	s1 =	sadd.s32 $0xFFFFF800, s0  }
0x56: {  	[tilespmem:s22], [sflag:$0x1] =	stream.linear.gather [hbm4b:s1+s3], $0x4000, $0x38;
	[tilespmem:$0x1C100] =	vst v63  }
0x57: {  	_ =	swait.ge [sflag:s28], $0x80  }
0x58: {  	[sflag:s28] =	ssyncset.done $0x0  }
0x59: {  	[sflag:s28] =	ssyncadd.s32 $0xFFFFFF80  }
0x5a: {  	_ =	swait.ge [sflag:s28], $0x4000  }
0x5b: {  	[sflag:s28] =	ssyncset.done $0x0  }
0x5c: {  	[sflag:s28] =	ssyncadd.s32 $0xFFFFC000  }
0x5d: {  	[spmem:s2] =	stream.indirect.scatter.add.f32 [tilespmem:s25], [sflag:$0x3], $0x80, s24, s24, $0xb8;
	[tilespmem:$0x1C100] =	vst v63  }
0x5e: {  	_ =	swait.ge [sflag:s23], $0x4000  }
0x5f: {  	s30 =	simm.s32 $0x20;
	s31 =	sadd.s32 $0x1000, s0;
	[sflag:s23] =	ssyncset.done $0x0  }
0x60: {  	s19 =	smov.u32 s0;
	s4 =	sadd.s32 $0x0, s20;
	[sflag:s23] =	ssyncadd.s32 $0xFFFFC000  }
0x61: {  	[tilespmem:s24], [sflag:$0x2] =	stream.linear.gather [hbm4b:s4+s3], $0x80, $0x38;
	[tilespmem:$0x1C100] =	vst v63  }
.LBB2_4:
0x62: {  	[tilespmem:s25], [sflag:$0x2] =	stream.linear.gather [hbm4b:s19+s3], $0x4000, $0x38;
	[tilespmem:$0x1C100] =	vst v63  }
0x63: {  	s1 =	smov.u32 s30;
	s19 =	smov.u32 s31  }
0x64: {  	p0 =	sne.s32 s30, $0x4C0;
	s30 =	sadd.s32 $0x20, s30;
	_ =	swait.ge [sflag:s26], $0x80  }
0x65: {  	[sflag:s26] =	ssyncset.done $0x0  }
0x66: {  	[sflag:s26] =	ssyncadd.s32 $0xFFFFFF80  }
0x67: {  	_ =	swait.ge [sflag:s26], $0x4000  }
0x68: {  	[sflag:s26] =	ssyncset.done $0x0  }
0x69: {  	[sflag:s26] =	ssyncadd.s32 $0xFFFFC000  }
0x6a: {  	[spmem:s2] =	stream.indirect.scatter.add.f32 [tilespmem:s22], [sflag:$0x3], $0x80, s3, s24, $0xb8;
	[tilespmem:$0x1C100] =	vst v63  }
0x6b: {  	_ =	swait.ge [sflag:s23], $0x4000  }
0x6c: {  	[sflag:s23] =	ssyncset.done $0x0  }
0x6d: {  	s4 =	sadd.s32 s1, s21;
	[sflag:s23] =	ssyncadd.s32 $0xFFFFC000  }
0x6e: {  	[tilespmem:s3], [sflag:$0x1] =	stream.linear.gather [hbm4b:s4+s3], $0x80, $0x38;
	[tilespmem:$0x1C100] =	vst v63  }
0x6f: {  	s4 =	sadd.s32 $0xFFFFF800, s31  }
0x70: {  	[tilespmem:s22], [sflag:$0x1] =	stream.linear.gather [hbm4b:s4+s3], $0x4000, $0x38;
	[tilespmem:$0x1C100] =	vst v63  }
0x71: {  	_ =	swait.ge [sflag:s28], $0x80  }
0x72: {  	[sflag:s28] =	ssyncset.done $0x0  }
0x73: {  	[sflag:s28] =	ssyncadd.s32 $0xFFFFFF80  }
0x74: {  	_ =	swait.ge [sflag:s28], $0x4000  }
0x75: {  	[sflag:s28] =	ssyncset.done $0x0  }
0x76: {  	[sflag:s28] =	ssyncadd.s32 $0xFFFFC000  }
0x77: {  	[spmem:s2] =	stream.indirect.scatter.add.f32 [tilespmem:s25], [sflag:$0x3], $0x80, s24, s24, $0xb8;
	[tilespmem:$0x1C100] =	vst v63  }
.Ltmp1:
0x78: {  	_ =	swait.ge [sflag:s23], $0x4000;
	(pc) =	sbr.rel @p0 .LBB2_4-.Ltmp1, $4  }
0x79: {  	[sflag:s23] =	ssyncset.done $0x0  }
0x7a: {  	s1 =	sadd.s32 s1, s20;
	[sflag:s23] =	ssyncadd.s32 $0xFFFFC000  }
0x7b: {  	[tilespmem:s24], [sflag:$0x2] =	stream.linear.gather [hbm4b:s1+s3], $0x80, $0x38;
	[tilespmem:$0x1C100] =	vst v63  }
0x7c: {  	s31 =	sadd.s32 $0x1000, s31  }
0x7d: {  	[tilespmem:s25], [sflag:$0x2] =	stream.linear.gather [hbm4b:s19+s3], $0x4000, $0x38;
	[tilespmem:$0x1C100] =	vst v63  }
0x7e: {  	_ =	swait.ge [sflag:s26], $0x80  }
0x7f: {  	[sflag:s26] =	ssyncset.done $0x0  }
0x80: {  	[sflag:s26] =	ssyncadd.s32 $0xFFFFFF80  }
0x81: {  	_ =	swait.ge [sflag:s26], $0x4000  }
0x82: {  	[sflag:s26] =	ssyncset.done $0x0  }
0x83: {  	[sflag:s26] =	ssyncadd.s32 $0xFFFFC000  }
0x84: {  	[spmem:s2] =	stream.indirect.scatter.add.f32 [tilespmem:s22], [sflag:$0x3], $0x80, s3, s24, $0xb8;
	[tilespmem:$0x1C100] =	vst v63  }
0x85: {  	_ =	swait.ge [sflag:s23], $0x4000  }
0x86: {  	[sflag:s23] =	ssyncset.done $0x0  }
0x87: {  	[sflag:s23] =	ssyncadd.s32 $0xFFFFC000  }
0x88: {  	_ =	swait.ge [sflag:s28], $0x80  }
0x89: {  	[sflag:s28] =	ssyncset.done $0x0  }
0x8a: {  	[sflag:s28] =	ssyncadd.s32 $0xFFFFFF80  }
0x8b: {  	_ =	swait.ge [sflag:s28], $0x4000  }
0x8c: {  	[sflag:s28] =	ssyncset.done $0x0  }
0x8d: {  	[sflag:s28] =	ssyncadd.s32 $0xFFFFC000  }
0x8e: {  	[spmem:s2] =	stream.indirect.scatter.add.f32 [tilespmem:s25], [sflag:$0x3], $0x80, s24, s24, $0xb8;
	[tilespmem:$0x1C100] =	vst v63  }
0x8f: {  	_ =	swait.ge [sflag:s23], $0x4000  }
0x90: {  	s1 =	stileid.u32;
	[sflag:s23] =	ssyncset.done $0x0  }
0x91: {  	s1 =	sshll.u32 s1, $0x6;
	[sflag:s23] =	ssyncadd.s32 $0xFFFFC000  }
0x92: {  	s4 =	sshrl.u32 s10, $0x3;
	s1 =	sor.u32 $0x1C03, s1;
	[bflag:$0x0] =	sbarrier.arrive $0xFFFF  }
0x93: {  	[hbm:s8], [sflag:s1] =	dma.local [spmem:s4], $0x800  }
0x94: {  	_ =	swait.ge [sflag:s23], $0x800  }
0x95: {  	[sflag:s23] =	ssyncset.done $0x0  }
0x96: {  	s31 =	sshrl.u32 s11, $0x3;
	[sflag:s23] =	ssyncadd.s32 $0xFFFFF800  }
0x97: {  	[hbm:s15], [sflag:s1] =	dma.local [spmem:s31], $0x800  }
0x98: {  	_ =	swait.ge [sflag:s23], $0x800  }
0x99: {  	[sflag:s23] =	ssyncset.done $0x0  }
0x9a: {  	s19 =	sshrl.u32 s12, $0x3;
	[sflag:s23] =	ssyncadd.s32 $0xFFFFF800  }
0x9b: {  	[hbm:s16], [sflag:s1] =	dma.local [spmem:s19], $0x800  }
0x9c: {  	_ =	swait.ge [sflag:s23], $0x800  }
0x9d: {  	[sflag:s23] =	ssyncset.done $0x0  }
0x9e: {  	s30 =	sshrl.u32 s13, $0x3;
	[sflag:s23] =	ssyncadd.s32 $0xFFFFF800  }
0x9f: {  	[hbm:s17], [sflag:s1] =	dma.local [spmem:s30], $0x800  }
0xa0: {  	s29 =	sadd.s32 $0x1, s29;
	_ =	swait.ge [sflag:s23], $0x800  }
0xa1: {  	p0 =	sne.s32 s29, s9;
	[sflag:s23] =	ssyncset.done $0x0  }
.Ltmp2:
0xa2: {  	s31 =	sshrl.u32 s14, $0x3;
	[sflag:s23] =	ssyncadd.s32 $0xFFFFF800;
	(pc) =	sbr.rel @p0 .LBB2_1-.Ltmp2, $4  }
0xa3: {  	[hbm:s18], [sflag:s1] =	dma.local [spmem:s31], $0x800  }
0xa4: {  	_ =	swait.ge [sflag:s23], $0x800  }
0xa5: {  	[sflag:s23] =	ssyncset.done $0x0  }
0xa6: {  	[sflag:s23] =	ssyncadd.s32 $0xFFFFF800  }
0xa7: {  	_ =	sfence.sel $0x180000  }
0xa8: {  	[bflag:$0x0] =	sbarrier.arrive $0xFFFF  }
0xa9: {  	_ =	strace $0x9000005C  }
0xaa: {  	s0 =	stileid.u32;
	[bflag:$0x2] =	sbarrier.arrive $0xFFFF  }
0xab: {  	p0 =	sne.s32 s0, $0x0;
	s0 =	rddreg [dreg:$0x2]  }
0xac: {  	s0 =	sadd.s32 @!p0 $0x100000, s0  }
0xad: {  	[sflag:s0] =	ssyncadd.tile.s32 @!p0 $0x1;
	_ =	shalt  }
.Lfunc_end2:
_tile_overlayer_lowered:
.L_overlay_start_2:
0xae: {  	(tag) =	ssettag $0x2  }
0xaf: {  	s0 =	rddreg [dreg:$0x0];
	s2 =	stileid.u32  }
0xb0: {  	s1 =	rddreg [dreg:$0x1];
	p0 =	sne.s32 s2, $0x0  }
0xb1: {  	s3 =	rddreg [dreg:$0x2];
	[bflag:$0x3] =	sbarrier.arrive $0xFFFF;
	s2 =	simm.s32 @!p0 $0x1C03  }
0xb2: {  	[timem:s3], [sflag:s2] =	dma.local @!p0 [hbm:s0], s1  }
0xb3: {  	s0 =	simm.s32 @!p0 $0x3  }
0xb4: {  	_ =	swait.ge @!p0 [sflag:s0], s1  }
0xb5: {  	s1 =	ssub.s32 @!p0 $0x0, s1;
	[sflag:s0] =	ssyncset.done @!p0 $0x0  }
0xb6: {  	[sflag:s0] =	ssyncadd.s32 @!p0 s1  }
0xb7: {  	[bflag:$0x3] =	sbarrier.arrive $0xFFFF  }
0xb8: {  	_ =	shalt  }

</sc_bundles>
